<compile_context>
chip_gen: v7x
topology: tpu7x:2x2x1
jax: 0.10.2.dev20260603
libtpu: 0.0.44.dev20260713+nightly
codegen_flags: <defaults>
</compile_context>

<pallas_src>
import functools

import jax
import jax.numpy as jnp
from jax import lax
from jax.experimental import pallas as pl
from jax.experimental.pallas import tpu as pltpu
from jax.experimental.pallas import tpu_sc as plsc

N = 10000
E = 320000
F = 128
NW = 32
RPW = 80
RPW0 = 80
RPW1 = 80
ROWS_PAD = NW * RPW
EPAD = ROWS_PAD * 128
NPAD = 10240


def _leaky2(x):
    return jnp.maximum(x, 0.2 * x)



def _pre_body(hv, p, q, he, Wa, ba, We1, We2, We3, We4, be, wp, wq, whe, bal,
              lr_o, r_o, s_o, t_o, hw_o):
    hvb, pb, qb = hv[...], p[...], q[...]
    p2 = jnp.dot(pb, We2[...])
    q3 = jnp.dot(qb, We3[...])
    lr_o[...] = _leaky2(jnp.dot(hvb, Wa[...]) + ba[...])
    r_o[...] = jnp.dot(hvb, We1[...]) - p2 - q3 + be[...]
    s_o[...] = p2 + q3 + jnp.dot(hvb, We4[...])
    t_o[...] = jnp.dot(pb, wp[...]) + jnp.dot(qb, wq[...])
    hw_o[...] = jnp.dot(he[...], whe[...]) + bal[...]


def _tc_precompute(hv, p, q, he, Wa, ba, We1, We2, We3, We4, be, wp, wq, whe, bal):
    nb = 1000
    eb = 4000
    grid = (N // nb,)
    node_in = pl.BlockSpec((nb, F), lambda i: (i, 0))
    full = lambda shape: pl.BlockSpec(shape, lambda i: tuple(0 for _ in shape))
    return pl.pallas_call(
        _pre_body,
        grid=grid,
        in_specs=[
            node_in, node_in, node_in,
            pl.BlockSpec((eb, 128), lambda i: (i, 0)),
            full((F, F)), full((F,)),
            full((F, F)), full((F, F)), full((F, F)), full((F, F)), full((F,)),
            full((F, 1)), full((F, 1)), full((128, 8)), full((1,)),
        ],
        out_specs=[
            pl.BlockSpec((nb, F), lambda i: (i, 0)),
            pl.BlockSpec((nb, F), lambda i: (i, 0)),
            pl.BlockSpec((nb, F), lambda i: (i, 0)),
            pl.BlockSpec((nb, 1), lambda i: (i, 0)),
            pl.BlockSpec((eb, 8), lambda i: (i, 0)),
        ],
        out_shape=[
            jax.ShapeDtypeStruct((N, F), jnp.float32),
            jax.ShapeDtypeStruct((N, F), jnp.float32),
            jax.ShapeDtypeStruct((N, F), jnp.float32),
            jax.ShapeDtypeStruct((N, 1), jnp.float32),
            jax.ShapeDtypeStruct((E // 128 * 16, 8), jnp.float32),
        ],
    )(hv, p, q, he, Wa, ba, We1, We2, We3, We4, be, wp, wq, whe, bal)



def _sc_mv_body(recv2, send2, hw2, t_hbm, lr_hbm,
                mv_o, den_o,
                t_v, ridx8, sidx8, hw8, buf0, buf1, exrow, exrow2,
                mv_acc, den_acc, semg0, semg1):
    c = lax.axis_index("c")
    s = lax.axis_index("s")
    nrows = jnp.where(c == 0, RPW0, RPW1)
    base = pl.multiple_of(jnp.where(c == 0, s * RPW0, 16 * RPW0 + s * RPW1), 8)
    ng = nrows // 2
    zv = jnp.zeros((16,), jnp.float32)
    zi = jnp.zeros((16,), jnp.int32)

    def _zrow(e, _):
        for v in range(8):
            buf0[e, pl.ds(v * 16, 16)] = zv
        return 0

    lax.fori_loop(0, 128, _zrow, 0)
    for v in range(8):
        exrow[0, pl.ds(v * 16, 16)] = zv
    for k in range(5):
        pltpu.sync_copy(buf0, mv_acc.at[pl.ds(s * 640 + k * 128, 128)])
        pltpu.sync_copy(exrow.at[0], den_acc.at[pl.ds(s * 640 + k * 128, 128)])
    plsc.subcore_barrier()

    pltpu.sync_copy(t_hbm, t_v.at[pl.ds(0, N)])
    pltpu.sync_copy(recv2.at[pl.ds(base, 8)], ridx8)
    pltpu.sync_copy(send2.at[pl.ds(base, 8)], sidx8)
    pltpu.sync_copy(hw2.at[pl.ds(base, 8)], hw8)
    pltpu.async_copy(lr_hbm.at[sidx8.at[0]], buf0, semg0)
    pltpu.async_copy(lr_hbm.at[sidx8.at[1]], buf1, semg1)

    def _exrow(j, dst):
        @plsc.parallel_loop(0, 8, unroll=2)
        def _ex(k):
            si = sidx8[j, pl.ds(k * 16, 16)]
            ri = ridx8[j, pl.ds(k * 16, 16)]
            ts = plsc.load_gather(t_v, [si])
            tr = plsc.load_gather(t_v, [ri])
            hwv = hw8[j, pl.ds(k * 16, 16)]
            dst[0, pl.ds(k * 16, 16)] = jnp.exp(ts - tr + hwv)

    def _scale(buf, ex_ref):
        @plsc.parallel_loop(0, 128, unroll=4)
        def _sc1(e):
            exb = plsc.load_gather(ex_ref, [zi, jnp.full((16,), e, jnp.int32)])
            for v in range(8):
                buf[e, pl.ds(v * 16, 16)] = buf[e, pl.ds(v * 16, 16)] * exb

    def _body(g, _):
        ja = lax.rem(2 * g, 8)
        jb = ja + 1
        _exrow(ja, exrow)
        pltpu.sync_copy(exrow.at[0], den_acc.at[ridx8.at[ja]], add=True)
        pltpu.make_async_copy(lr_hbm.at[sidx8.at[ja]], buf0, semg0).wait()
        _scale(buf0, exrow)
        pltpu.sync_copy(buf0, mv_acc.at[ridx8.at[ja]], add=True)
        _exrow(jb, exrow2)
        pltpu.sync_copy(exrow2.at[0], den_acc.at[ridx8.at[jb]], add=True)
        pltpu.make_async_copy(lr_hbm.at[sidx8.at[jb]], buf1, semg1).wait()
        _scale(buf1, exrow2)
        pltpu.sync_copy(buf1, mv_acc.at[ridx8.at[jb]], add=True)

        @pl.when(jnp.logical_and(lax.rem(g, 4) == 3, g < ng - 1))
        def _():
            nxt = base + lax.div(g + 1, 4) * 8
            pltpu.sync_copy(recv2.at[pl.ds(nxt, 8)], ridx8)
            pltpu.sync_copy(send2.at[pl.ds(nxt, 8)], sidx8)
            pltpu.sync_copy(hw2.at[pl.ds(nxt, 8)], hw8)

        @pl.when(g < ng - 1)
        def _():
            jn = lax.rem(2 * g + 2, 8)
            pltpu.async_copy(lr_hbm.at[sidx8.at[jn]], buf0, semg0)
            pltpu.async_copy(lr_hbm.at[sidx8.at[jn + 1]], buf1, semg1)

        return 0

    lax.fori_loop(0, ng, _body, 0)
    plsc.subcore_barrier()

    for k in range(5):
        pltpu.sync_copy(mv_acc.at[pl.ds(s * 640 + k * 128, 128)],
                        mv_o.at[c, pl.ds(s * 640 + k * 128, 128)])
    pltpu.sync_copy(den_acc.at[pl.ds(s * 640, 640)],
                    den_o.at[c, pl.ds(s * 640, 640)])


_sc_mv = functools.partial(
    pl.kernel,
    out_type=[
        jax.ShapeDtypeStruct((2, NPAD, F), jnp.float32),
        jax.ShapeDtypeStruct((2, NPAD), jnp.float32),
    ],
    mesh=plsc.VectorSubcoreMesh(core_axis_name="c", subcore_axis_name="s",
                                num_cores=2, num_subcores=16),
    compiler_params=pltpu.CompilerParams(needs_layout_passes=False),
    scratch_types=[
        pltpu.VMEM((NPAD,), jnp.float32),
        pltpu.VMEM((8, 128), jnp.int32),
        pltpu.VMEM((8, 128), jnp.int32),
        pltpu.VMEM((8, 128), jnp.float32),
        pltpu.VMEM((128, F), jnp.float32),
        pltpu.VMEM((128, F), jnp.float32),
        pltpu.VMEM((1, 128), jnp.float32),
        pltpu.VMEM((1, 128), jnp.float32),
        pltpu.VMEM_SHARED((NPAD, F), jnp.float32),
        pltpu.VMEM_SHARED((NPAD,), jnp.float32),
        pltpu.SemaphoreType.DMA,
        pltpu.SemaphoreType.DMA,
    ],
)


def _sc_me_body(recv2, send2, r_hbm, s_hbm, me_o,
                ridx8, sidx8, ba0, bb0, ba1, bb1,
                sa0, sb0, sa1, sb1):
    c = lax.axis_index("c")
    s = lax.axis_index("s")
    nrows = jnp.where(c == 0, RPW0, RPW1)
    base = pl.multiple_of(jnp.where(c == 0, s * RPW0, 16 * RPW0 + s * RPW1), 8)
    ng = nrows // 2

    pltpu.sync_copy(recv2.at[pl.ds(base, 8)], ridx8)
    pltpu.sync_copy(send2.at[pl.ds(base, 8)], sidx8)
    pltpu.async_copy(r_hbm.at[ridx8.at[0]], ba0, sa0)
    pltpu.async_copy(s_hbm.at[sidx8.at[0]], bb0, sb0)
    pltpu.async_copy(r_hbm.at[ridx8.at[1]], ba1, sa1)
    pltpu.async_copy(s_hbm.at[sidx8.at[1]], bb1, sb1)

    def _me(ba, bb):
        @plsc.parallel_loop(0, 128, unroll=4)
        def _me1(e):
            for v in range(8):
                a = ba[e, pl.ds(v * 16, 16)] + bb[e, pl.ds(v * 16, 16)]
                ba[e, pl.ds(v * 16, 16)] = jnp.maximum(a, 0.2 * a)

    def _body(g, _):
        ja = lax.rem(2 * g, 8)
        pltpu.make_async_copy(r_hbm.at[ridx8.at[ja]], ba0, sa0).wait()
        pltpu.make_async_copy(s_hbm.at[sidx8.at[ja]], bb0, sb0).wait()
        _me(ba0, bb0)
        pltpu.sync_copy(ba0, me_o.at[pl.ds((base + 2 * g) * 128, 128)])
        pltpu.make_async_copy(r_hbm.at[ridx8.at[ja]], ba1, sa1).wait()
        pltpu.make_async_copy(s_hbm.at[sidx8.at[ja]], bb1, sb1).wait()
        _me(ba1, bb1)

        @pl.when(jnp.logical_and(lax.rem(g, 4) == 3, g < ng - 1))
        def _():
            nxt = base + lax.div(g + 1, 4) * 8
            pltpu.sync_copy(recv2.at[pl.ds(nxt, 8)], ridx8)
            pltpu.sync_copy(send2.at[pl.ds(nxt, 8)], sidx8)

        pltpu.sync_copy(ba1, me_o.at[pl.ds((base + 2 * g + 1) * 128, 128)])

        @pl.when(g < ng - 1)
        def _():
            jn = lax.rem(2 * g + 2, 8)
            pltpu.async_copy(r_hbm.at[ridx8.at[jn]], ba0, sa0)
            pltpu.async_copy(s_hbm.at[sidx8.at[jn]], bb0, sb0)
            pltpu.async_copy(r_hbm.at[ridx8.at[jn + 1]], ba1, sa1)
            pltpu.async_copy(s_hbm.at[sidx8.at[jn + 1]], bb1, sb1)

        return 0

    lax.fori_loop(0, ng, _body, 0)


_sc_me = functools.partial(
    pl.kernel,
    out_type=jax.ShapeDtypeStruct((EPAD, F), jnp.float32),
    mesh=plsc.VectorSubcoreMesh(core_axis_name="c", subcore_axis_name="s",
                                num_cores=2, num_subcores=16),
    compiler_params=pltpu.CompilerParams(needs_layout_passes=False),
    scratch_types=[
        pltpu.VMEM((8, 128), jnp.int32),
        pltpu.VMEM((8, 128), jnp.int32),
        pltpu.VMEM((128, F), jnp.float32),
        pltpu.VMEM((128, F), jnp.float32),
        pltpu.VMEM((128, F), jnp.float32),
        pltpu.VMEM((128, F), jnp.float32),
        pltpu.SemaphoreType.DMA,
        pltpu.SemaphoreType.DMA,
        pltpu.SemaphoreType.DMA,
        pltpu.SemaphoreType.DMA,
    ],
)


def _sc_edge_call(recv2, send2, hw_p, t1, lr, r_n, s_n):
    mv_part, den_part = _sc_mv(_sc_mv_body)(recv2, send2, hw_p, t1, lr)
    me_pad = _sc_me(_sc_me_body)(recv2, send2, r_n, s_n)
    return me_pad, mv_part, den_part



def _fin_body(mv2, den2, out):
    m = mv2[0] + mv2[1]
    d = den2[0, :, :1] + den2[1, :, :1]
    x = m / (d + 1e-9)
    out[...] = jnp.where(x > 0, x, jnp.exp(jnp.minimum(x, 0.0)) - 1.0)


def _tc_finalize(mv_part, den_part):
    nb = 1000
    return pl.pallas_call(
        _fin_body,
        grid=(N // nb,),
        in_specs=[
            pl.BlockSpec((2, nb, F), lambda i: (0, i, 0)),
            pl.BlockSpec((2, nb, 1), lambda i: (0, i, 0)),
        ],
        out_specs=pl.BlockSpec((nb, F), lambda i: (i, 0)),
        out_shape=jax.ShapeDtypeStruct((N, F), jnp.float32),
    )(mv_part, den_part)



def kernel(hv_ftr, he_ftr, p_ftr, q_ftr, edge_index,
           W_attend, b_attend, W_align, b_align, W_e, b_e):
    ei = edge_index.astype(jnp.int32)
    recv, send = ei[0], ei[1]

    wp, wq, whe = W_align[:F], W_align[F:2 * F], W_align[2 * F:]
    We1, We2, We3, We4 = (W_e[:F], W_e[F:2 * F], W_e[2 * F:3 * F], W_e[3 * F:])
    he2 = he_ftr.reshape(E // 8, 128)
    w16 = jnp.kron(jnp.eye(8, dtype=jnp.float32), whe)

    lr, r_n, s_n, t2, hw2 = _tc_precompute(
        hv_ftr, p_ftr, q_ftr, he2, W_attend, b_attend,
        We1, We2, We3, We4, b_e, wp, wq, w16, b_align)

    pad = EPAD - E
    zi = (jnp.arange(pad, dtype=jnp.int32) * 131) % N
    recv2 = jnp.concatenate([recv, zi]).reshape(ROWS_PAD, 128)
    send2 = jnp.concatenate([send, zi]).reshape(ROWS_PAD, 128)
    hw_p = jnp.concatenate([hw2.reshape(E), jnp.full((pad,), -1e30, jnp.float32)]
                           ).reshape(ROWS_PAD, 128)

    me_pad, mv_part, den_part = _sc_edge_call(
        recv2, send2, hw_p, t2[:, 0], lr, r_n, s_n)

    mv_ftr = _tc_finalize(mv_part[:, :N], den_part[:, :N, None])
    return mv_ftr, me_pad[:E]

# --- scband reference (transcript-rebuilt; emitter-appended) ---
"""Pipeline reference for scband-ham-naive-dyn-message-24953759989871 (READ-ONLY COPY).

The authoritative reference and input builder live on the scoring server;
editing this copy changes nothing except your own understanding.
"""

import jax, jax.numpy as jnp
import numpy as np

N = 10000
E = 320000
F = 128
DE = 16
U = 128
UE = 128


def leaky_relu2(x):
    # kgcnn>leaky_relu2: leaky relu with alpha=0.2
    return jax.nn.leaky_relu(x, negative_slope=0.2)


def setup_inputs(seed: int = 0) -> dict:
    key = jax.random.key(seed)
    ks = jax.random.split(key, 12)
    hv_ftr = jax.random.normal(ks[0], (N, F), dtype=jnp.float32)
    he_ftr = jax.random.normal(ks[1], (E, DE), dtype=jnp.float32)
    p_ftr = jax.random.normal(ks[2], (N, F), dtype=jnp.float32)
    q_ftr = jax.random.normal(ks[3], (N, F), dtype=jnp.float32)
    edge_index = jax.random.randint(ks[4], (2, E), 0, N, dtype=jnp.int64)
    # learned parameters
    W_attend = jax.random.normal(ks[5], (F, U), dtype=jnp.float32) * 0.05
    b_attend = jnp.zeros((U,), dtype=jnp.float32)
    W_align = jax.random.normal(ks[6], (2 * F + DE, 1), dtype=jnp.float32) * 0.05
    b_align = jnp.zeros((1,), dtype=jnp.float32)
    W_e = jax.random.normal(ks[7], (4 * F, UE), dtype=jnp.float32) * 0.05
    b_e = jnp.zeros((UE,), dtype=jnp.float32)
    return {
        "hv_ftr": hv_ftr, "he_ftr": he_ftr, "p_ftr": p_ftr, "q_ftr": q_ftr,
        "edge_index": edge_index,
        "W_attend": W_attend, "b_attend": b_attend,
        "W_align": W_align, "b_align": b_align,
        "W_e": W_e, "b_e": b_e,
    }


def reference(hv_ftr, he_ftr, p_ftr, q_ftr, edge_index,
              W_attend, b_attend, W_align, b_align, W_e, b_e):
    recv = edge_index[0]  # pooling_index = 0 (receiving node)
    send = edge_index[1]
    # GatherNodes split_indices=[0,1]
    hv_u = hv_ftr[recv]
    hv_v = hv_ftr[send]
    q_u = q_ftr[recv]
    q_v = q_ftr[send]
    p_u = p_ftr[recv]
    p_v = p_ftr[send]
    p_uv = p_v - p_u
    q_uv = q_v - q_u
    # dense_attend on gathered sender features
    attend = leaky_relu2(hv_v @ W_attend + b_attend)
    # attention logits
    align = jnp.concatenate([p_uv, q_uv, he_ftr], axis=-1) @ W_align + b_align  # (E,1)
    a = align[:, 0]
    # segment softmax over receiving nodes
    amax = jax.ops.segment_max(a, recv, num_segments=N)
    ex = jnp.exp(a - amax[recv])
    denom = jax.ops.segment_sum(ex, recv, num_segments=N)
    coef = ex / (denom[recv] + 1e-9)
    mv = jax.ops.segment_sum(attend * coef[:, None], recv, num_segments=N)
    mv_ftr = jax.nn.elu(mv)
    # edge message
    me_in = jnp.concatenate([hv_u, p_uv, q_uv, hv_v], axis=-1)
    me_ftr = leaky_relu2(me_in @ W_e + b_e)
    return (mv_ftr, me_ftr)

if __name__ == "__main__":
    import jax
    _d = setup_inputs()
    print(jax.jit(kernel)(*tuple(_d.values())))

</pallas_src>

<mosaic_0001>
#map = affine_map<(d0, d1) -> (0, 0)>
module attributes {stable_mosaic.version = 14 : i64} {
  func.func @_sc_me_body(%arg0: i32, %arg1: i32, %arg2: memref<2560x128xi32, #tpu.memory_space<hbm>>, %arg3: memref<2560x128xi32, #tpu.memory_space<hbm>>, %arg4: memref<10000x128xf32, #tpu.memory_space<hbm>>, %arg5: memref<10000x128xf32, #tpu.memory_space<hbm>>, %arg6: memref<327680x128xf32, #tpu.memory_space<hbm>>, %arg7: memref<8x128xi32, #tpu.memory_space<vmem>>, %arg8: memref<8x128xi32, #tpu.memory_space<vmem>>, %arg9: memref<128x128xf32, #tpu.memory_space<vmem>>, %arg10: memref<128x128xf32, #tpu.memory_space<vmem>>, %arg11: memref<128x128xf32, #tpu.memory_space<vmem>>, %arg12: memref<128x128xf32, #tpu.memory_space<vmem>>, %arg13: memref<!tpu.dma_semaphore, #tpu.memory_space<semaphore_mem>>, %arg14: memref<!tpu.dma_semaphore, #tpu.memory_space<semaphore_mem>>, %arg15: memref<!tpu.dma_semaphore, #tpu.memory_space<semaphore_mem>>, %arg16: memref<!tpu.dma_semaphore, #tpu.memory_space<semaphore_mem>>) attributes {dimension_semantics = [#tpu.dimension_semantics<core_parallel>, #tpu.dimension_semantics<subcore_parallel>], iteration_bounds = array<i64: 2, 16>, scalar_prefetch = 0 : i64, scratch_operands = 10 : i64, tpu.core_type = #tpu.core_type<sc_vector_subcore>, window_params = [{transform_indices = #map}, {transform_indices = #map}, {transform_indices = #map}, {transform_indices = #map}, {transform_indices = #map}]} {
    %eq3A = arith.constant 0 : i32
    %eq3A_0 = arith.cmpi eq, %arg0, %eq3A : i32
    %jit3A = arith.constant 80 : i32
    %jit3A_1 = arith.constant 80 : i32
    %select_n3A = arith.select %eq3A_0, %jit3A, %jit3A_1 : i32
    %eq3A_2 = arith.constant 0 : i32
    %eq3A_3 = arith.cmpi eq, %arg0, %eq3A_2 : i32
    %mul3A = arith.constant 80 : i32
    %mul3A_4 = arith.muli %arg1, %mul3A : i32
    %mul3A_5 = arith.constant 80 : i32
    %mul3A_6 = arith.muli %arg1, %mul3A_5 : i32
    %add3A = arith.constant 1280 : i32
    %add3A_7 = arith.addi %add3A, %mul3A_6 : i32
    %select_n3A_8 = arith.select %eq3A_3, %mul3A_4, %add3A_7 : i32
    %multiple_of3A = tpu.assume_multiple %select_n3A_8, 8 : i32
    %jit3A_9 = arith.constant 2 : i32
    %div3A = arith.divsi %select_n3A, %jit3A_9 : i32
    %sign3A = arith.constant 0 : i32
    %sign3A_10 = arith.cmpi sgt, %select_n3A, %sign3A : i32
    %sign3A_11 = arith.extui %sign3A_10 : i1 to i32
    %sign3A_12 = arith.constant 0 : i32
    %sign3A_13 = arith.cmpi slt, %select_n3A, %sign3A_12 : i32
    %sign3A_14 = arith.extui %sign3A_13 : i1 to i32
    %sign3A_15 = arith.subi %sign3A_11, %sign3A_14 : i32
    %sign3A_16 = arith.constant 0 : i32
    %sign3A_17 = arith.cmpi sgt, %jit3A_9, %sign3A_16 : i32
    %sign3A_18 = arith.extui %sign3A_17 : i1 to i32
    %sign3A_19 = arith.constant 0 : i32
    %sign3A_20 = arith.cmpi slt, %jit3A_9, %sign3A_19 : i32
    %sign3A_21 = arith.extui %sign3A_20 : i1 to i32
    %sign3A_22 = arith.subi %sign3A_18, %sign3A_21 : i32
    %ne3A = arith.cmpi ne, %sign3A_15, %sign3A_22 : i32
    %rem3A = arith.remsi %select_n3A, %jit3A_9 : i32
    %ne3A_23 = arith.constant 0 : i32
    %ne3A_24 = arith.cmpi ne, %rem3A, %ne3A_23 : i32
    %and3A = arith.andi %ne3A, %ne3A_24 : i1
    %sub3A = arith.constant 1 : i32
    %sub3A_25 = arith.subi %div3A, %sub3A : i32
    %select_n3A_26 = arith.select %and3A, %sub3A_25, %div3A : i32
    "tpu.region"() ({
      %run_scoped3A = tpu.sem_alloc : memref<!tpu.dma_semaphore, #tpu.memory_space<semaphore_mem>>
      %dma_start3A_65 = arith.constant 0 : i32
      %dma_start3A_66 = tpu.memref_slice %arg2[%multiple_of3A, %dma_start3A_65] : memref<2560x128xi32, #tpu.memory_space<hbm>> -> memref<8x128xi32, #tpu.memory_space<hbm>>
      %dma_start3A_67 = arith.constant 0 : i32
      %dma_start3A_68 = tpu.memref_slice %arg2[%multiple_of3A, %dma_start3A_67] : memref<2560x128xi32, #tpu.memory_space<hbm>> -> memref<8x128xi32, #tpu.memory_space<hbm>>
      tpu.enqueue_dma source(%dma_start3A_68 : memref<8x128xi32, #tpu.memory_space<hbm>>) target(%arg7 : memref<8x128xi32, #tpu.memory_space<vmem>>) target_semaphore(%run_scoped3A : memref<!tpu.dma_semaphore, #tpu.memory_space<semaphore_mem>>)
      %dma_wait3A = arith.constant 0 : i32
      %dma_wait3A_69 = tpu.memref_slice %arg2[%multiple_of3A, %dma_wait3A] : memref<2560x128xi32, #tpu.memory_space<hbm>> -> memref<8x128xi32, #tpu.memory_space<hbm>>
      %dma_wait3A_70 = arith.constant 0 : i32
      %dma_wait3A_71 = tpu.memref_slice %arg2[%multiple_of3A, %dma_wait3A_70] : memref<2560x128xi32, #tpu.memory_space<hbm>> -> memref<8x128xi32, #tpu.memory_space<hbm>>
      tpu.wait_dma2 semaphore(%run_scoped3A : memref<!tpu.dma_semaphore, #tpu.memory_space<semaphore_mem>>) src(%dma_wait3A_71 : memref<8x128xi32, #tpu.memory_space<hbm>>) dst(%arg7 : memref<8x128xi32, #tpu.memory_space<vmem>>)
      tpu.yield
    }) : () -> ()
    "tpu.region"() ({
      %run_scoped3A = tpu.sem_alloc : memref<!tpu.dma_semaphore, #tpu.memory_space<semaphore_mem>>
      %dma_start3A_65 = arith.constant 0 : i32
      %dma_start3A_66 = tpu.memref_slice %arg3[%multiple_of3A, %dma_start3A_65] : memref<2560x128xi32, #tpu.memory_space<hbm>> -> memref<8x128xi32, #tpu.memory_space<hbm>>
      %dma_start3A_67 = arith.constant 0 : i32
      %dma_start3A_68 = tpu.memref_slice %arg3[%multiple_of3A, %dma_start3A_67] : memref<2560x128xi32, #tpu.memory_space<hbm>> -> memref<8x128xi32, #tpu.memory_space<hbm>>
      tpu.enqueue_dma source(%dma_start3A_68 : memref<8x128xi32, #tpu.memory_space<hbm>>) target(%arg8 : memref<8x128xi32, #tpu.memory_space<vmem>>) target_semaphore(%run_scoped3A : memref<!tpu.dma_semaphore, #tpu.memory_space<semaphore_mem>>)
      %dma_wait3A = arith.constant 0 : i32
      %dma_wait3A_69 = tpu.memref_slice %arg3[%multiple_of3A, %dma_wait3A] : memref<2560x128xi32, #tpu.memory_space<hbm>> -> memref<8x128xi32, #tpu.memory_space<hbm>>
      %dma_wait3A_70 = arith.constant 0 : i32
      %dma_wait3A_71 = tpu.memref_slice %arg3[%multiple_of3A, %dma_wait3A_70] : memref<2560x128xi32, #tpu.memory_space<hbm>> -> memref<8x128xi32, #tpu.memory_space<hbm>>
      tpu.wait_dma2 semaphore(%run_scoped3A : memref<!tpu.dma_semaphore, #tpu.memory_space<semaphore_mem>>) src(%dma_wait3A_71 : memref<8x128xi32, #tpu.memory_space<hbm>>) dst(%arg8 : memref<8x128xi32, #tpu.memory_space<vmem>>)
      tpu.yield
    }) : () -> ()
    %dma_start3A = arith.constant 0 : i32
    %dma_start3A_27 = arith.constant 0 : i32
    %dma_start3A_28 = tpu.memref_slice %arg7[%dma_start3A, %dma_start3A_27] : memref<8x128xi32, #tpu.memory_space<vmem>> -> memref<1x128xi32, #tpu.memory_space<vmem>>
    %dma_start3A_29 = tpu.memref_squeeze %dma_start3A_28 : memref<1x128xi32, #tpu.memory_space<vmem>> -> memref<128xi32, #tpu.memory_space<vmem>>
    %dma_start3A_30 = arith.constant 0 : i32
    %dma_start3A_31 = arith.constant 0 : i32
    %dma_start3A_32 = tpu.memref_slice %arg4[%dma_start3A_30, %dma_start3A_31] : memref<10000x128xf32, #tpu.memory_space<hbm>> -> memref<10000x128xf32, #tpu.memory_space<hbm>>
    tpu.enqueue_indirect_dma source(%dma_start3A_32 : memref<10000x128xf32, #tpu.memory_space<hbm>>) target(%arg9 : memref<128x128xf32, #tpu.memory_space<vmem>>) offsets(%dma_start3A_29 : memref<128xi32, #tpu.memory_space<vmem>>) semaphore(%arg13 : memref<!tpu.dma_semaphore, #tpu.memory_space<semaphore_mem>>)
    %dma_start3A_33 = arith.constant 0 : i32
    %dma_start3A_34 = arith.constant 0 : i32
    %dma_start3A_35 = tpu.memref_slice %arg8[%dma_start3A_33, %dma_start3A_34] : memref<8x128xi32, #tpu.memory_space<vmem>> -> memref<1x128xi32, #tpu.memory_space<vmem>>
    %dma_start3A_36 = tpu.memref_squeeze %dma_start3A_35 : memref<1x128xi32, #tpu.memory_space<vmem>> -> memref<128xi32, #tpu.memory_space<vmem>>
    %dma_start3A_37 = arith.constant 0 : i32
    %dma_start3A_38 = arith.constant 0 : i32
    %dma_start3A_39 = tpu.memref_slice %arg5[%dma_start3A_37, %dma_start3A_38] : memref<10000x128xf32, #tpu.memory_space<hbm>> -> memref<10000x128xf32, #tpu.memory_space<hbm>>
    tpu.enqueue_indirect_dma source(%dma_start3A_39 : memref<10000x128xf32, #tpu.memory_space<hbm>>) target(%arg10 : memref<128x128xf32, #tpu.memory_space<vmem>>) offsets(%dma_start3A_36 : memref<128xi32, #tpu.memory_space<vmem>>) semaphore(%arg14 : memref<!tpu.dma_semaphore, #tpu.memory_space<semaphore_mem>>)
    %dma_start3A_40 = arith.constant 1 : i32
    %dma_start3A_41 = arith.constant 0 : i32
    %dma_start3A_42 = tpu.memref_slice %arg7[%dma_start3A_40, %dma_start3A_41] : memref<8x128xi32, #tpu.memory_space<vmem>> -> memref<1x128xi32, #tpu.memory_space<vmem>>
    %dma_start3A_43 = tpu.memref_squeeze %dma_start3A_42 : memref<1x128xi32, #tpu.memory_space<vmem>> -> memref<128xi32, #tpu.memory_space<vmem>>
    %dma_start3A_44 = arith.constant 0 : i32
    %dma_start3A_45 = arith.constant 0 : i32
    %dma_start3A_46 = tpu.memref_slice %arg4[%dma_start3A_44, %dma_start3A_45] : memref<10000x128xf32, #tpu.memory_space<hbm>> -> memref<10000x128xf32, #tpu.memory_space<hbm>>
    tpu.enqueue_indirect_dma source(%dma_start3A_46 : memref<10000x128xf32, #tpu.memory_space<hbm>>) target(%arg11 : memref<128x128xf32, #tpu.memory_space<vmem>>) offsets(%dma_start3A_43 : memref<128xi32, #tpu.memory_space<vmem>>) semaphore(%arg15 : memref<!tpu.dma_semaphore, #tpu.memory_space<semaphore_mem>>)
    %dma_start3A_47 = arith.constant 1 : i32
    %dma_start3A_48 = arith.constant 0 : i32
    %dma_start3A_49 = tpu.memref_slice %arg8[%dma_start3A_47, %dma_start3A_48] : memref<8x128xi32, #tpu.memory_space<vmem>> -> memref<1x128xi32, #tpu.memory_space<vmem>>
    %dma_start3A_50 = tpu.memref_squeeze %dma_start3A_49 : memref<1x128xi32, #tpu.memory_space<vmem>> -> memref<128xi32, #tpu.memory_space<vmem>>
    %dma_start3A_51 = arith.constant 0 : i32
    %dma_start3A_52 = arith.constant 0 : i32
    %dma_start3A_53 = tpu.memref_slice %arg5[%dma_start3A_51, %dma_start3A_52] : memref<10000x128xf32, #tpu.memory_space<hbm>> -> memref<10000x128xf32, #tpu.memory_space<hbm>>
    tpu.enqueue_indirect_dma source(%dma_start3A_53 : memref<10000x128xf32, #tpu.memory_space<hbm>>) target(%arg12 : memref<128x128xf32, #tpu.memory_space<vmem>>) offsets(%dma_start3A_50 : memref<128xi32, #tpu.memory_space<vmem>>) semaphore(%arg16 : memref<!tpu.dma_semaphore, #tpu.memory_space<semaphore_mem>>)
    %while3A = arith.constant 0 : i32
    %while3A_54 = arith.constant 0 : i32
    %while3A_55 = arith.subi %select_n3A_26, %while3A : i32
    %while3A_56 = arith.addi %while3A, %while3A_55 : i32
    %while3A_57 = arith.constant 1 : i32
    %while3A_58 = arith.divsi %while3A_55, %while3A_57 : i32
    %while3A_59 = arith.muli %while3A_58, %while3A_57 : i32
    %while3A_60 = arith.addi %while3A, %while3A_59 : i32
    %while3A_61 = arith.constant 1 : i32
    %while3A_62 = scf.for %while3A_65 = %while3A to %while3A_60 step %while3A_61 iter_args(%while3A_66 = %while3A_54) -> (i32)  : i32 {
      %mul3A_67 = arith.constant 2 : i32
      %mul3A_68 = arith.muli %mul3A_67, %while3A_65 : i32
      %rem3A_69 = arith.constant 8 : i32
      %rem3A_70 = arith.remsi %mul3A_68, %rem3A_69 : i32
      %dma_wait3A = arith.constant 0 : i32
      %dma_wait3A_71 = tpu.memref_slice %arg7[%rem3A_70, %dma_wait3A] : memref<8x128xi32, #tpu.memory_space<vmem>> -> memref<1x128xi32, #tpu.memory_space<vmem>>
      %dma_wait3A_72 = tpu.memref_squeeze %dma_wait3A_71 : memref<1x128xi32, #tpu.memory_space<vmem>> -> memref<128xi32, #tpu.memory_space<vmem>>
      %dma_wait3A_73 = arith.constant 0 : i32
      %dma_wait3A_74 = arith.constant 0 : i32
      %dma_wait3A_75 = tpu.memref_slice %arg4[%dma_wait3A_73, %dma_wait3A_74] : memref<10000x128xf32, #tpu.memory_space<hbm>> -> memref<10000x128xf32, #tpu.memory_space<hbm>>
      tpu.wait_indirect_dma semaphore(%arg13 : memref<!tpu.dma_semaphore, #tpu.memory_space<semaphore_mem>>) src(%dma_wait3A_75 : memref<10000x128xf32, #tpu.memory_space<hbm>>) dst(%arg9 : memref<128x128xf32, #tpu.memory_space<vmem>>)
      %dma_wait3A_76 = arith.constant 0 : i32
      %dma_wait3A_77 = tpu.memref_slice %arg8[%rem3A_70, %dma_wait3A_76] : memref<8x128xi32, #tpu.memory_space<vmem>> -> memref<1x128xi32, #tpu.memory_space<vmem>>
      %dma_wait3A_78 = tpu.memref_squeeze %dma_wait3A_77 : memref<1x128xi32, #tpu.memory_space<vmem>> -> memref<128xi32, #tpu.memory_space<vmem>>
      %dma_wait3A_79 = arith.constant 0 : i32
      %dma_wait3A_80 = arith.constant 0 : i32
      %dma_wait3A_81 = tpu.memref_slice %arg5[%dma_wait3A_79, %dma_wait3A_80] : memref<10000x128xf32, #tpu.memory_space<hbm>> -> memref<10000x128xf32, #tpu.memory_space<hbm>>
      tpu.wait_indirect_dma semaphore(%arg14 : memref<!tpu.dma_semaphore, #tpu.memory_space<semaphore_mem>>) src(%dma_wait3A_81 : memref<10000x128xf32, #tpu.memory_space<hbm>>) dst(%arg10 : memref<128x128xf32, #tpu.memory_space<vmem>>)
      %parallel_loop3A = arith.constant 0 : i32
      %parallel_loop3A_82 = arith.constant 128 : i32
      %parallel_loop3A_83 = arith.constant 1 : i32
      scf.for %parallel_loop3A_126 = %parallel_loop3A to %parallel_loop3A_82 step %parallel_loop3A_83  : i32 {
        %parallel_loop3A_127 = arith.index_cast %parallel_loop3A_126 : i32 to index
        %parallel_loop3A_128 = arith.constant 0 : index
        %parallel_loop3A_129 = tpu.vector_load %arg9[%parallel_loop3A_127, %parallel_loop3A_128] {strides = array<i32>} : memref<128x128xf32, #tpu.memory_space<vmem>>, vector<16xf32>,
        %parallel_loop3A_130 = arith.index_cast %parallel_loop3A_126 : i32 to index
        %parallel_loop3A_131 = arith.constant 0 : index
        %parallel_loop3A_132 = tpu.vector_load %arg10[%parallel_loop3A_130, %parallel_loop3A_131] {strides = array<i32>} : memref<128x128xf32, #tpu.memory_space<vmem>>, vector<16xf32>,
        %parallel_loop3A_133 = arith.addf %parallel_loop3A_129, %parallel_loop3A_132 : vector<16xf32>
        %parallel_loop3A_134 = arith.constant 2.000000e-01 : f32
        %parallel_loop3A_135 = vector.broadcast %parallel_loop3A_134 : f32 to vector<16xf32>
        %parallel_loop3A_136 = arith.mulf %parallel_loop3A_135, %parallel_loop3A_133 : vector<16xf32>
        %parallel_loop3A_137 = arith.maximumf %parallel_loop3A_133, %parallel_loop3A_136 : vector<16xf32>
        %parallel_loop3A_138 = arith.index_cast %parallel_loop3A_126 : i32 to index
        %parallel_loop3A_139 = arith.constant 0 : index
        %parallel_loop3A_140 = tpu.vector_load %arg9[%parallel_loop3A_138, %parallel_loop3A_139] {strides = array<i32>} : memref<128x128xf32, #tpu.memory_space<vmem>>, vector<16xf32>,
        tpu.vector_store %arg9[%parallel_loop3A_138, %parallel_loop3A_139], %parallel_loop3A_137 {strides = array<i32>} : memref<128x128xf32, #tpu.memory_space<vmem>>, vector<16xf32>,
        %parallel_loop3A_141 = arith.index_cast %parallel_loop3A_126 : i32 to index
        %parallel_loop3A_142 = arith.constant 16 : index
        %parallel_loop3A_143 = tpu.vector_load %arg9[%parallel_loop3A_141, %parallel_loop3A_142] {strides = array<i32>} : memref<128x128xf32, #tpu.memory_space<vmem>>, vector<16xf32>,
        %parallel_loop3A_144 = arith.index_cast %parallel_loop3A_126 : i32 to index
        %parallel_loop3A_145 = arith.constant 16 : index
        %parallel_loop3A_146 = tpu.vector_load %arg10[%parallel_loop3A_144, %parallel_loop3A_145] {strides = array<i32>} : memref<128x128xf32, #tpu.memory_space<vmem>>, vector<16xf32>,
        %parallel_loop3A_147 = arith.addf %parallel_loop3A_143, %parallel_loop3A_146 : vector<16xf32>
        %parallel_loop3A_148 = arith.constant 2.000000e-01 : f32
        %parallel_loop3A_149 = vector.broadcast %parallel_loop3A_148 : f32 to vector<16xf32>
        %parallel_loop3A_150 = arith.mulf %parallel_loop3A_149, %parallel_loop3A_147 : vector<16xf32>
        %parallel_loop3A_151 = arith.maximumf %parallel_loop3A_147, %parallel_loop3A_150 : vector<16xf32>
        %parallel_loop3A_152 = arith.index_cast %parallel_loop3A_126 : i32 to index
        %parallel_loop3A_153 = arith.constant 16 : index
        %parallel_loop3A_154 = tpu.vector_load %arg9[%parallel_loop3A_152, %parallel_loop3A_153] {strides = array<i32>} : memref<128x128xf32, #tpu.memory_space<vmem>>, vector<16xf32>,
        tpu.vector_store %arg9[%parallel_loop3A_152, %parallel_loop3A_153], %parallel_loop3A_151 {strides = array<i32>} : memref<128x128xf32, #tpu.memory_space<vmem>>, vector<16xf32>,
        %parallel_loop3A_155 = arith.index_cast %parallel_loop3A_126 : i32 to index
        %parallel_loop3A_156 = arith.constant 32 : index
        %parallel_loop3A_157 = tpu.vector_load %arg9[%parallel_loop3A_155, %parallel_loop3A_156] {strides = array<i32>} : memref<128x128xf32, #tpu.memory_space<vmem>>, vector<16xf32>,
        %parallel_loop3A_158 = arith.index_cast %parallel_loop3A_126 : i32 to index
        %parallel_loop3A_159 = arith.constant 32 : index
        %parallel_loop3A_160 = tpu.vector_load %arg10[%parallel_loop3A_158, %parallel_loop3A_159] {strides = array<i32>} : memref<128x128xf32, #tpu.memory_space<vmem>>, vector<16xf32>,
        %parallel_loop3A_161 = arith.addf %parallel_loop3A_157, %parallel_loop3A_160 : vector<16xf32>
        %parallel_loop3A_162 = arith.constant 2.000000e-01 : f32
        %parallel_loop3A_163 = vector.broadcast %parallel_loop3A_162 : f32 to vector<16xf32>
        %parallel_loop3A_164 = arith.mulf %parallel_loop3A_163, %parallel_loop3A_161 : vector<16xf32>
        %parallel_loop3A_165 = arith.maximumf %parallel_loop3A_161, %parallel_loop3A_164 : vector<16xf32>
        %parallel_loop3A_166 = arith.index_cast %parallel_loop3A_126 : i32 to index
        %parallel_loop3A_167 = arith.constant 32 : index
        %parallel_loop3A_168 = tpu.vector_load %arg9[%parallel_loop3A_166, %parallel_loop3A_167] {strides = array<i32>} : memref<128x128xf32, #tpu.memory_space<vmem>>, vector<16xf32>,
        tpu.vector_store %arg9[%parallel_loop3A_166, %parallel_loop3A_167], %parallel_loop3A_165 {strides = array<i32>} : memref<128x128xf32, #tpu.memory_space<vmem>>, vector<16xf32>,
        %parallel_loop3A_169 = arith.index_cast %parallel_loop3A_126 : i32 to index
        %parallel_loop3A_170 = arith.constant 48 : index
        %parallel_loop3A_171 = tpu.vector_load %arg9[%parallel_loop3A_169, %parallel_loop3A_170] {strides = array<i32>} : memref<128x128xf32, #tpu.memory_space<vmem>>, vector<16xf32>,
        %parallel_loop3A_172 = arith.index_cast %parallel_loop3A_126 : i32 to index
        %parallel_loop3A_173 = arith.constant 48 : index
        %parallel_loop3A_174 = tpu.vector_load %arg10[%parallel_loop3A_172, %parallel_loop3A_173] {strides = array<i32>} : memref<128x128xf32, #tpu.memory_space<vmem>>, vector<16xf32>,
        %parallel_loop3A_175 = arith.addf %parallel_loop3A_171, %parallel_loop3A_174 : vector<16xf32>
        %parallel_loop3A_176 = arith.constant 2.000000e-01 : f32
        %parallel_loop3A_177 = vector.broadcast %parallel_loop3A_176 : f32 to vector<16xf32>
        %parallel_loop3A_178 = arith.mulf %parallel_loop3A_177, %parallel_loop3A_175 : vector<16xf32>
        %parallel_loop3A_179 = arith.maximumf %parallel_loop3A_175, %parallel_loop3A_178 : vector<16xf32>
        %parallel_loop3A_180 = arith.index_cast %parallel_loop3A_126 : i32 to index
        %parallel_loop3A_181 = arith.constant 48 : index
        %parallel_loop3A_182 = tpu.vector_load %arg9[%parallel_loop3A_180, %parallel_loop3A_181] {strides = array<i32>} : memref<128x128xf32, #tpu.memory_space<vmem>>, vector<16xf32>,
        tpu.vector_store %arg9[%parallel_loop3A_180, %parallel_loop3A_181], %parallel_loop3A_179 {strides = array<i32>} : memref<128x128xf32, #tpu.memory_space<vmem>>, vector<16xf32>,
        %parallel_loop3A_183 = arith.index_cast %parallel_loop3A_126 : i32 to index
        %parallel_loop3A_184 = arith.constant 64 : index
        %parallel_loop3A_185 = tpu.vector_load %arg9[%parallel_loop3A_183, %parallel_loop3A_184] {strides = array<i32>} : memref<128x128xf32, #tpu.memory_space<vmem>>, vector<16xf32>,
        %parallel_loop3A_186 = arith.index_cast %parallel_loop3A_126 : i32 to index
        %parallel_loop3A_187 = arith.constant 64 : index
        %parallel_loop3A_188 = tpu.vector_load %arg10[%parallel_loop3A_186, %parallel_loop3A_187] {strides = array<i32>} : memref<128x128xf32, #tpu.memory_space<vmem>>, vector<16xf32>,
        %parallel_loop3A_189 = arith.addf %parallel_loop3A_185, %parallel_loop3A_188 : vector<16xf32>
        %parallel_loop3A_190 = arith.constant 2.000000e-01 : f32
        %parallel_loop3A_191 = vector.broadcast %parallel_loop3A_190 : f32 to vector<16xf32>
        %parallel_loop3A_192 = arith.mulf %parallel_loop3A_191, %parallel_loop3A_189 : vector<16xf32>
        %parallel_loop3A_193 = arith.maximumf %parallel_loop3A_189, %parallel_loop3A_192 : vector<16xf32>
        %parallel_loop3A_194 = arith.index_cast %parallel_loop3A_126 : i32 to index
        %parallel_loop3A_195 = arith.constant 64 : index
        %parallel_loop3A_196 = tpu.vector_load %arg9[%parallel_loop3A_194, %parallel_loop3A_195] {strides = array<i32>} : memref<128x128xf32, #tpu.memory_space<vmem>>, vector<16xf32>,
        tpu.vector_store %arg9[%parallel_loop3A_194, %parallel_loop3A_195], %parallel_loop3A_193 {strides = array<i32>} : memref<128x128xf32, #tpu.memory_space<vmem>>, vector<16xf32>,
        %parallel_loop3A_197 = arith.index_cast %parallel_loop3A_126 : i32 to index
        %parallel_loop3A_198 = arith.constant 80 : index
        %parallel_loop3A_199 = tpu.vector_load %arg9[%parallel_loop3A_197, %parallel_loop3A_198] {strides = array<i32>} : memref<128x128xf32, #tpu.memory_space<vmem>>, vector<16xf32>,
        %parallel_loop3A_200 = arith.index_cast %parallel_loop3A_126 : i32 to index
        %parallel_loop3A_201 = arith.constant 80 : index
        %parallel_loop3A_202 = tpu.vector_load %arg10[%parallel_loop3A_200, %parallel_loop3A_201] {strides = array<i32>} : memref<128x128xf32, #tpu.memory_space<vmem>>, vector<16xf32>,
        %parallel_loop3A_203 = arith.addf %parallel_loop3A_199, %parallel_loop3A_202 : vector<16xf32>
        %parallel_loop3A_204 = arith.constant 2.000000e-01 : f32
        %parallel_loop3A_205 = vector.broadcast %parallel_loop3A_204 : f32 to vector<16xf32>
        %parallel_loop3A_206 = arith.mulf %parallel_loop3A_205, %parallel_loop3A_203 : vector<16xf32>
        %parallel_loop3A_207 = arith.maximumf %parallel_loop3A_203, %parallel_loop3A_206 : vector<16xf32>
        %parallel_loop3A_208 = arith.index_cast %parallel_loop3A_126 : i32 to index
        %parallel_loop3A_209 = arith.constant 80 : index
        %parallel_loop3A_210 = tpu.vector_load %arg9[%parallel_loop3A_208, %parallel_loop3A_209] {strides = array<i32>} : memref<128x128xf32, #tpu.memory_space<vmem>>, vector<16xf32>,
        tpu.vector_store %arg9[%parallel_loop3A_208, %parallel_loop3A_209], %parallel_loop3A_207 {strides = array<i32>} : memref<128x128xf32, #tpu.memory_space<vmem>>, vector<16xf32>,
        %parallel_loop3A_211 = arith.index_cast %parallel_loop3A_126 : i32 to index
        %parallel_loop3A_212 = arith.constant 96 : index
        %parallel_loop3A_213 = tpu.vector_load %arg9[%parallel_loop3A_211, %parallel_loop3A_212] {strides = array<i32>} : memref<128x128xf32, #tpu.memory_space<vmem>>, vector<16xf32>,
        %parallel_loop3A_214 = arith.index_cast %parallel_loop3A_126 : i32 to index
        %parallel_loop3A_215 = arith.constant 96 : index
        %parallel_loop3A_216 = tpu.vector_load %arg10[%parallel_loop3A_214, %parallel_loop3A_215] {strides = array<i32>} : memref<128x128xf32, #tpu.memory_space<vmem>>, vector<16xf32>,
        %parallel_loop3A_217 = arith.addf %parallel_loop3A_213, %parallel_loop3A_216 : vector<16xf32>
        %parallel_loop3A_218 = arith.constant 2.000000e-01 : f32
        %parallel_loop3A_219 = vector.broadcast %parallel_loop3A_218 : f32 to vector<16xf32>
        %parallel_loop3A_220 = arith.mulf %parallel_loop3A_219, %parallel_loop3A_217 : vector<16xf32>
        %parallel_loop3A_221 = arith.maximumf %parallel_loop3A_217, %parallel_loop3A_220 : vector<16xf32>
        %parallel_loop3A_222 = arith.index_cast %parallel_loop3A_126 : i32 to index
        %parallel_loop3A_223 = arith.constant 96 : index
        %parallel_loop3A_224 = tpu.vector_load %arg9[%parallel_loop3A_222, %parallel_loop3A_223] {strides = array<i32>} : memref<128x128xf32, #tpu.memory_space<vmem>>, vector<16xf32>,
        tpu.vector_store %arg9[%parallel_loop3A_222, %parallel_loop3A_223], %parallel_loop3A_221 {strides = array<i32>} : memref<128x128xf32, #tpu.memory_space<vmem>>, vector<16xf32>,
        %parallel_loop3A_225 = arith.index_cast %parallel_loop3A_126 : i32 to index
        %parallel_loop3A_226 = arith.constant 112 : index
        %parallel_loop3A_227 = tpu.vector_load %arg9[%parallel_loop3A_225, %parallel_loop3A_226] {strides = array<i32>} : memref<128x128xf32, #tpu.memory_space<vmem>>, vector<16xf32>,
        %parallel_loop3A_228 = arith.index_cast %parallel_loop3A_126 : i32 to index
        %parallel_loop3A_229 = arith.constant 112 : index
        %parallel_loop3A_230 = tpu.vector_load %arg10[%parallel_loop3A_228, %parallel_loop3A_229] {strides = array<i32>} : memref<128x128xf32, #tpu.memory_space<vmem>>, vector<16xf32>,
        %parallel_loop3A_231 = arith.addf %parallel_loop3A_227, %parallel_loop3A_230 : vector<16xf32>
        %parallel_loop3A_232 = arith.constant 2.000000e-01 : f32
        %parallel_loop3A_233 = vector.broadcast %parallel_loop3A_232 : f32 to vector<16xf32>
        %parallel_loop3A_234 = arith.mulf %parallel_loop3A_233, %parallel_loop3A_231 : vector<16xf32>
        %parallel_loop3A_235 = arith.maximumf %parallel_loop3A_231, %parallel_loop3A_234 : vector<16xf32>
        %parallel_loop3A_236 = arith.index_cast %parallel_loop3A_126 : i32 to index
        %parallel_loop3A_237 = arith.constant 112 : index
        %parallel_loop3A_238 = tpu.vector_load %arg9[%parallel_loop3A_236, %parallel_loop3A_237] {strides = array<i32>} : memref<128x128xf32, #tpu.memory_space<vmem>>, vector<16xf32>,
        tpu.vector_store %arg9[%parallel_loop3A_236, %parallel_loop3A_237], %parallel_loop3A_235 {strides = array<i32>} : memref<128x128xf32, #tpu.memory_space<vmem>>, vector<16xf32>,
      } {sc.loop_unroll_factor = 4 : i64, sc.parallel_access}
      %mul3A_84 = arith.constant 2 : i32
      %mul3A_85 = arith.muli %mul3A_84, %while3A_65 : i32
      %add3A_86 = arith.addi %multiple_of3A, %mul3A_85 : i32
      %mul3A_87 = arith.constant 128 : i32
      %mul3A_88 = arith.muli %add3A_86, %mul3A_87 : i32
      "tpu.region"() ({
        %run_scoped3A = tpu.sem_alloc : memref<!tpu.dma_semaphore, #tpu.memory_space<semaphore_mem>>
        %dma_start3A_126 = arith.constant 0 : i32
        %dma_start3A_127 = tpu.memref_slice %arg6[%mul3A_88, %dma_start3A_126] : memref<327680x128xf32, #tpu.memory_space<hbm>> -> memref<128x128xf32, #tpu.memory_space<hbm>>
        %dma_start3A_128 = arith.constant 0 : i32
        %dma_start3A_129 = tpu.memref_slice %arg6[%mul3A_88, %dma_start3A_128] : memref<327680x128xf32, #tpu.memory_space<hbm>> -> memref<128x128xf32, #tpu.memory_space<hbm>>
        tpu.enqueue_dma source(%arg9 : memref<128x128xf32, #tpu.memory_space<vmem>>) target(%dma_start3A_129 : memref<128x128xf32, #tpu.memory_space<hbm>>) target_semaphore(%run_scoped3A : memref<!tpu.dma_semaphore, #tpu.memory_space<semaphore_mem>>)
        %dma_wait3A_130 = arith.constant 0 : i32
        %dma_wait3A_131 = tpu.memref_slice %arg6[%mul3A_88, %dma_wait3A_130] : memref<327680x128xf32, #tpu.memory_space<hbm>> -> memref<128x128xf32, #tpu.memory_space<hbm>>
        %dma_wait3A_132 = arith.constant 0 : i32
        %dma_wait3A_133 = tpu.memref_slice %arg6[%mul3A_88, %dma_wait3A_132] : memref<327680x128xf32, #tpu.memory_space<hbm>> -> memref<128x128xf32, #tpu.memory_space<hbm>>
        tpu.wait_dma2 semaphore(%run_scoped3A : memref<!tpu.dma_semaphore, #tpu.memory_space<semaphore_mem>>) src(%arg9 : memref<128x128xf32, #tpu.memory_space<vmem>>) dst(%dma_wait3A_133 : memref<128x128xf32, #tpu.memory_space<hbm>>)
        tpu.yield
      }) : () -> ()
      %dma_wait3A_89 = arith.constant 0 : i32
      %dma_wait3A_90 = tpu.memref_slice %arg7[%rem3A_70, %dma_wait3A_89] : memref<8x128xi32, #tpu.memory_space<vmem>> -> memref<1x128xi32, #tpu.memory_space<vmem>>
      %dma_wait3A_91 = tpu.memref_squeeze %dma_wait3A_90 : memref<1x128xi32, #tpu.memory_space<vmem>> -> memref<128xi32, #tpu.memory_space<vmem>>
      %dma_wait3A_92 = arith.constant 0 : i32
      %dma_wait3A_93 = arith.constant 0 : i32
      %dma_wait3A_94 = tpu.memref_slice %arg4[%dma_wait3A_92, %dma_wait3A_93] : memref<10000x128xf32, #tpu.memory_space<hbm>> -> memref<10000x128xf32, #tpu.memory_space<hbm>>
      tpu.wait_indirect_dma semaphore(%arg15 : memref<!tpu.dma_semaphore, #tpu.memory_space<semaphore_mem>>) src(%dma_wait3A_94 : memref<10000x128xf32, #tpu.memory_space<hbm>>) dst(%arg11 : memref<128x128xf32, #tpu.memory_space<vmem>>)
      %dma_wait3A_95 = arith.constant 0 : i32
      %dma_wait3A_96 = tpu.memref_slice %arg8[%rem3A_70, %dma_wait3A_95] : memref<8x128xi32, #tpu.memory_space<vmem>> -> memref<1x128xi32, #tpu.memory_space<vmem>>
      %dma_wait3A_97 = tpu.memref_squeeze %dma_wait3A_96 : memref<1x128xi32, #tpu.memory_space<vmem>> -> memref<128xi32, #tpu.memory_space<vmem>>
      %dma_wait3A_98 = arith.constant 0 : i32
      %dma_wait3A_99 = arith.constant 0 : i32
      %dma_wait3A_100 = tpu.memref_slice %arg5[%dma_wait3A_98, %dma_wait3A_99] : memref<10000x128xf32, #tpu.memory_space<hbm>> -> memref<10000x128xf32, #tpu.memory_space<hbm>>
      tpu.wait_indirect_dma semaphore(%arg16 : memref<!tpu.dma_semaphore, #tpu.memory_space<semaphore_mem>>) src(%dma_wait3A_100 : memref<10000x128xf32, #tpu.memory_space<hbm>>) dst(%arg12 : memref<128x128xf32, #tpu.memory_space<vmem>>)
      %parallel_loop3A_101 = arith.constant 0 : i32
      %parallel_loop3A_102 = arith.constant 128 : i32
      %parallel_loop3A_103 = arith.constant 1 : i32
      scf.for %parallel_loop3A_126 = %parallel_loop3A_101 to %parallel_loop3A_102 step %parallel_loop3A_103  : i32 {
        %parallel_loop3A_127 = arith.index_cast %parallel_loop3A_126 : i32 to index
        %parallel_loop3A_128 = arith.constant 0 : index
        %parallel_loop3A_129 = tpu.vector_load %arg11[%parallel_loop3A_127, %parallel_loop3A_128] {strides = array<i32>} : memref<128x128xf32, #tpu.memory_space<vmem>>, vector<16xf32>,
        %parallel_loop3A_130 = arith.index_cast %parallel_loop3A_126 : i32 to index
        %parallel_loop3A_131 = arith.constant 0 : index
        %parallel_loop3A_132 = tpu.vector_load %arg12[%parallel_loop3A_130, %parallel_loop3A_131] {strides = array<i32>} : memref<128x128xf32, #tpu.memory_space<vmem>>, vector<16xf32>,
        %parallel_loop3A_133 = arith.addf %parallel_loop3A_129, %parallel_loop3A_132 : vector<16xf32>
        %parallel_loop3A_134 = arith.constant 2.000000e-01 : f32
        %parallel_loop3A_135 = vector.broadcast %parallel_loop3A_134 : f32 to vector<16xf32>
        %parallel_loop3A_136 = arith.mulf %parallel_loop3A_135, %parallel_loop3A_133 : vector<16xf32>
        %parallel_loop3A_137 = arith.maximumf %parallel_loop3A_133, %parallel_loop3A_136 : vector<16xf32>
        %parallel_loop3A_138 = arith.index_cast %parallel_loop3A_126 : i32 to index
        %parallel_loop3A_139 = arith.constant 0 : index
        %parallel_loop3A_140 = tpu.vector_load %arg11[%parallel_loop3A_138, %parallel_loop3A_139] {strides = array<i32>} : memref<128x128xf32, #tpu.memory_space<vmem>>, vector<16xf32>,
        tpu.vector_store %arg11[%parallel_loop3A_138, %parallel_loop3A_139], %parallel_loop3A_137 {strides = array<i32>} : memref<128x128xf32, #tpu.memory_space<vmem>>, vector<16xf32>,
        %parallel_loop3A_141 = arith.index_cast %parallel_loop3A_126 : i32 to index
        %parallel_loop3A_142 = arith.constant 16 : index
        %parallel_loop3A_143 = tpu.vector_load %arg11[%parallel_loop3A_141, %parallel_loop3A_142] {strides = array<i32>} : memref<128x128xf32, #tpu.memory_space<vmem>>, vector<16xf32>,
        %parallel_loop3A_144 = arith.index_cast %parallel_loop3A_126 : i32 to index
        %parallel_loop3A_145 = arith.constant 16 : index
        %parallel_loop3A_146 = tpu.vector_load %arg12[%parallel_loop3A_144, %parallel_loop3A_145] {strides = array<i32>} : memref<128x128xf32, #tpu.memory_space<vmem>>, vector<16xf32>,
        %parallel_loop3A_147 = arith.addf %parallel_loop3A_143, %parallel_loop3A_146 : vector<16xf32>
        %parallel_loop3A_148 = arith.constant 2.000000e-01 : f32
        %parallel_loop3A_149 = vector.broadcast %parallel_loop3A_148 : f32 to vector<16xf32>
        %parallel_loop3A_150 = arith.mulf %parallel_loop3A_149, %parallel_loop3A_147 : vector<16xf32>
        %parallel_loop3A_151 = arith.maximumf %parallel_loop3A_147, %parallel_loop3A_150 : vector<16xf32>
        %parallel_loop3A_152 = arith.index_cast %parallel_loop3A_126 : i32 to index
        %parallel_loop3A_153 = arith.constant 16 : index
        %parallel_loop3A_154 = tpu.vector_load %arg11[%parallel_loop3A_152, %parallel_loop3A_153] {strides = array<i32>} : memref<128x128xf32, #tpu.memory_space<vmem>>, vector<16xf32>,
        tpu.vector_store %arg11[%parallel_loop3A_152, %parallel_loop3A_153], %parallel_loop3A_151 {strides = array<i32>} : memref<128x128xf32, #tpu.memory_space<vmem>>, vector<16xf32>,
        %parallel_loop3A_155 = arith.index_cast %parallel_loop3A_126 : i32 to index
        %parallel_loop3A_156 = arith.constant 32 : index
        %parallel_loop3A_157 = tpu.vector_load %arg11[%parallel_loop3A_155, %parallel_loop3A_156] {strides = array<i32>} : memref<128x128xf32, #tpu.memory_space<vmem>>, vector<16xf32>,
        %parallel_loop3A_158 = arith.index_cast %parallel_loop3A_126 : i32 to index
        %parallel_loop3A_159 = arith.constant 32 : index
        %parallel_loop3A_160 = tpu.vector_load %arg12[%parallel_loop3A_158, %parallel_loop3A_159] {strides = array<i32>} : memref<128x128xf32, #tpu.memory_space<vmem>>, vector<16xf32>,
        %parallel_loop3A_161 = arith.addf %parallel_loop3A_157, %parallel_loop3A_160 : vector<16xf32>
        %parallel_loop3A_162 = arith.constant 2.000000e-01 : f32
        %parallel_loop3A_163 = vector.broadcast %parallel_loop3A_162 : f32 to vector<16xf32>
        %parallel_loop3A_164 = arith.mulf %parallel_loop3A_163, %parallel_loop3A_161 : vector<16xf32>
        %parallel_loop3A_165 = arith.maximumf %parallel_loop3A_161, %parallel_loop3A_164 : vector<16xf32>
        %parallel_loop3A_166 = arith.index_cast %parallel_loop3A_126 : i32 to index
        %parallel_loop3A_167 = arith.constant 32 : index
        %parallel_loop3A_168 = tpu.vector_load %arg11[%parallel_loop3A_166, %parallel_loop3A_167] {strides = array<i32>} : memref<128x128xf32, #tpu.memory_space<vmem>>, vector<16xf32>,
        tpu.vector_store %arg11[%parallel_loop3A_166, %parallel_loop3A_167], %parallel_loop3A_165 {strides = array<i32>} : memref<128x128xf32, #tpu.memory_space<vmem>>, vector<16xf32>,
        %parallel_loop3A_169 = arith.index_cast %parallel_loop3A_126 : i32 to index
        %parallel_loop3A_170 = arith.constant 48 : index
        %parallel_loop3A_171 = tpu.vector_load %arg11[%parallel_loop3A_169, %parallel_loop3A_170] {strides = array<i32>} : memref<128x128xf32, #tpu.memory_space<vmem>>, vector<16xf32>,
        %parallel_loop3A_172 = arith.index_cast %parallel_loop3A_126 : i32 to index
        %parallel_loop3A_173 = arith.constant 48 : index
        %parallel_loop3A_174 = tpu.vector_load %arg12[%parallel_loop3A_172, %parallel_loop3A_173] {strides = array<i32>} : memref<128x128xf32, #tpu.memory_space<vmem>>, vector<16xf32>,
        %parallel_loop3A_175 = arith.addf %parallel_loop3A_171, %parallel_loop3A_174 : vector<16xf32>
        %parallel_loop3A_176 = arith.constant 2.000000e-01 : f32
        %parallel_loop3A_177 = vector.broadcast %parallel_loop3A_176 : f32 to vector<16xf32>
        %parallel_loop3A_178 = arith.mulf %parallel_loop3A_177, %parallel_loop3A_175 : vector<16xf32>
        %parallel_loop3A_179 = arith.maximumf %parallel_loop3A_175, %parallel_loop3A_178 : vector<16xf32>
        %parallel_loop3A_180 = arith.index_cast %parallel_loop3A_126 : i32 to index
        %parallel_loop3A_181 = arith.constant 48 : index
        %parallel_loop3A_182 = tpu.vector_load %arg11[%parallel_loop3A_180, %parallel_loop3A_181] {strides = array<i32>} : memref<128x128xf32, #tpu.memory_space<vmem>>, vector<16xf32>,
        tpu.vector_store %arg11[%parallel_loop3A_180, %parallel_loop3A_181], %parallel_loop3A_179 {strides = array<i32>} : memref<128x128xf32, #tpu.memory_space<vmem>>, vector<16xf32>,
        %parallel_loop3A_183 = arith.index_cast %parallel_loop3A_126 : i32 to index
        %parallel_loop3A_184 = arith.constant 64 : index
        %parallel_loop3A_185 = tpu.vector_load %arg11[%parallel_loop3A_183, %parallel_loop3A_184] {strides = array<i32>} : memref<128x128xf32, #tpu.memory_space<vmem>>, vector<16xf32>,
        %parallel_loop3A_186 = arith.index_cast %parallel_loop3A_126 : i32 to index
        %parallel_loop3A_187 = arith.constant 64 : index
        %parallel_loop3A_188 = tpu.vector_load %arg12[%parallel_loop3A_186, %parallel_loop3A_187] {strides = array<i32>} : memref<128x128xf32, #tpu.memory_space<vmem>>, vector<16xf32>,
        %parallel_loop3A_189 = arith.addf %parallel_loop3A_185, %parallel_loop3A_188 : vector<16xf32>
        %parallel_loop3A_190 = arith.constant 2.000000e-01 : f32
        %parallel_loop3A_191 = vector.broadcast %parallel_loop3A_190 : f32 to vector<16xf32>
        %parallel_loop3A_192 = arith.mulf %parallel_loop3A_191, %parallel_loop3A_189 : vector<16xf32>
        %parallel_loop3A_193 = arith.maximumf %parallel_loop3A_189, %parallel_loop3A_192 : vector<16xf32>
        %parallel_loop3A_194 = arith.index_cast %parallel_loop3A_126 : i32 to index
        %parallel_loop3A_195 = arith.constant 64 : index
        %parallel_loop3A_196 = tpu.vector_load %arg11[%parallel_loop3A_194, %parallel_loop3A_195] {strides = array<i32>} : memref<128x128xf32, #tpu.memory_space<vmem>>, vector<16xf32>,
        tpu.vector_store %arg11[%parallel_loop3A_194, %parallel_loop3A_195], %parallel_loop3A_193 {strides = array<i32>} : memref<128x128xf32, #tpu.memory_space<vmem>>, vector<16xf32>,
        %parallel_loop3A_197 = arith.index_cast %parallel_loop3A_126 : i32 to index
        %parallel_loop3A_198 = arith.constant 80 : index
        %parallel_loop3A_199 = tpu.vector_load %arg11[%parallel_loop3A_197, %parallel_loop3A_198] {strides = array<i32>} : memref<128x128xf32, #tpu.memory_space<vmem>>, vector<16xf32>,
        %parallel_loop3A_200 = arith.index_cast %parallel_loop3A_126 : i32 to index
        %parallel_loop3A_201 = arith.constant 80 : index
        %parallel_loop3A_202 = tpu.vector_load %arg12[%parallel_loop3A_200, %parallel_loop3A_201] {strides = array<i32>} : memref<128x128xf32, #tpu.memory_space<vmem>>, vector<16xf32>,
        %parallel_loop3A_203 = arith.addf %parallel_loop3A_199, %parallel_loop3A_202 : vector<16xf32>
        %parallel_loop3A_204 = arith.constant 2.000000e-01 : f32
        %parallel_loop3A_205 = vector.broadcast %parallel_loop3A_204 : f32 to vector<16xf32>
        %parallel_loop3A_206 = arith.mulf %parallel_loop3A_205, %parallel_loop3A_203 : vector<16xf32>
        %parallel_loop3A_207 = arith.maximumf %parallel_loop3A_203, %parallel_loop3A_206 : vector<16xf32>
        %parallel_loop3A_208 = arith.index_cast %parallel_loop3A_126 : i32 to index
        %parallel_loop3A_209 = arith.constant 80 : index
        %parallel_loop3A_210 = tpu.vector_load %arg11[%parallel_loop3A_208, %parallel_loop3A_209] {strides = array<i32>} : memref<128x128xf32, #tpu.memory_space<vmem>>, vector<16xf32>,
        tpu.vector_store %arg11[%parallel_loop3A_208, %parallel_loop3A_209], %parallel_loop3A_207 {strides = array<i32>} : memref<128x128xf32, #tpu.memory_space<vmem>>, vector<16xf32>,
        %parallel_loop3A_211 = arith.index_cast %parallel_loop3A_126 : i32 to index
        %parallel_loop3A_212 = arith.constant 96 : index
        %parallel_loop3A_213 = tpu.vector_load %arg11[%parallel_loop3A_211, %parallel_loop3A_212] {strides = array<i32>} : memref<128x128xf32, #tpu.memory_space<vmem>>, vector<16xf32>,
        %parallel_loop3A_214 = arith.index_cast %parallel_loop3A_126 : i32 to index
        %parallel_loop3A_215 = arith.constant 96 : index
        %parallel_loop3A_216 = tpu.vector_load %arg12[%parallel_loop3A_214, %parallel_loop3A_215] {strides = array<i32>} : memref<128x128xf32, #tpu.memory_space<vmem>>, vector<16xf32>,
        %parallel_loop3A_217 = arith.addf %parallel_loop3A_213, %parallel_loop3A_216 : vector<16xf32>
        %parallel_loop3A_218 = arith.constant 2.000000e-01 : f32
        %parallel_loop3A_219 = vector.broadcast %parallel_loop3A_218 : f32 to vector<16xf32>
        %parallel_loop3A_220 = arith.mulf %parallel_loop3A_219, %parallel_loop3A_217 : vector<16xf32>
        %parallel_loop3A_221 = arith.maximumf %parallel_loop3A_217, %parallel_loop3A_220 : vector<16xf32>
        %parallel_loop3A_222 = arith.index_cast %parallel_loop3A_126 : i32 to index
        %parallel_loop3A_223 = arith.constant 96 : index
        %parallel_loop3A_224 = tpu.vector_load %arg11[%parallel_loop3A_222, %parallel_loop3A_223] {strides = array<i32>} : memref<128x128xf32, #tpu.memory_space<vmem>>, vector<16xf32>,
        tpu.vector_store %arg11[%parallel_loop3A_222, %parallel_loop3A_223], %parallel_loop3A_221 {strides = array<i32>} : memref<128x128xf32, #tpu.memory_space<vmem>>, vector<16xf32>,
        %parallel_loop3A_225 = arith.index_cast %parallel_loop3A_126 : i32 to index
        %parallel_loop3A_226 = arith.constant 112 : index
        %parallel_loop3A_227 = tpu.vector_load %arg11[%parallel_loop3A_225, %parallel_loop3A_226] {strides = array<i32>} : memref<128x128xf32, #tpu.memory_space<vmem>>, vector<16xf32>,
        %parallel_loop3A_228 = arith.index_cast %parallel_loop3A_126 : i32 to index
        %parallel_loop3A_229 = arith.constant 112 : index
        %parallel_loop3A_230 = tpu.vector_load %arg12[%parallel_loop3A_228, %parallel_loop3A_229] {strides = array<i32>} : memref<128x128xf32, #tpu.memory_space<vmem>>, vector<16xf32>,
        %parallel_loop3A_231 = arith.addf %parallel_loop3A_227, %parallel_loop3A_230 : vector<16xf32>
        %parallel_loop3A_232 = arith.constant 2.000000e-01 : f32
        %parallel_loop3A_233 = vector.broadcast %parallel_loop3A_232 : f32 to vector<16xf32>
        %parallel_loop3A_234 = arith.mulf %parallel_loop3A_233, %parallel_loop3A_231 : vector<16xf32>
        %parallel_loop3A_235 = arith.maximumf %parallel_loop3A_231, %parallel_loop3A_234 : vector<16xf32>
        %parallel_loop3A_236 = arith.index_cast %parallel_loop3A_126 : i32 to index
        %parallel_loop3A_237 = arith.constant 112 : index
        %parallel_loop3A_238 = tpu.vector_load %arg11[%parallel_loop3A_236, %parallel_loop3A_237] {strides = array<i32>} : memref<128x128xf32, #tpu.memory_space<vmem>>, vector<16xf32>,
        tpu.vector_store %arg11[%parallel_loop3A_236, %parallel_loop3A_237], %parallel_loop3A_235 {strides = array<i32>} : memref<128x128xf32, #tpu.memory_space<vmem>>, vector<16xf32>,
      } {sc.loop_unroll_factor = 4 : i64, sc.parallel_access}
      %rem3A_104 = arith.constant 4 : i32
      %rem3A_105 = arith.remsi %while3A_65, %rem3A_104 : i32
      %eq3A_106 = arith.constant 3 : i32
      %eq3A_107 = arith.cmpi eq, %rem3A_105, %eq3A_106 : i32
      %sub3A_108 = arith.constant 1 : i32
      %sub3A_109 = arith.subi %select_n3A_26, %sub3A_108 : i32
      %lt3A = arith.cmpi slt, %while3A_65, %sub3A_109 : i32
      %and3A_110 = arith.andi %eq3A_107, %lt3A : i1
      %convert_element_type3A = arith.extui %and3A_110 : i1 to i32
      %cond3A = arith.constant 0 : i32
      %cond3A_111 = arith.cmpi ne, %convert_element_type3A, %cond3A : i32
      scf.if %cond3A_111 {
        %add3A_126 = arith.constant 1 : i32
        %add3A_127 = arith.addi %while3A_65, %add3A_126 : i32
        %div3A_128 = arith.constant 4 : i32
        %div3A_129 = arith.divsi %add3A_127, %div3A_128 : i32
        %mul3A_130 = arith.constant 8 : i32
        %mul3A_131 = arith.muli %div3A_129, %mul3A_130 : i32
        %add3A_132 = arith.addi %multiple_of3A, %mul3A_131 : i32
        "tpu.region"() ({
          %run_scoped3A = tpu.sem_alloc : memref<!tpu.dma_semaphore, #tpu.memory_space<semaphore_mem>>
          %dma_start3A_133 = arith.constant 0 : i32
          %dma_start3A_134 = tpu.memref_slice %arg2[%add3A_132, %dma_start3A_133] : memref<2560x128xi32, #tpu.memory_space<hbm>> -> memref<8x128xi32, #tpu.memory_space<hbm>>
          %dma_start3A_135 = arith.constant 0 : i32
          %dma_start3A_136 = tpu.memref_slice %arg2[%add3A_132, %dma_start3A_135] : memref<2560x128xi32, #tpu.memory_space<hbm>> -> memref<8x128xi32, #tpu.memory_space<hbm>>
          tpu.enqueue_dma source(%dma_start3A_136 : memref<8x128xi32, #tpu.memory_space<hbm>>) target(%arg7 : memref<8x128xi32, #tpu.memory_space<vmem>>) target_semaphore(%run_scoped3A : memref<!tpu.dma_semaphore, #tpu.memory_space<semaphore_mem>>)
          %dma_wait3A_137 = arith.constant 0 : i32
          %dma_wait3A_138 = tpu.memref_slice %arg2[%add3A_132, %dma_wait3A_137] : memref<2560x128xi32, #tpu.memory_space<hbm>> -> memref<8x128xi32, #tpu.memory_space<hbm>>
          %dma_wait3A_139 = arith.constant 0 : i32
          %dma_wait3A_140 = tpu.memref_slice %arg2[%add3A_132, %dma_wait3A_139] : memref<2560x128xi32, #tpu.memory_space<hbm>> -> memref<8x128xi32, #tpu.memory_space<hbm>>
          tpu.wait_dma2 semaphore(%run_scoped3A : memref<!tpu.dma_semaphore, #tpu.memory_space<semaphore_mem>>) src(%dma_wait3A_140 : memref<8x128xi32, #tpu.memory_space<hbm>>) dst(%arg7 : memref<8x128xi32, #tpu.memory_space<vmem>>)
          tpu.yield
        }) : () -> ()
        "tpu.region"() ({
          %run_scoped3A = tpu.sem_alloc : memref<!tpu.dma_semaphore, #tpu.memory_space<semaphore_mem>>
          %dma_start3A_133 = arith.constant 0 : i32
          %dma_start3A_134 = tpu.memref_slice %arg3[%add3A_132, %dma_start3A_133] : memref<2560x128xi32, #tpu.memory_space<hbm>> -> memref<8x128xi32, #tpu.memory_space<hbm>>
          %dma_start3A_135 = arith.constant 0 : i32
          %dma_start3A_136 = tpu.memref_slice %arg3[%add3A_132, %dma_start3A_135] : memref<2560x128xi32, #tpu.memory_space<hbm>> -> memref<8x128xi32, #tpu.memory_space<hbm>>
          tpu.enqueue_dma source(%dma_start3A_136 : memref<8x128xi32, #tpu.memory_space<hbm>>) target(%arg8 : memref<8x128xi32, #tpu.memory_space<vmem>>) target_semaphore(%run_scoped3A : memref<!tpu.dma_semaphore, #tpu.memory_space<semaphore_mem>>)
          %dma_wait3A_137 = arith.constant 0 : i32
          %dma_wait3A_138 = tpu.memref_slice %arg3[%add3A_132, %dma_wait3A_137] : memref<2560x128xi32, #tpu.memory_space<hbm>> -> memref<8x128xi32, #tpu.memory_space<hbm>>
          %dma_wait3A_139 = arith.constant 0 : i32
          %dma_wait3A_140 = tpu.memref_slice %arg3[%add3A_132, %dma_wait3A_139] : memref<2560x128xi32, #tpu.memory_space<hbm>> -> memref<8x128xi32, #tpu.memory_space<hbm>>
          tpu.wait_dma2 semaphore(%run_scoped3A : memref<!tpu.dma_semaphore, #tpu.memory_space<semaphore_mem>>) src(%dma_wait3A_140 : memref<8x128xi32, #tpu.memory_space<hbm>>) dst(%arg8 : memref<8x128xi32, #tpu.memory_space<vmem>>)
          tpu.yield
        }) : () -> ()
      } else {
      }
      %mul3A_112 = arith.constant 2 : i32
      %mul3A_113 = arith.muli %mul3A_112, %while3A_65 : i32
      %add3A_114 = arith.addi %multiple_of3A, %mul3A_113 : i32
      %add3A_115 = arith.constant 1 : i32
      %add3A_116 = arith.addi %add3A_114, %add3A_115 : i32
      %mul3A_117 = arith.constant 128 : i32
      %mul3A_118 = arith.muli %add3A_116, %mul3A_117 : i32
      "tpu.region"() ({
        %run_scoped3A = tpu.sem_alloc : memref<!tpu.dma_semaphore, #tpu.memory_space<semaphore_mem>>
        %dma_start3A_126 = arith.constant 0 : i32
        %dma_start3A_127 = tpu.memref_slice %arg6[%mul3A_118, %dma_start3A_126] : memref<327680x128xf32, #tpu.memory_space<hbm>> -> memref<128x128xf32, #tpu.memory_space<hbm>>
        %dma_start3A_128 = arith.constant 0 : i32
        %dma_start3A_129 = tpu.memref_slice %arg6[%mul3A_118, %dma_start3A_128] : memref<327680x128xf32, #tpu.memory_space<hbm>> -> memref<128x128xf32, #tpu.memory_space<hbm>>
        tpu.enqueue_dma source(%arg11 : memref<128x128xf32, #tpu.memory_space<vmem>>) target(%dma_start3A_129 : memref<128x128xf32, #tpu.memory_space<hbm>>) target_semaphore(%run_scoped3A : memref<!tpu.dma_semaphore, #tpu.memory_space<semaphore_mem>>)
        %dma_wait3A_130 = arith.constant 0 : i32
        %dma_wait3A_131 = tpu.memref_slice %arg6[%mul3A_118, %dma_wait3A_130] : memref<327680x128xf32, #tpu.memory_space<hbm>> -> memref<128x128xf32, #tpu.memory_space<hbm>>
        %dma_wait3A_132 = arith.constant 0 : i32
        %dma_wait3A_133 = tpu.memref_slice %arg6[%mul3A_118, %dma_wait3A_132] : memref<327680x128xf32, #tpu.memory_space<hbm>> -> memref<128x128xf32, #tpu.memory_space<hbm>>
        tpu.wait_dma2 semaphore(%run_scoped3A : memref<!tpu.dma_semaphore, #tpu.memory_space<semaphore_mem>>) src(%arg11 : memref<128x128xf32, #tpu.memory_space<vmem>>) dst(%dma_wait3A_133 : memref<128x128xf32, #tpu.memory_space<hbm>>)
        tpu.yield
      }) : () -> ()
      %sub3A_119 = arith.constant 1 : i32
      %sub3A_120 = arith.subi %select_n3A_26, %sub3A_119 : i32
      %lt3A_121 = arith.cmpi slt, %while3A_65, %sub3A_120 : i32
      %convert_element_type3A_122 = arith.extui %lt3A_121 : i1 to i32
      %cond3A_123 = arith.constant 0 : i32
      %cond3A_124 = arith.cmpi ne, %convert_element_type3A_122, %cond3A_123 : i32
      scf.if %cond3A_124 {
        %mul3A_126 = arith.constant 2 : i32
        %mul3A_127 = arith.muli %mul3A_126, %while3A_65 : i32
        %add3A_128 = arith.constant 2 : i32
        %add3A_129 = arith.addi %mul3A_127, %add3A_128 : i32
        %rem3A_130 = arith.constant 8 : i32
        %rem3A_131 = arith.remsi %add3A_129, %rem3A_130 : i32
        %dma_start3A_132 = arith.constant 0 : i32
        %dma_start3A_133 = tpu.memref_slice %arg7[%rem3A_131, %dma_start3A_132] : memref<8x128xi32, #tpu.memory_space<vmem>> -> memref<1x128xi32, #tpu.memory_space<vmem>>
        %dma_start3A_134 = tpu.memref_squeeze %dma_start3A_133 : memref<1x128xi32, #tpu.memory_space<vmem>> -> memref<128xi32, #tpu.memory_space<vmem>>
        %dma_start3A_135 = arith.constant 0 : i32
        %dma_start3A_136 = arith.constant 0 : i32
        %dma_start3A_137 = tpu.memref_slice %arg4[%dma_start3A_135, %dma_start3A_136] : memref<10000x128xf32, #tpu.memory_space<hbm>> -> memref<10000x128xf32, #tpu.memory_space<hbm>>
        tpu.enqueue_indirect_dma source(%dma_start3A_137 : memref<10000x128xf32, #tpu.memory_space<hbm>>) target(%arg9 : memref<128x128xf32, #tpu.memory_space<vmem>>) offsets(%dma_start3A_134 : memref<128xi32, #tpu.memory_space<vmem>>) semaphore(%arg13 : memref<!tpu.dma_semaphore, #tpu.memory_space<semaphore_mem>>)
        %dma_start3A_138 = arith.constant 0 : i32
        %dma_start3A_139 = tpu.memref_slice %arg8[%rem3A_131, %dma_start3A_138] : memref<8x128xi32, #tpu.memory_space<vmem>> -> memref<1x128xi32, #tpu.memory_space<vmem>>
        %dma_start3A_140 = tpu.memref_squeeze %dma_start3A_139 : memref<1x128xi32, #tpu.memory_space<vmem>> -> memref<128xi32, #tpu.memory_space<vmem>>
        %dma_start3A_141 = arith.constant 0 : i32
        %dma_start3A_142 = arith.constant 0 : i32
        %dma_start3A_143 = tpu.memref_slice %arg5[%dma_start3A_141, %dma_start3A_142] : memref<10000x128xf32, #tpu.memory_space<hbm>> -> memref<10000x128xf32, #tpu.memory_space<hbm>>
        tpu.enqueue_indirect_dma source(%dma_start3A_143 : memref<10000x128xf32, #tpu.memory_space<hbm>>) target(%arg10 : memref<128x128xf32, #tpu.memory_space<vmem>>) offsets(%dma_start3A_140 : memref<128xi32, #tpu.memory_space<vmem>>) semaphore(%arg14 : memref<!tpu.dma_semaphore, #tpu.memory_space<semaphore_mem>>)
        %add3A_144 = arith.constant 1 : i32
        %add3A_145 = arith.addi %rem3A_131, %add3A_144 : i32
        %dma_start3A_146 = arith.constant 0 : i32
        %dma_start3A_147 = tpu.memref_slice %arg7[%add3A_145, %dma_start3A_146] : memref<8x128xi32, #tpu.memory_space<vmem>> -> memref<1x128xi32, #tpu.memory_space<vmem>>
        %dma_start3A_148 = tpu.memref_squeeze %dma_start3A_147 : memref<1x128xi32, #tpu.memory_space<vmem>> -> memref<128xi32, #tpu.memory_space<vmem>>
        %dma_start3A_149 = arith.constant 0 : i32
        %dma_start3A_150 = arith.constant 0 : i32
        %dma_start3A_151 = tpu.memref_slice %arg4[%dma_start3A_149, %dma_start3A_150] : memref<10000x128xf32, #tpu.memory_space<hbm>> -> memref<10000x128xf32, #tpu.memory_space<hbm>>
        tpu.enqueue_indirect_dma source(%dma_start3A_151 : memref<10000x128xf32, #tpu.memory_space<hbm>>) target(%arg11 : memref<128x128xf32, #tpu.memory_space<vmem>>) offsets(%dma_start3A_148 : memref<128xi32, #tpu.memory_space<vmem>>) semaphore(%arg15 : memref<!tpu.dma_semaphore, #tpu.memory_space<semaphore_mem>>)
        %add3A_152 = arith.constant 1 : i32
        %add3A_153 = arith.addi %rem3A_131, %add3A_152 : i32
        %dma_start3A_154 = arith.constant 0 : i32
        %dma_start3A_155 = tpu.memref_slice %arg8[%add3A_153, %dma_start3A_154] : memref<8x128xi32, #tpu.memory_space<vmem>> -> memref<1x128xi32, #tpu.memory_space<vmem>>
        %dma_start3A_156 = tpu.memref_squeeze %dma_start3A_155 : memref<1x128xi32, #tpu.memory_space<vmem>> -> memref<128xi32, #tpu.memory_space<vmem>>
        %dma_start3A_157 = arith.constant 0 : i32
        %dma_start3A_158 = arith.constant 0 : i32
        %dma_start3A_159 = tpu.memref_slice %arg5[%dma_start3A_157, %dma_start3A_158] : memref<10000x128xf32, #tpu.memory_space<hbm>> -> memref<10000x128xf32, #tpu.memory_space<hbm>>
        tpu.enqueue_indirect_dma source(%dma_start3A_159 : memref<10000x128xf32, #tpu.memory_space<hbm>>) target(%arg12 : memref<128x128xf32, #tpu.memory_space<vmem>>) offsets(%dma_start3A_156 : memref<128xi32, #tpu.memory_space<vmem>>) semaphore(%arg16 : memref<!tpu.dma_semaphore, #tpu.memory_space<semaphore_mem>>)
      } else {
      }
      %while3A_125 = arith.constant 0 : i32
      scf.yield %while3A_125 : i32
    }
    %while3A_63 = arith.constant 1 : i32
    %while3A_64 = scf.for %while3A_65 = %while3A_60 to %while3A_56 step %while3A_63 iter_args(%while3A_66 = %while3A_62) -> (i32)  : i32 {
      %mul3A_67 = arith.constant 2 : i32
      %mul3A_68 = arith.muli %mul3A_67, %while3A_65 : i32
      %rem3A_69 = arith.constant 8 : i32
      %rem3A_70 = arith.remsi %mul3A_68, %rem3A_69 : i32
      %dma_wait3A = arith.constant 0 : i32
      %dma_wait3A_71 = tpu.memref_slice %arg7[%rem3A_70, %dma_wait3A] : memref<8x128xi32, #tpu.memory_space<vmem>> -> memref<1x128xi32, #tpu.memory_space<vmem>>
      %dma_wait3A_72 = tpu.memref_squeeze %dma_wait3A_71 : memref<1x128xi32, #tpu.memory_space<vmem>> -> memref<128xi32, #tpu.memory_space<vmem>>
      %dma_wait3A_73 = arith.constant 0 : i32
      %dma_wait3A_74 = arith.constant 0 : i32
      %dma_wait3A_75 = tpu.memref_slice %arg4[%dma_wait3A_73, %dma_wait3A_74] : memref<10000x128xf32, #tpu.memory_space<hbm>> -> memref<10000x128xf32, #tpu.memory_space<hbm>>
      tpu.wait_indirect_dma semaphore(%arg13 : memref<!tpu.dma_semaphore, #tpu.memory_space<semaphore_mem>>) src(%dma_wait3A_75 : memref<10000x128xf32, #tpu.memory_space<hbm>>) dst(%arg9 : memref<128x128xf32, #tpu.memory_space<vmem>>)
      %dma_wait3A_76 = arith.constant 0 : i32
      %dma_wait3A_77 = tpu.memref_slice %arg8[%rem3A_70, %dma_wait3A_76] : memref<8x128xi32, #tpu.memory_space<vmem>> -> memref<1x128xi32, #tpu.memory_space<vmem>>
      %dma_wait3A_78 = tpu.memref_squeeze %dma_wait3A_77 : memref<1x128xi32, #tpu.memory_space<vmem>> -> memref<128xi32, #tpu.memory_space<vmem>>
      %dma_wait3A_79 = arith.constant 0 : i32
      %dma_wait3A_80 = arith.constant 0 : i32
      %dma_wait3A_81 = tpu.memref_slice %arg5[%dma_wait3A_79, %dma_wait3A_80] : memref<10000x128xf32, #tpu.memory_space<hbm>> -> memref<10000x128xf32, #tpu.memory_space<hbm>>
      tpu.wait_indirect_dma semaphore(%arg14 : memref<!tpu.dma_semaphore, #tpu.memory_space<semaphore_mem>>) src(%dma_wait3A_81 : memref<10000x128xf32, #tpu.memory_space<hbm>>) dst(%arg10 : memref<128x128xf32, #tpu.memory_space<vmem>>)
      %parallel_loop3A = arith.constant 0 : i32
      %parallel_loop3A_82 = arith.constant 128 : i32
      %parallel_loop3A_83 = arith.constant 1 : i32
      scf.for %parallel_loop3A_126 = %parallel_loop3A to %parallel_loop3A_82 step %parallel_loop3A_83  : i32 {
        %parallel_loop3A_127 = arith.index_cast %parallel_loop3A_126 : i32 to index
        %parallel_loop3A_128 = arith.constant 0 : index
        %parallel_loop3A_129 = tpu.vector_load %arg9[%parallel_loop3A_127, %parallel_loop3A_128] {strides = array<i32>} : memref<128x128xf32, #tpu.memory_space<vmem>>, vector<16xf32>,
        %parallel_loop3A_130 = arith.index_cast %parallel_loop3A_126 : i32 to index
        %parallel_loop3A_131 = arith.constant 0 : index
        %parallel_loop3A_132 = tpu.vector_load %arg10[%parallel_loop3A_130, %parallel_loop3A_131] {strides = array<i32>} : memref<128x128xf32, #tpu.memory_space<vmem>>, vector<16xf32>,
        %parallel_loop3A_133 = arith.addf %parallel_loop3A_129, %parallel_loop3A_132 : vector<16xf32>
        %parallel_loop3A_134 = arith.constant 2.000000e-01 : f32
        %parallel_loop3A_135 = vector.broadcast %parallel_loop3A_134 : f32 to vector<16xf32>
        %parallel_loop3A_136 = arith.mulf %parallel_loop3A_135, %parallel_loop3A_133 : vector<16xf32>
        %parallel_loop3A_137 = arith.maximumf %parallel_loop3A_133, %parallel_loop3A_136 : vector<16xf32>
        %parallel_loop3A_138 = arith.index_cast %parallel_loop3A_126 : i32 to index
        %parallel_loop3A_139 = arith.constant 0 : index
        %parallel_loop3A_140 = tpu.vector_load %arg9[%parallel_loop3A_138, %parallel_loop3A_139] {strides = array<i32>} : memref<128x128xf32, #tpu.memory_space<vmem>>, vector<16xf32>,
        tpu.vector_store %arg9[%parallel_loop3A_138, %parallel_loop3A_139], %parallel_loop3A_137 {strides = array<i32>} : memref<128x128xf32, #tpu.memory_space<vmem>>, vector<16xf32>,
        %parallel_loop3A_141 = arith.index_cast %parallel_loop3A_126 : i32 to index
        %parallel_loop3A_142 = arith.constant 16 : index
        %parallel_loop3A_143 = tpu.vector_load %arg9[%parallel_loop3A_141, %parallel_loop3A_142] {strides = array<i32>} : memref<128x128xf32, #tpu.memory_space<vmem>>, vector<16xf32>,
        %parallel_loop3A_144 = arith.index_cast %parallel_loop3A_126 : i32 to index
        %parallel_loop3A_145 = arith.constant 16 : index
        %parallel_loop3A_146 = tpu.vector_load %arg10[%parallel_loop3A_144, %parallel_loop3A_145] {strides = array<i32>} : memref<128x128xf32, #tpu.memory_space<vmem>>, vector<16xf32>,
        %parallel_loop3A_147 = arith.addf %parallel_loop3A_143, %parallel_loop3A_146 : vector<16xf32>
        %parallel_loop3A_148 = arith.constant 2.000000e-01 : f32
        %parallel_loop3A_149 = vector.broadcast %parallel_loop3A_148 : f32 to vector<16xf32>
        %parallel_loop3A_150 = arith.mulf %parallel_loop3A_149, %parallel_loop3A_147 : vector<16xf32>
        %parallel_loop3A_151 = arith.maximumf %parallel_loop3A_147, %parallel_loop3A_150 : vector<16xf32>
        %parallel_loop3A_152 = arith.index_cast %parallel_loop3A_126 : i32 to index
        %parallel_loop3A_153 = arith.constant 16 : index
        %parallel_loop3A_154 = tpu.vector_load %arg9[%parallel_loop3A_152, %parallel_loop3A_153] {strides = array<i32>} : memref<128x128xf32, #tpu.memory_space<vmem>>, vector<16xf32>,
        tpu.vector_store %arg9[%parallel_loop3A_152, %parallel_loop3A_153], %parallel_loop3A_151 {strides = array<i32>} : memref<128x128xf32, #tpu.memory_space<vmem>>, vector<16xf32>,
        %parallel_loop3A_155 = arith.index_cast %parallel_loop3A_126 : i32 to index
        %parallel_loop3A_156 = arith.constant 32 : index
        %parallel_loop3A_157 = tpu.vector_load %arg9[%parallel_loop3A_155, %parallel_loop3A_156] {strides = array<i32>} : memref<128x128xf32, #tpu.memory_space<vmem>>, vector<16xf32>,
        %parallel_loop3A_158 = arith.index_cast %parallel_loop3A_126 : i32 to index
        %parallel_loop3A_159 = arith.constant 32 : index
        %parallel_loop3A_160 = tpu.vector_load %arg10[%parallel_loop3A_158, %parallel_loop3A_159] {strides = array<i32>} : memref<128x128xf32, #tpu.memory_space<vmem>>, vector<16xf32>,
        %parallel_loop3A_161 = arith.addf %parallel_loop3A_157, %parallel_loop3A_160 : vector<16xf32>
        %parallel_loop3A_162 = arith.constant 2.000000e-01 : f32
        %parallel_loop3A_163 = vector.broadcast %parallel_loop3A_162 : f32 to vector<16xf32>
        %parallel_loop3A_164 = arith.mulf %parallel_loop3A_163, %parallel_loop3A_161 : vector<16xf32>
        %parallel_loop3A_165 = arith.maximumf %parallel_loop3A_161, %parallel_loop3A_164 : vector<16xf32>
        %parallel_loop3A_166 = arith.index_cast %parallel_loop3A_126 : i32 to index
        %parallel_loop3A_167 = arith.constant 32 : index
        %parallel_loop3A_168 = tpu.vector_load %arg9[%parallel_loop3A_166, %parallel_loop3A_167] {strides = array<i32>} : memref<128x128xf32, #tpu.memory_space<vmem>>, vector<16xf32>,
        tpu.vector_store %arg9[%parallel_loop3A_166, %parallel_loop3A_167], %parallel_loop3A_165 {strides = array<i32>} : memref<128x128xf32, #tpu.memory_space<vmem>>, vector<16xf32>,
        %parallel_loop3A_169 = arith.index_cast %parallel_loop3A_126 : i32 to index
        %parallel_loop3A_170 = arith.constant 48 : index
        %parallel_loop3A_171 = tpu.vector_load %arg9[%parallel_loop3A_169, %parallel_loop3A_170] {strides = array<i32>} : memref<128x128xf32, #tpu.memory_space<vmem>>, vector<16xf32>,
        %parallel_loop3A_172 = arith.index_cast %parallel_loop3A_126 : i32 to index
        %parallel_loop3A_173 = arith.constant 48 : index
        %parallel_loop3A_174 = tpu.vector_load %arg10[%parallel_loop3A_172, %parallel_loop3A_173] {strides = array<i32>} : memref<128x128xf32, #tpu.memory_space<vmem>>, vector<16xf32>,
        %parallel_loop3A_175 = arith.addf %parallel_loop3A_171, %parallel_loop3A_174 : vector<16xf32>
        %parallel_loop3A_176 = arith.constant 2.000000e-01 : f32
        %parallel_loop3A_177 = vector.broadcast %parallel_loop3A_176 : f32 to vector<16xf32>
        %parallel_loop3A_178 = arith.mulf %parallel_loop3A_177, %parallel_loop3A_175 : vector<16xf32>
        %parallel_loop3A_179 = arith.maximumf %parallel_loop3A_175, %parallel_loop3A_178 : vector<16xf32>
        %parallel_loop3A_180 = arith.index_cast %parallel_loop3A_126 : i32 to index
        %parallel_loop3A_181 = arith.constant 48 : index
        %parallel_loop3A_182 = tpu.vector_load %arg9[%parallel_loop3A_180, %parallel_loop3A_181] {strides = array<i32>} : memref<128x128xf32, #tpu.memory_space<vmem>>, vector<16xf32>,
        tpu.vector_store %arg9[%parallel_loop3A_180, %parallel_loop3A_181], %parallel_loop3A_179 {strides = array<i32>} : memref<128x128xf32, #tpu.memory_space<vmem>>, vector<16xf32>,
        %parallel_loop3A_183 = arith.index_cast %parallel_loop3A_126 : i32 to index
        %parallel_loop3A_184 = arith.constant 64 : index
        %parallel_loop3A_185 = tpu.vector_load %arg9[%parallel_loop3A_183, %parallel_loop3A_184] {strides = array<i32>} : memref<128x128xf32, #tpu.memory_space<vmem>>, vector<16xf32>,
        %parallel_loop3A_186 = arith.index_cast %parallel_loop3A_126 : i32 to index
        %parallel_loop3A_187 = arith.constant 64 : index
        %parallel_loop3A_188 = tpu.vector_load %arg10[%parallel_loop3A_186, %parallel_loop3A_187] {strides = array<i32>} : memref<128x128xf32, #tpu.memory_space<vmem>>, vector<16xf32>,
        %parallel_loop3A_189 = arith.addf %parallel_loop3A_185, %parallel_loop3A_188 : vector<16xf32>
        %parallel_loop3A_190 = arith.constant 2.000000e-01 : f32
        %parallel_loop3A_191 = vector.broadcast %parallel_loop3A_190 : f32 to vector<16xf32>
        %parallel_loop3A_192 = arith.mulf %parallel_loop3A_191, %parallel_loop3A_189 : vector<16xf32>
        %parallel_loop3A_193 = arith.maximumf %parallel_loop3A_189, %parallel_loop3A_192 : vector<16xf32>
        %parallel_loop3A_194 = arith.index_cast %parallel_loop3A_126 : i32 to index
        %parallel_loop3A_195 = arith.constant 64 : index
        %parallel_loop3A_196 = tpu.vector_load %arg9[%parallel_loop3A_194, %parallel_loop3A_195] {strides = array<i32>} : memref<128x128xf32, #tpu.memory_space<vmem>>, vector<16xf32>,
        tpu.vector_store %arg9[%parallel_loop3A_194, %parallel_loop3A_195], %parallel_loop3A_193 {strides = array<i32>} : memref<128x128xf32, #tpu.memory_space<vmem>>, vector<16xf32>,
        %parallel_loop3A_197 = arith.index_cast %parallel_loop3A_126 : i32 to index
        %parallel_loop3A_198 = arith.constant 80 : index
        %parallel_loop3A_199 = tpu.vector_load %arg9[%parallel_loop3A_197, %parallel_loop3A_198] {strides = array<i32>} : memref<128x128xf32, #tpu.memory_space<vmem>>, vector<16xf32>,
        %parallel_loop3A_200 = arith.index_cast %parallel_loop3A_126 : i32 to index
        %parallel_loop3A_201 = arith.constant 80 : index
        %parallel_loop3A_202 = tpu.vector_load %arg10[%parallel_loop3A_200, %parallel_loop3A_201] {strides = array<i32>} : memref<128x128xf32, #tpu.memory_space<vmem>>, vector<16xf32>,
        %parallel_loop3A_203 = arith.addf %parallel_loop3A_199, %parallel_loop3A_202 : vector<16xf32>
        %parallel_loop3A_204 = arith.constant 2.000000e-01 : f32
        %parallel_loop3A_205 = vector.broadcast %parallel_loop3A_204 : f32 to vector<16xf32>
        %parallel_loop3A_206 = arith.mulf %parallel_loop3A_205, %parallel_loop3A_203 : vector<16xf32>
        %parallel_loop3A_207 = arith.maximumf %parallel_loop3A_203, %parallel_loop3A_206 : vector<16xf32>
        %parallel_loop3A_208 = arith.index_cast %parallel_loop3A_126 : i32 to index
        %parallel_loop3A_209 = arith.constant 80 : index
        %parallel_loop3A_210 = tpu.vector_load %arg9[%parallel_loop3A_208, %parallel_loop3A_209] {strides = array<i32>} : memref<128x128xf32, #tpu.memory_space<vmem>>, vector<16xf32>,
        tpu.vector_store %arg9[%parallel_loop3A_208, %parallel_loop3A_209], %parallel_loop3A_207 {strides = array<i32>} : memref<128x128xf32, #tpu.memory_space<vmem>>, vector<16xf32>,
        %parallel_loop3A_211 = arith.index_cast %parallel_loop3A_126 : i32 to index
        %parallel_loop3A_212 = arith.constant 96 : index
        %parallel_loop3A_213 = tpu.vector_load %arg9[%parallel_loop3A_211, %parallel_loop3A_212] {strides = array<i32>} : memref<128x128xf32, #tpu.memory_space<vmem>>, vector<16xf32>,
        %parallel_loop3A_214 = arith.index_cast %parallel_loop3A_126 : i32 to index
        %parallel_loop3A_215 = arith.constant 96 : index
        %parallel_loop3A_216 = tpu.vector_load %arg10[%parallel_loop3A_214, %parallel_loop3A_215] {strides = array<i32>} : memref<128x128xf32, #tpu.memory_space<vmem>>, vector<16xf32>,
        %parallel_loop3A_217 = arith.addf %parallel_loop3A_213, %parallel_loop3A_216 : vector<16xf32>
        %parallel_loop3A_218 = arith.constant 2.000000e-01 : f32
        %parallel_loop3A_219 = vector.broadcast %parallel_loop3A_218 : f32 to vector<16xf32>
        %parallel_loop3A_220 = arith.mulf %parallel_loop3A_219, %parallel_loop3A_217 : vector<16xf32>
        %parallel_loop3A_221 = arith.maximumf %parallel_loop3A_217, %parallel_loop3A_220 : vector<16xf32>
        %parallel_loop3A_222 = arith.index_cast %parallel_loop3A_126 : i32 to index
        %parallel_loop3A_223 = arith.constant 96 : index
        %parallel_loop3A_224 = tpu.vector_load %arg9[%parallel_loop3A_222, %parallel_loop3A_223] {strides = array<i32>} : memref<128x128xf32, #tpu.memory_space<vmem>>, vector<16xf32>,
        tpu.vector_store %arg9[%parallel_loop3A_222, %parallel_loop3A_223], %parallel_loop3A_221 {strides = array<i32>} : memref<128x128xf32, #tpu.memory_space<vmem>>, vector<16xf32>,
        %parallel_loop3A_225 = arith.index_cast %parallel_loop3A_126 : i32 to index
        %parallel_loop3A_226 = arith.constant 112 : index
        %parallel_loop3A_227 = tpu.vector_load %arg9[%parallel_loop3A_225, %parallel_loop3A_226] {strides = array<i32>} : memref<128x128xf32, #tpu.memory_space<vmem>>, vector<16xf32>,
        %parallel_loop3A_228 = arith.index_cast %parallel_loop3A_126 : i32 to index
        %parallel_loop3A_229 = arith.constant 112 : index
        %parallel_loop3A_230 = tpu.vector_load %arg10[%parallel_loop3A_228, %parallel_loop3A_229] {strides = array<i32>} : memref<128x128xf32, #tpu.memory_space<vmem>>, vector<16xf32>,
        %parallel_loop3A_231 = arith.addf %parallel_loop3A_227, %parallel_loop3A_230 : vector<16xf32>
        %parallel_loop3A_232 = arith.constant 2.000000e-01 : f32
        %parallel_loop3A_233 = vector.broadcast %parallel_loop3A_232 : f32 to vector<16xf32>
        %parallel_loop3A_234 = arith.mulf %parallel_loop3A_233, %parallel_loop3A_231 : vector<16xf32>
        %parallel_loop3A_235 = arith.maximumf %parallel_loop3A_231, %parallel_loop3A_234 : vector<16xf32>
        %parallel_loop3A_236 = arith.index_cast %parallel_loop3A_126 : i32 to index
        %parallel_loop3A_237 = arith.constant 112 : index
        %parallel_loop3A_238 = tpu.vector_load %arg9[%parallel_loop3A_236, %parallel_loop3A_237] {strides = array<i32>} : memref<128x128xf32, #tpu.memory_space<vmem>>, vector<16xf32>,
        tpu.vector_store %arg9[%parallel_loop3A_236, %parallel_loop3A_237], %parallel_loop3A_235 {strides = array<i32>} : memref<128x128xf32, #tpu.memory_space<vmem>>, vector<16xf32>,
      } {sc.loop_unroll_factor = 4 : i64, sc.parallel_access}
      %mul3A_84 = arith.constant 2 : i32
      %mul3A_85 = arith.muli %mul3A_84, %while3A_65 : i32
      %add3A_86 = arith.addi %multiple_of3A, %mul3A_85 : i32
      %mul3A_87 = arith.constant 128 : i32
      %mul3A_88 = arith.muli %add3A_86, %mul3A_87 : i32
      "tpu.region"() ({
        %run_scoped3A = tpu.sem_alloc : memref<!tpu.dma_semaphore, #tpu.memory_space<semaphore_mem>>
        %dma_start3A_126 = arith.constant 0 : i32
        %dma_start3A_127 = tpu.memref_slice %arg6[%mul3A_88, %dma_start3A_126] : memref<327680x128xf32, #tpu.memory_space<hbm>> -> memref<128x128xf32, #tpu.memory_space<hbm>>
        %dma_start3A_128 = arith.constant 0 : i32
        %dma_start3A_129 = tpu.memref_slice %arg6[%mul3A_88, %dma_start3A_128] : memref<327680x128xf32, #tpu.memory_space<hbm>> -> memref<128x128xf32, #tpu.memory_space<hbm>>
        tpu.enqueue_dma source(%arg9 : memref<128x128xf32, #tpu.memory_space<vmem>>) target(%dma_start3A_129 : memref<128x128xf32, #tpu.memory_space<hbm>>) target_semaphore(%run_scoped3A : memref<!tpu.dma_semaphore, #tpu.memory_space<semaphore_mem>>)
        %dma_wait3A_130 = arith.constant 0 : i32
        %dma_wait3A_131 = tpu.memref_slice %arg6[%mul3A_88, %dma_wait3A_130] : memref<327680x128xf32, #tpu.memory_space<hbm>> -> memref<128x128xf32, #tpu.memory_space<hbm>>
        %dma_wait3A_132 = arith.constant 0 : i32
        %dma_wait3A_133 = tpu.memref_slice %arg6[%mul3A_88, %dma_wait3A_132] : memref<327680x128xf32, #tpu.memory_space<hbm>> -> memref<128x128xf32, #tpu.memory_space<hbm>>
        tpu.wait_dma2 semaphore(%run_scoped3A : memref<!tpu.dma_semaphore, #tpu.memory_space<semaphore_mem>>) src(%arg9 : memref<128x128xf32, #tpu.memory_space<vmem>>) dst(%dma_wait3A_133 : memref<128x128xf32, #tpu.memory_space<hbm>>)
        tpu.yield
      }) : () -> ()
      %dma_wait3A_89 = arith.constant 0 : i32
      %dma_wait3A_90 = tpu.memref_slice %arg7[%rem3A_70, %dma_wait3A_89] : memref<8x128xi32, #tpu.memory_space<vmem>> -> memref<1x128xi32, #tpu.memory_space<vmem>>
      %dma_wait3A_91 = tpu.memref_squeeze %dma_wait3A_90 : memref<1x128xi32, #tpu.memory_space<vmem>> -> memref<128xi32, #tpu.memory_space<vmem>>
      %dma_wait3A_92 = arith.constant 0 : i32
      %dma_wait3A_93 = arith.constant 0 : i32
      %dma_wait3A_94 = tpu.memref_slice %arg4[%dma_wait3A_92, %dma_wait3A_93] : memref<10000x128xf32, #tpu.memory_space<hbm>> -> memref<10000x128xf32, #tpu.memory_space<hbm>>
      tpu.wait_indirect_dma semaphore(%arg15 : memref<!tpu.dma_semaphore, #tpu.memory_space<semaphore_mem>>) src(%dma_wait3A_94 : memref<10000x128xf32, #tpu.memory_space<hbm>>) dst(%arg11 : memref<128x128xf32, #tpu.memory_space<vmem>>)
      %dma_wait3A_95 = arith.constant 0 : i32
      %dma_wait3A_96 = tpu.memref_slice %arg8[%rem3A_70, %dma_wait3A_95] : memref<8x128xi32, #tpu.memory_space<vmem>> -> memref<1x128xi32, #tpu.memory_space<vmem>>
      %dma_wait3A_97 = tpu.memref_squeeze %dma_wait3A_96 : memref<1x128xi32, #tpu.memory_space<vmem>> -> memref<128xi32, #tpu.memory_space<vmem>>
      %dma_wait3A_98 = arith.constant 0 : i32
      %dma_wait3A_99 = arith.constant 0 : i32
      %dma_wait3A_100 = tpu.memref_slice %arg5[%dma_wait3A_98, %dma_wait3A_99] : memref<10000x128xf32, #tpu.memory_space<hbm>> -> memref<10000x128xf32, #tpu.memory_space<hbm>>
      tpu.wait_indirect_dma semaphore(%arg16 : memref<!tpu.dma_semaphore, #tpu.memory_space<semaphore_mem>>) src(%dma_wait3A_100 : memref<10000x128xf32, #tpu.memory_space<hbm>>) dst(%arg12 : memref<128x128xf32, #tpu.memory_space<vmem>>)
      %parallel_loop3A_101 = arith.constant 0 : i32
      %parallel_loop3A_102 = arith.constant 128 : i32
      %parallel_loop3A_103 = arith.constant 1 : i32
      scf.for %parallel_loop3A_126 = %parallel_loop3A_101 to %parallel_loop3A_102 step %parallel_loop3A_103  : i32 {
        %parallel_loop3A_127 = arith.index_cast %parallel_loop3A_126 : i32 to index
        %parallel_loop3A_128 = arith.constant 0 : index
        %parallel_loop3A_129 = tpu.vector_load %arg11[%parallel_loop3A_127, %parallel_loop3A_128] {strides = array<i32>} : memref<128x128xf32, #tpu.memory_space<vmem>>, vector<16xf32>,
        %parallel_loop3A_130 = arith.index_cast %parallel_loop3A_126 : i32 to index
        %parallel_loop3A_131 = arith.constant 0 : index
        %parallel_loop3A_132 = tpu.vector_load %arg12[%parallel_loop3A_130, %parallel_loop3A_131] {strides = array<i32>} : memref<128x128xf32, #tpu.memory_space<vmem>>, vector<16xf32>,
        %parallel_loop3A_133 = arith.addf %parallel_loop3A_129, %parallel_loop3A_132 : vector<16xf32>
        %parallel_loop3A_134 = arith.constant 2.000000e-01 : f32
        %parallel_loop3A_135 = vector.broadcast %parallel_loop3A_134 : f32 to vector<16xf32>
        %parallel_loop3A_136 = arith.mulf %parallel_loop3A_135, %parallel_loop3A_133 : vector<16xf32>
        %parallel_loop3A_137 = arith.maximumf %parallel_loop3A_133, %parallel_loop3A_136 : vector<16xf32>
        %parallel_loop3A_138 = arith.index_cast %parallel_loop3A_126 : i32 to index
        %parallel_loop3A_139 = arith.constant 0 : index
        %parallel_loop3A_140 = tpu.vector_load %arg11[%parallel_loop3A_138, %parallel_loop3A_139] {strides = array<i32>} : memref<128x128xf32, #tpu.memory_space<vmem>>, vector<16xf32>,
        tpu.vector_store %arg11[%parallel_loop3A_138, %parallel_loop3A_139], %parallel_loop3A_137 {strides = array<i32>} : memref<128x128xf32, #tpu.memory_space<vmem>>, vector<16xf32>,
        %parallel_loop3A_141 = arith.index_cast %parallel_loop3A_126 : i32 to index
        %parallel_loop3A_142 = arith.constant 16 : index
        %parallel_loop3A_143 = tpu.vector_load %arg11[%parallel_loop3A_141, %parallel_loop3A_142] {strides = array<i32>} : memref<128x128xf32, #tpu.memory_space<vmem>>, vector<16xf32>,
        %parallel_loop3A_144 = arith.index_cast %parallel_loop3A_126 : i32 to index
        %parallel_loop3A_145 = arith.constant 16 : index
        %parallel_loop3A_146 = tpu.vector_load %arg12[%parallel_loop3A_144, %parallel_loop3A_145] {strides = array<i32>} : memref<128x128xf32, #tpu.memory_space<vmem>>, vector<16xf32>,
        %parallel_loop3A_147 = arith.addf %parallel_loop3A_143, %parallel_loop3A_146 : vector<16xf32>
        %parallel_loop3A_148 = arith.constant 2.000000e-01 : f32
        %parallel_loop3A_149 = vector.broadcast %parallel_loop3A_148 : f32 to vector<16xf32>
        %parallel_loop3A_150 = arith.mulf %parallel_loop3A_149, %parallel_loop3A_147 : vector<16xf32>
        %parallel_loop3A_151 = arith.maximumf %parallel_loop3A_147, %parallel_loop3A_150 : vector<16xf32>
        %parallel_loop3A_152 = arith.index_cast %parallel_loop3A_126 : i32 to index
        %parallel_loop3A_153 = arith.constant 16 : index
        %parallel_loop3A_154 = tpu.vector_load %arg11[%parallel_loop3A_152, %parallel_loop3A_153] {strides = array<i32>} : memref<128x128xf32, #tpu.memory_space<vmem>>, vector<16xf32>,
        tpu.vector_store %arg11[%parallel_loop3A_152, %parallel_loop3A_153], %parallel_loop3A_151 {strides = array<i32>} : memref<128x128xf32, #tpu.memory_space<vmem>>, vector<16xf32>,
        %parallel_loop3A_155 = arith.index_cast %parallel_loop3A_126 : i32 to index
        %parallel_loop3A_156 = arith.constant 32 : index
        %parallel_loop3A_157 = tpu.vector_load %arg11[%parallel_loop3A_155, %parallel_loop3A_156] {strides = array<i32>} : memref<128x128xf32, #tpu.memory_space<vmem>>, vector<16xf32>,
        %parallel_loop3A_158 = arith.index_cast %parallel_loop3A_126 : i32 to index
        %parallel_loop3A_159 = arith.constant 32 : index
        %parallel_loop3A_160 = tpu.vector_load %arg12[%parallel_loop3A_158, %parallel_loop3A_159] {strides = array<i32>} : memref<128x128xf32, #tpu.memory_space<vmem>>, vector<16xf32>,
        %parallel_loop3A_161 = arith.addf %parallel_loop3A_157, %parallel_loop3A_160 : vector<16xf32>
        %parallel_loop3A_162 = arith.constant 2.000000e-01 : f32
        %parallel_loop3A_163 = vector.broadcast %parallel_loop3A_162 : f32 to vector<16xf32>
        %parallel_loop3A_164 = arith.mulf %parallel_loop3A_163, %parallel_loop3A_161 : vector<16xf32>
        %parallel_loop3A_165 = arith.maximumf %parallel_loop3A_161, %parallel_loop3A_164 : vector<16xf32>
        %parallel_loop3A_166 = arith.index_cast %parallel_loop3A_126 : i32 to index
        %parallel_loop3A_167 = arith.constant 32 : index
        %parallel_loop3A_168 = tpu.vector_load %arg11[%parallel_loop3A_166, %parallel_loop3A_167] {strides = array<i32>} : memref<128x128xf32, #tpu.memory_space<vmem>>, vector<16xf32>,
        tpu.vector_store %arg11[%parallel_loop3A_166, %parallel_loop3A_167], %parallel_loop3A_165 {strides = array<i32>} : memref<128x128xf32, #tpu.memory_space<vmem>>, vector<16xf32>,
        %parallel_loop3A_169 = arith.index_cast %parallel_loop3A_126 : i32 to index
        %parallel_loop3A_170 = arith.constant 48 : index
        %parallel_loop3A_171 = tpu.vector_load %arg11[%parallel_loop3A_169, %parallel_loop3A_170] {strides = array<i32>} : memref<128x128xf32, #tpu.memory_space<vmem>>, vector<16xf32>,
        %parallel_loop3A_172 = arith.index_cast %parallel_loop3A_126 : i32 to index
        %parallel_loop3A_173 = arith.constant 48 : index
        %parallel_loop3A_174 = tpu.vector_load %arg12[%parallel_loop3A_172, %parallel_loop3A_173] {strides = array<i32>} : memref<128x128xf32, #tpu.memory_space<vmem>>, vector<16xf32>,
        %parallel_loop3A_175 = arith.addf %parallel_loop3A_171, %parallel_loop3A_174 : vector<16xf32>
        %parallel_loop3A_176 = arith.constant 2.000000e-01 : f32
        %parallel_loop3A_177 = vector.broadcast %parallel_loop3A_176 : f32 to vector<16xf32>
        %parallel_loop3A_178 = arith.mulf %parallel_loop3A_177, %parallel_loop3A_175 : vector<16xf32>
        %parallel_loop3A_179 = arith.maximumf %parallel_loop3A_175, %parallel_loop3A_178 : vector<16xf32>
        %parallel_loop3A_180 = arith.index_cast %parallel_loop3A_126 : i32 to index
        %parallel_loop3A_181 = arith.constant 48 : index
        %parallel_loop3A_182 = tpu.vector_load %arg11[%parallel_loop3A_180, %parallel_loop3A_181] {strides = array<i32>} : memref<128x128xf32, #tpu.memory_space<vmem>>, vector<16xf32>,
        tpu.vector_store %arg11[%parallel_loop3A_180, %parallel_loop3A_181], %parallel_loop3A_179 {strides = array<i32>} : memref<128x128xf32, #tpu.memory_space<vmem>>, vector<16xf32>,
        %parallel_loop3A_183 = arith.index_cast %parallel_loop3A_126 : i32 to index
        %parallel_loop3A_184 = arith.constant 64 : index
        %parallel_loop3A_185 = tpu.vector_load %arg11[%parallel_loop3A_183, %parallel_loop3A_184] {strides = array<i32>} : memref<128x128xf32, #tpu.memory_space<vmem>>, vector<16xf32>,
        %parallel_loop3A_186 = arith.index_cast %parallel_loop3A_126 : i32 to index
        %parallel_loop3A_187 = arith.constant 64 : index
        %parallel_loop3A_188 = tpu.vector_load %arg12[%parallel_loop3A_186, %parallel_loop3A_187] {strides = array<i32>} : memref<128x128xf32, #tpu.memory_space<vmem>>, vector<16xf32>,
        %parallel_loop3A_189 = arith.addf %parallel_loop3A_185, %parallel_loop3A_188 : vector<16xf32>
        %parallel_loop3A_190 = arith.constant 2.000000e-01 : f32
        %parallel_loop3A_191 = vector.broadcast %parallel_loop3A_190 : f32 to vector<16xf32>
        %parallel_loop3A_192 = arith.mulf %parallel_loop3A_191, %parallel_loop3A_189 : vector<16xf32>
        %parallel_loop3A_193 = arith.maximumf %parallel_loop3A_189, %parallel_loop3A_192 : vector<16xf32>
        %parallel_loop3A_194 = arith.index_cast %parallel_loop3A_126 : i32 to index
        %parallel_loop3A_195 = arith.constant 64 : index
        %parallel_loop3A_196 = tpu.vector_load %arg11[%parallel_loop3A_194, %parallel_loop3A_195] {strides = array<i32>} : memref<128x128xf32, #tpu.memory_space<vmem>>, vector<16xf32>,
        tpu.vector_store %arg11[%parallel_loop3A_194, %parallel_loop3A_195], %parallel_loop3A_193 {strides = array<i32>} : memref<128x128xf32, #tpu.memory_space<vmem>>, vector<16xf32>,
        %parallel_loop3A_197 = arith.index_cast %parallel_loop3A_126 : i32 to index
        %parallel_loop3A_198 = arith.constant 80 : index
        %parallel_loop3A_199 = tpu.vector_load %arg11[%parallel_loop3A_197, %parallel_loop3A_198] {strides = array<i32>} : memref<128x128xf32, #tpu.memory_space<vmem>>, vector<16xf32>,
        %parallel_loop3A_200 = arith.index_cast %parallel_loop3A_126 : i32 to index
        %parallel_loop3A_201 = arith.constant 80 : index
        %parallel_loop3A_202 = tpu.vector_load %arg12[%parallel_loop3A_200, %parallel_loop3A_201] {strides = array<i32>} : memref<128x128xf32, #tpu.memory_space<vmem>>, vector<16xf32>,
        %parallel_loop3A_203 = arith.addf %parallel_loop3A_199, %parallel_loop3A_202 : vector<16xf32>
        %parallel_loop3A_204 = arith.constant 2.000000e-01 : f32
        %parallel_loop3A_205 = vector.broadcast %parallel_loop3A_204 : f32 to vector<16xf32>
        %parallel_loop3A_206 = arith.mulf %parallel_loop3A_205, %parallel_loop3A_203 : vector<16xf32>
        %parallel_loop3A_207 = arith.maximumf %parallel_loop3A_203, %parallel_loop3A_206 : vector<16xf32>
        %parallel_loop3A_208 = arith.index_cast %parallel_loop3A_126 : i32 to index
        %parallel_loop3A_209 = arith.constant 80 : index
        %parallel_loop3A_210 = tpu.vector_load %arg11[%parallel_loop3A_208, %parallel_loop3A_209] {strides = array<i32>} : memref<128x128xf32, #tpu.memory_space<vmem>>, vector<16xf32>,
        tpu.vector_store %arg11[%parallel_loop3A_208, %parallel_loop3A_209], %parallel_loop3A_207 {strides = array<i32>} : memref<128x128xf32, #tpu.memory_space<vmem>>, vector<16xf32>,
        %parallel_loop3A_211 = arith.index_cast %parallel_loop3A_126 : i32 to index
        %parallel_loop3A_212 = arith.constant 96 : index
        %parallel_loop3A_213 = tpu.vector_load %arg11[%parallel_loop3A_211, %parallel_loop3A_212] {strides = array<i32>} : memref<128x128xf32, #tpu.memory_space<vmem>>, vector<16xf32>,
        %parallel_loop3A_214 = arith.index_cast %parallel_loop3A_126 : i32 to index
        %parallel_loop3A_215 = arith.constant 96 : index
        %parallel_loop3A_216 = tpu.vector_load %arg12[%parallel_loop3A_214, %parallel_loop3A_215] {strides = array<i32>} : memref<128x128xf32, #tpu.memory_space<vmem>>, vector<16xf32>,
        %parallel_loop3A_217 = arith.addf %parallel_loop3A_213, %parallel_loop3A_216 : vector<16xf32>
        %parallel_loop3A_218 = arith.constant 2.000000e-01 : f32
        %parallel_loop3A_219 = vector.broadcast %parallel_loop3A_218 : f32 to vector<16xf32>
        %parallel_loop3A_220 = arith.mulf %parallel_loop3A_219, %parallel_loop3A_217 : vector<16xf32>
        %parallel_loop3A_221 = arith.maximumf %parallel_loop3A_217, %parallel_loop3A_220 : vector<16xf32>
        %parallel_loop3A_222 = arith.index_cast %parallel_loop3A_126 : i32 to index
        %parallel_loop3A_223 = arith.constant 96 : index
        %parallel_loop3A_224 = tpu.vector_load %arg11[%parallel_loop3A_222, %parallel_loop3A_223] {strides = array<i32>} : memref<128x128xf32, #tpu.memory_space<vmem>>, vector<16xf32>,
        tpu.vector_store %arg11[%parallel_loop3A_222, %parallel_loop3A_223], %parallel_loop3A_221 {strides = array<i32>} : memref<128x128xf32, #tpu.memory_space<vmem>>, vector<16xf32>,
        %parallel_loop3A_225 = arith.index_cast %parallel_loop3A_126 : i32 to index
        %parallel_loop3A_226 = arith.constant 112 : index
        %parallel_loop3A_227 = tpu.vector_load %arg11[%parallel_loop3A_225, %parallel_loop3A_226] {strides = array<i32>} : memref<128x128xf32, #tpu.memory_space<vmem>>, vector<16xf32>,
        %parallel_loop3A_228 = arith.index_cast %parallel_loop3A_126 : i32 to index
        %parallel_loop3A_229 = arith.constant 112 : index
        %parallel_loop3A_230 = tpu.vector_load %arg12[%parallel_loop3A_228, %parallel_loop3A_229] {strides = array<i32>} : memref<128x128xf32, #tpu.memory_space<vmem>>, vector<16xf32>,
        %parallel_loop3A_231 = arith.addf %parallel_loop3A_227, %parallel_loop3A_230 : vector<16xf32>
        %parallel_loop3A_232 = arith.constant 2.000000e-01 : f32
        %parallel_loop3A_233 = vector.broadcast %parallel_loop3A_232 : f32 to vector<16xf32>
        %parallel_loop3A_234 = arith.mulf %parallel_loop3A_233, %parallel_loop3A_231 : vector<16xf32>
        %parallel_loop3A_235 = arith.maximumf %parallel_loop3A_231, %parallel_loop3A_234 : vector<16xf32>
        %parallel_loop3A_236 = arith.index_cast %parallel_loop3A_126 : i32 to index
        %parallel_loop3A_237 = arith.constant 112 : index
        %parallel_loop3A_238 = tpu.vector_load %arg11[%parallel_loop3A_236, %parallel_loop3A_237] {strides = array<i32>} : memref<128x128xf32, #tpu.memory_space<vmem>>, vector<16xf32>,
        tpu.vector_store %arg11[%parallel_loop3A_236, %parallel_loop3A_237], %parallel_loop3A_235 {strides = array<i32>} : memref<128x128xf32, #tpu.memory_space<vmem>>, vector<16xf32>,
      } {sc.loop_unroll_factor = 4 : i64, sc.parallel_access}
      %rem3A_104 = arith.constant 4 : i32
      %rem3A_105 = arith.remsi %while3A_65, %rem3A_104 : i32
      %eq3A_106 = arith.constant 3 : i32
      %eq3A_107 = arith.cmpi eq, %rem3A_105, %eq3A_106 : i32
      %sub3A_108 = arith.constant 1 : i32
      %sub3A_109 = arith.subi %select_n3A_26, %sub3A_108 : i32
      %lt3A = arith.cmpi slt, %while3A_65, %sub3A_109 : i32
      %and3A_110 = arith.andi %eq3A_107, %lt3A : i1
      %convert_element_type3A = arith.extui %and3A_110 : i1 to i32
      %cond3A = arith.constant 0 : i32
      %cond3A_111 = arith.cmpi ne, %convert_element_type3A, %cond3A : i32
      scf.if %cond3A_111 {
        %add3A_126 = arith.constant 1 : i32
        %add3A_127 = arith.addi %while3A_65, %add3A_126 : i32
        %div3A_128 = arith.constant 4 : i32
        %div3A_129 = arith.divsi %add3A_127, %div3A_128 : i32
        %mul3A_130 = arith.constant 8 : i32
        %mul3A_131 = arith.muli %div3A_129, %mul3A_130 : i32
        %add3A_132 = arith.addi %multiple_of3A, %mul3A_131 : i32
        "tpu.region"() ({
          %run_scoped3A = tpu.sem_alloc : memref<!tpu.dma_semaphore, #tpu.memory_space<semaphore_mem>>
          %dma_start3A_133 = arith.constant 0 : i32
          %dma_start3A_134 = tpu.memref_slice %arg2[%add3A_132, %dma_start3A_133] : memref<2560x128xi32, #tpu.memory_space<hbm>> -> memref<8x128xi32, #tpu.memory_space<hbm>>
          %dma_start3A_135 = arith.constant 0 : i32
          %dma_start3A_136 = tpu.memref_slice %arg2[%add3A_132, %dma_start3A_135] : memref<2560x128xi32, #tpu.memory_space<hbm>> -> memref<8x128xi32, #tpu.memory_space<hbm>>
          tpu.enqueue_dma source(%dma_start3A_136 : memref<8x128xi32, #tpu.memory_space<hbm>>) target(%arg7 : memref<8x128xi32, #tpu.memory_space<vmem>>) target_semaphore(%run_scoped3A : memref<!tpu.dma_semaphore, #tpu.memory_space<semaphore_mem>>)
          %dma_wait3A_137 = arith.constant 0 : i32
          %dma_wait3A_138 = tpu.memref_slice %arg2[%add3A_132, %dma_wait3A_137] : memref<2560x128xi32, #tpu.memory_space<hbm>> -> memref<8x128xi32, #tpu.memory_space<hbm>>
          %dma_wait3A_139 = arith.constant 0 : i32
          %dma_wait3A_140 = tpu.memref_slice %arg2[%add3A_132, %dma_wait3A_139] : memref<2560x128xi32, #tpu.memory_space<hbm>> -> memref<8x128xi32, #tpu.memory_space<hbm>>
          tpu.wait_dma2 semaphore(%run_scoped3A : memref<!tpu.dma_semaphore, #tpu.memory_space<semaphore_mem>>) src(%dma_wait3A_140 : memref<8x128xi32, #tpu.memory_space<hbm>>) dst(%arg7 : memref<8x128xi32, #tpu.memory_space<vmem>>)
          tpu.yield
        }) : () -> ()
        "tpu.region"() ({
          %run_scoped3A = tpu.sem_alloc : memref<!tpu.dma_semaphore, #tpu.memory_space<semaphore_mem>>
          %dma_start3A_133 = arith.constant 0 : i32
          %dma_start3A_134 = tpu.memref_slice %arg3[%add3A_132, %dma_start3A_133] : memref<2560x128xi32, #tpu.memory_space<hbm>> -> memref<8x128xi32, #tpu.memory_space<hbm>>
          %dma_start3A_135 = arith.constant 0 : i32
          %dma_start3A_136 = tpu.memref_slice %arg3[%add3A_132, %dma_start3A_135] : memref<2560x128xi32, #tpu.memory_space<hbm>> -> memref<8x128xi32, #tpu.memory_space<hbm>>
          tpu.enqueue_dma source(%dma_start3A_136 : memref<8x128xi32, #tpu.memory_space<hbm>>) target(%arg8 : memref<8x128xi32, #tpu.memory_space<vmem>>) target_semaphore(%run_scoped3A : memref<!tpu.dma_semaphore, #tpu.memory_space<semaphore_mem>>)
          %dma_wait3A_137 = arith.constant 0 : i32
          %dma_wait3A_138 = tpu.memref_slice %arg3[%add3A_132, %dma_wait3A_137] : memref<2560x128xi32, #tpu.memory_space<hbm>> -> memref<8x128xi32, #tpu.memory_space<hbm>>
          %dma_wait3A_139 = arith.constant 0 : i32
          %dma_wait3A_140 = tpu.memref_slice %arg3[%add3A_132, %dma_wait3A_139] : memref<2560x128xi32, #tpu.memory_space<hbm>> -> memref<8x128xi32, #tpu.memory_space<hbm>>
          tpu.wait_dma2 semaphore(%run_scoped3A : memref<!tpu.dma_semaphore, #tpu.memory_space<semaphore_mem>>) src(%dma_wait3A_140 : memref<8x128xi32, #tpu.memory_space<hbm>>) dst(%arg8 : memref<8x128xi32, #tpu.memory_space<vmem>>)
          tpu.yield
        }) : () -> ()
      } else {
      }
      %mul3A_112 = arith.constant 2 : i32
      %mul3A_113 = arith.muli %mul3A_112, %while3A_65 : i32
      %add3A_114 = arith.addi %multiple_of3A, %mul3A_113 : i32
      %add3A_115 = arith.constant 1 : i32
      %add3A_116 = arith.addi %add3A_114, %add3A_115 : i32
      %mul3A_117 = arith.constant 128 : i32
      %mul3A_118 = arith.muli %add3A_116, %mul3A_117 : i32
      "tpu.region"() ({
        %run_scoped3A = tpu.sem_alloc : memref<!tpu.dma_semaphore, #tpu.memory_space<semaphore_mem>>
        %dma_start3A_126 = arith.constant 0 : i32
        %dma_start3A_127 = tpu.memref_slice %arg6[%mul3A_118, %dma_start3A_126] : memref<327680x128xf32, #tpu.memory_space<hbm>> -> memref<128x128xf32, #tpu.memory_space<hbm>>
        %dma_start3A_128 = arith.constant 0 : i32
        %dma_start3A_129 = tpu.memref_slice %arg6[%mul3A_118, %dma_start3A_128] : memref<327680x128xf32, #tpu.memory_space<hbm>> -> memref<128x128xf32, #tpu.memory_space<hbm>>
        tpu.enqueue_dma source(%arg11 : memref<128x128xf32, #tpu.memory_space<vmem>>) target(%dma_start3A_129 : memref<128x128xf32, #tpu.memory_space<hbm>>) target_semaphore(%run_scoped3A : memref<!tpu.dma_semaphore, #tpu.memory_space<semaphore_mem>>)
        %dma_wait3A_130 = arith.constant 0 : i32
        %dma_wait3A_131 = tpu.memref_slice %arg6[%mul3A_118, %dma_wait3A_130] : memref<327680x128xf32, #tpu.memory_space<hbm>> -> memref<128x128xf32, #tpu.memory_space<hbm>>
        %dma_wait3A_132 = arith.constant 0 : i32
        %dma_wait3A_133 = tpu.memref_slice %arg6[%mul3A_118, %dma_wait3A_132] : memref<327680x128xf32, #tpu.memory_space<hbm>> -> memref<128x128xf32, #tpu.memory_space<hbm>>
        tpu.wait_dma2 semaphore(%run_scoped3A : memref<!tpu.dma_semaphore, #tpu.memory_space<semaphore_mem>>) src(%arg11 : memref<128x128xf32, #tpu.memory_space<vmem>>) dst(%dma_wait3A_133 : memref<128x128xf32, #tpu.memory_space<hbm>>)
        tpu.yield
      }) : () -> ()
      %sub3A_119 = arith.constant 1 : i32
      %sub3A_120 = arith.subi %select_n3A_26, %sub3A_119 : i32
      %lt3A_121 = arith.cmpi slt, %while3A_65, %sub3A_120 : i32
      %convert_element_type3A_122 = arith.extui %lt3A_121 : i1 to i32
      %cond3A_123 = arith.constant 0 : i32
      %cond3A_124 = arith.cmpi ne, %convert_element_type3A_122, %cond3A_123 : i32
      scf.if %cond3A_124 {
        %mul3A_126 = arith.constant 2 : i32
        %mul3A_127 = arith.muli %mul3A_126, %while3A_65 : i32
        %add3A_128 = arith.constant 2 : i32
        %add3A_129 = arith.addi %mul3A_127, %add3A_128 : i32
        %rem3A_130 = arith.constant 8 : i32
        %rem3A_131 = arith.remsi %add3A_129, %rem3A_130 : i32
        %dma_start3A_132 = arith.constant 0 : i32
        %dma_start3A_133 = tpu.memref_slice %arg7[%rem3A_131, %dma_start3A_132] : memref<8x128xi32, #tpu.memory_space<vmem>> -> memref<1x128xi32, #tpu.memory_space<vmem>>
        %dma_start3A_134 = tpu.memref_squeeze %dma_start3A_133 : memref<1x128xi32, #tpu.memory_space<vmem>> -> memref<128xi32, #tpu.memory_space<vmem>>
        %dma_start3A_135 = arith.constant 0 : i32
        %dma_start3A_136 = arith.constant 0 : i32
        %dma_start3A_137 = tpu.memref_slice %arg4[%dma_start3A_135, %dma_start3A_136] : memref<10000x128xf32, #tpu.memory_space<hbm>> -> memref<10000x128xf32, #tpu.memory_space<hbm>>
        tpu.enqueue_indirect_dma source(%dma_start3A_137 : memref<10000x128xf32, #tpu.memory_space<hbm>>) target(%arg9 : memref<128x128xf32, #tpu.memory_space<vmem>>) offsets(%dma_start3A_134 : memref<128xi32, #tpu.memory_space<vmem>>) semaphore(%arg13 : memref<!tpu.dma_semaphore, #tpu.memory_space<semaphore_mem>>)
        %dma_start3A_138 = arith.constant 0 : i32
        %dma_start3A_139 = tpu.memref_slice %arg8[%rem3A_131, %dma_start3A_138] : memref<8x128xi32, #tpu.memory_space<vmem>> -> memref<1x128xi32, #tpu.memory_space<vmem>>
        %dma_start3A_140 = tpu.memref_squeeze %dma_start3A_139 : memref<1x128xi32, #tpu.memory_space<vmem>> -> memref<128xi32, #tpu.memory_space<vmem>>
        %dma_start3A_141 = arith.constant 0 : i32
        %dma_start3A_142 = arith.constant 0 : i32
        %dma_start3A_143 = tpu.memref_slice %arg5[%dma_start3A_141, %dma_start3A_142] : memref<10000x128xf32, #tpu.memory_space<hbm>> -> memref<10000x128xf32, #tpu.memory_space<hbm>>
        tpu.enqueue_indirect_dma source(%dma_start3A_143 : memref<10000x128xf32, #tpu.memory_space<hbm>>) target(%arg10 : memref<128x128xf32, #tpu.memory_space<vmem>>) offsets(%dma_start3A_140 : memref<128xi32, #tpu.memory_space<vmem>>) semaphore(%arg14 : memref<!tpu.dma_semaphore, #tpu.memory_space<semaphore_mem>>)
        %add3A_144 = arith.constant 1 : i32
        %add3A_145 = arith.addi %rem3A_131, %add3A_144 : i32
        %dma_start3A_146 = arith.constant 0 : i32
        %dma_start3A_147 = tpu.memref_slice %arg7[%add3A_145, %dma_start3A_146] : memref<8x128xi32, #tpu.memory_space<vmem>> -> memref<1x128xi32, #tpu.memory_space<vmem>>
        %dma_start3A_148 = tpu.memref_squeeze %dma_start3A_147 : memref<1x128xi32, #tpu.memory_space<vmem>> -> memref<128xi32, #tpu.memory_space<vmem>>
        %dma_start3A_149 = arith.constant 0 : i32
        %dma_start3A_150 = arith.constant 0 : i32
        %dma_start3A_151 = tpu.memref_slice %arg4[%dma_start3A_149, %dma_start3A_150] : memref<10000x128xf32, #tpu.memory_space<hbm>> -> memref<10000x128xf32, #tpu.memory_space<hbm>>
        tpu.enqueue_indirect_dma source(%dma_start3A_151 : memref<10000x128xf32, #tpu.memory_space<hbm>>) target(%arg11 : memref<128x128xf32, #tpu.memory_space<vmem>>) offsets(%dma_start3A_148 : memref<128xi32, #tpu.memory_space<vmem>>) semaphore(%arg15 : memref<!tpu.dma_semaphore, #tpu.memory_space<semaphore_mem>>)
        %add3A_152 = arith.constant 1 : i32
        %add3A_153 = arith.addi %rem3A_131, %add3A_152 : i32
        %dma_start3A_154 = arith.constant 0 : i32
        %dma_start3A_155 = tpu.memref_slice %arg8[%add3A_153, %dma_start3A_154] : memref<8x128xi32, #tpu.memory_space<vmem>> -> memref<1x128xi32, #tpu.memory_space<vmem>>
        %dma_start3A_156 = tpu.memref_squeeze %dma_start3A_155 : memref<1x128xi32, #tpu.memory_space<vmem>> -> memref<128xi32, #tpu.memory_space<vmem>>
        %dma_start3A_157 = arith.constant 0 : i32
        %dma_start3A_158 = arith.constant 0 : i32
        %dma_start3A_159 = tpu.memref_slice %arg5[%dma_start3A_157, %dma_start3A_158] : memref<10000x128xf32, #tpu.memory_space<hbm>> -> memref<10000x128xf32, #tpu.memory_space<hbm>>
        tpu.enqueue_indirect_dma source(%dma_start3A_159 : memref<10000x128xf32, #tpu.memory_space<hbm>>) target(%arg12 : memref<128x128xf32, #tpu.memory_space<vmem>>) offsets(%dma_start3A_156 : memref<128xi32, #tpu.memory_space<vmem>>) semaphore(%arg16 : memref<!tpu.dma_semaphore, #tpu.memory_space<semaphore_mem>>)
      } else {
      }
      %while3A_125 = arith.constant 0 : i32
      scf.yield %while3A_125 : i32
    }
    return
  }
}

#map = affine_map<(d0, d1) -> (0, 0)>
#map1 = affine_map<(d0, d1) -> (0)>
#map2 = affine_map<(d0, d1) -> (0, 0, 0)>
module attributes {stable_mosaic.version = 14 : i64} {
  func.func @_sc_mv_body(%arg0: i32, %arg1: i32, %arg2: memref<2560x128xi32, #tpu.memory_space<hbm>>, %arg3: memref<2560x128xi32, #tpu.memory_space<hbm>>, %arg4: memref<2560x128xf32, #tpu.memory_space<hbm>>, %arg5: memref<10000xf32, #tpu.memory_space<hbm>>, %arg6: memref<10000x128xf32, #tpu.memory_space<hbm>>, %arg7: memref<2x10240x128xf32, #tpu.memory_space<hbm>>, %arg8: memref<2x10240xf32, #tpu.memory_space<hbm>>, %arg9: memref<10240xf32, #tpu.memory_space<vmem>>, %arg10: memref<8x128xi32, #tpu.memory_space<vmem>>, %arg11: memref<8x128xi32, #tpu.memory_space<vmem>>, %arg12: memref<8x128xf32, #tpu.memory_space<vmem>>, %arg13: memref<128x128xf32, #tpu.memory_space<vmem>>, %arg14: memref<128x128xf32, #tpu.memory_space<vmem>>, %arg15: memref<1x128xf32, #tpu.memory_space<vmem>>, %arg16: memref<1x128xf32, #tpu.memory_space<vmem>>, %arg17: memref<10240x128xf32, #tpu.memory_space<vmem_shared>>, %arg18: memref<10240xf32, #tpu.memory_space<vmem_shared>>, %arg19: memref<!tpu.dma_semaphore, #tpu.memory_space<semaphore_mem>>, %arg20: memref<!tpu.dma_semaphore, #tpu.memory_space<semaphore_mem>>) attributes {dimension_semantics = [#tpu.dimension_semantics<core_parallel>, #tpu.dimension_semantics<subcore_parallel>], iteration_bounds = array<i64: 2, 16>, scalar_prefetch = 0 : i64, scratch_operands = 12 : i64, tpu.core_type = #tpu.core_type<sc_vector_subcore>, window_params = [{transform_indices = #map}, {transform_indices = #map}, {transform_indices = #map}, {transform_indices = #map1}, {transform_indices = #map}, {transform_indices = #map2}, {transform_indices = #map}]} {
    %eq3A = arith.constant 0 : i32
    %eq3A_0 = arith.cmpi eq, %arg0, %eq3A : i32
    %jit3A = arith.constant 80 : i32
    %jit3A_1 = arith.constant 80 : i32
    %select_n3A = arith.select %eq3A_0, %jit3A, %jit3A_1 : i32
    %eq3A_2 = arith.constant 0 : i32
    %eq3A_3 = arith.cmpi eq, %arg0, %eq3A_2 : i32
    %mul3A = arith.constant 80 : i32
    %mul3A_4 = arith.muli %arg1, %mul3A : i32
    %mul3A_5 = arith.constant 80 : i32
    %mul3A_6 = arith.muli %arg1, %mul3A_5 : i32
    %add3A = arith.constant 1280 : i32
    %add3A_7 = arith.addi %add3A, %mul3A_6 : i32
    %select_n3A_8 = arith.select %eq3A_3, %mul3A_4, %add3A_7 : i32
    %multiple_of3A = tpu.assume_multiple %select_n3A_8, 8 : i32
    %jit3A_9 = arith.constant 2 : i32
    %div3A = arith.divsi %select_n3A, %jit3A_9 : i32
    %sign3A = arith.constant 0 : i32
    %sign3A_10 = arith.cmpi sgt, %select_n3A, %sign3A : i32
    %sign3A_11 = arith.extui %sign3A_10 : i1 to i32
    %sign3A_12 = arith.constant 0 : i32
    %sign3A_13 = arith.cmpi slt, %select_n3A, %sign3A_12 : i32
    %sign3A_14 = arith.extui %sign3A_13 : i1 to i32
    %sign3A_15 = arith.subi %sign3A_11, %sign3A_14 : i32
    %sign3A_16 = arith.constant 0 : i32
    %sign3A_17 = arith.cmpi sgt, %jit3A_9, %sign3A_16 : i32
    %sign3A_18 = arith.extui %sign3A_17 : i1 to i32
    %sign3A_19 = arith.constant 0 : i32
    %sign3A_20 = arith.cmpi slt, %jit3A_9, %sign3A_19 : i32
    %sign3A_21 = arith.extui %sign3A_20 : i1 to i32
    %sign3A_22 = arith.subi %sign3A_18, %sign3A_21 : i32
    %ne3A = arith.cmpi ne, %sign3A_15, %sign3A_22 : i32
    %rem3A = arith.remsi %select_n3A, %jit3A_9 : i32
    %ne3A_23 = arith.constant 0 : i32
    %ne3A_24 = arith.cmpi ne, %rem3A, %ne3A_23 : i32
    %and3A = arith.andi %ne3A, %ne3A_24 : i1
    %sub3A = arith.constant 1 : i32
    %sub3A_25 = arith.subi %div3A, %sub3A : i32
    %select_n3A_26 = arith.select %and3A, %sub3A_25, %div3A : i32
    %broadcast_in_dim3A = arith.constant 0.000000e+00 : f32
    %broadcast_in_dim3A_27 = vector.broadcast %broadcast_in_dim3A : f32 to vector<16xf32>
    %broadcast_in_dim3A_28 = arith.constant 0 : i32
    %broadcast_in_dim3A_29 = vector.broadcast %broadcast_in_dim3A_28 : i32 to vector<16xi32>
    %scan3A = arith.constant 0 : i32
    %scan3A_30 = arith.constant 0 : i32
    %scan3A_31 = arith.constant 128 : i32
    %scan3A_32 = arith.addi %scan3A_30, %scan3A_31 : i32
    %scan3A_33 = arith.constant 1 : i32
    %scan3A_34 = scf.for %scan3A_180 = %scan3A_30 to %scan3A_32 step %scan3A_33 iter_args(%scan3A_181 = %scan3A) -> (i32)  : i32 {
      %swap3A_182 = arith.index_cast %scan3A_180 : i32 to index
      %swap3A_183 = arith.constant 0 : index
      %swap3A_184 = tpu.vector_load %arg13[%swap3A_182, %swap3A_183] {strides = array<i32>} : memref<128x128xf32, #tpu.memory_space<vmem>>, vector<16xf32>,
      tpu.vector_store %arg13[%swap3A_182, %swap3A_183], %broadcast_in_dim3A_27 {strides = array<i32>} : memref<128x128xf32, #tpu.memory_space<vmem>>, vector<16xf32>,
      %swap3A_185 = arith.index_cast %scan3A_180 : i32 to index
      %swap3A_186 = arith.constant 16 : index
      %swap3A_187 = tpu.vector_load %arg13[%swap3A_185, %swap3A_186] {strides = array<i32>} : memref<128x128xf32, #tpu.memory_space<vmem>>, vector<16xf32>,
      tpu.vector_store %arg13[%swap3A_185, %swap3A_186], %broadcast_in_dim3A_27 {strides = array<i32>} : memref<128x128xf32, #tpu.memory_space<vmem>>, vector<16xf32>,
      %swap3A_188 = arith.index_cast %scan3A_180 : i32 to index
      %swap3A_189 = arith.constant 32 : index
      %swap3A_190 = tpu.vector_load %arg13[%swap3A_188, %swap3A_189] {strides = array<i32>} : memref<128x128xf32, #tpu.memory_space<vmem>>, vector<16xf32>,
      tpu.vector_store %arg13[%swap3A_188, %swap3A_189], %broadcast_in_dim3A_27 {strides = array<i32>} : memref<128x128xf32, #tpu.memory_space<vmem>>, vector<16xf32>,
      %swap3A_191 = arith.index_cast %scan3A_180 : i32 to index
      %swap3A_192 = arith.constant 48 : index
      %swap3A_193 = tpu.vector_load %arg13[%swap3A_191, %swap3A_192] {strides = array<i32>} : memref<128x128xf32, #tpu.memory_space<vmem>>, vector<16xf32>,
      tpu.vector_store %arg13[%swap3A_191, %swap3A_192], %broadcast_in_dim3A_27 {strides = array<i32>} : memref<128x128xf32, #tpu.memory_space<vmem>>, vector<16xf32>,
      %swap3A_194 = arith.index_cast %scan3A_180 : i32 to index
      %swap3A_195 = arith.constant 64 : index
      %swap3A_196 = tpu.vector_load %arg13[%swap3A_194, %swap3A_195] {strides = array<i32>} : memref<128x128xf32, #tpu.memory_space<vmem>>, vector<16xf32>,
      tpu.vector_store %arg13[%swap3A_194, %swap3A_195], %broadcast_in_dim3A_27 {strides = array<i32>} : memref<128x128xf32, #tpu.memory_space<vmem>>, vector<16xf32>,
      %swap3A_197 = arith.index_cast %scan3A_180 : i32 to index
      %swap3A_198 = arith.constant 80 : index
      %swap3A_199 = tpu.vector_load %arg13[%swap3A_197, %swap3A_198] {strides = array<i32>} : memref<128x128xf32, #tpu.memory_space<vmem>>, vector<16xf32>,
      tpu.vector_store %arg13[%swap3A_197, %swap3A_198], %broadcast_in_dim3A_27 {strides = array<i32>} : memref<128x128xf32, #tpu.memory_space<vmem>>, vector<16xf32>,
      %swap3A_200 = arith.index_cast %scan3A_180 : i32 to index
      %swap3A_201 = arith.constant 96 : index
      %swap3A_202 = tpu.vector_load %arg13[%swap3A_200, %swap3A_201] {strides = array<i32>} : memref<128x128xf32, #tpu.memory_space<vmem>>, vector<16xf32>,
      tpu.vector_store %arg13[%swap3A_200, %swap3A_201], %broadcast_in_dim3A_27 {strides = array<i32>} : memref<128x128xf32, #tpu.memory_space<vmem>>, vector<16xf32>,
      %swap3A_203 = arith.index_cast %scan3A_180 : i32 to index
      %swap3A_204 = arith.constant 112 : index
      %swap3A_205 = tpu.vector_load %arg13[%swap3A_203, %swap3A_204] {strides = array<i32>} : memref<128x128xf32, #tpu.memory_space<vmem>>, vector<16xf32>,
      tpu.vector_store %arg13[%swap3A_203, %swap3A_204], %broadcast_in_dim3A_27 {strides = array<i32>} : memref<128x128xf32, #tpu.memory_space<vmem>>, vector<16xf32>,
      %scan3A_206 = arith.constant 0 : i32
      scf.yield %scan3A_206 : i32
    }
    %scan3A_35 = arith.constant 128 : i32
    %swap3A = arith.constant 0 : i32
    %swap3A_36 = arith.index_cast %swap3A : i32 to index
    %swap3A_37 = arith.constant 0 : index
    %swap3A_38 = tpu.vector_load %arg15[%swap3A_36, %swap3A_37] {strides = array<i32>} : memref<1x128xf32, #tpu.memory_space<vmem>>, vector<16xf32>,
    tpu.vector_store %arg15[%swap3A_36, %swap3A_37], %broadcast_in_dim3A_27 {strides = array<i32>} : memref<1x128xf32, #tpu.memory_space<vmem>>, vector<16xf32>,
    %swap3A_39 = arith.constant 0 : i32
    %swap3A_40 = arith.index_cast %swap3A_39 : i32 to index
    %swap3A_41 = arith.constant 16 : index
    %swap3A_42 = tpu.vector_load %arg15[%swap3A_40, %swap3A_41] {strides = array<i32>} : memref<1x128xf32, #tpu.memory_space<vmem>>, vector<16xf32>,
    tpu.vector_store %arg15[%swap3A_40, %swap3A_41], %broadcast_in_dim3A_27 {strides = array<i32>} : memref<1x128xf32, #tpu.memory_space<vmem>>, vector<16xf32>,
    %swap3A_43 = arith.constant 0 : i32
    %swap3A_44 = arith.index_cast %swap3A_43 : i32 to index
    %swap3A_45 = arith.constant 32 : index
    %swap3A_46 = tpu.vector_load %arg15[%swap3A_44, %swap3A_45] {strides = array<i32>} : memref<1x128xf32, #tpu.memory_space<vmem>>, vector<16xf32>,
    tpu.vector_store %arg15[%swap3A_44, %swap3A_45], %broadcast_in_dim3A_27 {strides = array<i32>} : memref<1x128xf32, #tpu.memory_space<vmem>>, vector<16xf32>,
    %swap3A_47 = arith.constant 0 : i32
    %swap3A_48 = arith.index_cast %swap3A_47 : i32 to index
    %swap3A_49 = arith.constant 48 : index
    %swap3A_50 = tpu.vector_load %arg15[%swap3A_48, %swap3A_49] {strides = array<i32>} : memref<1x128xf32, #tpu.memory_space<vmem>>, vector<16xf32>,
    tpu.vector_store %arg15[%swap3A_48, %swap3A_49], %broadcast_in_dim3A_27 {strides = array<i32>} : memref<1x128xf32, #tpu.memory_space<vmem>>, vector<16xf32>,
    %swap3A_51 = arith.constant 0 : i32
    %swap3A_52 = arith.index_cast %swap3A_51 : i32 to index
    %swap3A_53 = arith.constant 64 : index
    %swap3A_54 = tpu.vector_load %arg15[%swap3A_52, %swap3A_53] {strides = array<i32>} : memref<1x128xf32, #tpu.memory_space<vmem>>, vector<16xf32>,
    tpu.vector_store %arg15[%swap3A_52, %swap3A_53], %broadcast_in_dim3A_27 {strides = array<i32>} : memref<1x128xf32, #tpu.memory_space<vmem>>, vector<16xf32>,
    %swap3A_55 = arith.constant 0 : i32
    %swap3A_56 = arith.index_cast %swap3A_55 : i32 to index
    %swap3A_57 = arith.constant 80 : index
    %swap3A_58 = tpu.vector_load %arg15[%swap3A_56, %swap3A_57] {strides = array<i32>} : memref<1x128xf32, #tpu.memory_space<vmem>>, vector<16xf32>,
    tpu.vector_store %arg15[%swap3A_56, %swap3A_57], %broadcast_in_dim3A_27 {strides = array<i32>} : memref<1x128xf32, #tpu.memory_space<vmem>>, vector<16xf32>,
    %swap3A_59 = arith.constant 0 : i32
    %swap3A_60 = arith.index_cast %swap3A_59 : i32 to index
    %swap3A_61 = arith.constant 96 : index
    %swap3A_62 = tpu.vector_load %arg15[%swap3A_60, %swap3A_61] {strides = array<i32>} : memref<1x128xf32, #tpu.memory_space<vmem>>, vector<16xf32>,
    tpu.vector_store %arg15[%swap3A_60, %swap3A_61], %broadcast_in_dim3A_27 {strides = array<i32>} : memref<1x128xf32, #tpu.memory_space<vmem>>, vector<16xf32>,
    %swap3A_63 = arith.constant 0 : i32
    %swap3A_64 = arith.index_cast %swap3A_63 : i32 to index
    %swap3A_65 = arith.constant 112 : index
    %swap3A_66 = tpu.vector_load %arg15[%swap3A_64, %swap3A_65] {strides = array<i32>} : memref<1x128xf32, #tpu.memory_space<vmem>>, vector<16xf32>,
    tpu.vector_store %arg15[%swap3A_64, %swap3A_65], %broadcast_in_dim3A_27 {strides = array<i32>} : memref<1x128xf32, #tpu.memory_space<vmem>>, vector<16xf32>,
    %mul3A_67 = arith.constant 640 : i32
    %mul3A_68 = arith.muli %arg1, %mul3A_67 : i32
    %add3A_69 = arith.constant 0 : i32
    %add3A_70 = arith.addi %mul3A_68, %add3A_69 : i32
    "tpu.region"() ({
      %run_scoped3A_180 = tpu.sem_alloc : memref<!tpu.dma_semaphore, #tpu.memory_space<semaphore_mem>>
      %dma_start3A_181 = arith.constant 0 : i32
      %dma_start3A_182 = tpu.memref_slice %arg17[%add3A_70, %dma_start3A_181] : memref<10240x128xf32, #tpu.memory_space<vmem_shared>> -> memref<128x128xf32, #tpu.memory_space<vmem_shared>>
      %dma_start3A_183 = arith.constant 0 : i32
      %dma_start3A_184 = tpu.memref_slice %arg17[%add3A_70, %dma_start3A_183] : memref<10240x128xf32, #tpu.memory_space<vmem_shared>> -> memref<128x128xf32, #tpu.memory_space<vmem_shared>>
      tpu.enqueue_dma source(%arg13 : memref<128x128xf32, #tpu.memory_space<vmem>>) target(%dma_start3A_184 : memref<128x128xf32, #tpu.memory_space<vmem_shared>>) target_semaphore(%run_scoped3A_180 : memref<!tpu.dma_semaphore, #tpu.memory_space<semaphore_mem>>)
      %dma_wait3A = arith.constant 0 : i32
      %dma_wait3A_185 = tpu.memref_slice %arg17[%add3A_70, %dma_wait3A] : memref<10240x128xf32, #tpu.memory_space<vmem_shared>> -> memref<128x128xf32, #tpu.memory_space<vmem_shared>>
      %dma_wait3A_186 = arith.constant 0 : i32
      %dma_wait3A_187 = tpu.memref_slice %arg17[%add3A_70, %dma_wait3A_186] : memref<10240x128xf32, #tpu.memory_space<vmem_shared>> -> memref<128x128xf32, #tpu.memory_space<vmem_shared>>
      tpu.wait_dma2 semaphore(%run_scoped3A_180 : memref<!tpu.dma_semaphore, #tpu.memory_space<semaphore_mem>>) src(%arg13 : memref<128x128xf32, #tpu.memory_space<vmem>>) dst(%dma_wait3A_187 : memref<128x128xf32, #tpu.memory_space<vmem_shared>>)
      tpu.yield
    }) : () -> ()
    %mul3A_71 = arith.constant 640 : i32
    %mul3A_72 = arith.muli %arg1, %mul3A_71 : i32
    %add3A_73 = arith.constant 0 : i32
    %add3A_74 = arith.addi %mul3A_72, %add3A_73 : i32
    %run_scoped3A = arith.constant 0 : i32
    "tpu.region"() ({
      %run_scoped3A_180 = tpu.sem_alloc : memref<!tpu.dma_semaphore, #tpu.memory_space<semaphore_mem>>
      %dma_start3A_181 = arith.constant 0 : i32
      %dma_start3A_182 = tpu.memref_slice %arg15[%run_scoped3A, %dma_start3A_181] : memref<1x128xf32, #tpu.memory_space<vmem>> -> memref<1x128xf32, #tpu.memory_space<vmem>>
      %dma_start3A_183 = tpu.memref_squeeze %dma_start3A_182 : memref<1x128xf32, #tpu.memory_space<vmem>> -> memref<128xf32, #tpu.memory_space<vmem>>
      %dma_start3A_184 = tpu.memref_slice %arg18[%add3A_74] : memref<10240xf32, #tpu.memory_space<vmem_shared>> -> memref<128xf32, #tpu.memory_space<vmem_shared>>
      %dma_start3A_185 = tpu.memref_slice %arg18[%add3A_74] : memref<10240xf32, #tpu.memory_space<vmem_shared>> -> memref<128xf32, #tpu.memory_space<vmem_shared>>
      %dma_start3A_186 = arith.constant 0 : i32
      %dma_start3A_187 = tpu.memref_slice %arg15[%run_scoped3A, %dma_start3A_186] : memref<1x128xf32, #tpu.memory_space<vmem>> -> memref<1x128xf32, #tpu.memory_space<vmem>>
      %dma_start3A_188 = tpu.memref_squeeze %dma_start3A_187 : memref<1x128xf32, #tpu.memory_space<vmem>> -> memref<128xf32, #tpu.memory_space<vmem>>
      tpu.enqueue_dma source(%dma_start3A_188 : memref<128xf32, #tpu.memory_space<vmem>>) target(%dma_start3A_185 : memref<128xf32, #tpu.memory_space<vmem_shared>>) target_semaphore(%run_scoped3A_180 : memref<!tpu.dma_semaphore, #tpu.memory_space<semaphore_mem>>)
      %dma_wait3A = arith.constant 0 : i32
      %dma_wait3A_189 = tpu.memref_slice %arg15[%run_scoped3A, %dma_wait3A] : memref<1x128xf32, #tpu.memory_space<vmem>> -> memref<1x128xf32, #tpu.memory_space<vmem>>
      %dma_wait3A_190 = tpu.memref_squeeze %dma_wait3A_189 : memref<1x128xf32, #tpu.memory_space<vmem>> -> memref<128xf32, #tpu.memory_space<vmem>>
      %dma_wait3A_191 = tpu.memref_slice %arg18[%add3A_74] : memref<10240xf32, #tpu.memory_space<vmem_shared>> -> memref<128xf32, #tpu.memory_space<vmem_shared>>
      %dma_wait3A_192 = tpu.memref_slice %arg18[%add3A_74] : memref<10240xf32, #tpu.memory_space<vmem_shared>> -> memref<128xf32, #tpu.memory_space<vmem_shared>>
      %dma_wait3A_193 = arith.constant 0 : i32
      %dma_wait3A_194 = tpu.memref_slice %arg15[%run_scoped3A, %dma_wait3A_193] : memref<1x128xf32, #tpu.memory_space<vmem>> -> memref<1x128xf32, #tpu.memory_space<vmem>>
      %dma_wait3A_195 = tpu.memref_squeeze %dma_wait3A_194 : memref<1x128xf32, #tpu.memory_space<vmem>> -> memref<128xf32, #tpu.memory_space<vmem>>
      tpu.wait_dma2 semaphore(%run_scoped3A_180 : memref<!tpu.dma_semaphore, #tpu.memory_space<semaphore_mem>>) src(%dma_wait3A_195 : memref<128xf32, #tpu.memory_space<vmem>>) dst(%dma_wait3A_192 : memref<128xf32, #tpu.memory_space<vmem_shared>>)
      tpu.yield
    }) : () -> ()
    %mul3A_75 = arith.constant 640 : i32
    %mul3A_76 = arith.muli %arg1, %mul3A_75 : i32
    %add3A_77 = arith.constant 128 : i32
    %add3A_78 = arith.addi %mul3A_76, %add3A_77 : i32
    "tpu.region"() ({
      %run_scoped3A_180 = tpu.sem_alloc : memref<!tpu.dma_semaphore, #tpu.memory_space<semaphore_mem>>
      %dma_start3A_181 = arith.constant 0 : i32
      %dma_start3A_182 = tpu.memref_slice %arg17[%add3A_78, %dma_start3A_181] : memref<10240x128xf32, #tpu.memory_space<vmem_shared>> -> memref<128x128xf32, #tpu.memory_space<vmem_shared>>
      %dma_start3A_183 = arith.constant 0 : i32
      %dma_start3A_184 = tpu.memref_slice %arg17[%add3A_78, %dma_start3A_183] : memref<10240x128xf32, #tpu.memory_space<vmem_shared>> -> memref<128x128xf32, #tpu.memory_space<vmem_shared>>
      tpu.enqueue_dma source(%arg13 : memref<128x128xf32, #tpu.memory_space<vmem>>) target(%dma_start3A_184 : memref<128x128xf32, #tpu.memory_space<vmem_shared>>) target_semaphore(%run_scoped3A_180 : memref<!tpu.dma_semaphore, #tpu.memory_space<semaphore_mem>>)
      %dma_wait3A = arith.constant 0 : i32
      %dma_wait3A_185 = tpu.memref_slice %arg17[%add3A_78, %dma_wait3A] : memref<10240x128xf32, #tpu.memory_space<vmem_shared>> -> memref<128x128xf32, #tpu.memory_space<vmem_shared>>
      %dma_wait3A_186 = arith.constant 0 : i32
      %dma_wait3A_187 = tpu.memref_slice %arg17[%add3A_78, %dma_wait3A_186] : memref<10240x128xf32, #tpu.memory_space<vmem_shared>> -> memref<128x128xf32, #tpu.memory_space<vmem_shared>>
      tpu.wait_dma2 semaphore(%run_scoped3A_180 : memref<!tpu.dma_semaphore, #tpu.memory_space<semaphore_mem>>) src(%arg13 : memref<128x128xf32, #tpu.memory_space<vmem>>) dst(%dma_wait3A_187 : memref<128x128xf32, #tpu.memory_space<vmem_shared>>)
      tpu.yield
    }) : () -> ()
    %mul3A_79 = arith.constant 640 : i32
    %mul3A_80 = arith.muli %arg1, %mul3A_79 : i32
    %add3A_81 = arith.constant 128 : i32
    %add3A_82 = arith.addi %mul3A_80, %add3A_81 : i32
    %run_scoped3A_83 = arith.constant 0 : i32
    "tpu.region"() ({
      %run_scoped3A_180 = tpu.sem_alloc : memref<!tpu.dma_semaphore, #tpu.memory_space<semaphore_mem>>
      %dma_start3A_181 = arith.constant 0 : i32
      %dma_start3A_182 = tpu.memref_slice %arg15[%run_scoped3A_83, %dma_start3A_181] : memref<1x128xf32, #tpu.memory_space<vmem>> -> memref<1x128xf32, #tpu.memory_space<vmem>>
      %dma_start3A_183 = tpu.memref_squeeze %dma_start3A_182 : memref<1x128xf32, #tpu.memory_space<vmem>> -> memref<128xf32, #tpu.memory_space<vmem>>
      %dma_start3A_184 = tpu.memref_slice %arg18[%add3A_82] : memref<10240xf32, #tpu.memory_space<vmem_shared>> -> memref<128xf32, #tpu.memory_space<vmem_shared>>
      %dma_start3A_185 = tpu.memref_slice %arg18[%add3A_82] : memref<10240xf32, #tpu.memory_space<vmem_shared>> -> memref<128xf32, #tpu.memory_space<vmem_shared>>
      %dma_start3A_186 = arith.constant 0 : i32
      %dma_start3A_187 = tpu.memref_slice %arg15[%run_scoped3A_83, %dma_start3A_186] : memref<1x128xf32, #tpu.memory_space<vmem>> -> memref<1x128xf32, #tpu.memory_space<vmem>>
      %dma_start3A_188 = tpu.memref_squeeze %dma_start3A_187 : memref<1x128xf32, #tpu.memory_space<vmem>> -> memref<128xf32, #tpu.memory_space<vmem>>
      tpu.enqueue_dma source(%dma_start3A_188 : memref<128xf32, #tpu.memory_space<vmem>>) target(%dma_start3A_185 : memref<128xf32, #tpu.memory_space<vmem_shared>>) target_semaphore(%run_scoped3A_180 : memref<!tpu.dma_semaphore, #tpu.memory_space<semaphore_mem>>)
      %dma_wait3A = arith.constant 0 : i32
      %dma_wait3A_189 = tpu.memref_slice %arg15[%run_scoped3A_83, %dma_wait3A] : memref<1x128xf32, #tpu.memory_space<vmem>> -> memref<1x128xf32, #tpu.memory_space<vmem>>
      %dma_wait3A_190 = tpu.memref_squeeze %dma_wait3A_189 : memref<1x128xf32, #tpu.memory_space<vmem>> -> memref<128xf32, #tpu.memory_space<vmem>>
      %dma_wait3A_191 = tpu.memref_slice %arg18[%add3A_82] : memref<10240xf32, #tpu.memory_space<vmem_shared>> -> memref<128xf32, #tpu.memory_space<vmem_shared>>
      %dma_wait3A_192 = tpu.memref_slice %arg18[%add3A_82] : memref<10240xf32, #tpu.memory_space<vmem_shared>> -> memref<128xf32, #tpu.memory_space<vmem_shared>>
      %dma_wait3A_193 = arith.constant 0 : i32
      %dma_wait3A_194 = tpu.memref_slice %arg15[%run_scoped3A_83, %dma_wait3A_193] : memref<1x128xf32, #tpu.memory_space<vmem>> -> memref<1x128xf32, #tpu.memory_space<vmem>>
      %dma_wait3A_195 = tpu.memref_squeeze %dma_wait3A_194 : memref<1x128xf32, #tpu.memory_space<vmem>> -> memref<128xf32, #tpu.memory_space<vmem>>
      tpu.wait_dma2 semaphore(%run_scoped3A_180 : memref<!tpu.dma_semaphore, #tpu.memory_space<semaphore_mem>>) src(%dma_wait3A_195 : memref<128xf32, #tpu.memory_space<vmem>>) dst(%dma_wait3A_192 : memref<128xf32, #tpu.memory_space<vmem_shared>>)
      tpu.yield
    }) : () -> ()
    %mul3A_84 = arith.constant 640 : i32
    %mul3A_85 = arith.muli %arg1, %mul3A_84 : i32
    %add3A_86 = arith.constant 256 : i32
    %add3A_87 = arith.addi %mul3A_85, %add3A_86 : i32
    "tpu.region"() ({
      %run_scoped3A_180 = tpu.sem_alloc : memref<!tpu.dma_semaphore, #tpu.memory_space<semaphore_mem>>
      %dma_start3A_181 = arith.constant 0 : i32
      %dma_start3A_182 = tpu.memref_slice %arg17[%add3A_87, %dma_start3A_181] : memref<10240x128xf32, #tpu.memory_space<vmem_shared>> -> memref<128x128xf32, #tpu.memory_space<vmem_shared>>
      %dma_start3A_183 = arith.constant 0 : i32
      %dma_start3A_184 = tpu.memref_slice %arg17[%add3A_87, %dma_start3A_183] : memref<10240x128xf32, #tpu.memory_space<vmem_shared>> -> memref<128x128xf32, #tpu.memory_space<vmem_shared>>
      tpu.enqueue_dma source(%arg13 : memref<128x128xf32, #tpu.memory_space<vmem>>) target(%dma_start3A_184 : memref<128x128xf32, #tpu.memory_space<vmem_shared>>) target_semaphore(%run_scoped3A_180 : memref<!tpu.dma_semaphore, #tpu.memory_space<semaphore_mem>>)
      %dma_wait3A = arith.constant 0 : i32
      %dma_wait3A_185 = tpu.memref_slice %arg17[%add3A_87, %dma_wait3A] : memref<10240x128xf32, #tpu.memory_space<vmem_shared>> -> memref<128x128xf32, #tpu.memory_space<vmem_shared>>
      %dma_wait3A_186 = arith.constant 0 : i32
      %dma_wait3A_187 = tpu.memref_slice %arg17[%add3A_87, %dma_wait3A_186] : memref<10240x128xf32, #tpu.memory_space<vmem_shared>> -> memref<128x128xf32, #tpu.memory_space<vmem_shared>>
      tpu.wait_dma2 semaphore(%run_scoped3A_180 : memref<!tpu.dma_semaphore, #tpu.memory_space<semaphore_mem>>) src(%arg13 : memref<128x128xf32, #tpu.memory_space<vmem>>) dst(%dma_wait3A_187 : memref<128x128xf32, #tpu.memory_space<vmem_shared>>)
      tpu.yield
    }) : () -> ()
    %mul3A_88 = arith.constant 640 : i32
    %mul3A_89 = arith.muli %arg1, %mul3A_88 : i32
    %add3A_90 = arith.constant 256 : i32
    %add3A_91 = arith.addi %mul3A_89, %add3A_90 : i32
    %run_scoped3A_92 = arith.constant 0 : i32
    "tpu.region"() ({
      %run_scoped3A_180 = tpu.sem_alloc : memref<!tpu.dma_semaphore, #tpu.memory_space<semaphore_mem>>
      %dma_start3A_181 = arith.constant 0 : i32
      %dma_start3A_182 = tpu.memref_slice %arg15[%run_scoped3A_92, %dma_start3A_181] : memref<1x128xf32, #tpu.memory_space<vmem>> -> memref<1x128xf32, #tpu.memory_space<vmem>>
      %dma_start3A_183 = tpu.memref_squeeze %dma_start3A_182 : memref<1x128xf32, #tpu.memory_space<vmem>> -> memref<128xf32, #tpu.memory_space<vmem>>
      %dma_start3A_184 = tpu.memref_slice %arg18[%add3A_91] : memref<10240xf32, #tpu.memory_space<vmem_shared>> -> memref<128xf32, #tpu.memory_space<vmem_shared>>
      %dma_start3A_185 = tpu.memref_slice %arg18[%add3A_91] : memref<10240xf32, #tpu.memory_space<vmem_shared>> -> memref<128xf32, #tpu.memory_space<vmem_shared>>
      %dma_start3A_186 = arith.constant 0 : i32
      %dma_start3A_187 = tpu.memref_slice %arg15[%run_scoped3A_92, %dma_start3A_186] : memref<1x128xf32, #tpu.memory_space<vmem>> -> memref<1x128xf32, #tpu.memory_space<vmem>>
      %dma_start3A_188 = tpu.memref_squeeze %dma_start3A_187 : memref<1x128xf32, #tpu.memory_space<vmem>> -> memref<128xf32, #tpu.memory_space<vmem>>
      tpu.enqueue_dma source(%dma_start3A_188 : memref<128xf32, #tpu.memory_space<vmem>>) target(%dma_start3A_185 : memref<128xf32, #tpu.memory_space<vmem_shared>>) target_semaphore(%run_scoped3A_180 : memref<!tpu.dma_semaphore, #tpu.memory_space<semaphore_mem>>)
      %dma_wait3A = arith.constant 0 : i32
      %dma_wait3A_189 = tpu.memref_slice %arg15[%run_scoped3A_92, %dma_wait3A] : memref<1x128xf32, #tpu.memory_space<vmem>> -> memref<1x128xf32, #tpu.memory_space<vmem>>
      %dma_wait3A_190 = tpu.memref_squeeze %dma_wait3A_189 : memref<1x128xf32, #tpu.memory_space<vmem>> -> memref<128xf32, #tpu.memory_space<vmem>>
      %dma_wait3A_191 = tpu.memref_slice %arg18[%add3A_91] : memref<10240xf32, #tpu.memory_space<vmem_shared>> -> memref<128xf32, #tpu.memory_space<vmem_shared>>
      %dma_wait3A_192 = tpu.memref_slice %arg18[%add3A_91] : memref<10240xf32, #tpu.memory_space<vmem_shared>> -> memref<128xf32, #tpu.memory_space<vmem_shared>>
      %dma_wait3A_193 = arith.constant 0 : i32
      %dma_wait3A_194 = tpu.memref_slice %arg15[%run_scoped3A_92, %dma_wait3A_193] : memref<1x128xf32, #tpu.memory_space<vmem>> -> memref<1x128xf32, #tpu.memory_space<vmem>>
      %dma_wait3A_195 = tpu.memref_squeeze %dma_wait3A_194 : memref<1x128xf32, #tpu.memory_space<vmem>> -> memref<128xf32, #tpu.memory_space<vmem>>
      tpu.wait_dma2 semaphore(%run_scoped3A_180 : memref<!tpu.dma_semaphore, #tpu.memory_space<semaphore_mem>>) src(%dma_wait3A_195 : memref<128xf32, #tpu.memory_space<vmem>>) dst(%dma_wait3A_192 : memref<128xf32, #tpu.memory_space<vmem_shared>>)
      tpu.yield
    }) : () -> ()
    %mul3A_93 = arith.constant 640 : i32
    %mul3A_94 = arith.muli %arg1, %mul3A_93 : i32
    %add3A_95 = arith.constant 384 : i32
    %add3A_96 = arith.addi %mul3A_94, %add3A_95 : i32
    "tpu.region"() ({
      %run_scoped3A_180 = tpu.sem_alloc : memref<!tpu.dma_semaphore, #tpu.memory_space<semaphore_mem>>
      %dma_start3A_181 = arith.constant 0 : i32
      %dma_start3A_182 = tpu.memref_slice %arg17[%add3A_96, %dma_start3A_181] : memref<10240x128xf32, #tpu.memory_space<vmem_shared>> -> memref<128x128xf32, #tpu.memory_space<vmem_shared>>
      %dma_start3A_183 = arith.constant 0 : i32
      %dma_start3A_184 = tpu.memref_slice %arg17[%add3A_96, %dma_start3A_183] : memref<10240x128xf32, #tpu.memory_space<vmem_shared>> -> memref<128x128xf32, #tpu.memory_space<vmem_shared>>
      tpu.enqueue_dma source(%arg13 : memref<128x128xf32, #tpu.memory_space<vmem>>) target(%dma_start3A_184 : memref<128x128xf32, #tpu.memory_space<vmem_shared>>) target_semaphore(%run_scoped3A_180 : memref<!tpu.dma_semaphore, #tpu.memory_space<semaphore_mem>>)
      %dma_wait3A = arith.constant 0 : i32
      %dma_wait3A_185 = tpu.memref_slice %arg17[%add3A_96, %dma_wait3A] : memref<10240x128xf32, #tpu.memory_space<vmem_shared>> -> memref<128x128xf32, #tpu.memory_space<vmem_shared>>
      %dma_wait3A_186 = arith.constant 0 : i32
      %dma_wait3A_187 = tpu.memref_slice %arg17[%add3A_96, %dma_wait3A_186] : memref<10240x128xf32, #tpu.memory_space<vmem_shared>> -> memref<128x128xf32, #tpu.memory_space<vmem_shared>>
      tpu.wait_dma2 semaphore(%run_scoped3A_180 : memref<!tpu.dma_semaphore, #tpu.memory_space<semaphore_mem>>) src(%arg13 : memref<128x128xf32, #tpu.memory_space<vmem>>) dst(%dma_wait3A_187 : memref<128x128xf32, #tpu.memory_space<vmem_shared>>)
      tpu.yield
    }) : () -> ()
    %mul3A_97 = arith.constant 640 : i32
    %mul3A_98 = arith.muli %arg1, %mul3A_97 : i32
    %add3A_99 = arith.constant 384 : i32
    %add3A_100 = arith.addi %mul3A_98, %add3A_99 : i32
    %run_scoped3A_101 = arith.constant 0 : i32
    "tpu.region"() ({
      %run_scoped3A_180 = tpu.sem_alloc : memref<!tpu.dma_semaphore, #tpu.memory_space<semaphore_mem>>
      %dma_start3A_181 = arith.constant 0 : i32
      %dma_start3A_182 = tpu.memref_slice %arg15[%run_scoped3A_101, %dma_start3A_181] : memref<1x128xf32, #tpu.memory_space<vmem>> -> memref<1x128xf32, #tpu.memory_space<vmem>>
      %dma_start3A_183 = tpu.memref_squeeze %dma_start3A_182 : memref<1x128xf32, #tpu.memory_space<vmem>> -> memref<128xf32, #tpu.memory_space<vmem>>
      %dma_start3A_184 = tpu.memref_slice %arg18[%add3A_100] : memref<10240xf32, #tpu.memory_space<vmem_shared>> -> memref<128xf32, #tpu.memory_space<vmem_shared>>
      %dma_start3A_185 = tpu.memref_slice %arg18[%add3A_100] : memref<10240xf32, #tpu.memory_space<vmem_shared>> -> memref<128xf32, #tpu.memory_space<vmem_shared>>
      %dma_start3A_186 = arith.constant 0 : i32
      %dma_start3A_187 = tpu.memref_slice %arg15[%run_scoped3A_101, %dma_start3A_186] : memref<1x128xf32, #tpu.memory_space<vmem>> -> memref<1x128xf32, #tpu.memory_space<vmem>>
      %dma_start3A_188 = tpu.memref_squeeze %dma_start3A_187 : memref<1x128xf32, #tpu.memory_space<vmem>> -> memref<128xf32, #tpu.memory_space<vmem>>
      tpu.enqueue_dma source(%dma_start3A_188 : memref<128xf32, #tpu.memory_space<vmem>>) target(%dma_start3A_185 : memref<128xf32, #tpu.memory_space<vmem_shared>>) target_semaphore(%run_scoped3A_180 : memref<!tpu.dma_semaphore, #tpu.memory_space<semaphore_mem>>)
      %dma_wait3A = arith.constant 0 : i32
      %dma_wait3A_189 = tpu.memref_slice %arg15[%run_scoped3A_101, %dma_wait3A] : memref<1x128xf32, #tpu.memory_space<vmem>> -> memref<1x128xf32, #tpu.memory_space<vmem>>
      %dma_wait3A_190 = tpu.memref_squeeze %dma_wait3A_189 : memref<1x128xf32, #tpu.memory_space<vmem>> -> memref<128xf32, #tpu.memory_space<vmem>>
      %dma_wait3A_191 = tpu.memref_slice %arg18[%add3A_100] : memref<10240xf32, #tpu.memory_space<vmem_shared>> -> memref<128xf32, #tpu.memory_space<vmem_shared>>
      %dma_wait3A_192 = tpu.memref_slice %arg18[%add3A_100] : memref<10240xf32, #tpu.memory_space<vmem_shared>> -> memref<128xf32, #tpu.memory_space<vmem_shared>>
      %dma_wait3A_193 = arith.constant 0 : i32
      %dma_wait3A_194 = tpu.memref_slice %arg15[%run_scoped3A_101, %dma_wait3A_193] : memref<1x128xf32, #tpu.memory_space<vmem>> -> memref<1x128xf32, #tpu.memory_space<vmem>>
      %dma_wait3A_195 = tpu.memref_squeeze %dma_wait3A_194 : memref<1x128xf32, #tpu.memory_space<vmem>> -> memref<128xf32, #tpu.memory_space<vmem>>
      tpu.wait_dma2 semaphore(%run_scoped3A_180 : memref<!tpu.dma_semaphore, #tpu.memory_space<semaphore_mem>>) src(%dma_wait3A_195 : memref<128xf32, #tpu.memory_space<vmem>>) dst(%dma_wait3A_192 : memref<128xf32, #tpu.memory_space<vmem_shared>>)
      tpu.yield
    }) : () -> ()
    %mul3A_102 = arith.constant 640 : i32
    %mul3A_103 = arith.muli %arg1, %mul3A_102 : i32
    %add3A_104 = arith.constant 512 : i32
    %add3A_105 = arith.addi %mul3A_103, %add3A_104 : i32
    "tpu.region"() ({
      %run_scoped3A_180 = tpu.sem_alloc : memref<!tpu.dma_semaphore, #tpu.memory_space<semaphore_mem>>
      %dma_start3A_181 = arith.constant 0 : i32
      %dma_start3A_182 = tpu.memref_slice %arg17[%add3A_105, %dma_start3A_181] : memref<10240x128xf32, #tpu.memory_space<vmem_shared>> -> memref<128x128xf32, #tpu.memory_space<vmem_shared>>
      %dma_start3A_183 = arith.constant 0 : i32
      %dma_start3A_184 = tpu.memref_slice %arg17[%add3A_105, %dma_start3A_183] : memref<10240x128xf32, #tpu.memory_space<vmem_shared>> -> memref<128x128xf32, #tpu.memory_space<vmem_shared>>
      tpu.enqueue_dma source(%arg13 : memref<128x128xf32, #tpu.memory_space<vmem>>) target(%dma_start3A_184 : memref<128x128xf32, #tpu.memory_space<vmem_shared>>) target_semaphore(%run_scoped3A_180 : memref<!tpu.dma_semaphore, #tpu.memory_space<semaphore_mem>>)
      %dma_wait3A = arith.constant 0 : i32
      %dma_wait3A_185 = tpu.memref_slice %arg17[%add3A_105, %dma_wait3A] : memref<10240x128xf32, #tpu.memory_space<vmem_shared>> -> memref<128x128xf32, #tpu.memory_space<vmem_shared>>
      %dma_wait3A_186 = arith.constant 0 : i32
      %dma_wait3A_187 = tpu.memref_slice %arg17[%add3A_105, %dma_wait3A_186] : memref<10240x128xf32, #tpu.memory_space<vmem_shared>> -> memref<128x128xf32, #tpu.memory_space<vmem_shared>>
      tpu.wait_dma2 semaphore(%run_scoped3A_180 : memref<!tpu.dma_semaphore, #tpu.memory_space<semaphore_mem>>) src(%arg13 : memref<128x128xf32, #tpu.memory_space<vmem>>) dst(%dma_wait3A_187 : memref<128x128xf32, #tpu.memory_space<vmem_shared>>)
      tpu.yield
    }) : () -> ()
    %mul3A_106 = arith.constant 640 : i32
    %mul3A_107 = arith.muli %arg1, %mul3A_106 : i32
    %add3A_108 = arith.constant 512 : i32
    %add3A_109 = arith.addi %mul3A_107, %add3A_108 : i32
    %run_scoped3A_110 = arith.constant 0 : i32
    "tpu.region"() ({
      %run_scoped3A_180 = tpu.sem_alloc : memref<!tpu.dma_semaphore, #tpu.memory_space<semaphore_mem>>
      %dma_start3A_181 = arith.constant 0 : i32
      %dma_start3A_182 = tpu.memref_slice %arg15[%run_scoped3A_110, %dma_start3A_181] : memref<1x128xf32, #tpu.memory_space<vmem>> -> memref<1x128xf32, #tpu.memory_space<vmem>>
      %dma_start3A_183 = tpu.memref_squeeze %dma_start3A_182 : memref<1x128xf32, #tpu.memory_space<vmem>> -> memref<128xf32, #tpu.memory_space<vmem>>
      %dma_start3A_184 = tpu.memref_slice %arg18[%add3A_109] : memref<10240xf32, #tpu.memory_space<vmem_shared>> -> memref<128xf32, #tpu.memory_space<vmem_shared>>
      %dma_start3A_185 = tpu.memref_slice %arg18[%add3A_109] : memref<10240xf32, #tpu.memory_space<vmem_shared>> -> memref<128xf32, #tpu.memory_space<vmem_shared>>
      %dma_start3A_186 = arith.constant 0 : i32
      %dma_start3A_187 = tpu.memref_slice %arg15[%run_scoped3A_110, %dma_start3A_186] : memref<1x128xf32, #tpu.memory_space<vmem>> -> memref<1x128xf32, #tpu.memory_space<vmem>>
      %dma_start3A_188 = tpu.memref_squeeze %dma_start3A_187 : memref<1x128xf32, #tpu.memory_space<vmem>> -> memref<128xf32, #tpu.memory_space<vmem>>
      tpu.enqueue_dma source(%dma_start3A_188 : memref<128xf32, #tpu.memory_space<vmem>>) target(%dma_start3A_185 : memref<128xf32, #tpu.memory_space<vmem_shared>>) target_semaphore(%run_scoped3A_180 : memref<!tpu.dma_semaphore, #tpu.memory_space<semaphore_mem>>)
      %dma_wait3A = arith.constant 0 : i32
      %dma_wait3A_189 = tpu.memref_slice %arg15[%run_scoped3A_110, %dma_wait3A] : memref<1x128xf32, #tpu.memory_space<vmem>> -> memref<1x128xf32, #tpu.memory_space<vmem>>
      %dma_wait3A_190 = tpu.memref_squeeze %dma_wait3A_189 : memref<1x128xf32, #tpu.memory_space<vmem>> -> memref<128xf32, #tpu.memory_space<vmem>>
      %dma_wait3A_191 = tpu.memref_slice %arg18[%add3A_109] : memref<10240xf32, #tpu.memory_space<vmem_shared>> -> memref<128xf32, #tpu.memory_space<vmem_shared>>
      %dma_wait3A_192 = tpu.memref_slice %arg18[%add3A_109] : memref<10240xf32, #tpu.memory_space<vmem_shared>> -> memref<128xf32, #tpu.memory_space<vmem_shared>>
      %dma_wait3A_193 = arith.constant 0 : i32
      %dma_wait3A_194 = tpu.memref_slice %arg15[%run_scoped3A_110, %dma_wait3A_193] : memref<1x128xf32, #tpu.memory_space<vmem>> -> memref<1x128xf32, #tpu.memory_space<vmem>>
      %dma_wait3A_195 = tpu.memref_squeeze %dma_wait3A_194 : memref<1x128xf32, #tpu.memory_space<vmem>> -> memref<128xf32, #tpu.memory_space<vmem>>
      tpu.wait_dma2 semaphore(%run_scoped3A_180 : memref<!tpu.dma_semaphore, #tpu.memory_space<semaphore_mem>>) src(%dma_wait3A_195 : memref<128xf32, #tpu.memory_space<vmem>>) dst(%dma_wait3A_192 : memref<128xf32, #tpu.memory_space<vmem_shared>>)
      tpu.yield
    }) : () -> ()
    %barrier3A = arith.constant 0 : index
    tpu.barrier barrier_id(%barrier3A)
    "tpu.region"() ({
      %run_scoped3A_180 = tpu.sem_alloc : memref<!tpu.dma_semaphore, #tpu.memory_space<semaphore_mem>>
      %dma_start3A_181 = arith.constant 0 : i32
      %dma_start3A_182 = tpu.memref_slice %arg9[%dma_start3A_181] : memref<10240xf32, #tpu.memory_space<vmem>> -> memref<10000xf32, #tpu.memory_space<vmem>>
      %dma_start3A_183 = arith.constant 0 : i32
      %dma_start3A_184 = tpu.memref_slice %arg9[%dma_start3A_183] : memref<10240xf32, #tpu.memory_space<vmem>> -> memref<10000xf32, #tpu.memory_space<vmem>>
      tpu.enqueue_dma source(%arg5 : memref<10000xf32, #tpu.memory_space<hbm>>) target(%dma_start3A_184 : memref<10000xf32, #tpu.memory_space<vmem>>) target_semaphore(%run_scoped3A_180 : memref<!tpu.dma_semaphore, #tpu.memory_space<semaphore_mem>>)
      %dma_wait3A = arith.constant 0 : i32
      %dma_wait3A_185 = tpu.memref_slice %arg9[%dma_wait3A] : memref<10240xf32, #tpu.memory_space<vmem>> -> memref<10000xf32, #tpu.memory_space<vmem>>
      %dma_wait3A_186 = arith.constant 0 : i32
      %dma_wait3A_187 = tpu.memref_slice %arg9[%dma_wait3A_186] : memref<10240xf32, #tpu.memory_space<vmem>> -> memref<10000xf32, #tpu.memory_space<vmem>>
      tpu.wait_dma2 semaphore(%run_scoped3A_180 : memref<!tpu.dma_semaphore, #tpu.memory_space<semaphore_mem>>) src(%arg5 : memref<10000xf32, #tpu.memory_space<hbm>>) dst(%dma_wait3A_187 : memref<10000xf32, #tpu.memory_space<vmem>>)
      tpu.yield
    }) : () -> ()
    "tpu.region"() ({
      %run_scoped3A_180 = tpu.sem_alloc : memref<!tpu.dma_semaphore, #tpu.memory_space<semaphore_mem>>
      %dma_start3A_181 = arith.constant 0 : i32
      %dma_start3A_182 = tpu.memref_slice %arg2[%multiple_of3A, %dma_start3A_181] : memref<2560x128xi32, #tpu.memory_space<hbm>> -> memref<8x128xi32, #tpu.memory_space<hbm>>
      %dma_start3A_183 = arith.constant 0 : i32
      %dma_start3A_184 = tpu.memref_slice %arg2[%multiple_of3A, %dma_start3A_183] : memref<2560x128xi32, #tpu.memory_space<hbm>> -> memref<8x128xi32, #tpu.memory_space<hbm>>
      tpu.enqueue_dma source(%dma_start3A_184 : memref<8x128xi32, #tpu.memory_space<hbm>>) target(%arg10 : memref<8x128xi32, #tpu.memory_space<vmem>>) target_semaphore(%run_scoped3A_180 : memref<!tpu.dma_semaphore, #tpu.memory_space<semaphore_mem>>)
      %dma_wait3A = arith.constant 0 : i32
      %dma_wait3A_185 = tpu.memref_slice %arg2[%multiple_of3A, %dma_wait3A] : memref<2560x128xi32, #tpu.memory_space<hbm>> -> memref<8x128xi32, #tpu.memory_space<hbm>>
      %dma_wait3A_186 = arith.constant 0 : i32
      %dma_wait3A_187 = tpu.memref_slice %arg2[%multiple_of3A, %dma_wait3A_186] : memref<2560x128xi32, #tpu.memory_space<hbm>> -> memref<8x128xi32, #tpu.memory_space<hbm>>
      tpu.wait_dma2 semaphore(%run_scoped3A_180 : memref<!tpu.dma_semaphore, #tpu.memory_space<semaphore_mem>>) src(%dma_wait3A_187 : memref<8x128xi32, #tpu.memory_space<hbm>>) dst(%arg10 : memref<8x128xi32, #tpu.memory_space<vmem>>)
      tpu.yield
    }) : () -> ()
    "tpu.region"() ({
      %run_scoped3A_180 = tpu.sem_alloc : memref<!tpu.dma_semaphore, #tpu.memory_space<semaphore_mem>>
      %dma_start3A_181 = arith.constant 0 : i32
      %dma_start3A_182 = tpu.memref_slice %arg3[%multiple_of3A, %dma_start3A_181] : memref<2560x128xi32, #tpu.memory_space<hbm>> -> memref<8x128xi32, #tpu.memory_space<hbm>>
      %dma_start3A_183 = arith.constant 0 : i32
      %dma_start3A_184 = tpu.memref_slice %arg3[%multiple_of3A, %dma_start3A_183] : memref<2560x128xi32, #tpu.memory_space<hbm>> -> memref<8x128xi32, #tpu.memory_space<hbm>>
      tpu.enqueue_dma source(%dma_start3A_184 : memref<8x128xi32, #tpu.memory_space<hbm>>) target(%arg11 : memref<8x128xi32, #tpu.memory_space<vmem>>) target_semaphore(%run_scoped3A_180 : memref<!tpu.dma_semaphore, #tpu.memory_space<semaphore_mem>>)
      %dma_wait3A = arith.constant 0 : i32
      %dma_wait3A_185 = tpu.memref_slice %arg3[%multiple_of3A, %dma_wait3A] : memref<2560x128xi32, #tpu.memory_space<hbm>> -> memref<8x128xi32, #tpu.memory_space<hbm>>
      %dma_wait3A_186 = arith.constant 0 : i32
      %dma_wait3A_187 = tpu.memref_slice %arg3[%multiple_of3A, %dma_wait3A_186] : memref<2560x128xi32, #tpu.memory_space<hbm>> -> memref<8x128xi32, #tpu.memory_space<hbm>>
      tpu.wait_dma2 semaphore(%run_scoped3A_180 : memref<!tpu.dma_semaphore, #tpu.memory_space<semaphore_mem>>) src(%dma_wait3A_187 : memref<8x128xi32, #tpu.memory_space<hbm>>) dst(%arg11 : memref<8x128xi32, #tpu.memory_space<vmem>>)
      tpu.yield
    }) : () -> ()
    "tpu.region"() ({
      %run_scoped3A_180 = tpu.sem_alloc : memref<!tpu.dma_semaphore, #tpu.memory_space<semaphore_mem>>
      %dma_start3A_181 = arith.constant 0 : i32
      %dma_start3A_182 = tpu.memref_slice %arg4[%multiple_of3A, %dma_start3A_181] : memref<2560x128xf32, #tpu.memory_space<hbm>> -> memref<8x128xf32, #tpu.memory_space<hbm>>
      %dma_start3A_183 = arith.constant 0 : i32
      %dma_start3A_184 = tpu.memref_slice %arg4[%multiple_of3A, %dma_start3A_183] : memref<2560x128xf32, #tpu.memory_space<hbm>> -> memref<8x128xf32, #tpu.memory_space<hbm>>
      tpu.enqueue_dma source(%dma_start3A_184 : memref<8x128xf32, #tpu.memory_space<hbm>>) target(%arg12 : memref<8x128xf32, #tpu.memory_space<vmem>>) target_semaphore(%run_scoped3A_180 : memref<!tpu.dma_semaphore, #tpu.memory_space<semaphore_mem>>)
      %dma_wait3A = arith.constant 0 : i32
      %dma_wait3A_185 = tpu.memref_slice %arg4[%multiple_of3A, %dma_wait3A] : memref<2560x128xf32, #tpu.memory_space<hbm>> -> memref<8x128xf32, #tpu.memory_space<hbm>>
      %dma_wait3A_186 = arith.constant 0 : i32
      %dma_wait3A_187 = tpu.memref_slice %arg4[%multiple_of3A, %dma_wait3A_186] : memref<2560x128xf32, #tpu.memory_space<hbm>> -> memref<8x128xf32, #tpu.memory_space<hbm>>
      tpu.wait_dma2 semaphore(%run_scoped3A_180 : memref<!tpu.dma_semaphore, #tpu.memory_space<semaphore_mem>>) src(%dma_wait3A_187 : memref<8x128xf32, #tpu.memory_space<hbm>>) dst(%arg12 : memref<8x128xf32, #tpu.memory_space<vmem>>)
      tpu.yield
    }) : () -> ()
    %dma_start3A = arith.constant 0 : i32
    %dma_start3A_111 = arith.constant 0 : i32
    %dma_start3A_112 = tpu.memref_slice %arg11[%dma_start3A, %dma_start3A_111] : memref<8x128xi32, #tpu.memory_space<vmem>> -> memref<1x128xi32, #tpu.memory_space<vmem>>
    %dma_start3A_113 = tpu.memref_squeeze %dma_start3A_112 : memref<1x128xi32, #tpu.memory_space<vmem>> -> memref<128xi32, #tpu.memory_space<vmem>>
    %dma_start3A_114 = arith.constant 0 : i32
    %dma_start3A_115 = arith.constant 0 : i32
    %dma_start3A_116 = tpu.memref_slice %arg6[%dma_start3A_114, %dma_start3A_115] : memref<10000x128xf32, #tpu.memory_space<hbm>> -> memref<10000x128xf32, #tpu.memory_space<hbm>>
    tpu.enqueue_indirect_dma source(%dma_start3A_116 : memref<10000x128xf32, #tpu.memory_space<hbm>>) target(%arg13 : memref<128x128xf32, #tpu.memory_space<vmem>>) offsets(%dma_start3A_113 : memref<128xi32, #tpu.memory_space<vmem>>) semaphore(%arg19 : memref<!tpu.dma_semaphore, #tpu.memory_space<semaphore_mem>>)
    %dma_start3A_117 = arith.constant 1 : i32
    %dma_start3A_118 = arith.constant 0 : i32
    %dma_start3A_119 = tpu.memref_slice %arg11[%dma_start3A_117, %dma_start3A_118] : memref<8x128xi32, #tpu.memory_space<vmem>> -> memref<1x128xi32, #tpu.memory_space<vmem>>
    %dma_start3A_120 = tpu.memref_squeeze %dma_start3A_119 : memref<1x128xi32, #tpu.memory_space<vmem>> -> memref<128xi32, #tpu.memory_space<vmem>>
    %dma_start3A_121 = arith.constant 0 : i32
    %dma_start3A_122 = arith.constant 0 : i32
    %dma_start3A_123 = tpu.memref_slice %arg6[%dma_start3A_121, %dma_start3A_122] : memref<10000x128xf32, #tpu.memory_space<hbm>> -> memref<10000x128xf32, #tpu.memory_space<hbm>>
    tpu.enqueue_indirect_dma source(%dma_start3A_123 : memref<10000x128xf32, #tpu.memory_space<hbm>>) target(%arg14 : memref<128x128xf32, #tpu.memory_space<vmem>>) offsets(%dma_start3A_120 : memref<128xi32, #tpu.memory_space<vmem>>) semaphore(%arg20 : memref<!tpu.dma_semaphore, #tpu.memory_space<semaphore_mem>>)
    %while3A = arith.constant 0 : i32
    %while3A_124 = arith.constant 0 : i32
    %while3A_125 = arith.subi %select_n3A_26, %while3A : i32
    %while3A_126 = arith.addi %while3A, %while3A_125 : i32
    %while3A_127 = arith.constant 1 : i32
    %while3A_128 = arith.divsi %while3A_125, %while3A_127 : i32
    %while3A_129 = arith.muli %while3A_128, %while3A_127 : i32
    %while3A_130 = arith.addi %while3A, %while3A_129 : i32
    %while3A_131 = arith.constant 1 : i32
    %while3A_132 = scf.for %while3A_180 = %while3A to %while3A_130 step %while3A_131 iter_args(%while3A_181 = %while3A_124) -> (i32)  : i32 {
      %mul3A_182 = arith.constant 2 : i32
      %mul3A_183 = arith.muli %mul3A_182, %while3A_180 : i32
      %rem3A_184 = arith.constant 8 : i32
      %rem3A_185 = arith.remsi %mul3A_183, %rem3A_184 : i32
      %add3A_186 = arith.constant 1 : i32
      %add3A_187 = arith.addi %rem3A_185, %add3A_186 : i32
      %parallel_loop3A = arith.constant 0 : i32
      %parallel_loop3A_188 = arith.constant 8 : i32
      %parallel_loop3A_189 = arith.constant 1 : i32
      scf.for %parallel_loop3A_227 = %parallel_loop3A to %parallel_loop3A_188 step %parallel_loop3A_189  : i32 {
        %parallel_loop3A_228 = arith.constant 16 : i32
        %parallel_loop3A_229 = arith.muli %parallel_loop3A_227, %parallel_loop3A_228 : i32
        %parallel_loop3A_230 = arith.index_cast %rem3A_185 : i32 to index
        %parallel_loop3A_231 = arith.index_cast %parallel_loop3A_229 : i32 to index
        %parallel_loop3A_232 = tpu.vector_load %arg11[%parallel_loop3A_230, %parallel_loop3A_231] {strides = array<i32>} : memref<8x128xi32, #tpu.memory_space<vmem>>, vector<16xi32>,
        %parallel_loop3A_233 = arith.constant 16 : i32
        %parallel_loop3A_234 = arith.muli %parallel_loop3A_227, %parallel_loop3A_233 : i32
        %parallel_loop3A_235 = arith.index_cast %rem3A_185 : i32 to index
        %parallel_loop3A_236 = arith.index_cast %parallel_loop3A_234 : i32 to index
        %parallel_loop3A_237 = tpu.vector_load %arg10[%parallel_loop3A_235, %parallel_loop3A_236] {strides = array<i32>} : memref<8x128xi32, #tpu.memory_space<vmem>>, vector<16xi32>,
        %parallel_loop3A_238 = tpu.vector_load_idx %arg9[%parallel_loop3A_232] : memref<10240xf32, #tpu.memory_space<vmem>>[vector<16xi32>], vector<16xf32>,
        %parallel_loop3A_239 = tpu.vector_load_idx %arg9[%parallel_loop3A_237] : memref<10240xf32, #tpu.memory_space<vmem>>[vector<16xi32>], vector<16xf32>,
        %parallel_loop3A_240 = arith.constant 16 : i32
        %parallel_loop3A_241 = arith.muli %parallel_loop3A_227, %parallel_loop3A_240 : i32
        %parallel_loop3A_242 = arith.index_cast %rem3A_185 : i32 to index
        %parallel_loop3A_243 = arith.index_cast %parallel_loop3A_241 : i32 to index
        %parallel_loop3A_244 = tpu.vector_load %arg12[%parallel_loop3A_242, %parallel_loop3A_243] {strides = array<i32>} : memref<8x128xf32, #tpu.memory_space<vmem>>, vector<16xf32>,
        %parallel_loop3A_245 = arith.subf %parallel_loop3A_238, %parallel_loop3A_239 : vector<16xf32>
        %parallel_loop3A_246 = arith.addf %parallel_loop3A_245, %parallel_loop3A_244 : vector<16xf32>
        %parallel_loop3A_247 = math.exp %parallel_loop3A_246 : vector<16xf32>
        %parallel_loop3A_248 = arith.constant 16 : i32
        %parallel_loop3A_249 = arith.muli %parallel_loop3A_227, %parallel_loop3A_248 : i32
        %parallel_loop3A_250 = arith.constant 0 : i32
        %parallel_loop3A_251 = arith.index_cast %parallel_loop3A_250 : i32 to index
        %parallel_loop3A_252 = arith.index_cast %parallel_loop3A_249 : i32 to index
        %parallel_loop3A_253 = tpu.vector_load %arg15[%parallel_loop3A_251, %parallel_loop3A_252] {strides = array<i32>} : memref<1x128xf32, #tpu.memory_space<vmem>>, vector<16xf32>,
        tpu.vector_store %arg15[%parallel_loop3A_251, %parallel_loop3A_252], %parallel_loop3A_247 {strides = array<i32>} : memref<1x128xf32, #tpu.memory_space<vmem>>, vector<16xf32>,
      } {sc.loop_unroll_factor = 2 : i64, sc.parallel_access}
      %run_scoped3A_190 = arith.constant 0 : i32
      "tpu.region"() ({
        %run_scoped3A_227 = tpu.sem_alloc : memref<!tpu.dma_semaphore, #tpu.memory_space<semaphore_mem>>
        %dma_start3A_228 = arith.constant 0 : i32
        %dma_start3A_229 = tpu.memref_slice %arg15[%run_scoped3A_190, %dma_start3A_228] : memref<1x128xf32, #tpu.memory_space<vmem>> -> memref<1x128xf32, #tpu.memory_space<vmem>>
        %dma_start3A_230 = tpu.memref_squeeze %dma_start3A_229 : memref<1x128xf32, #tpu.memory_space<vmem>> -> memref<128xf32, #tpu.memory_space<vmem>>
        %dma_start3A_231 = arith.constant 0 : i32
        %dma_start3A_232 = tpu.memref_slice %arg10[%rem3A_185, %dma_start3A_231] : memref<8x128xi32, #tpu.memory_space<vmem>> -> memref<1x128xi32, #tpu.memory_space<vmem>>
        %dma_start3A_233 = tpu.memref_squeeze %dma_start3A_232 : memref<1x128xi32, #tpu.memory_space<vmem>> -> memref<128xi32, #tpu.memory_space<vmem>>
        %dma_start3A_234 = arith.constant 0 : i32
        %dma_start3A_235 = tpu.memref_slice %arg18[%dma_start3A_234] : memref<10240xf32, #tpu.memory_space<vmem_shared>> -> memref<10240xf32, #tpu.memory_space<vmem_shared>>
        tpu.enqueue_indirect_dma source(%dma_start3A_230 : memref<128xf32, #tpu.memory_space<vmem>>) target(%dma_start3A_235 : memref<10240xf32, #tpu.memory_space<vmem_shared>>) offsets(%dma_start3A_233 : memref<128xi32, #tpu.memory_space<vmem>>) semaphore(%run_scoped3A_227 : memref<!tpu.dma_semaphore, #tpu.memory_space<semaphore_mem>>) {add = true}
        %dma_wait3A_236 = arith.constant 0 : i32
        %dma_wait3A_237 = tpu.memref_slice %arg15[%run_scoped3A_190, %dma_wait3A_236] : memref<1x128xf32, #tpu.memory_space<vmem>> -> memref<1x128xf32, #tpu.memory_space<vmem>>
        %dma_wait3A_238 = tpu.memref_squeeze %dma_wait3A_237 : memref<1x128xf32, #tpu.memory_space<vmem>> -> memref<128xf32, #tpu.memory_space<vmem>>
        %dma_wait3A_239 = arith.constant 0 : i32
        %dma_wait3A_240 = tpu.memref_slice %arg10[%rem3A_185, %dma_wait3A_239] : memref<8x128xi32, #tpu.memory_space<vmem>> -> memref<1x128xi32, #tpu.memory_space<vmem>>
        %dma_wait3A_241 = tpu.memref_squeeze %dma_wait3A_240 : memref<1x128xi32, #tpu.memory_space<vmem>> -> memref<128xi32, #tpu.memory_space<vmem>>
        %dma_wait3A_242 = arith.constant 0 : i32
        %dma_wait3A_243 = tpu.memref_slice %arg18[%dma_wait3A_242] : memref<10240xf32, #tpu.memory_space<vmem_shared>> -> memref<10240xf32, #tpu.memory_space<vmem_shared>>
        tpu.wait_indirect_dma semaphore(%run_scoped3A_227 : memref<!tpu.dma_semaphore, #tpu.memory_space<semaphore_mem>>) src(%dma_wait3A_238 : memref<128xf32, #tpu.memory_space<vmem>>) dst(%dma_wait3A_243 : memref<10240xf32, #tpu.memory_space<vmem_shared>>)
        tpu.yield
      }) : () -> ()
      %dma_wait3A = arith.constant 0 : i32
      %dma_wait3A_191 = tpu.memref_slice %arg11[%rem3A_185, %dma_wait3A] : memref<8x128xi32, #tpu.memory_space<vmem>> -> memref<1x128xi32, #tpu.memory_space<vmem>>
      %dma_wait3A_192 = tpu.memref_squeeze %dma_wait3A_191 : memref<1x128xi32, #tpu.memory_space<vmem>> -> memref<128xi32, #tpu.memory_space<vmem>>
      %dma_wait3A_193 = arith.constant 0 : i32
      %dma_wait3A_194 = arith.constant 0 : i32
      %dma_wait3A_195 = tpu.memref_slice %arg6[%dma_wait3A_193, %dma_wait3A_194] : memref<10000x128xf32, #tpu.memory_space<hbm>> -> memref<10000x128xf32, #tpu.memory_space<hbm>>
      tpu.wait_indirect_dma semaphore(%arg19 : memref<!tpu.dma_semaphore, #tpu.memory_space<semaphore_mem>>) src(%dma_wait3A_195 : memref<10000x128xf32, #tpu.memory_space<hbm>>) dst(%arg13 : memref<128x128xf32, #tpu.memory_space<vmem>>)
      %parallel_loop3A_196 = arith.constant 0 : i32
      %parallel_loop3A_197 = arith.constant 128 : i32
      %parallel_loop3A_198 = arith.constant 1 : i32
      scf.for %parallel_loop3A_227 = %parallel_loop3A_196 to %parallel_loop3A_197 step %parallel_loop3A_198  : i32 {
        %parallel_loop3A_228 = vector.broadcast %parallel_loop3A_227 : i32 to vector<16xi32>
        %parallel_loop3A_229 = tpu.vector_load_idx %arg15[%broadcast_in_dim3A_29, %parallel_loop3A_228] : memref<1x128xf32, #tpu.memory_space<vmem>>[vector<16xi32>, vector<16xi32>], vector<16xf32>,
        %parallel_loop3A_230 = arith.index_cast %parallel_loop3A_227 : i32 to index
        %parallel_loop3A_231 = arith.constant 0 : index
        %parallel_loop3A_232 = tpu.vector_load %arg13[%parallel_loop3A_230, %parallel_loop3A_231] {strides = array<i32>} : memref<128x128xf32, #tpu.memory_space<vmem>>, vector<16xf32>,
        %parallel_loop3A_233 = arith.mulf %parallel_loop3A_232, %parallel_loop3A_229 : vector<16xf32>
        %parallel_loop3A_234 = arith.index_cast %parallel_loop3A_227 : i32 to index
        %parallel_loop3A_235 = arith.constant 0 : index
        %parallel_loop3A_236 = tpu.vector_load %arg13[%parallel_loop3A_234, %parallel_loop3A_235] {strides = array<i32>} : memref<128x128xf32, #tpu.memory_space<vmem>>, vector<16xf32>,
        tpu.vector_store %arg13[%parallel_loop3A_234, %parallel_loop3A_235], %parallel_loop3A_233 {strides = array<i32>} : memref<128x128xf32, #tpu.memory_space<vmem>>, vector<16xf32>,
        %parallel_loop3A_237 = arith.index_cast %parallel_loop3A_227 : i32 to index
        %parallel_loop3A_238 = arith.constant 16 : index
        %parallel_loop3A_239 = tpu.vector_load %arg13[%parallel_loop3A_237, %parallel_loop3A_238] {strides = array<i32>} : memref<128x128xf32, #tpu.memory_space<vmem>>, vector<16xf32>,
        %parallel_loop3A_240 = arith.mulf %parallel_loop3A_239, %parallel_loop3A_229 : vector<16xf32>
        %parallel_loop3A_241 = arith.index_cast %parallel_loop3A_227 : i32 to index
        %parallel_loop3A_242 = arith.constant 16 : index
        %parallel_loop3A_243 = tpu.vector_load %arg13[%parallel_loop3A_241, %parallel_loop3A_242] {strides = array<i32>} : memref<128x128xf32, #tpu.memory_space<vmem>>, vector<16xf32>,
        tpu.vector_store %arg13[%parallel_loop3A_241, %parallel_loop3A_242], %parallel_loop3A_240 {strides = array<i32>} : memref<128x128xf32, #tpu.memory_space<vmem>>, vector<16xf32>,
        %parallel_loop3A_244 = arith.index_cast %parallel_loop3A_227 : i32 to index
        %parallel_loop3A_245 = arith.constant 32 : index
        %parallel_loop3A_246 = tpu.vector_load %arg13[%parallel_loop3A_244, %parallel_loop3A_245] {strides = array<i32>} : memref<128x128xf32, #tpu.memory_space<vmem>>, vector<16xf32>,
        %parallel_loop3A_247 = arith.mulf %parallel_loop3A_246, %parallel_loop3A_229 : vector<16xf32>
        %parallel_loop3A_248 = arith.index_cast %parallel_loop3A_227 : i32 to index
        %parallel_loop3A_249 = arith.constant 32 : index
        %parallel_loop3A_250 = tpu.vector_load %arg13[%parallel_loop3A_248, %parallel_loop3A_249] {strides = array<i32>} : memref<128x128xf32, #tpu.memory_space<vmem>>, vector<16xf32>,
        tpu.vector_store %arg13[%parallel_loop3A_248, %parallel_loop3A_249], %parallel_loop3A_247 {strides = array<i32>} : memref<128x128xf32, #tpu.memory_space<vmem>>, vector<16xf32>,
        %parallel_loop3A_251 = arith.index_cast %parallel_loop3A_227 : i32 to index
        %parallel_loop3A_252 = arith.constant 48 : index
        %parallel_loop3A_253 = tpu.vector_load %arg13[%parallel_loop3A_251, %parallel_loop3A_252] {strides = array<i32>} : memref<128x128xf32, #tpu.memory_space<vmem>>, vector<16xf32>,
        %parallel_loop3A_254 = arith.mulf %parallel_loop3A_253, %parallel_loop3A_229 : vector<16xf32>
        %parallel_loop3A_255 = arith.index_cast %parallel_loop3A_227 : i32 to index
        %parallel_loop3A_256 = arith.constant 48 : index
        %parallel_loop3A_257 = tpu.vector_load %arg13[%parallel_loop3A_255, %parallel_loop3A_256] {strides = array<i32>} : memref<128x128xf32, #tpu.memory_space<vmem>>, vector<16xf32>,
        tpu.vector_store %arg13[%parallel_loop3A_255, %parallel_loop3A_256], %parallel_loop3A_254 {strides = array<i32>} : memref<128x128xf32, #tpu.memory_space<vmem>>, vector<16xf32>,
        %parallel_loop3A_258 = arith.index_cast %parallel_loop3A_227 : i32 to index
        %parallel_loop3A_259 = arith.constant 64 : index
        %parallel_loop3A_260 = tpu.vector_load %arg13[%parallel_loop3A_258, %parallel_loop3A_259] {strides = array<i32>} : memref<128x128xf32, #tpu.memory_space<vmem>>, vector<16xf32>,
        %parallel_loop3A_261 = arith.mulf %parallel_loop3A_260, %parallel_loop3A_229 : vector<16xf32>
        %parallel_loop3A_262 = arith.index_cast %parallel_loop3A_227 : i32 to index
        %parallel_loop3A_263 = arith.constant 64 : index
        %parallel_loop3A_264 = tpu.vector_load %arg13[%parallel_loop3A_262, %parallel_loop3A_263] {strides = array<i32>} : memref<128x128xf32, #tpu.memory_space<vmem>>, vector<16xf32>,
        tpu.vector_store %arg13[%parallel_loop3A_262, %parallel_loop3A_263], %parallel_loop3A_261 {strides = array<i32>} : memref<128x128xf32, #tpu.memory_space<vmem>>, vector<16xf32>,
        %parallel_loop3A_265 = arith.index_cast %parallel_loop3A_227 : i32 to index
        %parallel_loop3A_266 = arith.constant 80 : index
        %parallel_loop3A_267 = tpu.vector_load %arg13[%parallel_loop3A_265, %parallel_loop3A_266] {strides = array<i32>} : memref<128x128xf32, #tpu.memory_space<vmem>>, vector<16xf32>,
        %parallel_loop3A_268 = arith.mulf %parallel_loop3A_267, %parallel_loop3A_229 : vector<16xf32>
        %parallel_loop3A_269 = arith.index_cast %parallel_loop3A_227 : i32 to index
        %parallel_loop3A_270 = arith.constant 80 : index
        %parallel_loop3A_271 = tpu.vector_load %arg13[%parallel_loop3A_269, %parallel_loop3A_270] {strides = array<i32>} : memref<128x128xf32, #tpu.memory_space<vmem>>, vector<16xf32>,
        tpu.vector_store %arg13[%parallel_loop3A_269, %parallel_loop3A_270], %parallel_loop3A_268 {strides = array<i32>} : memref<128x128xf32, #tpu.memory_space<vmem>>, vector<16xf32>,
        %parallel_loop3A_272 = arith.index_cast %parallel_loop3A_227 : i32 to index
        %parallel_loop3A_273 = arith.constant 96 : index
        %parallel_loop3A_274 = tpu.vector_load %arg13[%parallel_loop3A_272, %parallel_loop3A_273] {strides = array<i32>} : memref<128x128xf32, #tpu.memory_space<vmem>>, vector<16xf32>,
        %parallel_loop3A_275 = arith.mulf %parallel_loop3A_274, %parallel_loop3A_229 : vector<16xf32>
        %parallel_loop3A_276 = arith.index_cast %parallel_loop3A_227 : i32 to index
        %parallel_loop3A_277 = arith.constant 96 : index
        %parallel_loop3A_278 = tpu.vector_load %arg13[%parallel_loop3A_276, %parallel_loop3A_277] {strides = array<i32>} : memref<128x128xf32, #tpu.memory_space<vmem>>, vector<16xf32>,
        tpu.vector_store %arg13[%parallel_loop3A_276, %parallel_loop3A_277], %parallel_loop3A_275 {strides = array<i32>} : memref<128x128xf32, #tpu.memory_space<vmem>>, vector<16xf32>,
        %parallel_loop3A_279 = arith.index_cast %parallel_loop3A_227 : i32 to index
        %parallel_loop3A_280 = arith.constant 112 : index
        %parallel_loop3A_281 = tpu.vector_load %arg13[%parallel_loop3A_279, %parallel_loop3A_280] {strides = array<i32>} : memref<128x128xf32, #tpu.memory_space<vmem>>, vector<16xf32>,
        %parallel_loop3A_282 = arith.mulf %parallel_loop3A_281, %parallel_loop3A_229 : vector<16xf32>
        %parallel_loop3A_283 = arith.index_cast %parallel_loop3A_227 : i32 to index
        %parallel_loop3A_284 = arith.constant 112 : index
        %parallel_loop3A_285 = tpu.vector_load %arg13[%parallel_loop3A_283, %parallel_loop3A_284] {strides = array<i32>} : memref<128x128xf32, #tpu.memory_space<vmem>>, vector<16xf32>,
        tpu.vector_store %arg13[%parallel_loop3A_283, %parallel_loop3A_284], %parallel_loop3A_282 {strides = array<i32>} : memref<128x128xf32, #tpu.memory_space<vmem>>, vector<16xf32>,
      } {sc.loop_unroll_factor = 4 : i64, sc.parallel_access}
      "tpu.region"() ({
        %run_scoped3A_227 = tpu.sem_alloc : memref<!tpu.dma_semaphore, #tpu.memory_space<semaphore_mem>>
        %dma_start3A_228 = arith.constant 0 : i32
        %dma_start3A_229 = tpu.memref_slice %arg10[%rem3A_185, %dma_start3A_228] : memref<8x128xi32, #tpu.memory_space<vmem>> -> memref<1x128xi32, #tpu.memory_space<vmem>>
        %dma_start3A_230 = tpu.memref_squeeze %dma_start3A_229 : memref<1x128xi32, #tpu.memory_space<vmem>> -> memref<128xi32, #tpu.memory_space<vmem>>
        %dma_start3A_231 = arith.constant 0 : i32
        %dma_start3A_232 = arith.constant 0 : i32
        %dma_start3A_233 = tpu.memref_slice %arg17[%dma_start3A_231, %dma_start3A_232] : memref<10240x128xf32, #tpu.memory_space<vmem_shared>> -> memref<10240x128xf32, #tpu.memory_space<vmem_shared>>
        tpu.enqueue_indirect_dma source(%arg13 : memref<128x128xf32, #tpu.memory_space<vmem>>) target(%dma_start3A_233 : memref<10240x128xf32, #tpu.memory_space<vmem_shared>>) offsets(%dma_start3A_230 : memref<128xi32, #tpu.memory_space<vmem>>) semaphore(%run_scoped3A_227 : memref<!tpu.dma_semaphore, #tpu.memory_space<semaphore_mem>>) {add = true}
        %dma_wait3A_234 = arith.constant 0 : i32
        %dma_wait3A_235 = tpu.memref_slice %arg10[%rem3A_185, %dma_wait3A_234] : memref<8x128xi32, #tpu.memory_space<vmem>> -> memref<1x128xi32, #tpu.memory_space<vmem>>
        %dma_wait3A_236 = tpu.memref_squeeze %dma_wait3A_235 : memref<1x128xi32, #tpu.memory_space<vmem>> -> memref<128xi32, #tpu.memory_space<vmem>>
        %dma_wait3A_237 = arith.constant 0 : i32
        %dma_wait3A_238 = arith.constant 0 : i32
        %dma_wait3A_239 = tpu.memref_slice %arg17[%dma_wait3A_237, %dma_wait3A_238] : memref<10240x128xf32, #tpu.memory_space<vmem_shared>> -> memref<10240x128xf32, #tpu.memory_space<vmem_shared>>
        tpu.wait_indirect_dma semaphore(%run_scoped3A_227 : memref<!tpu.dma_semaphore, #tpu.memory_space<semaphore_mem>>) src(%arg13 : memref<128x128xf32, #tpu.memory_space<vmem>>) dst(%dma_wait3A_239 : memref<10240x128xf32, #tpu.memory_space<vmem_shared>>)
        tpu.yield
      }) : () -> ()
      %parallel_loop3A_199 = arith.constant 0 : i32
      %parallel_loop3A_200 = arith.constant 8 : i32
      %parallel_loop3A_201 = arith.constant 1 : i32
      scf.for %parallel_loop3A_227 = %parallel_loop3A_199 to %parallel_loop3A_200 step %parallel_loop3A_201  : i32 {
        %parallel_loop3A_228 = arith.constant 16 : i32
        %parallel_loop3A_229 = arith.muli %parallel_loop3A_227, %parallel_loop3A_228 : i32
        %parallel_loop3A_230 = arith.index_cast %add3A_187 : i32 to index
        %parallel_loop3A_231 = arith.index_cast %parallel_loop3A_229 : i32 to index
        %parallel_loop3A_232 = tpu.vector_load %arg11[%parallel_loop3A_230, %parallel_loop3A_231] {strides = array<i32>} : memref<8x128xi32, #tpu.memory_space<vmem>>, vector<16xi32>,
        %parallel_loop3A_233 = arith.constant 16 : i32
        %parallel_loop3A_234 = arith.muli %parallel_loop3A_227, %parallel_loop3A_233 : i32
        %parallel_loop3A_235 = arith.index_cast %add3A_187 : i32 to index
        %parallel_loop3A_236 = arith.index_cast %parallel_loop3A_234 : i32 to index
        %parallel_loop3A_237 = tpu.vector_load %arg10[%parallel_loop3A_235, %parallel_loop3A_236] {strides = array<i32>} : memref<8x128xi32, #tpu.memory_space<vmem>>, vector<16xi32>,
        %parallel_loop3A_238 = tpu.vector_load_idx %arg9[%parallel_loop3A_232] : memref<10240xf32, #tpu.memory_space<vmem>>[vector<16xi32>], vector<16xf32>,
        %parallel_loop3A_239 = tpu.vector_load_idx %arg9[%parallel_loop3A_237] : memref<10240xf32, #tpu.memory_space<vmem>>[vector<16xi32>], vector<16xf32>,
        %parallel_loop3A_240 = arith.constant 16 : i32
        %parallel_loop3A_241 = arith.muli %parallel_loop3A_227, %parallel_loop3A_240 : i32
        %parallel_loop3A_242 = arith.index_cast %add3A_187 : i32 to index
        %parallel_loop3A_243 = arith.index_cast %parallel_loop3A_241 : i32 to index
        %parallel_loop3A_244 = tpu.vector_load %arg12[%parallel_loop3A_242, %parallel_loop3A_243] {strides = array<i32>} : memref<8x128xf32, #tpu.memory_space<vmem>>, vector<16xf32>,
        %parallel_loop3A_245 = arith.subf %parallel_loop3A_238, %parallel_loop3A_239 : vector<16xf32>
        %parallel_loop3A_246 = arith.addf %parallel_loop3A_245, %parallel_loop3A_244 : vector<16xf32>
        %parallel_loop3A_247 = math.exp %parallel_loop3A_246 : vector<16xf32>
        %parallel_loop3A_248 = arith.constant 16 : i32
        %parallel_loop3A_249 = arith.muli %parallel_loop3A_227, %parallel_loop3A_248 : i32
        %parallel_loop3A_250 = arith.constant 0 : i32
        %parallel_loop3A_251 = arith.index_cast %parallel_loop3A_250 : i32 to index
        %parallel_loop3A_252 = arith.index_cast %parallel_loop3A_249 : i32 to index
        %parallel_loop3A_253 = tpu.vector_load %arg16[%parallel_loop3A_251, %parallel_loop3A_252] {strides = array<i32>} : memref<1x128xf32, #tpu.memory_space<vmem>>, vector<16xf32>,
        tpu.vector_store %arg16[%parallel_loop3A_251, %parallel_loop3A_252], %parallel_loop3A_247 {strides = array<i32>} : memref<1x128xf32, #tpu.memory_space<vmem>>, vector<16xf32>,
      } {sc.loop_unroll_factor = 2 : i64, sc.parallel_access}
      %run_scoped3A_202 = arith.constant 0 : i32
      "tpu.region"() ({
        %run_scoped3A_227 = tpu.sem_alloc : memref<!tpu.dma_semaphore, #tpu.memory_space<semaphore_mem>>
        %dma_start3A_228 = arith.constant 0 : i32
        %dma_start3A_229 = tpu.memref_slice %arg16[%run_scoped3A_202, %dma_start3A_228] : memref<1x128xf32, #tpu.memory_space<vmem>> -> memref<1x128xf32, #tpu.memory_space<vmem>>
        %dma_start3A_230 = tpu.memref_squeeze %dma_start3A_229 : memref<1x128xf32, #tpu.memory_space<vmem>> -> memref<128xf32, #tpu.memory_space<vmem>>
        %dma_start3A_231 = arith.constant 0 : i32
        %dma_start3A_232 = tpu.memref_slice %arg10[%add3A_187, %dma_start3A_231] : memref<8x128xi32, #tpu.memory_space<vmem>> -> memref<1x128xi32, #tpu.memory_space<vmem>>
        %dma_start3A_233 = tpu.memref_squeeze %dma_start3A_232 : memref<1x128xi32, #tpu.memory_space<vmem>> -> memref<128xi32, #tpu.memory_space<vmem>>
        %dma_start3A_234 = arith.constant 0 : i32
        %dma_start3A_235 = tpu.memref_slice %arg18[%dma_start3A_234] : memref<10240xf32, #tpu.memory_space<vmem_shared>> -> memref<10240xf32, #tpu.memory_space<vmem_shared>>
        tpu.enqueue_indirect_dma source(%dma_start3A_230 : memref<128xf32, #tpu.memory_space<vmem>>) target(%dma_start3A_235 : memref<10240xf32, #tpu.memory_space<vmem_shared>>) offsets(%dma_start3A_233 : memref<128xi32, #tpu.memory_space<vmem>>) semaphore(%run_scoped3A_227 : memref<!tpu.dma_semaphore, #tpu.memory_space<semaphore_mem>>) {add = true}
        %dma_wait3A_236 = arith.constant 0 : i32
        %dma_wait3A_237 = tpu.memref_slice %arg16[%run_scoped3A_202, %dma_wait3A_236] : memref<1x128xf32, #tpu.memory_space<vmem>> -> memref<1x128xf32, #tpu.memory_space<vmem>>
        %dma_wait3A_238 = tpu.memref_squeeze %dma_wait3A_237 : memref<1x128xf32, #tpu.memory_space<vmem>> -> memref<128xf32, #tpu.memory_space<vmem>>
        %dma_wait3A_239 = arith.constant 0 : i32
        %dma_wait3A_240 = tpu.memref_slice %arg10[%add3A_187, %dma_wait3A_239] : memref<8x128xi32, #tpu.memory_space<vmem>> -> memref<1x128xi32, #tpu.memory_space<vmem>>
        %dma_wait3A_241 = tpu.memref_squeeze %dma_wait3A_240 : memref<1x128xi32, #tpu.memory_space<vmem>> -> memref<128xi32, #tpu.memory_space<vmem>>
        %dma_wait3A_242 = arith.constant 0 : i32
        %dma_wait3A_243 = tpu.memref_slice %arg18[%dma_wait3A_242] : memref<10240xf32, #tpu.memory_space<vmem_shared>> -> memref<10240xf32, #tpu.memory_space<vmem_shared>>
        tpu.wait_indirect_dma semaphore(%run_scoped3A_227 : memref<!tpu.dma_semaphore, #tpu.memory_space<semaphore_mem>>) src(%dma_wait3A_238 : memref<128xf32, #tpu.memory_space<vmem>>) dst(%dma_wait3A_243 : memref<10240xf32, #tpu.memory_space<vmem_shared>>)
        tpu.yield
      }) : () -> ()
      %dma_wait3A_203 = arith.constant 0 : i32
      %dma_wait3A_204 = tpu.memref_slice %arg11[%add3A_187, %dma_wait3A_203] : memref<8x128xi32, #tpu.memory_space<vmem>> -> memref<1x128xi32, #tpu.memory_space<vmem>>
      %dma_wait3A_205 = tpu.memref_squeeze %dma_wait3A_204 : memref<1x128xi32, #tpu.memory_space<vmem>> -> memref<128xi32, #tpu.memory_space<vmem>>
      %dma_wait3A_206 = arith.constant 0 : i32
      %dma_wait3A_207 = arith.constant 0 : i32
      %dma_wait3A_208 = tpu.memref_slice %arg6[%dma_wait3A_206, %dma_wait3A_207] : memref<10000x128xf32, #tpu.memory_space<hbm>> -> memref<10000x128xf32, #tpu.memory_space<hbm>>
      tpu.wait_indirect_dma semaphore(%arg20 : memref<!tpu.dma_semaphore, #tpu.memory_space<semaphore_mem>>) src(%dma_wait3A_208 : memref<10000x128xf32, #tpu.memory_space<hbm>>) dst(%arg14 : memref<128x128xf32, #tpu.memory_space<vmem>>)
      %parallel_loop3A_209 = arith.constant 0 : i32
      %parallel_loop3A_210 = arith.constant 128 : i32
      %parallel_loop3A_211 = arith.constant 1 : i32
      scf.for %parallel_loop3A_227 = %parallel_loop3A_209 to %parallel_loop3A_210 step %parallel_loop3A_211  : i32 {
        %parallel_loop3A_228 = vector.broadcast %parallel_loop3A_227 : i32 to vector<16xi32>
        %parallel_loop3A_229 = tpu.vector_load_idx %arg16[%broadcast_in_dim3A_29, %parallel_loop3A_228] : memref<1x128xf32, #tpu.memory_space<vmem>>[vector<16xi32>, vector<16xi32>], vector<16xf32>,
        %parallel_loop3A_230 = arith.index_cast %parallel_loop3A_227 : i32 to index
        %parallel_loop3A_231 = arith.constant 0 : index
        %parallel_loop3A_232 = tpu.vector_load %arg14[%parallel_loop3A_230, %parallel_loop3A_231] {strides = array<i32>} : memref<128x128xf32, #tpu.memory_space<vmem>>, vector<16xf32>,
        %parallel_loop3A_233 = arith.mulf %parallel_loop3A_232, %parallel_loop3A_229 : vector<16xf32>
        %parallel_loop3A_234 = arith.index_cast %parallel_loop3A_227 : i32 to index
        %parallel_loop3A_235 = arith.constant 0 : index
        %parallel_loop3A_236 = tpu.vector_load %arg14[%parallel_loop3A_234, %parallel_loop3A_235] {strides = array<i32>} : memref<128x128xf32, #tpu.memory_space<vmem>>, vector<16xf32>,
        tpu.vector_store %arg14[%parallel_loop3A_234, %parallel_loop3A_235], %parallel_loop3A_233 {strides = array<i32>} : memref<128x128xf32, #tpu.memory_space<vmem>>, vector<16xf32>,
        %parallel_loop3A_237 = arith.index_cast %parallel_loop3A_227 : i32 to index
        %parallel_loop3A_238 = arith.constant 16 : index
        %parallel_loop3A_239 = tpu.vector_load %arg14[%parallel_loop3A_237, %parallel_loop3A_238] {strides = array<i32>} : memref<128x128xf32, #tpu.memory_space<vmem>>, vector<16xf32>,
        %parallel_loop3A_240 = arith.mulf %parallel_loop3A_239, %parallel_loop3A_229 : vector<16xf32>
        %parallel_loop3A_241 = arith.index_cast %parallel_loop3A_227 : i32 to index
        %parallel_loop3A_242 = arith.constant 16 : index
        %parallel_loop3A_243 = tpu.vector_load %arg14[%parallel_loop3A_241, %parallel_loop3A_242] {strides = array<i32>} : memref<128x128xf32, #tpu.memory_space<vmem>>, vector<16xf32>,
        tpu.vector_store %arg14[%parallel_loop3A_241, %parallel_loop3A_242], %parallel_loop3A_240 {strides = array<i32>} : memref<128x128xf32, #tpu.memory_space<vmem>>, vector<16xf32>,
        %parallel_loop3A_244 = arith.index_cast %parallel_loop3A_227 : i32 to index
        %parallel_loop3A_245 = arith.constant 32 : index
        %parallel_loop3A_246 = tpu.vector_load %arg14[%parallel_loop3A_244, %parallel_loop3A_245] {strides = array<i32>} : memref<128x128xf32, #tpu.memory_space<vmem>>, vector<16xf32>,
        %parallel_loop3A_247 = arith.mulf %parallel_loop3A_246, %parallel_loop3A_229 : vector<16xf32>
        %parallel_loop3A_248 = arith.index_cast %parallel_loop3A_227 : i32 to index
        %parallel_loop3A_249 = arith.constant 32 : index
        %parallel_loop3A_250 = tpu.vector_load %arg14[%parallel_loop3A_248, %parallel_loop3A_249] {strides = array<i32>} : memref<128x128xf32, #tpu.memory_space<vmem>>, vector<16xf32>,
        tpu.vector_store %arg14[%parallel_loop3A_248, %parallel_loop3A_249], %parallel_loop3A_247 {strides = array<i32>} : memref<128x128xf32, #tpu.memory_space<vmem>>, vector<16xf32>,
        %parallel_loop3A_251 = arith.index_cast %parallel_loop3A_227 : i32 to index
        %parallel_loop3A_252 = arith.constant 48 : index
        %parallel_loop3A_253 = tpu.vector_load %arg14[%parallel_loop3A_251, %parallel_loop3A_252] {strides = array<i32>} : memref<128x128xf32, #tpu.memory_space<vmem>>, vector<16xf32>,
        %parallel_loop3A_254 = arith.mulf %parallel_loop3A_253, %parallel_loop3A_229 : vector<16xf32>
        %parallel_loop3A_255 = arith.index_cast %parallel_loop3A_227 : i32 to index
        %parallel_loop3A_256 = arith.constant 48 : index
        %parallel_loop3A_257 = tpu.vector_load %arg14[%parallel_loop3A_255, %parallel_loop3A_256] {strides = array<i32>} : memref<128x128xf32, #tpu.memory_space<vmem>>, vector<16xf32>,
        tpu.vector_store %arg14[%parallel_loop3A_255, %parallel_loop3A_256], %parallel_loop3A_254 {strides = array<i32>} : memref<128x128xf32, #tpu.memory_space<vmem>>, vector<16xf32>,
        %parallel_loop3A_258 = arith.index_cast %parallel_loop3A_227 : i32 to index
        %parallel_loop3A_259 = arith.constant 64 : index
        %parallel_loop3A_260 = tpu.vector_load %arg14[%parallel_loop3A_258, %parallel_loop3A_259] {strides = array<i32>} : memref<128x128xf32, #tpu.memory_space<vmem>>, vector<16xf32>,
        %parallel_loop3A_261 = arith.mulf %parallel_loop3A_260, %parallel_loop3A_229 : vector<16xf32>
        %parallel_loop3A_262 = arith.index_cast %parallel_loop3A_227 : i32 to index
        %parallel_loop3A_263 = arith.constant 64 : index
        %parallel_loop3A_264 = tpu.vector_load %arg14[%parallel_loop3A_262, %parallel_loop3A_263] {strides = array<i32>} : memref<128x128xf32, #tpu.memory_space<vmem>>, vector<16xf32>,
        tpu.vector_store %arg14[%parallel_loop3A_262, %parallel_loop3A_263], %parallel_loop3A_261 {strides = array<i32>} : memref<128x128xf32, #tpu.memory_space<vmem>>, vector<16xf32>,
        %parallel_loop3A_265 = arith.index_cast %parallel_loop3A_227 : i32 to index
        %parallel_loop3A_266 = arith.constant 80 : index
        %parallel_loop3A_267 = tpu.vector_load %arg14[%parallel_loop3A_265, %parallel_loop3A_266] {strides = array<i32>} : memref<128x128xf32, #tpu.memory_space<vmem>>, vector<16xf32>,
        %parallel_loop3A_268 = arith.mulf %parallel_loop3A_267, %parallel_loop3A_229 : vector<16xf32>
        %parallel_loop3A_269 = arith.index_cast %parallel_loop3A_227 : i32 to index
        %parallel_loop3A_270 = arith.constant 80 : index
        %parallel_loop3A_271 = tpu.vector_load %arg14[%parallel_loop3A_269, %parallel_loop3A_270] {strides = array<i32>} : memref<128x128xf32, #tpu.memory_space<vmem>>, vector<16xf32>,
        tpu.vector_store %arg14[%parallel_loop3A_269, %parallel_loop3A_270], %parallel_loop3A_268 {strides = array<i32>} : memref<128x128xf32, #tpu.memory_space<vmem>>, vector<16xf32>,
        %parallel_loop3A_272 = arith.index_cast %parallel_loop3A_227 : i32 to index
        %parallel_loop3A_273 = arith.constant 96 : index
        %parallel_loop3A_274 = tpu.vector_load %arg14[%parallel_loop3A_272, %parallel_loop3A_273] {strides = array<i32>} : memref<128x128xf32, #tpu.memory_space<vmem>>, vector<16xf32>,
        %parallel_loop3A_275 = arith.mulf %parallel_loop3A_274, %parallel_loop3A_229 : vector<16xf32>
        %parallel_loop3A_276 = arith.index_cast %parallel_loop3A_227 : i32 to index
        %parallel_loop3A_277 = arith.constant 96 : index
        %parallel_loop3A_278 = tpu.vector_load %arg14[%parallel_loop3A_276, %parallel_loop3A_277] {strides = array<i32>} : memref<128x128xf32, #tpu.memory_space<vmem>>, vector<16xf32>,
        tpu.vector_store %arg14[%parallel_loop3A_276, %parallel_loop3A_277], %parallel_loop3A_275 {strides = array<i32>} : memref<128x128xf32, #tpu.memory_space<vmem>>, vector<16xf32>,
        %parallel_loop3A_279 = arith.index_cast %parallel_loop3A_227 : i32 to index
        %parallel_loop3A_280 = arith.constant 112 : index
        %parallel_loop3A_281 = tpu.vector_load %arg14[%parallel_loop3A_279, %parallel_loop3A_280] {strides = array<i32>} : memref<128x128xf32, #tpu.memory_space<vmem>>, vector<16xf32>,
        %parallel_loop3A_282 = arith.mulf %parallel_loop3A_281, %parallel_loop3A_229 : vector<16xf32>
        %parallel_loop3A_283 = arith.index_cast %parallel_loop3A_227 : i32 to index
        %parallel_loop3A_284 = arith.constant 112 : index
        %parallel_loop3A_285 = tpu.vector_load %arg14[%parallel_loop3A_283, %parallel_loop3A_284] {strides = array<i32>} : memref<128x128xf32, #tpu.memory_space<vmem>>, vector<16xf32>,
        tpu.vector_store %arg14[%parallel_loop3A_283, %parallel_loop3A_284], %parallel_loop3A_282 {strides = array<i32>} : memref<128x128xf32, #tpu.memory_space<vmem>>, vector<16xf32>,
      } {sc.loop_unroll_factor = 4 : i64, sc.parallel_access}
      "tpu.region"() ({
        %run_scoped3A_227 = tpu.sem_alloc : memref<!tpu.dma_semaphore, #tpu.memory_space<semaphore_mem>>
        %dma_start3A_228 = arith.constant 0 : i32
        %dma_start3A_229 = tpu.memref_slice %arg10[%add3A_187, %dma_start3A_228] : memref<8x128xi32, #tpu.memory_space<vmem>> -> memref<1x128xi32, #tpu.memory_space<vmem>>
        %dma_start3A_230 = tpu.memref_squeeze %dma_start3A_229 : memref<1x128xi32, #tpu.memory_space<vmem>> -> memref<128xi32, #tpu.memory_space<vmem>>
        %dma_start3A_231 = arith.constant 0 : i32
        %dma_start3A_232 = arith.constant 0 : i32
        %dma_start3A_233 = tpu.memref_slice %arg17[%dma_start3A_231, %dma_start3A_232] : memref<10240x128xf32, #tpu.memory_space<vmem_shared>> -> memref<10240x128xf32, #tpu.memory_space<vmem_shared>>
        tpu.enqueue_indirect_dma source(%arg14 : memref<128x128xf32, #tpu.memory_space<vmem>>) target(%dma_start3A_233 : memref<10240x128xf32, #tpu.memory_space<vmem_shared>>) offsets(%dma_start3A_230 : memref<128xi32, #tpu.memory_space<vmem>>) semaphore(%run_scoped3A_227 : memref<!tpu.dma_semaphore, #tpu.memory_space<semaphore_mem>>) {add = true}
        %dma_wait3A_234 = arith.constant 0 : i32
        %dma_wait3A_235 = tpu.memref_slice %arg10[%add3A_187, %dma_wait3A_234] : memref<8x128xi32, #tpu.memory_space<vmem>> -> memref<1x128xi32, #tpu.memory_space<vmem>>
        %dma_wait3A_236 = tpu.memref_squeeze %dma_wait3A_235 : memref<1x128xi32, #tpu.memory_space<vmem>> -> memref<128xi32, #tpu.memory_space<vmem>>
        %dma_wait3A_237 = arith.constant 0 : i32
        %dma_wait3A_238 = arith.constant 0 : i32
        %dma_wait3A_239 = tpu.memref_slice %arg17[%dma_wait3A_237, %dma_wait3A_238] : memref<10240x128xf32, #tpu.memory_space<vmem_shared>> -> memref<10240x128xf32, #tpu.memory_space<vmem_shared>>
        tpu.wait_indirect_dma semaphore(%run_scoped3A_227 : memref<!tpu.dma_semaphore, #tpu.memory_space<semaphore_mem>>) src(%arg14 : memref<128x128xf32, #tpu.memory_space<vmem>>) dst(%dma_wait3A_239 : memref<10240x128xf32, #tpu.memory_space<vmem_shared>>)
        tpu.yield
      }) : () -> ()
      %rem3A_212 = arith.constant 4 : i32
      %rem3A_213 = arith.remsi %while3A_180, %rem3A_212 : i32
      %eq3A_214 = arith.constant 3 : i32
      %eq3A_215 = arith.cmpi eq, %rem3A_213, %eq3A_214 : i32
      %sub3A_216 = arith.constant 1 : i32
      %sub3A_217 = arith.subi %select_n3A_26, %sub3A_216 : i32
      %lt3A = arith.cmpi slt, %while3A_180, %sub3A_217 : i32
      %and3A_218 = arith.andi %eq3A_215, %lt3A : i1
      %convert_element_type3A = arith.extui %and3A_218 : i1 to i32
      %cond3A = arith.constant 0 : i32
      %cond3A_219 = arith.cmpi ne, %convert_element_type3A, %cond3A : i32
      scf.if %cond3A_219 {
        %add3A_227 = arith.constant 1 : i32
        %add3A_228 = arith.addi %while3A_180, %add3A_227 : i32
        %div3A_229 = arith.constant 4 : i32
        %div3A_230 = arith.divsi %add3A_228, %div3A_229 : i32
        %mul3A_231 = arith.constant 8 : i32
        %mul3A_232 = arith.muli %div3A_230, %mul3A_231 : i32
        %add3A_233 = arith.addi %multiple_of3A, %mul3A_232 : i32
        "tpu.region"() ({
          %run_scoped3A_234 = tpu.sem_alloc : memref<!tpu.dma_semaphore, #tpu.memory_space<semaphore_mem>>
          %dma_start3A_235 = arith.constant 0 : i32
          %dma_start3A_236 = tpu.memref_slice %arg2[%add3A_233, %dma_start3A_235] : memref<2560x128xi32, #tpu.memory_space<hbm>> -> memref<8x128xi32, #tpu.memory_space<hbm>>
          %dma_start3A_237 = arith.constant 0 : i32
          %dma_start3A_238 = tpu.memref_slice %arg2[%add3A_233, %dma_start3A_237] : memref<2560x128xi32, #tpu.memory_space<hbm>> -> memref<8x128xi32, #tpu.memory_space<hbm>>
          tpu.enqueue_dma source(%dma_start3A_238 : memref<8x128xi32, #tpu.memory_space<hbm>>) target(%arg10 : memref<8x128xi32, #tpu.memory_space<vmem>>) target_semaphore(%run_scoped3A_234 : memref<!tpu.dma_semaphore, #tpu.memory_space<semaphore_mem>>)
          %dma_wait3A_239 = arith.constant 0 : i32
          %dma_wait3A_240 = tpu.memref_slice %arg2[%add3A_233, %dma_wait3A_239] : memref<2560x128xi32, #tpu.memory_space<hbm>> -> memref<8x128xi32, #tpu.memory_space<hbm>>
          %dma_wait3A_241 = arith.constant 0 : i32
          %dma_wait3A_242 = tpu.memref_slice %arg2[%add3A_233, %dma_wait3A_241] : memref<2560x128xi32, #tpu.memory_space<hbm>> -> memref<8x128xi32, #tpu.memory_space<hbm>>
          tpu.wait_dma2 semaphore(%run_scoped3A_234 : memref<!tpu.dma_semaphore, #tpu.memory_space<semaphore_mem>>) src(%dma_wait3A_242 : memref<8x128xi32, #tpu.memory_space<hbm>>) dst(%arg10 : memref<8x128xi32, #tpu.memory_space<vmem>>)
          tpu.yield
        }) : () -> ()
        "tpu.region"() ({
          %run_scoped3A_234 = tpu.sem_alloc : memref<!tpu.dma_semaphore, #tpu.memory_space<semaphore_mem>>
          %dma_start3A_235 = arith.constant 0 : i32
          %dma_start3A_236 = tpu.memref_slice %arg3[%add3A_233, %dma_start3A_235] : memref<2560x128xi32, #tpu.memory_space<hbm>> -> memref<8x128xi32, #tpu.memory_space<hbm>>
          %dma_start3A_237 = arith.constant 0 : i32
          %dma_start3A_238 = tpu.memref_slice %arg3[%add3A_233, %dma_start3A_237] : memref<2560x128xi32, #tpu.memory_space<hbm>> -> memref<8x128xi32, #tpu.memory_space<hbm>>
          tpu.enqueue_dma source(%dma_start3A_238 : memref<8x128xi32, #tpu.memory_space<hbm>>) target(%arg11 : memref<8x128xi32, #tpu.memory_space<vmem>>) target_semaphore(%run_scoped3A_234 : memref<!tpu.dma_semaphore, #tpu.memory_space<semaphore_mem>>)
          %dma_wait3A_239 = arith.constant 0 : i32
          %dma_wait3A_240 = tpu.memref_slice %arg3[%add3A_233, %dma_wait3A_239] : memref<2560x128xi32, #tpu.memory_space<hbm>> -> memref<8x128xi32, #tpu.memory_space<hbm>>
          %dma_wait3A_241 = arith.constant 0 : i32
          %dma_wait3A_242 = tpu.memref_slice %arg3[%add3A_233, %dma_wait3A_241] : memref<2560x128xi32, #tpu.memory_space<hbm>> -> memref<8x128xi32, #tpu.memory_space<hbm>>
          tpu.wait_dma2 semaphore(%run_scoped3A_234 : memref<!tpu.dma_semaphore, #tpu.memory_space<semaphore_mem>>) src(%dma_wait3A_242 : memref<8x128xi32, #tpu.memory_space<hbm>>) dst(%arg11 : memref<8x128xi32, #tpu.memory_space<vmem>>)
          tpu.yield
        }) : () -> ()
        "tpu.region"() ({
          %run_scoped3A_234 = tpu.sem_alloc : memref<!tpu.dma_semaphore, #tpu.memory_space<semaphore_mem>>
          %dma_start3A_235 = arith.constant 0 : i32
          %dma_start3A_236 = tpu.memref_slice %arg4[%add3A_233, %dma_start3A_235] : memref<2560x128xf32, #tpu.memory_space<hbm>> -> memref<8x128xf32, #tpu.memory_space<hbm>>
          %dma_start3A_237 = arith.constant 0 : i32
          %dma_start3A_238 = tpu.memref_slice %arg4[%add3A_233, %dma_start3A_237] : memref<2560x128xf32, #tpu.memory_space<hbm>> -> memref<8x128xf32, #tpu.memory_space<hbm>>
          tpu.enqueue_dma source(%dma_start3A_238 : memref<8x128xf32, #tpu.memory_space<hbm>>) target(%arg12 : memref<8x128xf32, #tpu.memory_space<vmem>>) target_semaphore(%run_scoped3A_234 : memref<!tpu.dma_semaphore, #tpu.memory_space<semaphore_mem>>)
          %dma_wait3A_239 = arith.constant 0 : i32
          %dma_wait3A_240 = tpu.memref_slice %arg4[%add3A_233, %dma_wait3A_239] : memref<2560x128xf32, #tpu.memory_space<hbm>> -> memref<8x128xf32, #tpu.memory_space<hbm>>
          %dma_wait3A_241 = arith.constant 0 : i32
          %dma_wait3A_242 = tpu.memref_slice %arg4[%add3A_233, %dma_wait3A_241] : memref<2560x128xf32, #tpu.memory_space<hbm>> -> memref<8x128xf32, #tpu.memory_space<hbm>>
          tpu.wait_dma2 semaphore(%run_scoped3A_234 : memref<!tpu.dma_semaphore, #tpu.memory_space<semaphore_mem>>) src(%dma_wait3A_242 : memref<8x128xf32, #tpu.memory_space<hbm>>) dst(%arg12 : memref<8x128xf32, #tpu.memory_space<vmem>>)
          tpu.yield
        }) : () -> ()
      } else {
      }
      %sub3A_220 = arith.constant 1 : i32
      %sub3A_221 = arith.subi %select_n3A_26, %sub3A_220 : i32
      %lt3A_222 = arith.cmpi slt, %while3A_180, %sub3A_221 : i32
      %convert_element_type3A_223 = arith.extui %lt3A_222 : i1 to i32
      %cond3A_224 = arith.constant 0 : i32
      %cond3A_225 = arith.cmpi ne, %convert_element_type3A_223, %cond3A_224 : i32
      scf.if %cond3A_225 {
        %mul3A_227 = arith.constant 2 : i32
        %mul3A_228 = arith.muli %mul3A_227, %while3A_180 : i32
        %add3A_229 = arith.constant 2 : i32
        %add3A_230 = arith.addi %mul3A_228, %add3A_229 : i32
        %rem3A_231 = arith.constant 8 : i32
        %rem3A_232 = arith.remsi %add3A_230, %rem3A_231 : i32
        %dma_start3A_233 = arith.constant 0 : i32
        %dma_start3A_234 = tpu.memref_slice %arg11[%rem3A_232, %dma_start3A_233] : memref<8x128xi32, #tpu.memory_space<vmem>> -> memref<1x128xi32, #tpu.memory_space<vmem>>
        %dma_start3A_235 = tpu.memref_squeeze %dma_start3A_234 : memref<1x128xi32, #tpu.memory_space<vmem>> -> memref<128xi32, #tpu.memory_space<vmem>>
        %dma_start3A_236 = arith.constant 0 : i32
        %dma_start3A_237 = arith.constant 0 : i32
        %dma_start3A_238 = tpu.memref_slice %arg6[%dma_start3A_236, %dma_start3A_237] : memref<10000x128xf32, #tpu.memory_space<hbm>> -> memref<10000x128xf32, #tpu.memory_space<hbm>>
        tpu.enqueue_indirect_dma source(%dma_start3A_238 : memref<10000x128xf32, #tpu.memory_space<hbm>>) target(%arg13 : memref<128x128xf32, #tpu.memory_space<vmem>>) offsets(%dma_start3A_235 : memref<128xi32, #tpu.memory_space<vmem>>) semaphore(%arg19 : memref<!tpu.dma_semaphore, #tpu.memory_space<semaphore_mem>>)
        %add3A_239 = arith.constant 1 : i32
        %add3A_240 = arith.addi %rem3A_232, %add3A_239 : i32
        %dma_start3A_241 = arith.constant 0 : i32
        %dma_start3A_242 = tpu.memref_slice %arg11[%add3A_240, %dma_start3A_241] : memref<8x128xi32, #tpu.memory_space<vmem>> -> memref<1x128xi32, #tpu.memory_space<vmem>>
        %dma_start3A_243 = tpu.memref_squeeze %dma_start3A_242 : memref<1x128xi32, #tpu.memory_space<vmem>> -> memref<128xi32, #tpu.memory_space<vmem>>
        %dma_start3A_244 = arith.constant 0 : i32
        %dma_start3A_245 = arith.constant 0 : i32
        %dma_start3A_246 = tpu.memref_slice %arg6[%dma_start3A_244, %dma_start3A_245] : memref<10000x128xf32, #tpu.memory_space<hbm>> -> memref<10000x128xf32, #tpu.memory_space<hbm>>
        tpu.enqueue_indirect_dma source(%dma_start3A_246 : memref<10000x128xf32, #tpu.memory_space<hbm>>) target(%arg14 : memref<128x128xf32, #tpu.memory_space<vmem>>) offsets(%dma_start3A_243 : memref<128xi32, #tpu.memory_space<vmem>>) semaphore(%arg20 : memref<!tpu.dma_semaphore, #tpu.memory_space<semaphore_mem>>)
      } else {
      }
      %while3A_226 = arith.constant 0 : i32
      scf.yield %while3A_226 : i32
    }
    %while3A_133 = arith.constant 1 : i32
    %while3A_134 = scf.for %while3A_180 = %while3A_130 to %while3A_126 step %while3A_133 iter_args(%while3A_181 = %while3A_132) -> (i32)  : i32 {
      %mul3A_182 = arith.constant 2 : i32
      %mul3A_183 = arith.muli %mul3A_182, %while3A_180 : i32
      %rem3A_184 = arith.constant 8 : i32
      %rem3A_185 = arith.remsi %mul3A_183, %rem3A_184 : i32
      %add3A_186 = arith.constant 1 : i32
      %add3A_187 = arith.addi %rem3A_185, %add3A_186 : i32
      %parallel_loop3A = arith.constant 0 : i32
      %parallel_loop3A_188 = arith.constant 8 : i32
      %parallel_loop3A_189 = arith.constant 1 : i32
      scf.for %parallel_loop3A_227 = %parallel_loop3A to %parallel_loop3A_188 step %parallel_loop3A_189  : i32 {
        %parallel_loop3A_228 = arith.constant 16 : i32
        %parallel_loop3A_229 = arith.muli %parallel_loop3A_227, %parallel_loop3A_228 : i32
        %parallel_loop3A_230 = arith.index_cast %rem3A_185 : i32 to index
        %parallel_loop3A_231 = arith.index_cast %parallel_loop3A_229 : i32 to index
        %parallel_loop3A_232 = tpu.vector_load %arg11[%parallel_loop3A_230, %parallel_loop3A_231] {strides = array<i32>} : memref<8x128xi32, #tpu.memory_space<vmem>>, vector<16xi32>,
        %parallel_loop3A_233 = arith.constant 16 : i32
        %parallel_loop3A_234 = arith.muli %parallel_loop3A_227, %parallel_loop3A_233 : i32
        %parallel_loop3A_235 = arith.index_cast %rem3A_185 : i32 to index
        %parallel_loop3A_236 = arith.index_cast %parallel_loop3A_234 : i32 to index
        %parallel_loop3A_237 = tpu.vector_load %arg10[%parallel_loop3A_235, %parallel_loop3A_236] {strides = array<i32>} : memref<8x128xi32, #tpu.memory_space<vmem>>, vector<16xi32>,
        %parallel_loop3A_238 = tpu.vector_load_idx %arg9[%parallel_loop3A_232] : memref<10240xf32, #tpu.memory_space<vmem>>[vector<16xi32>], vector<16xf32>,
        %parallel_loop3A_239 = tpu.vector_load_idx %arg9[%parallel_loop3A_237] : memref<10240xf32, #tpu.memory_space<vmem>>[vector<16xi32>], vector<16xf32>,
        %parallel_loop3A_240 = arith.constant 16 : i32
        %parallel_loop3A_241 = arith.muli %parallel_loop3A_227, %parallel_loop3A_240 : i32
        %parallel_loop3A_242 = arith.index_cast %rem3A_185 : i32 to index
        %parallel_loop3A_243 = arith.index_cast %parallel_loop3A_241 : i32 to index
        %parallel_loop3A_244 = tpu.vector_load %arg12[%parallel_loop3A_242, %parallel_loop3A_243] {strides = array<i32>} : memref<8x128xf32, #tpu.memory_space<vmem>>, vector<16xf32>,
        %parallel_loop3A_245 = arith.subf %parallel_loop3A_238, %parallel_loop3A_239 : vector<16xf32>
        %parallel_loop3A_246 = arith.addf %parallel_loop3A_245, %parallel_loop3A_244 : vector<16xf32>
        %parallel_loop3A_247 = math.exp %parallel_loop3A_246 : vector<16xf32>
        %parallel_loop3A_248 = arith.constant 16 : i32
        %parallel_loop3A_249 = arith.muli %parallel_loop3A_227, %parallel_loop3A_248 : i32
        %parallel_loop3A_250 = arith.constant 0 : i32
        %parallel_loop3A_251 = arith.index_cast %parallel_loop3A_250 : i32 to index
        %parallel_loop3A_252 = arith.index_cast %parallel_loop3A_249 : i32 to index
        %parallel_loop3A_253 = tpu.vector_load %arg15[%parallel_loop3A_251, %parallel_loop3A_252] {strides = array<i32>} : memref<1x128xf32, #tpu.memory_space<vmem>>, vector<16xf32>,
        tpu.vector_store %arg15[%parallel_loop3A_251, %parallel_loop3A_252], %parallel_loop3A_247 {strides = array<i32>} : memref<1x128xf32, #tpu.memory_space<vmem>>, vector<16xf32>,
      } {sc.loop_unroll_factor = 2 : i64, sc.parallel_access}
      %run_scoped3A_190 = arith.constant 0 : i32
      "tpu.region"() ({
        %run_scoped3A_227 = tpu.sem_alloc : memref<!tpu.dma_semaphore, #tpu.memory_space<semaphore_mem>>
        %dma_start3A_228 = arith.constant 0 : i32
        %dma_start3A_229 = tpu.memref_slice %arg15[%run_scoped3A_190, %dma_start3A_228] : memref<1x128xf32, #tpu.memory_space<vmem>> -> memref<1x128xf32, #tpu.memory_space<vmem>>
        %dma_start3A_230 = tpu.memref_squeeze %dma_start3A_229 : memref<1x128xf32, #tpu.memory_space<vmem>> -> memref<128xf32, #tpu.memory_space<vmem>>
        %dma_start3A_231 = arith.constant 0 : i32
        %dma_start3A_232 = tpu.memref_slice %arg10[%rem3A_185, %dma_start3A_231] : memref<8x128xi32, #tpu.memory_space<vmem>> -> memref<1x128xi32, #tpu.memory_space<vmem>>
        %dma_start3A_233 = tpu.memref_squeeze %dma_start3A_232 : memref<1x128xi32, #tpu.memory_space<vmem>> -> memref<128xi32, #tpu.memory_space<vmem>>
        %dma_start3A_234 = arith.constant 0 : i32
        %dma_start3A_235 = tpu.memref_slice %arg18[%dma_start3A_234] : memref<10240xf32, #tpu.memory_space<vmem_shared>> -> memref<10240xf32, #tpu.memory_space<vmem_shared>>
        tpu.enqueue_indirect_dma source(%dma_start3A_230 : memref<128xf32, #tpu.memory_space<vmem>>) target(%dma_start3A_235 : memref<10240xf32, #tpu.memory_space<vmem_shared>>) offsets(%dma_start3A_233 : memref<128xi32, #tpu.memory_space<vmem>>) semaphore(%run_scoped3A_227 : memref<!tpu.dma_semaphore, #tpu.memory_space<semaphore_mem>>) {add = true}
        %dma_wait3A_236 = arith.constant 0 : i32
        %dma_wait3A_237 = tpu.memref_slice %arg15[%run_scoped3A_190, %dma_wait3A_236] : memref<1x128xf32, #tpu.memory_space<vmem>> -> memref<1x128xf32, #tpu.memory_space<vmem>>
        %dma_wait3A_238 = tpu.memref_squeeze %dma_wait3A_237 : memref<1x128xf32, #tpu.memory_space<vmem>> -> memref<128xf32, #tpu.memory_space<vmem>>
        %dma_wait3A_239 = arith.constant 0 : i32
        %dma_wait3A_240 = tpu.memref_slice %arg10[%rem3A_185, %dma_wait3A_239] : memref<8x128xi32, #tpu.memory_space<vmem>> -> memref<1x128xi32, #tpu.memory_space<vmem>>
        %dma_wait3A_241 = tpu.memref_squeeze %dma_wait3A_240 : memref<1x128xi32, #tpu.memory_space<vmem>> -> memref<128xi32, #tpu.memory_space<vmem>>
        %dma_wait3A_242 = arith.constant 0 : i32
        %dma_wait3A_243 = tpu.memref_slice %arg18[%dma_wait3A_242] : memref<10240xf32, #tpu.memory_space<vmem_shared>> -> memref<10240xf32, #tpu.memory_space<vmem_shared>>
        tpu.wait_indirect_dma semaphore(%run_scoped3A_227 : memref<!tpu.dma_semaphore, #tpu.memory_space<semaphore_mem>>) src(%dma_wait3A_238 : memref<128xf32, #tpu.memory_space<vmem>>) dst(%dma_wait3A_243 : memref<10240xf32, #tpu.memory_space<vmem_shared>>)
        tpu.yield
      }) : () -> ()
      %dma_wait3A = arith.constant 0 : i32
      %dma_wait3A_191 = tpu.memref_slice %arg11[%rem3A_185, %dma_wait3A] : memref<8x128xi32, #tpu.memory_space<vmem>> -> memref<1x128xi32, #tpu.memory_space<vmem>>
      %dma_wait3A_192 = tpu.memref_squeeze %dma_wait3A_191 : memref<1x128xi32, #tpu.memory_space<vmem>> -> memref<128xi32, #tpu.memory_space<vmem>>
      %dma_wait3A_193 = arith.constant 0 : i32
      %dma_wait3A_194 = arith.constant 0 : i32
      %dma_wait3A_195 = tpu.memref_slice %arg6[%dma_wait3A_193, %dma_wait3A_194] : memref<10000x128xf32, #tpu.memory_space<hbm>> -> memref<10000x128xf32, #tpu.memory_space<hbm>>
      tpu.wait_indirect_dma semaphore(%arg19 : memref<!tpu.dma_semaphore, #tpu.memory_space<semaphore_mem>>) src(%dma_wait3A_195 : memref<10000x128xf32, #tpu.memory_space<hbm>>) dst(%arg13 : memref<128x128xf32, #tpu.memory_space<vmem>>)
      %parallel_loop3A_196 = arith.constant 0 : i32
      %parallel_loop3A_197 = arith.constant 128 : i32
      %parallel_loop3A_198 = arith.constant 1 : i32
      scf.for %parallel_loop3A_227 = %parallel_loop3A_196 to %parallel_loop3A_197 step %parallel_loop3A_198  : i32 {
        %parallel_loop3A_228 = vector.broadcast %parallel_loop3A_227 : i32 to vector<16xi32>
        %parallel_loop3A_229 = tpu.vector_load_idx %arg15[%broadcast_in_dim3A_29, %parallel_loop3A_228] : memref<1x128xf32, #tpu.memory_space<vmem>>[vector<16xi32>, vector<16xi32>], vector<16xf32>,
        %parallel_loop3A_230 = arith.index_cast %parallel_loop3A_227 : i32 to index
        %parallel_loop3A_231 = arith.constant 0 : index
        %parallel_loop3A_232 = tpu.vector_load %arg13[%parallel_loop3A_230, %parallel_loop3A_231] {strides = array<i32>} : memref<128x128xf32, #tpu.memory_space<vmem>>, vector<16xf32>,
        %parallel_loop3A_233 = arith.mulf %parallel_loop3A_232, %parallel_loop3A_229 : vector<16xf32>
        %parallel_loop3A_234 = arith.index_cast %parallel_loop3A_227 : i32 to index
        %parallel_loop3A_235 = arith.constant 0 : index
        %parallel_loop3A_236 = tpu.vector_load %arg13[%parallel_loop3A_234, %parallel_loop3A_235] {strides = array<i32>} : memref<128x128xf32, #tpu.memory_space<vmem>>, vector<16xf32>,
        tpu.vector_store %arg13[%parallel_loop3A_234, %parallel_loop3A_235], %parallel_loop3A_233 {strides = array<i32>} : memref<128x128xf32, #tpu.memory_space<vmem>>, vector<16xf32>,
        %parallel_loop3A_237 = arith.index_cast %parallel_loop3A_227 : i32 to index
        %parallel_loop3A_238 = arith.constant 16 : index
        %parallel_loop3A_239 = tpu.vector_load %arg13[%parallel_loop3A_237, %parallel_loop3A_238] {strides = array<i32>} : memref<128x128xf32, #tpu.memory_space<vmem>>, vector<16xf32>,
        %parallel_loop3A_240 = arith.mulf %parallel_loop3A_239, %parallel_loop3A_229 : vector<16xf32>
        %parallel_loop3A_241 = arith.index_cast %parallel_loop3A_227 : i32 to index
        %parallel_loop3A_242 = arith.constant 16 : index
        %parallel_loop3A_243 = tpu.vector_load %arg13[%parallel_loop3A_241, %parallel_loop3A_242] {strides = array<i32>} : memref<128x128xf32, #tpu.memory_space<vmem>>, vector<16xf32>,
        tpu.vector_store %arg13[%parallel_loop3A_241, %parallel_loop3A_242], %parallel_loop3A_240 {strides = array<i32>} : memref<128x128xf32, #tpu.memory_space<vmem>>, vector<16xf32>,
        %parallel_loop3A_244 = arith.index_cast %parallel_loop3A_227 : i32 to index
        %parallel_loop3A_245 = arith.constant 32 : index
        %parallel_loop3A_246 = tpu.vector_load %arg13[%parallel_loop3A_244, %parallel_loop3A_245] {strides = array<i32>} : memref<128x128xf32, #tpu.memory_space<vmem>>, vector<16xf32>,
        %parallel_loop3A_247 = arith.mulf %parallel_loop3A_246, %parallel_loop3A_229 : vector<16xf32>
        %parallel_loop3A_248 = arith.index_cast %parallel_loop3A_227 : i32 to index
        %parallel_loop3A_249 = arith.constant 32 : index
        %parallel_loop3A_250 = tpu.vector_load %arg13[%parallel_loop3A_248, %parallel_loop3A_249] {strides = array<i32>} : memref<128x128xf32, #tpu.memory_space<vmem>>, vector<16xf32>,
        tpu.vector_store %arg13[%parallel_loop3A_248, %parallel_loop3A_249], %parallel_loop3A_247 {strides = array<i32>} : memref<128x128xf32, #tpu.memory_space<vmem>>, vector<16xf32>,
        %parallel_loop3A_251 = arith.index_cast %parallel_loop3A_227 : i32 to index
        %parallel_loop3A_252 = arith.constant 48 : index
        %parallel_loop3A_253 = tpu.vector_load %arg13[%parallel_loop3A_251, %parallel_loop3A_252] {strides = array<i32>} : memref<128x128xf32, #tpu.memory_space<vmem>>, vector<16xf32>,
        %parallel_loop3A_254 = arith.mulf %parallel_loop3A_253, %parallel_loop3A_229 : vector<16xf32>
        %parallel_loop3A_255 = arith.index_cast %parallel_loop3A_227 : i32 to index
        %parallel_loop3A_256 = arith.constant 48 : index
        %parallel_loop3A_257 = tpu.vector_load %arg13[%parallel_loop3A_255, %parallel_loop3A_256] {strides = array<i32>} : memref<128x128xf32, #tpu.memory_space<vmem>>, vector<16xf32>,
        tpu.vector_store %arg13[%parallel_loop3A_255, %parallel_loop3A_256], %parallel_loop3A_254 {strides = array<i32>} : memref<128x128xf32, #tpu.memory_space<vmem>>, vector<16xf32>,
        %parallel_loop3A_258 = arith.index_cast %parallel_loop3A_227 : i32 to index
        %parallel_loop3A_259 = arith.constant 64 : index
        %parallel_loop3A_260 = tpu.vector_load %arg13[%parallel_loop3A_258, %parallel_loop3A_259] {strides = array<i32>} : memref<128x128xf32, #tpu.memory_space<vmem>>, vector<16xf32>,
        %parallel_loop3A_261 = arith.mulf %parallel_loop3A_260, %parallel_loop3A_229 : vector<16xf32>
        %parallel_loop3A_262 = arith.index_cast %parallel_loop3A_227 : i32 to index
        %parallel_loop3A_263 = arith.constant 64 : index
        %parallel_loop3A_264 = tpu.vector_load %arg13[%parallel_loop3A_262, %parallel_loop3A_263] {strides = array<i32>} : memref<128x128xf32, #tpu.memory_space<vmem>>, vector<16xf32>,
        tpu.vector_store %arg13[%parallel_loop3A_262, %parallel_loop3A_263], %parallel_loop3A_261 {strides = array<i32>} : memref<128x128xf32, #tpu.memory_space<vmem>>, vector<16xf32>,
        %parallel_loop3A_265 = arith.index_cast %parallel_loop3A_227 : i32 to index
        %parallel_loop3A_266 = arith.constant 80 : index
        %parallel_loop3A_267 = tpu.vector_load %arg13[%parallel_loop3A_265, %parallel_loop3A_266] {strides = array<i32>} : memref<128x128xf32, #tpu.memory_space<vmem>>, vector<16xf32>,
        %parallel_loop3A_268 = arith.mulf %parallel_loop3A_267, %parallel_loop3A_229 : vector<16xf32>
        %parallel_loop3A_269 = arith.index_cast %parallel_loop3A_227 : i32 to index
        %parallel_loop3A_270 = arith.constant 80 : index
        %parallel_loop3A_271 = tpu.vector_load %arg13[%parallel_loop3A_269, %parallel_loop3A_270] {strides = array<i32>} : memref<128x128xf32, #tpu.memory_space<vmem>>, vector<16xf32>,
        tpu.vector_store %arg13[%parallel_loop3A_269, %parallel_loop3A_270], %parallel_loop3A_268 {strides = array<i32>} : memref<128x128xf32, #tpu.memory_space<vmem>>, vector<16xf32>,
        %parallel_loop3A_272 = arith.index_cast %parallel_loop3A_227 : i32 to index
        %parallel_loop3A_273 = arith.constant 96 : index
        %parallel_loop3A_274 = tpu.vector_load %arg13[%parallel_loop3A_272, %parallel_loop3A_273] {strides = array<i32>} : memref<128x128xf32, #tpu.memory_space<vmem>>, vector<16xf32>,
        %parallel_loop3A_275 = arith.mulf %parallel_loop3A_274, %parallel_loop3A_229 : vector<16xf32>
        %parallel_loop3A_276 = arith.index_cast %parallel_loop3A_227 : i32 to index
        %parallel_loop3A_277 = arith.constant 96 : index
        %parallel_loop3A_278 = tpu.vector_load %arg13[%parallel_loop3A_276, %parallel_loop3A_277] {strides = array<i32>} : memref<128x128xf32, #tpu.memory_space<vmem>>, vector<16xf32>,
        tpu.vector_store %arg13[%parallel_loop3A_276, %parallel_loop3A_277], %parallel_loop3A_275 {strides = array<i32>} : memref<128x128xf32, #tpu.memory_space<vmem>>, vector<16xf32>,
        %parallel_loop3A_279 = arith.index_cast %parallel_loop3A_227 : i32 to index
        %parallel_loop3A_280 = arith.constant 112 : index
        %parallel_loop3A_281 = tpu.vector_load %arg13[%parallel_loop3A_279, %parallel_loop3A_280] {strides = array<i32>} : memref<128x128xf32, #tpu.memory_space<vmem>>, vector<16xf32>,
        %parallel_loop3A_282 = arith.mulf %parallel_loop3A_281, %parallel_loop3A_229 : vector<16xf32>
        %parallel_loop3A_283 = arith.index_cast %parallel_loop3A_227 : i32 to index
        %parallel_loop3A_284 = arith.constant 112 : index
        %parallel_loop3A_285 = tpu.vector_load %arg13[%parallel_loop3A_283, %parallel_loop3A_284] {strides = array<i32>} : memref<128x128xf32, #tpu.memory_space<vmem>>, vector<16xf32>,
        tpu.vector_store %arg13[%parallel_loop3A_283, %parallel_loop3A_284], %parallel_loop3A_282 {strides = array<i32>} : memref<128x128xf32, #tpu.memory_space<vmem>>, vector<16xf32>,
      } {sc.loop_unroll_factor = 4 : i64, sc.parallel_access}
      "tpu.region"() ({
        %run_scoped3A_227 = tpu.sem_alloc : memref<!tpu.dma_semaphore, #tpu.memory_space<semaphore_mem>>
        %dma_start3A_228 = arith.constant 0 : i32
        %dma_start3A_229 = tpu.memref_slice %arg10[%rem3A_185, %dma_start3A_228] : memref<8x128xi32, #tpu.memory_space<vmem>> -> memref<1x128xi32, #tpu.memory_space<vmem>>
        %dma_start3A_230 = tpu.memref_squeeze %dma_start3A_229 : memref<1x128xi32, #tpu.memory_space<vmem>> -> memref<128xi32, #tpu.memory_space<vmem>>
        %dma_start3A_231 = arith.constant 0 : i32
        %dma_start3A_232 = arith.constant 0 : i32
        %dma_start3A_233 = tpu.memref_slice %arg17[%dma_start3A_231, %dma_start3A_232] : memref<10240x128xf32, #tpu.memory_space<vmem_shared>> -> memref<10240x128xf32, #tpu.memory_space<vmem_shared>>
        tpu.enqueue_indirect_dma source(%arg13 : memref<128x128xf32, #tpu.memory_space<vmem>>) target(%dma_start3A_233 : memref<10240x128xf32, #tpu.memory_space<vmem_shared>>) offsets(%dma_start3A_230 : memref<128xi32, #tpu.memory_space<vmem>>) semaphore(%run_scoped3A_227 : memref<!tpu.dma_semaphore, #tpu.memory_space<semaphore_mem>>) {add = true}
        %dma_wait3A_234 = arith.constant 0 : i32
        %dma_wait3A_235 = tpu.memref_slice %arg10[%rem3A_185, %dma_wait3A_234] : memref<8x128xi32, #tpu.memory_space<vmem>> -> memref<1x128xi32, #tpu.memory_space<vmem>>
        %dma_wait3A_236 = tpu.memref_squeeze %dma_wait3A_235 : memref<1x128xi32, #tpu.memory_space<vmem>> -> memref<128xi32, #tpu.memory_space<vmem>>
        %dma_wait3A_237 = arith.constant 0 : i32
        %dma_wait3A_238 = arith.constant 0 : i32
        %dma_wait3A_239 = tpu.memref_slice %arg17[%dma_wait3A_237, %dma_wait3A_238] : memref<10240x128xf32, #tpu.memory_space<vmem_shared>> -> memref<10240x128xf32, #tpu.memory_space<vmem_shared>>
        tpu.wait_indirect_dma semaphore(%run_scoped3A_227 : memref<!tpu.dma_semaphore, #tpu.memory_space<semaphore_mem>>) src(%arg13 : memref<128x128xf32, #tpu.memory_space<vmem>>) dst(%dma_wait3A_239 : memref<10240x128xf32, #tpu.memory_space<vmem_shared>>)
        tpu.yield
      }) : () -> ()
      %parallel_loop3A_199 = arith.constant 0 : i32
      %parallel_loop3A_200 = arith.constant 8 : i32
      %parallel_loop3A_201 = arith.constant 1 : i32
      scf.for %parallel_loop3A_227 = %parallel_loop3A_199 to %parallel_loop3A_200 step %parallel_loop3A_201  : i32 {
        %parallel_loop3A_228 = arith.constant 16 : i32
        %parallel_loop3A_229 = arith.muli %parallel_loop3A_227, %parallel_loop3A_228 : i32
        %parallel_loop3A_230 = arith.index_cast %add3A_187 : i32 to index
        %parallel_loop3A_231 = arith.index_cast %parallel_loop3A_229 : i32 to index
        %parallel_loop3A_232 = tpu.vector_load %arg11[%parallel_loop3A_230, %parallel_loop3A_231] {strides = array<i32>} : memref<8x128xi32, #tpu.memory_space<vmem>>, vector<16xi32>,
        %parallel_loop3A_233 = arith.constant 16 : i32
        %parallel_loop3A_234 = arith.muli %parallel_loop3A_227, %parallel_loop3A_233 : i32
        %parallel_loop3A_235 = arith.index_cast %add3A_187 : i32 to index
        %parallel_loop3A_236 = arith.index_cast %parallel_loop3A_234 : i32 to index
        %parallel_loop3A_237 = tpu.vector_load %arg10[%parallel_loop3A_235, %parallel_loop3A_236] {strides = array<i32>} : memref<8x128xi32, #tpu.memory_space<vmem>>, vector<16xi32>,
        %parallel_loop3A_238 = tpu.vector_load_idx %arg9[%parallel_loop3A_232] : memref<10240xf32, #tpu.memory_space<vmem>>[vector<16xi32>], vector<16xf32>,
        %parallel_loop3A_239 = tpu.vector_load_idx %arg9[%parallel_loop3A_237] : memref<10240xf32, #tpu.memory_space<vmem>>[vector<16xi32>], vector<16xf32>,
        %parallel_loop3A_240 = arith.constant 16 : i32
        %parallel_loop3A_241 = arith.muli %parallel_loop3A_227, %parallel_loop3A_240 : i32
        %parallel_loop3A_242 = arith.index_cast %add3A_187 : i32 to index
        %parallel_loop3A_243 = arith.index_cast %parallel_loop3A_241 : i32 to index
        %parallel_loop3A_244 = tpu.vector_load %arg12[%parallel_loop3A_242, %parallel_loop3A_243] {strides = array<i32>} : memref<8x128xf32, #tpu.memory_space<vmem>>, vector<16xf32>,
        %parallel_loop3A_245 = arith.subf %parallel_loop3A_238, %parallel_loop3A_239 : vector<16xf32>
        %parallel_loop3A_246 = arith.addf %parallel_loop3A_245, %parallel_loop3A_244 : vector<16xf32>
        %parallel_loop3A_247 = math.exp %parallel_loop3A_246 : vector<16xf32>
        %parallel_loop3A_248 = arith.constant 16 : i32
        %parallel_loop3A_249 = arith.muli %parallel_loop3A_227, %parallel_loop3A_248 : i32
        %parallel_loop3A_250 = arith.constant 0 : i32
        %parallel_loop3A_251 = arith.index_cast %parallel_loop3A_250 : i32 to index
        %parallel_loop3A_252 = arith.index_cast %parallel_loop3A_249 : i32 to index
        %parallel_loop3A_253 = tpu.vector_load %arg16[%parallel_loop3A_251, %parallel_loop3A_252] {strides = array<i32>} : memref<1x128xf32, #tpu.memory_space<vmem>>, vector<16xf32>,
        tpu.vector_store %arg16[%parallel_loop3A_251, %parallel_loop3A_252], %parallel_loop3A_247 {strides = array<i32>} : memref<1x128xf32, #tpu.memory_space<vmem>>, vector<16xf32>,
      } {sc.loop_unroll_factor = 2 : i64, sc.parallel_access}
      %run_scoped3A_202 = arith.constant 0 : i32
      "tpu.region"() ({
        %run_scoped3A_227 = tpu.sem_alloc : memref<!tpu.dma_semaphore, #tpu.memory_space<semaphore_mem>>
        %dma_start3A_228 = arith.constant 0 : i32
        %dma_start3A_229 = tpu.memref_slice %arg16[%run_scoped3A_202, %dma_start3A_228] : memref<1x128xf32, #tpu.memory_space<vmem>> -> memref<1x128xf32, #tpu.memory_space<vmem>>
        %dma_start3A_230 = tpu.memref_squeeze %dma_start3A_229 : memref<1x128xf32, #tpu.memory_space<vmem>> -> memref<128xf32, #tpu.memory_space<vmem>>
        %dma_start3A_231 = arith.constant 0 : i32
        %dma_start3A_232 = tpu.memref_slice %arg10[%add3A_187, %dma_start3A_231] : memref<8x128xi32, #tpu.memory_space<vmem>> -> memref<1x128xi32, #tpu.memory_space<vmem>>
        %dma_start3A_233 = tpu.memref_squeeze %dma_start3A_232 : memref<1x128xi32, #tpu.memory_space<vmem>> -> memref<128xi32, #tpu.memory_space<vmem>>
        %dma_start3A_234 = arith.constant 0 : i32
        %dma_start3A_235 = tpu.memref_slice %arg18[%dma_start3A_234] : memref<10240xf32, #tpu.memory_space<vmem_shared>> -> memref<10240xf32, #tpu.memory_space<vmem_shared>>
        tpu.enqueue_indirect_dma source(%dma_start3A_230 : memref<128xf32, #tpu.memory_space<vmem>>) target(%dma_start3A_235 : memref<10240xf32, #tpu.memory_space<vmem_shared>>) offsets(%dma_start3A_233 : memref<128xi32, #tpu.memory_space<vmem>>) semaphore(%run_scoped3A_227 : memref<!tpu.dma_semaphore, #tpu.memory_space<semaphore_mem>>) {add = true}
        %dma_wait3A_236 = arith.constant 0 : i32
        %dma_wait3A_237 = tpu.memref_slice %arg16[%run_scoped3A_202, %dma_wait3A_236] : memref<1x128xf32, #tpu.memory_space<vmem>> -> memref<1x128xf32, #tpu.memory_space<vmem>>
        %dma_wait3A_238 = tpu.memref_squeeze %dma_wait3A_237 : memref<1x128xf32, #tpu.memory_space<vmem>> -> memref<128xf32, #tpu.memory_space<vmem>>
        %dma_wait3A_239 = arith.constant 0 : i32
        %dma_wait3A_240 = tpu.memref_slice %arg10[%add3A_187, %dma_wait3A_239] : memref<8x128xi32, #tpu.memory_space<vmem>> -> memref<1x128xi32, #tpu.memory_space<vmem>>
        %dma_wait3A_241 = tpu.memref_squeeze %dma_wait3A_240 : memref<1x128xi32, #tpu.memory_space<vmem>> -> memref<128xi32, #tpu.memory_space<vmem>>
        %dma_wait3A_242 = arith.constant 0 : i32
        %dma_wait3A_243 = tpu.memref_slice %arg18[%dma_wait3A_242] : memref<10240xf32, #tpu.memory_space<vmem_shared>> -> memref<10240xf32, #tpu.memory_space<vmem_shared>>
        tpu.wait_indirect_dma semaphore(%run_scoped3A_227 : memref<!tpu.dma_semaphore, #tpu.memory_space<semaphore_mem>>) src(%dma_wait3A_238 : memref<128xf32, #tpu.memory_space<vmem>>) dst(%dma_wait3A_243 : memref<10240xf32, #tpu.memory_space<vmem_shared>>)
        tpu.yield
      }) : () -> ()
      %dma_wait3A_203 = arith.constant 0 : i32
      %dma_wait3A_204 = tpu.memref_slice %arg11[%add3A_187, %dma_wait3A_203] : memref<8x128xi32, #tpu.memory_space<vmem>> -> memref<1x128xi32, #tpu.memory_space<vmem>>
      %dma_wait3A_205 = tpu.memref_squeeze %dma_wait3A_204 : memref<1x128xi32, #tpu.memory_space<vmem>> -> memref<128xi32, #tpu.memory_space<vmem>>
      %dma_wait3A_206 = arith.constant 0 : i32
      %dma_wait3A_207 = arith.constant 0 : i32
      %dma_wait3A_208 = tpu.memref_slice %arg6[%dma_wait3A_206, %dma_wait3A_207] : memref<10000x128xf32, #tpu.memory_space<hbm>> -> memref<10000x128xf32, #tpu.memory_space<hbm>>
      tpu.wait_indirect_dma semaphore(%arg20 : memref<!tpu.dma_semaphore, #tpu.memory_space<semaphore_mem>>) src(%dma_wait3A_208 : memref<10000x128xf32, #tpu.memory_space<hbm>>) dst(%arg14 : memref<128x128xf32, #tpu.memory_space<vmem>>)
      %parallel_loop3A_209 = arith.constant 0 : i32
      %parallel_loop3A_210 = arith.constant 128 : i32
      %parallel_loop3A_211 = arith.constant 1 : i32
      scf.for %parallel_loop3A_227 = %parallel_loop3A_209 to %parallel_loop3A_210 step %parallel_loop3A_211  : i32 {
        %parallel_loop3A_228 = vector.broadcast %parallel_loop3A_227 : i32 to vector<16xi32>
        %parallel_loop3A_229 = tpu.vector_load_idx %arg16[%broadcast_in_dim3A_29, %parallel_loop3A_228] : memref<1x128xf32, #tpu.memory_space<vmem>>[vector<16xi32>, vector<16xi32>], vector<16xf32>,
        %parallel_loop3A_230 = arith.index_cast %parallel_loop3A_227 : i32 to index
        %parallel_loop3A_231 = arith.constant 0 : index
        %parallel_loop3A_232 = tpu.vector_load %arg14[%parallel_loop3A_230, %parallel_loop3A_231] {strides = array<i32>} : memref<128x128xf32, #tpu.memory_space<vmem>>, vector<16xf32>,
        %parallel_loop3A_233 = arith.mulf %parallel_loop3A_232, %parallel_loop3A_229 : vector<16xf32>
        %parallel_loop3A_234 = arith.index_cast %parallel_loop3A_227 : i32 to index
        %parallel_loop3A_235 = arith.constant 0 : index
        %parallel_loop3A_236 = tpu.vector_load %arg14[%parallel_loop3A_234, %parallel_loop3A_235] {strides = array<i32>} : memref<128x128xf32, #tpu.memory_space<vmem>>, vector<16xf32>,
        tpu.vector_store %arg14[%parallel_loop3A_234, %parallel_loop3A_235], %parallel_loop3A_233 {strides = array<i32>} : memref<128x128xf32, #tpu.memory_space<vmem>>, vector<16xf32>,
        %parallel_loop3A_237 = arith.index_cast %parallel_loop3A_227 : i32 to index
        %parallel_loop3A_238 = arith.constant 16 : index
        %parallel_loop3A_239 = tpu.vector_load %arg14[%parallel_loop3A_237, %parallel_loop3A_238] {strides = array<i32>} : memref<128x128xf32, #tpu.memory_space<vmem>>, vector<16xf32>,
        %parallel_loop3A_240 = arith.mulf %parallel_loop3A_239, %parallel_loop3A_229 : vector<16xf32>
        %parallel_loop3A_241 = arith.index_cast %parallel_loop3A_227 : i32 to index
        %parallel_loop3A_242 = arith.constant 16 : index
        %parallel_loop3A_243 = tpu.vector_load %arg14[%parallel_loop3A_241, %parallel_loop3A_242] {strides = array<i32>} : memref<128x128xf32, #tpu.memory_space<vmem>>, vector<16xf32>,
        tpu.vector_store %arg14[%parallel_loop3A_241, %parallel_loop3A_242], %parallel_loop3A_240 {strides = array<i32>} : memref<128x128xf32, #tpu.memory_space<vmem>>, vector<16xf32>,
        %parallel_loop3A_244 = arith.index_cast %parallel_loop3A_227 : i32 to index
        %parallel_loop3A_245 = arith.constant 32 : index
        %parallel_loop3A_246 = tpu.vector_load %arg14[%parallel_loop3A_244, %parallel_loop3A_245] {strides = array<i32>} : memref<128x128xf32, #tpu.memory_space<vmem>>, vector<16xf32>,
        %parallel_loop3A_247 = arith.mulf %parallel_loop3A_246, %parallel_loop3A_229 : vector<16xf32>
        %parallel_loop3A_248 = arith.index_cast %parallel_loop3A_227 : i32 to index
        %parallel_loop3A_249 = arith.constant 32 : index
        %parallel_loop3A_250 = tpu.vector_load %arg14[%parallel_loop3A_248, %parallel_loop3A_249] {strides = array<i32>} : memref<128x128xf32, #tpu.memory_space<vmem>>, vector<16xf32>,
        tpu.vector_store %arg14[%parallel_loop3A_248, %parallel_loop3A_249], %parallel_loop3A_247 {strides = array<i32>} : memref<128x128xf32, #tpu.memory_space<vmem>>, vector<16xf32>,
        %parallel_loop3A_251 = arith.index_cast %parallel_loop3A_227 : i32 to index
        %parallel_loop3A_252 = arith.constant 48 : index
        %parallel_loop3A_253 = tpu.vector_load %arg14[%parallel_loop3A_251, %parallel_loop3A_252] {strides = array<i32>} : memref<128x128xf32, #tpu.memory_space<vmem>>, vector<16xf32>,
        %parallel_loop3A_254 = arith.mulf %parallel_loop3A_253, %parallel_loop3A_229 : vector<16xf32>
        %parallel_loop3A_255 = arith.index_cast %parallel_loop3A_227 : i32 to index
        %parallel_loop3A_256 = arith.constant 48 : index
        %parallel_loop3A_257 = tpu.vector_load %arg14[%parallel_loop3A_255, %parallel_loop3A_256] {strides = array<i32>} : memref<128x128xf32, #tpu.memory_space<vmem>>, vector<16xf32>,
        tpu.vector_store %arg14[%parallel_loop3A_255, %parallel_loop3A_256], %parallel_loop3A_254 {strides = array<i32>} : memref<128x128xf32, #tpu.memory_space<vmem>>, vector<16xf32>,
        %parallel_loop3A_258 = arith.index_cast %parallel_loop3A_227 : i32 to index
        %parallel_loop3A_259 = arith.constant 64 : index
        %parallel_loop3A_260 = tpu.vector_load %arg14[%parallel_loop3A_258, %parallel_loop3A_259] {strides = array<i32>} : memref<128x128xf32, #tpu.memory_space<vmem>>, vector<16xf32>,
        %parallel_loop3A_261 = arith.mulf %parallel_loop3A_260, %parallel_loop3A_229 : vector<16xf32>
        %parallel_loop3A_262 = arith.index_cast %parallel_loop3A_227 : i32 to index
        %parallel_loop3A_263 = arith.constant 64 : index
        %parallel_loop3A_264 = tpu.vector_load %arg14[%parallel_loop3A_262, %parallel_loop3A_263] {strides = array<i32>} : memref<128x128xf32, #tpu.memory_space<vmem>>, vector<16xf32>,
        tpu.vector_store %arg14[%parallel_loop3A_262, %parallel_loop3A_263], %parallel_loop3A_261 {strides = array<i32>} : memref<128x128xf32, #tpu.memory_space<vmem>>, vector<16xf32>,
        %parallel_loop3A_265 = arith.index_cast %parallel_loop3A_227 : i32 to index
        %parallel_loop3A_266 = arith.constant 80 : index
        %parallel_loop3A_267 = tpu.vector_load %arg14[%parallel_loop3A_265, %parallel_loop3A_266] {strides = array<i32>} : memref<128x128xf32, #tpu.memory_space<vmem>>, vector<16xf32>,
        %parallel_loop3A_268 = arith.mulf %parallel_loop3A_267, %parallel_loop3A_229 : vector<16xf32>
        %parallel_loop3A_269 = arith.index_cast %parallel_loop3A_227 : i32 to index
        %parallel_loop3A_270 = arith.constant 80 : index
        %parallel_loop3A_271 = tpu.vector_load %arg14[%parallel_loop3A_269, %parallel_loop3A_270] {strides = array<i32>} : memref<128x128xf32, #tpu.memory_space<vmem>>, vector<16xf32>,
        tpu.vector_store %arg14[%parallel_loop3A_269, %parallel_loop3A_270], %parallel_loop3A_268 {strides = array<i32>} : memref<128x128xf32, #tpu.memory_space<vmem>>, vector<16xf32>,
        %parallel_loop3A_272 = arith.index_cast %parallel_loop3A_227 : i32 to index
        %parallel_loop3A_273 = arith.constant 96 : index
        %parallel_loop3A_274 = tpu.vector_load %arg14[%parallel_loop3A_272, %parallel_loop3A_273] {strides = array<i32>} : memref<128x128xf32, #tpu.memory_space<vmem>>, vector<16xf32>,
        %parallel_loop3A_275 = arith.mulf %parallel_loop3A_274, %parallel_loop3A_229 : vector<16xf32>
        %parallel_loop3A_276 = arith.index_cast %parallel_loop3A_227 : i32 to index
        %parallel_loop3A_277 = arith.constant 96 : index
        %parallel_loop3A_278 = tpu.vector_load %arg14[%parallel_loop3A_276, %parallel_loop3A_277] {strides = array<i32>} : memref<128x128xf32, #tpu.memory_space<vmem>>, vector<16xf32>,
        tpu.vector_store %arg14[%parallel_loop3A_276, %parallel_loop3A_277], %parallel_loop3A_275 {strides = array<i32>} : memref<128x128xf32, #tpu.memory_space<vmem>>, vector<16xf32>,
        %parallel_loop3A_279 = arith.index_cast %parallel_loop3A_227 : i32 to index
        %parallel_loop3A_280 = arith.constant 112 : index
        %parallel_loop3A_281 = tpu.vector_load %arg14[%parallel_loop3A_279, %parallel_loop3A_280] {strides = array<i32>} : memref<128x128xf32, #tpu.memory_space<vmem>>, vector<16xf32>,
        %parallel_loop3A_282 = arith.mulf %parallel_loop3A_281, %parallel_loop3A_229 : vector<16xf32>
        %parallel_loop3A_283 = arith.index_cast %parallel_loop3A_227 : i32 to index
        %parallel_loop3A_284 = arith.constant 112 : index
        %parallel_loop3A_285 = tpu.vector_load %arg14[%parallel_loop3A_283, %parallel_loop3A_284] {strides = array<i32>} : memref<128x128xf32, #tpu.memory_space<vmem>>, vector<16xf32>,
        tpu.vector_store %arg14[%parallel_loop3A_283, %parallel_loop3A_284], %parallel_loop3A_282 {strides = array<i32>} : memref<128x128xf32, #tpu.memory_space<vmem>>, vector<16xf32>,
      } {sc.loop_unroll_factor = 4 : i64, sc.parallel_access}
      "tpu.region"() ({
        %run_scoped3A_227 = tpu.sem_alloc : memref<!tpu.dma_semaphore, #tpu.memory_space<semaphore_mem>>
        %dma_start3A_228 = arith.constant 0 : i32
        %dma_start3A_229 = tpu.memref_slice %arg10[%add3A_187, %dma_start3A_228] : memref<8x128xi32, #tpu.memory_space<vmem>> -> memref<1x128xi32, #tpu.memory_space<vmem>>
        %dma_start3A_230 = tpu.memref_squeeze %dma_start3A_229 : memref<1x128xi32, #tpu.memory_space<vmem>> -> memref<128xi32, #tpu.memory_space<vmem>>
        %dma_start3A_231 = arith.constant 0 : i32
        %dma_start3A_232 = arith.constant 0 : i32
        %dma_start3A_233 = tpu.memref_slice %arg17[%dma_start3A_231, %dma_start3A_232] : memref<10240x128xf32, #tpu.memory_space<vmem_shared>> -> memref<10240x128xf32, #tpu.memory_space<vmem_shared>>
        tpu.enqueue_indirect_dma source(%arg14 : memref<128x128xf32, #tpu.memory_space<vmem>>) target(%dma_start3A_233 : memref<10240x128xf32, #tpu.memory_space<vmem_shared>>) offsets(%dma_start3A_230 : memref<128xi32, #tpu.memory_space<vmem>>) semaphore(%run_scoped3A_227 : memref<!tpu.dma_semaphore, #tpu.memory_space<semaphore_mem>>) {add = true}
        %dma_wait3A_234 = arith.constant 0 : i32
        %dma_wait3A_235 = tpu.memref_slice %arg10[%add3A_187, %dma_wait3A_234] : memref<8x128xi32, #tpu.memory_space<vmem>> -> memref<1x128xi32, #tpu.memory_space<vmem>>
        %dma_wait3A_236 = tpu.memref_squeeze %dma_wait3A_235 : memref<1x128xi32, #tpu.memory_space<vmem>> -> memref<128xi32, #tpu.memory_space<vmem>>
        %dma_wait3A_237 = arith.constant 0 : i32
        %dma_wait3A_238 = arith.constant 0 : i32
        %dma_wait3A_239 = tpu.memref_slice %arg17[%dma_wait3A_237, %dma_wait3A_238] : memref<10240x128xf32, #tpu.memory_space<vmem_shared>> -> memref<10240x128xf32, #tpu.memory_space<vmem_shared>>
        tpu.wait_indirect_dma semaphore(%run_scoped3A_227 : memref<!tpu.dma_semaphore, #tpu.memory_space<semaphore_mem>>) src(%arg14 : memref<128x128xf32, #tpu.memory_space<vmem>>) dst(%dma_wait3A_239 : memref<10240x128xf32, #tpu.memory_space<vmem_shared>>)
        tpu.yield
      }) : () -> ()
      %rem3A_212 = arith.constant 4 : i32
      %rem3A_213 = arith.remsi %while3A_180, %rem3A_212 : i32
      %eq3A_214 = arith.constant 3 : i32
      %eq3A_215 = arith.cmpi eq, %rem3A_213, %eq3A_214 : i32
      %sub3A_216 = arith.constant 1 : i32
      %sub3A_217 = arith.subi %select_n3A_26, %sub3A_216 : i32
      %lt3A = arith.cmpi slt, %while3A_180, %sub3A_217 : i32
      %and3A_218 = arith.andi %eq3A_215, %lt3A : i1
      %convert_element_type3A = arith.extui %and3A_218 : i1 to i32
      %cond3A = arith.constant 0 : i32
      %cond3A_219 = arith.cmpi ne, %convert_element_type3A, %cond3A : i32
      scf.if %cond3A_219 {
        %add3A_227 = arith.constant 1 : i32
        %add3A_228 = arith.addi %while3A_180, %add3A_227 : i32
        %div3A_229 = arith.constant 4 : i32
        %div3A_230 = arith.divsi %add3A_228, %div3A_229 : i32
        %mul3A_231 = arith.constant 8 : i32
        %mul3A_232 = arith.muli %div3A_230, %mul3A_231 : i32
        %add3A_233 = arith.addi %multiple_of3A, %mul3A_232 : i32
        "tpu.region"() ({
          %run_scoped3A_234 = tpu.sem_alloc : memref<!tpu.dma_semaphore, #tpu.memory_space<semaphore_mem>>
          %dma_start3A_235 = arith.constant 0 : i32
          %dma_start3A_236 = tpu.memref_slice %arg2[%add3A_233, %dma_start3A_235] : memref<2560x128xi32, #tpu.memory_space<hbm>> -> memref<8x128xi32, #tpu.memory_space<hbm>>
          %dma_start3A_237 = arith.constant 0 : i32
          %dma_start3A_238 = tpu.memref_slice %arg2[%add3A_233, %dma_start3A_237] : memref<2560x128xi32, #tpu.memory_space<hbm>> -> memref<8x128xi32, #tpu.memory_space<hbm>>
          tpu.enqueue_dma source(%dma_start3A_238 : memref<8x128xi32, #tpu.memory_space<hbm>>) target(%arg10 : memref<8x128xi32, #tpu.memory_space<vmem>>) target_semaphore(%run_scoped3A_234 : memref<!tpu.dma_semaphore, #tpu.memory_space<semaphore_mem>>)
          %dma_wait3A_239 = arith.constant 0 : i32
          %dma_wait3A_240 = tpu.memref_slice %arg2[%add3A_233, %dma_wait3A_239] : memref<2560x128xi32, #tpu.memory_space<hbm>> -> memref<8x128xi32, #tpu.memory_space<hbm>>
          %dma_wait3A_241 = arith.constant 0 : i32
          %dma_wait3A_242 = tpu.memref_slice %arg2[%add3A_233, %dma_wait3A_241] : memref<2560x128xi32, #tpu.memory_space<hbm>> -> memref<8x128xi32, #tpu.memory_space<hbm>>
          tpu.wait_dma2 semaphore(%run_scoped3A_234 : memref<!tpu.dma_semaphore, #tpu.memory_space<semaphore_mem>>) src(%dma_wait3A_242 : memref<8x128xi32, #tpu.memory_space<hbm>>) dst(%arg10 : memref<8x128xi32, #tpu.memory_space<vmem>>)
          tpu.yield
        }) : () -> ()
        "tpu.region"() ({
          %run_scoped3A_234 = tpu.sem_alloc : memref<!tpu.dma_semaphore, #tpu.memory_space<semaphore_mem>>
          %dma_start3A_235 = arith.constant 0 : i32
          %dma_start3A_236 = tpu.memref_slice %arg3[%add3A_233, %dma_start3A_235] : memref<2560x128xi32, #tpu.memory_space<hbm>> -> memref<8x128xi32, #tpu.memory_space<hbm>>
          %dma_start3A_237 = arith.constant 0 : i32
          %dma_start3A_238 = tpu.memref_slice %arg3[%add3A_233, %dma_start3A_237] : memref<2560x128xi32, #tpu.memory_space<hbm>> -> memref<8x128xi32, #tpu.memory_space<hbm>>
          tpu.enqueue_dma source(%dma_start3A_238 : memref<8x128xi32, #tpu.memory_space<hbm>>) target(%arg11 : memref<8x128xi32, #tpu.memory_space<vmem>>) target_semaphore(%run_scoped3A_234 : memref<!tpu.dma_semaphore, #tpu.memory_space<semaphore_mem>>)
          %dma_wait3A_239 = arith.constant 0 : i32
          %dma_wait3A_240 = tpu.memref_slice %arg3[%add3A_233, %dma_wait3A_239] : memref<2560x128xi32, #tpu.memory_space<hbm>> -> memref<8x128xi32, #tpu.memory_space<hbm>>
          %dma_wait3A_241 = arith.constant 0 : i32
          %dma_wait3A_242 = tpu.memref_slice %arg3[%add3A_233, %dma_wait3A_241] : memref<2560x128xi32, #tpu.memory_space<hbm>> -> memref<8x128xi32, #tpu.memory_space<hbm>>
          tpu.wait_dma2 semaphore(%run_scoped3A_234 : memref<!tpu.dma_semaphore, #tpu.memory_space<semaphore_mem>>) src(%dma_wait3A_242 : memref<8x128xi32, #tpu.memory_space<hbm>>) dst(%arg11 : memref<8x128xi32, #tpu.memory_space<vmem>>)
          tpu.yield
        }) : () -> ()
        "tpu.region"() ({
          %run_scoped3A_234 = tpu.sem_alloc : memref<!tpu.dma_semaphore, #tpu.memory_space<semaphore_mem>>
          %dma_start3A_235 = arith.constant 0 : i32
          %dma_start3A_236 = tpu.memref_slice %arg4[%add3A_233, %dma_start3A_235] : memref<2560x128xf32, #tpu.memory_space<hbm>> -> memref<8x128xf32, #tpu.memory_space<hbm>>
          %dma_start3A_237 = arith.constant 0 : i32
          %dma_start3A_238 = tpu.memref_slice %arg4[%add3A_233, %dma_start3A_237] : memref<2560x128xf32, #tpu.memory_space<hbm>> -> memref<8x128xf32, #tpu.memory_space<hbm>>
          tpu.enqueue_dma source(%dma_start3A_238 : memref<8x128xf32, #tpu.memory_space<hbm>>) target(%arg12 : memref<8x128xf32, #tpu.memory_space<vmem>>) target_semaphore(%run_scoped3A_234 : memref<!tpu.dma_semaphore, #tpu.memory_space<semaphore_mem>>)
          %dma_wait3A_239 = arith.constant 0 : i32
          %dma_wait3A_240 = tpu.memref_slice %arg4[%add3A_233, %dma_wait3A_239] : memref<2560x128xf32, #tpu.memory_space<hbm>> -> memref<8x128xf32, #tpu.memory_space<hbm>>
          %dma_wait3A_241 = arith.constant 0 : i32
          %dma_wait3A_242 = tpu.memref_slice %arg4[%add3A_233, %dma_wait3A_241] : memref<2560x128xf32, #tpu.memory_space<hbm>> -> memref<8x128xf32, #tpu.memory_space<hbm>>
          tpu.wait_dma2 semaphore(%run_scoped3A_234 : memref<!tpu.dma_semaphore, #tpu.memory_space<semaphore_mem>>) src(%dma_wait3A_242 : memref<8x128xf32, #tpu.memory_space<hbm>>) dst(%arg12 : memref<8x128xf32, #tpu.memory_space<vmem>>)
          tpu.yield
        }) : () -> ()
      } else {
      }
      %sub3A_220 = arith.constant 1 : i32
      %sub3A_221 = arith.subi %select_n3A_26, %sub3A_220 : i32
      %lt3A_222 = arith.cmpi slt, %while3A_180, %sub3A_221 : i32
      %convert_element_type3A_223 = arith.extui %lt3A_222 : i1 to i32
      %cond3A_224 = arith.constant 0 : i32
      %cond3A_225 = arith.cmpi ne, %convert_element_type3A_223, %cond3A_224 : i32
      scf.if %cond3A_225 {
        %mul3A_227 = arith.constant 2 : i32
        %mul3A_228 = arith.muli %mul3A_227, %while3A_180 : i32
        %add3A_229 = arith.constant 2 : i32
        %add3A_230 = arith.addi %mul3A_228, %add3A_229 : i32
        %rem3A_231 = arith.constant 8 : i32
        %rem3A_232 = arith.remsi %add3A_230, %rem3A_231 : i32
        %dma_start3A_233 = arith.constant 0 : i32
        %dma_start3A_234 = tpu.memref_slice %arg11[%rem3A_232, %dma_start3A_233] : memref<8x128xi32, #tpu.memory_space<vmem>> -> memref<1x128xi32, #tpu.memory_space<vmem>>
        %dma_start3A_235 = tpu.memref_squeeze %dma_start3A_234 : memref<1x128xi32, #tpu.memory_space<vmem>> -> memref<128xi32, #tpu.memory_space<vmem>>
        %dma_start3A_236 = arith.constant 0 : i32
        %dma_start3A_237 = arith.constant 0 : i32
        %dma_start3A_238 = tpu.memref_slice %arg6[%dma_start3A_236, %dma_start3A_237] : memref<10000x128xf32, #tpu.memory_space<hbm>> -> memref<10000x128xf32, #tpu.memory_space<hbm>>
        tpu.enqueue_indirect_dma source(%dma_start3A_238 : memref<10000x128xf32, #tpu.memory_space<hbm>>) target(%arg13 : memref<128x128xf32, #tpu.memory_space<vmem>>) offsets(%dma_start3A_235 : memref<128xi32, #tpu.memory_space<vmem>>) semaphore(%arg19 : memref<!tpu.dma_semaphore, #tpu.memory_space<semaphore_mem>>)
        %add3A_239 = arith.constant 1 : i32
        %add3A_240 = arith.addi %rem3A_232, %add3A_239 : i32
        %dma_start3A_241 = arith.constant 0 : i32
        %dma_start3A_242 = tpu.memref_slice %arg11[%add3A_240, %dma_start3A_241] : memref<8x128xi32, #tpu.memory_space<vmem>> -> memref<1x128xi32, #tpu.memory_space<vmem>>
        %dma_start3A_243 = tpu.memref_squeeze %dma_start3A_242 : memref<1x128xi32, #tpu.memory_space<vmem>> -> memref<128xi32, #tpu.memory_space<vmem>>
        %dma_start3A_244 = arith.constant 0 : i32
        %dma_start3A_245 = arith.constant 0 : i32
        %dma_start3A_246 = tpu.memref_slice %arg6[%dma_start3A_244, %dma_start3A_245] : memref<10000x128xf32, #tpu.memory_space<hbm>> -> memref<10000x128xf32, #tpu.memory_space<hbm>>
        tpu.enqueue_indirect_dma source(%dma_start3A_246 : memref<10000x128xf32, #tpu.memory_space<hbm>>) target(%arg14 : memref<128x128xf32, #tpu.memory_space<vmem>>) offsets(%dma_start3A_243 : memref<128xi32, #tpu.memory_space<vmem>>) semaphore(%arg20 : memref<!tpu.dma_semaphore, #tpu.memory_space<semaphore_mem>>)
      } else {
      }
      %while3A_226 = arith.constant 0 : i32
      scf.yield %while3A_226 : i32
    }
    %barrier3A_135 = arith.constant 0 : index
    tpu.barrier barrier_id(%barrier3A_135)
    %mul3A_136 = arith.constant 640 : i32
    %mul3A_137 = arith.muli %arg1, %mul3A_136 : i32
    %add3A_138 = arith.constant 0 : i32
    %add3A_139 = arith.addi %mul3A_137, %add3A_138 : i32
    %mul3A_140 = arith.constant 640 : i32
    %mul3A_141 = arith.muli %arg1, %mul3A_140 : i32
    %add3A_142 = arith.constant 0 : i32
    %add3A_143 = arith.addi %mul3A_141, %add3A_142 : i32
    "tpu.region"() ({
      %run_scoped3A_180 = tpu.sem_alloc : memref<!tpu.dma_semaphore, #tpu.memory_space<semaphore_mem>>
      %dma_start3A_181 = arith.constant 0 : i32
      %dma_start3A_182 = tpu.memref_slice %arg7[%arg0, %add3A_143, %dma_start3A_181] : memref<2x10240x128xf32, #tpu.memory_space<hbm>> -> memref<1x128x128xf32, #tpu.memory_space<hbm>>
      %dma_start3A_183 = tpu.memref_squeeze %dma_start3A_182 : memref<1x128x128xf32, #tpu.memory_space<hbm>> -> memref<128x128xf32, #tpu.memory_space<hbm>>
      %dma_start3A_184 = arith.constant 0 : i32
      %dma_start3A_185 = tpu.memref_slice %arg17[%add3A_139, %dma_start3A_184] : memref<10240x128xf32, #tpu.memory_space<vmem_shared>> -> memref<128x128xf32, #tpu.memory_space<vmem_shared>>
      tpu.enqueue_dma source(%dma_start3A_185 : memref<128x128xf32, #tpu.memory_space<vmem_shared>>) target(%dma_start3A_183 : memref<128x128xf32, #tpu.memory_space<hbm>>) target_semaphore(%run_scoped3A_180 : memref<!tpu.dma_semaphore, #tpu.memory_space<semaphore_mem>>)
      %dma_wait3A = arith.constant 0 : i32
      %dma_wait3A_186 = tpu.memref_slice %arg7[%arg0, %add3A_143, %dma_wait3A] : memref<2x10240x128xf32, #tpu.memory_space<hbm>> -> memref<1x128x128xf32, #tpu.memory_space<hbm>>
      %dma_wait3A_187 = tpu.memref_squeeze %dma_wait3A_186 : memref<1x128x128xf32, #tpu.memory_space<hbm>> -> memref<128x128xf32, #tpu.memory_space<hbm>>
      %dma_wait3A_188 = arith.constant 0 : i32
      %dma_wait3A_189 = tpu.memref_slice %arg17[%add3A_139, %dma_wait3A_188] : memref<10240x128xf32, #tpu.memory_space<vmem_shared>> -> memref<128x128xf32, #tpu.memory_space<vmem_shared>>
      tpu.wait_dma2 semaphore(%run_scoped3A_180 : memref<!tpu.dma_semaphore, #tpu.memory_space<semaphore_mem>>) src(%dma_wait3A_189 : memref<128x128xf32, #tpu.memory_space<vmem_shared>>) dst(%dma_wait3A_187 : memref<128x128xf32, #tpu.memory_space<hbm>>)
      tpu.yield
    }) : () -> ()
    %mul3A_144 = arith.constant 640 : i32
    %mul3A_145 = arith.muli %arg1, %mul3A_144 : i32
    %add3A_146 = arith.constant 128 : i32
    %add3A_147 = arith.addi %mul3A_145, %add3A_146 : i32
    %mul3A_148 = arith.constant 640 : i32
    %mul3A_149 = arith.muli %arg1, %mul3A_148 : i32
    %add3A_150 = arith.constant 128 : i32
    %add3A_151 = arith.addi %mul3A_149, %add3A_150 : i32
    "tpu.region"() ({
      %run_scoped3A_180 = tpu.sem_alloc : memref<!tpu.dma_semaphore, #tpu.memory_space<semaphore_mem>>
      %dma_start3A_181 = arith.constant 0 : i32
      %dma_start3A_182 = tpu.memref_slice %arg7[%arg0, %add3A_151, %dma_start3A_181] : memref<2x10240x128xf32, #tpu.memory_space<hbm>> -> memref<1x128x128xf32, #tpu.memory_space<hbm>>
      %dma_start3A_183 = tpu.memref_squeeze %dma_start3A_182 : memref<1x128x128xf32, #tpu.memory_space<hbm>> -> memref<128x128xf32, #tpu.memory_space<hbm>>
      %dma_start3A_184 = arith.constant 0 : i32
      %dma_start3A_185 = tpu.memref_slice %arg17[%add3A_147, %dma_start3A_184] : memref<10240x128xf32, #tpu.memory_space<vmem_shared>> -> memref<128x128xf32, #tpu.memory_space<vmem_shared>>
      tpu.enqueue_dma source(%dma_start3A_185 : memref<128x128xf32, #tpu.memory_space<vmem_shared>>) target(%dma_start3A_183 : memref<128x128xf32, #tpu.memory_space<hbm>>) target_semaphore(%run_scoped3A_180 : memref<!tpu.dma_semaphore, #tpu.memory_space<semaphore_mem>>)
      %dma_wait3A = arith.constant 0 : i32
      %dma_wait3A_186 = tpu.memref_slice %arg7[%arg0, %add3A_151, %dma_wait3A] : memref<2x10240x128xf32, #tpu.memory_space<hbm>> -> memref<1x128x128xf32, #tpu.memory_space<hbm>>
      %dma_wait3A_187 = tpu.memref_squeeze %dma_wait3A_186 : memref<1x128x128xf32, #tpu.memory_space<hbm>> -> memref<128x128xf32, #tpu.memory_space<hbm>>
      %dma_wait3A_188 = arith.constant 0 : i32
      %dma_wait3A_189 = tpu.memref_slice %arg17[%add3A_147, %dma_wait3A_188] : memref<10240x128xf32, #tpu.memory_space<vmem_shared>> -> memref<128x128xf32, #tpu.memory_space<vmem_shared>>
      tpu.wait_dma2 semaphore(%run_scoped3A_180 : memref<!tpu.dma_semaphore, #tpu.memory_space<semaphore_mem>>) src(%dma_wait3A_189 : memref<128x128xf32, #tpu.memory_space<vmem_shared>>) dst(%dma_wait3A_187 : memref<128x128xf32, #tpu.memory_space<hbm>>)
      tpu.yield
    }) : () -> ()
    %mul3A_152 = arith.constant 640 : i32
    %mul3A_153 = arith.muli %arg1, %mul3A_152 : i32
    %add3A_154 = arith.constant 256 : i32
    %add3A_155 = arith.addi %mul3A_153, %add3A_154 : i32
    %mul3A_156 = arith.constant 640 : i32
    %mul3A_157 = arith.muli %arg1, %mul3A_156 : i32
    %add3A_158 = arith.constant 256 : i32
    %add3A_159 = arith.addi %mul3A_157, %add3A_158 : i32
    "tpu.region"() ({
      %run_scoped3A_180 = tpu.sem_alloc : memref<!tpu.dma_semaphore, #tpu.memory_space<semaphore_mem>>
      %dma_start3A_181 = arith.constant 0 : i32
      %dma_start3A_182 = tpu.memref_slice %arg7[%arg0, %add3A_159, %dma_start3A_181] : memref<2x10240x128xf32, #tpu.memory_space<hbm>> -> memref<1x128x128xf32, #tpu.memory_space<hbm>>
      %dma_start3A_183 = tpu.memref_squeeze %dma_start3A_182 : memref<1x128x128xf32, #tpu.memory_space<hbm>> -> memref<128x128xf32, #tpu.memory_space<hbm>>
      %dma_start3A_184 = arith.constant 0 : i32
      %dma_start3A_185 = tpu.memref_slice %arg17[%add3A_155, %dma_start3A_184] : memref<10240x128xf32, #tpu.memory_space<vmem_shared>> -> memref<128x128xf32, #tpu.memory_space<vmem_shared>>
      tpu.enqueue_dma source(%dma_start3A_185 : memref<128x128xf32, #tpu.memory_space<vmem_shared>>) target(%dma_start3A_183 : memref<128x128xf32, #tpu.memory_space<hbm>>) target_semaphore(%run_scoped3A_180 : memref<!tpu.dma_semaphore, #tpu.memory_space<semaphore_mem>>)
      %dma_wait3A = arith.constant 0 : i32
      %dma_wait3A_186 = tpu.memref_slice %arg7[%arg0, %add3A_159, %dma_wait3A] : memref<2x10240x128xf32, #tpu.memory_space<hbm>> -> memref<1x128x128xf32, #tpu.memory_space<hbm>>
      %dma_wait3A_187 = tpu.memref_squeeze %dma_wait3A_186 : memref<1x128x128xf32, #tpu.memory_space<hbm>> -> memref<128x128xf32, #tpu.memory_space<hbm>>
      %dma_wait3A_188 = arith.constant 0 : i32
      %dma_wait3A_189 = tpu.memref_slice %arg17[%add3A_155, %dma_wait3A_188] : memref<10240x128xf32, #tpu.memory_space<vmem_shared>> -> memref<128x128xf32, #tpu.memory_space<vmem_shared>>
      tpu.wait_dma2 semaphore(%run_scoped3A_180 : memref<!tpu.dma_semaphore, #tpu.memory_space<semaphore_mem>>) src(%dma_wait3A_189 : memref<128x128xf32, #tpu.memory_space<vmem_shared>>) dst(%dma_wait3A_187 : memref<128x128xf32, #tpu.memory_space<hbm>>)
      tpu.yield
    }) : () -> ()
    %mul3A_160 = arith.constant 640 : i32
    %mul3A_161 = arith.muli %arg1, %mul3A_160 : i32
    %add3A_162 = arith.constant 384 : i32
    %add3A_163 = arith.addi %mul3A_161, %add3A_162 : i32
    %mul3A_164 = arith.constant 640 : i32
    %mul3A_165 = arith.muli %arg1, %mul3A_164 : i32
    %add3A_166 = arith.constant 384 : i32
    %add3A_167 = arith.addi %mul3A_165, %add3A_166 : i32
    "tpu.region"() ({
      %run_scoped3A_180 = tpu.sem_alloc : memref<!tpu.dma_semaphore, #tpu.memory_space<semaphore_mem>>
      %dma_start3A_181 = arith.constant 0 : i32
      %dma_start3A_182 = tpu.memref_slice %arg7[%arg0, %add3A_167, %dma_start3A_181] : memref<2x10240x128xf32, #tpu.memory_space<hbm>> -> memref<1x128x128xf32, #tpu.memory_space<hbm>>
      %dma_start3A_183 = tpu.memref_squeeze %dma_start3A_182 : memref<1x128x128xf32, #tpu.memory_space<hbm>> -> memref<128x128xf32, #tpu.memory_space<hbm>>
      %dma_start3A_184 = arith.constant 0 : i32
      %dma_start3A_185 = tpu.memref_slice %arg17[%add3A_163, %dma_start3A_184] : memref<10240x128xf32, #tpu.memory_space<vmem_shared>> -> memref<128x128xf32, #tpu.memory_space<vmem_shared>>
      tpu.enqueue_dma source(%dma_start3A_185 : memref<128x128xf32, #tpu.memory_space<vmem_shared>>) target(%dma_start3A_183 : memref<128x128xf32, #tpu.memory_space<hbm>>) target_semaphore(%run_scoped3A_180 : memref<!tpu.dma_semaphore, #tpu.memory_space<semaphore_mem>>)
      %dma_wait3A = arith.constant 0 : i32
      %dma_wait3A_186 = tpu.memref_slice %arg7[%arg0, %add3A_167, %dma_wait3A] : memref<2x10240x128xf32, #tpu.memory_space<hbm>> -> memref<1x128x128xf32, #tpu.memory_space<hbm>>
      %dma_wait3A_187 = tpu.memref_squeeze %dma_wait3A_186 : memref<1x128x128xf32, #tpu.memory_space<hbm>> -> memref<128x128xf32, #tpu.memory_space<hbm>>
      %dma_wait3A_188 = arith.constant 0 : i32
      %dma_wait3A_189 = tpu.memref_slice %arg17[%add3A_163, %dma_wait3A_188] : memref<10240x128xf32, #tpu.memory_space<vmem_shared>> -> memref<128x128xf32, #tpu.memory_space<vmem_shared>>
      tpu.wait_dma2 semaphore(%run_scoped3A_180 : memref<!tpu.dma_semaphore, #tpu.memory_space<semaphore_mem>>) src(%dma_wait3A_189 : memref<128x128xf32, #tpu.memory_space<vmem_shared>>) dst(%dma_wait3A_187 : memref<128x128xf32, #tpu.memory_space<hbm>>)
      tpu.yield
    }) : () -> ()
    %mul3A_168 = arith.constant 640 : i32
    %mul3A_169 = arith.muli %arg1, %mul3A_168 : i32
    %add3A_170 = arith.constant 512 : i32
    %add3A_171 = arith.addi %mul3A_169, %add3A_170 : i32
    %mul3A_172 = arith.constant 640 : i32
    %mul3A_173 = arith.muli %arg1, %mul3A_172 : i32
    %add3A_174 = arith.constant 512 : i32
    %add3A_175 = arith.addi %mul3A_173, %add3A_174 : i32
    "tpu.region"() ({
      %run_scoped3A_180 = tpu.sem_alloc : memref<!tpu.dma_semaphore, #tpu.memory_space<semaphore_mem>>
      %dma_start3A_181 = arith.constant 0 : i32
      %dma_start3A_182 = tpu.memref_slice %arg7[%arg0, %add3A_175, %dma_start3A_181] : memref<2x10240x128xf32, #tpu.memory_space<hbm>> -> memref<1x128x128xf32, #tpu.memory_space<hbm>>
      %dma_start3A_183 = tpu.memref_squeeze %dma_start3A_182 : memref<1x128x128xf32, #tpu.memory_space<hbm>> -> memref<128x128xf32, #tpu.memory_space<hbm>>
      %dma_start3A_184 = arith.constant 0 : i32
      %dma_start3A_185 = tpu.memref_slice %arg17[%add3A_171, %dma_start3A_184] : memref<10240x128xf32, #tpu.memory_space<vmem_shared>> -> memref<128x128xf32, #tpu.memory_space<vmem_shared>>
      tpu.enqueue_dma source(%dma_start3A_185 : memref<128x128xf32, #tpu.memory_space<vmem_shared>>) target(%dma_start3A_183 : memref<128x128xf32, #tpu.memory_space<hbm>>) target_semaphore(%run_scoped3A_180 : memref<!tpu.dma_semaphore, #tpu.memory_space<semaphore_mem>>)
      %dma_wait3A = arith.constant 0 : i32
      %dma_wait3A_186 = tpu.memref_slice %arg7[%arg0, %add3A_175, %dma_wait3A] : memref<2x10240x128xf32, #tpu.memory_space<hbm>> -> memref<1x128x128xf32, #tpu.memory_space<hbm>>
      %dma_wait3A_187 = tpu.memref_squeeze %dma_wait3A_186 : memref<1x128x128xf32, #tpu.memory_space<hbm>> -> memref<128x128xf32, #tpu.memory_space<hbm>>
      %dma_wait3A_188 = arith.constant 0 : i32
      %dma_wait3A_189 = tpu.memref_slice %arg17[%add3A_171, %dma_wait3A_188] : memref<10240x128xf32, #tpu.memory_space<vmem_shared>> -> memref<128x128xf32, #tpu.memory_space<vmem_shared>>
      tpu.wait_dma2 semaphore(%run_scoped3A_180 : memref<!tpu.dma_semaphore, #tpu.memory_space<semaphore_mem>>) src(%dma_wait3A_189 : memref<128x128xf32, #tpu.memory_space<vmem_shared>>) dst(%dma_wait3A_187 : memref<128x128xf32, #tpu.memory_space<hbm>>)
      tpu.yield
    }) : () -> ()
    %mul3A_176 = arith.constant 640 : i32
    %mul3A_177 = arith.muli %arg1, %mul3A_176 : i32
    %mul3A_178 = arith.constant 640 : i32
    %mul3A_179 = arith.muli %arg1, %mul3A_178 : i32
    "tpu.region"() ({
      %run_scoped3A_180 = tpu.sem_alloc : memref<!tpu.dma_semaphore, #tpu.memory_space<semaphore_mem>>
      %dma_start3A_181 = tpu.memref_slice %arg8[%arg0, %mul3A_179] : memref<2x10240xf32, #tpu.memory_space<hbm>> -> memref<1x640xf32, #tpu.memory_space<hbm>>
      %dma_start3A_182 = tpu.memref_squeeze %dma_start3A_181 : memref<1x640xf32, #tpu.memory_space<hbm>> -> memref<640xf32, #tpu.memory_space<hbm>>
      %dma_start3A_183 = tpu.memref_slice %arg18[%mul3A_177] : memref<10240xf32, #tpu.memory_space<vmem_shared>> -> memref<640xf32, #tpu.memory_space<vmem_shared>>
      tpu.enqueue_dma source(%dma_start3A_183 : memref<640xf32, #tpu.memory_space<vmem_shared>>) target(%dma_start3A_182 : memref<640xf32, #tpu.memory_space<hbm>>) target_semaphore(%run_scoped3A_180 : memref<!tpu.dma_semaphore, #tpu.memory_space<semaphore_mem>>)
      %dma_wait3A = tpu.memref_slice %arg8[%arg0, %mul3A_179] : memref<2x10240xf32, #tpu.memory_space<hbm>> -> memref<1x640xf32, #tpu.memory_space<hbm>>
      %dma_wait3A_184 = tpu.memref_squeeze %dma_wait3A : memref<1x640xf32, #tpu.memory_space<hbm>> -> memref<640xf32, #tpu.memory_space<hbm>>
      %dma_wait3A_185 = tpu.memref_slice %arg18[%mul3A_177] : memref<10240xf32, #tpu.memory_space<vmem_shared>> -> memref<640xf32, #tpu.memory_space<vmem_shared>>
      tpu.wait_dma2 semaphore(%run_scoped3A_180 : memref<!tpu.dma_semaphore, #tpu.memory_space<semaphore_mem>>) src(%dma_wait3A_185 : memref<640xf32, #tpu.memory_space<vmem_shared>>) dst(%dma_wait3A_184 : memref<640xf32, #tpu.memory_space<hbm>>)
      tpu.yield
    }) : () -> ()
    return
  }
}

module attributes {stable_mosaic.version = 14 : i64} {
  func.func @_pre_body(%arg0: i32, %arg1: memref<1000x128xf32, #tpu.memory_space<vmem>>, %arg2: memref<1000x128xf32, #tpu.memory_space<vmem>>, %arg3: memref<1000x128xf32, #tpu.memory_space<vmem>>, %arg4: memref<4000x128xf32, #tpu.memory_space<vmem>>, %arg5: memref<128x128xf32, #tpu.memory_space<vmem>>, %arg6: memref<128xf32, #tpu.memory_space<vmem>>, %arg7: memref<128x128xf32, #tpu.memory_space<vmem>>, %arg8: memref<128x128xf32, #tpu.memory_space<vmem>>, %arg9: memref<128x128xf32, #tpu.memory_space<vmem>>, %arg10: memref<128x128xf32, #tpu.memory_space<vmem>>, %arg11: memref<128xf32, #tpu.memory_space<vmem>>, %arg12: memref<128x1xf32, #tpu.memory_space<vmem>>, %arg13: memref<128x1xf32, #tpu.memory_space<vmem>>, %arg14: memref<128x8xf32, #tpu.memory_space<vmem>>, %arg15: memref<1xf32, #tpu.memory_space<vmem>>, %arg16: memref<1000x128xf32, #tpu.memory_space<vmem>>, %arg17: memref<1000x128xf32, #tpu.memory_space<vmem>>, %arg18: memref<1000x128xf32, #tpu.memory_space<vmem>>, %arg19: memref<1000x1xf32, #tpu.memory_space<vmem>>, %arg20: memref<4000x8xf32, #tpu.memory_space<vmem>>) attributes {dimension_semantics = [#tpu.dimension_semantics<arbitrary>], iteration_bounds = array<i64: 10>, scalar_prefetch = 0 : i64, scratch_operands = 0 : i64, tpu.core_type = #tpu.core_type<tc>, window_params = [{transform_indices = @transform_0, window_bounds = array<i64: 1000, 128>}, {transform_indices = @transform_1, window_bounds = array<i64: 1000, 128>}, {transform_indices = @transform_2, window_bounds = array<i64: 1000, 128>}, {transform_indices = @transform_3, window_bounds = array<i64: 4000, 128>}, {pipeline_mode = #tpu.pipeline_mode<synchronous>, transform_indices = @transform_4, window_bounds = array<i64: 128, 128>}, {pipeline_mode = #tpu.pipeline_mode<synchronous>, transform_indices = @transform_5, window_bounds = array<i64: 128>}, {pipeline_mode = #tpu.pipeline_mode<synchronous>, transform_indices = @transform_6, window_bounds = array<i64: 128, 128>}, {pipeline_mode = #tpu.pipeline_mode<synchronous>, transform_indices = @transform_7, window_bounds = array<i64: 128, 128>}, {pipeline_mode = #tpu.pipeline_mode<synchronous>, transform_indices = @transform_8, window_bounds = array<i64: 128, 128>}, {pipeline_mode = #tpu.pipeline_mode<synchronous>, transform_indices = @transform_9, window_bounds = array<i64: 128, 128>}, {pipeline_mode = #tpu.pipeline_mode<synchronous>, transform_indices = @transform_10, window_bounds = array<i64: 128>}, {pipeline_mode = #tpu.pipeline_mode<synchronous>, transform_indices = @transform_11, window_bounds = array<i64: 128, 1>}, {pipeline_mode = #tpu.pipeline_mode<synchronous>, transform_indices = @transform_12, window_bounds = array<i64: 128, 1>}, {pipeline_mode = #tpu.pipeline_mode<synchronous>, transform_indices = @transform_13, window_bounds = array<i64: 128, 8>}, {pipeline_mode = #tpu.pipeline_mode<synchronous>, transform_indices = @transform_14, window_bounds = array<i64: 1>}, {transform_indices = @transform_15, window_bounds = array<i64: 1000, 128>}, {transform_indices = @transform_16, window_bounds = array<i64: 1000, 128>}, {transform_indices = @transform_17, window_bounds = array<i64: 1000, 128>}, {transform_indices = @transform_18, window_bounds = array<i64: 1000, 1>}, {transform_indices = @transform_19, window_bounds = array<i64: 4000, 8>}]} {
    %get3A = arith.constant 0 : index
    %get3A_0 = arith.constant 0 : index
    %get3A_1 = vector.load %arg1[%get3A, %get3A_0] : memref<1000x128xf32, #tpu.memory_space<vmem>>, vector<1000x128xf32>
    %get3A_2 = arith.constant 0 : index
    %get3A_3 = arith.constant 0 : index
    %get3A_4 = vector.load %arg2[%get3A_2, %get3A_3] : memref<1000x128xf32, #tpu.memory_space<vmem>>, vector<1000x128xf32>
    %get3A_5 = arith.constant 0 : index
    %get3A_6 = arith.constant 0 : index
    %get3A_7 = vector.load %arg3[%get3A_5, %get3A_6] : memref<1000x128xf32, #tpu.memory_space<vmem>>, vector<1000x128xf32>
    %get3A_8 = arith.constant 0 : index
    %get3A_9 = arith.constant 0 : index
    %get3A_10 = vector.load %arg8[%get3A_8, %get3A_9] : memref<128x128xf32, #tpu.memory_space<vmem>>, vector<128x128xf32>
    %dot_general3A = arith.constant dense<0.000000e+00> : vector<1000x128xf32>
    %dot_general3A_11 = tpu.matmul %get3A_4, %get3A_10, %dot_general3A {dimension_numbers = #tpu.dot_dimension_numbers<[1], [0], [0], [1], [0, 0, 1, 1], [], []>, transpose_lhs_hint = false} : vector<1000x128xf32>, vector<128x128xf32>, vector<1000x128xf32> -> vector<1000x128xf32>
    %get3A_12 = arith.constant 0 : index
    %get3A_13 = arith.constant 0 : index
    %get3A_14 = vector.load %arg9[%get3A_12, %get3A_13] : memref<128x128xf32, #tpu.memory_space<vmem>>, vector<128x128xf32>
    %dot_general3A_15 = arith.constant dense<0.000000e+00> : vector<1000x128xf32>
    %dot_general3A_16 = tpu.matmul %get3A_7, %get3A_14, %dot_general3A_15 {dimension_numbers = #tpu.dot_dimension_numbers<[1], [0], [0], [1], [0, 0, 1, 1], [], []>, transpose_lhs_hint = false} : vector<1000x128xf32>, vector<128x128xf32>, vector<1000x128xf32> -> vector<1000x128xf32>
    %get3A_17 = arith.constant 0 : index
    %get3A_18 = arith.constant 0 : index
    %get3A_19 = vector.load %arg5[%get3A_17, %get3A_18] : memref<128x128xf32, #tpu.memory_space<vmem>>, vector<128x128xf32>
    %dot_general3A_20 = arith.constant dense<0.000000e+00> : vector<1000x128xf32>
    %dot_general3A_21 = tpu.matmul %get3A_1, %get3A_19, %dot_general3A_20 {dimension_numbers = #tpu.dot_dimension_numbers<[1], [0], [0], [1], [0, 0, 1, 1], [], []>, transpose_lhs_hint = false} : vector<1000x128xf32>, vector<128x128xf32>, vector<1000x128xf32> -> vector<1000x128xf32>
    %get3A_22 = arith.constant 0 : index
    %get3A_23 = vector.load %arg6[%get3A_22] : memref<128xf32, #tpu.memory_space<vmem>>, vector<128xf32>
    %broadcast_in_dim3A = vector.shape_cast %get3A_23 : vector<128xf32> to vector<1x128xf32>
    %add3A = vector.broadcast %broadcast_in_dim3A : vector<1x128xf32> to vector<1000x128xf32>
    %add3A_24 = arith.addf %dot_general3A_21, %add3A : vector<1000x128xf32>
    %mul3A = arith.constant 2.000000e-01 : f32
    %mul3A_25 = vector.broadcast %mul3A : f32 to vector<1000x128xf32>
    %mul3A_26 = arith.mulf %mul3A_25, %add3A_24 : vector<1000x128xf32>
    %max3A = arith.maximumf %add3A_24, %mul3A_26 : vector<1000x128xf32>
    %swap3A = arith.constant 0 : index
    %swap3A_27 = arith.constant 0 : index
    %swap3A_28 = vector.load %arg16[%swap3A, %swap3A_27] : memref<1000x128xf32, #tpu.memory_space<vmem>>, vector<1000x128xf32>
    tpu.vector_store %arg16[%swap3A, %swap3A_27], %max3A {strides = array<i32>} : memref<1000x128xf32, #tpu.memory_space<vmem>>, vector<1000x128xf32>,
    %get3A_29 = arith.constant 0 : index
    %get3A_30 = arith.constant 0 : index
    %get3A_31 = vector.load %arg7[%get3A_29, %get3A_30] : memref<128x128xf32, #tpu.memory_space<vmem>>, vector<128x128xf32>
    %dot_general3A_32 = arith.constant dense<0.000000e+00> : vector<1000x128xf32>
    %dot_general3A_33 = tpu.matmul %get3A_1, %get3A_31, %dot_general3A_32 {dimension_numbers = #tpu.dot_dimension_numbers<[1], [0], [0], [1], [0, 0, 1, 1], [], []>, transpose_lhs_hint = false} : vector<1000x128xf32>, vector<128x128xf32>, vector<1000x128xf32> -> vector<1000x128xf32>
    %sub3A = arith.subf %dot_general3A_33, %dot_general3A_11 : vector<1000x128xf32>
    %sub3A_34 = arith.subf %sub3A, %dot_general3A_16 : vector<1000x128xf32>
    %get3A_35 = arith.constant 0 : index
    %get3A_36 = vector.load %arg11[%get3A_35] : memref<128xf32, #tpu.memory_space<vmem>>, vector<128xf32>
    %broadcast_in_dim3A_37 = vector.shape_cast %get3A_36 : vector<128xf32> to vector<1x128xf32>
    %add3A_38 = vector.broadcast %broadcast_in_dim3A_37 : vector<1x128xf32> to vector<1000x128xf32>
    %add3A_39 = arith.addf %sub3A_34, %add3A_38 : vector<1000x128xf32>
    %swap3A_40 = arith.constant 0 : index
    %swap3A_41 = arith.constant 0 : index
    %swap3A_42 = vector.load %arg17[%swap3A_40, %swap3A_41] : memref<1000x128xf32, #tpu.memory_space<vmem>>, vector<1000x128xf32>
    tpu.vector_store %arg17[%swap3A_40, %swap3A_41], %add3A_39 {strides = array<i32>} : memref<1000x128xf32, #tpu.memory_space<vmem>>, vector<1000x128xf32>,
    %add3A_43 = arith.addf %dot_general3A_11, %dot_general3A_16 : vector<1000x128xf32>
    %get3A_44 = arith.constant 0 : index
    %get3A_45 = arith.constant 0 : index
    %get3A_46 = vector.load %arg10[%get3A_44, %get3A_45] : memref<128x128xf32, #tpu.memory_space<vmem>>, vector<128x128xf32>
    %dot_general3A_47 = arith.constant dense<0.000000e+00> : vector<1000x128xf32>
    %dot_general3A_48 = tpu.matmul %get3A_1, %get3A_46, %dot_general3A_47 {dimension_numbers = #tpu.dot_dimension_numbers<[1], [0], [0], [1], [0, 0, 1, 1], [], []>, transpose_lhs_hint = false} : vector<1000x128xf32>, vector<128x128xf32>, vector<1000x128xf32> -> vector<1000x128xf32>
    %add3A_49 = arith.addf %add3A_43, %dot_general3A_48 : vector<1000x128xf32>
    %swap3A_50 = arith.constant 0 : index
    %swap3A_51 = arith.constant 0 : index
    %swap3A_52 = vector.load %arg18[%swap3A_50, %swap3A_51] : memref<1000x128xf32, #tpu.memory_space<vmem>>, vector<1000x128xf32>
    tpu.vector_store %arg18[%swap3A_50, %swap3A_51], %add3A_49 {strides = array<i32>} : memref<1000x128xf32, #tpu.memory_space<vmem>>, vector<1000x128xf32>,
    %get3A_53 = arith.constant 0 : index
    %get3A_54 = arith.constant 0 : index
    %get3A_55 = vector.load %arg12[%get3A_53, %get3A_54] : memref<128x1xf32, #tpu.memory_space<vmem>>, vector<128x1xf32>
    %dot_general3A_56 = arith.constant dense<0.000000e+00> : vector<1000x1xf32>
    %dot_general3A_57 = tpu.matmul %get3A_4, %get3A_55, %dot_general3A_56 {dimension_numbers = #tpu.dot_dimension_numbers<[1], [0], [0], [1], [0, 0, 1, 1], [], []>, transpose_lhs_hint = false} : vector<1000x128xf32>, vector<128x1xf32>, vector<1000x1xf32> -> vector<1000x1xf32>
    %get3A_58 = arith.constant 0 : index
    %get3A_59 = arith.constant 0 : index
    %get3A_60 = vector.load %arg13[%get3A_58, %get3A_59] : memref<128x1xf32, #tpu.memory_space<vmem>>, vector<128x1xf32>
    %dot_general3A_61 = arith.constant dense<0.000000e+00> : vector<1000x1xf32>
    %dot_general3A_62 = tpu.matmul %get3A_7, %get3A_60, %dot_general3A_61 {dimension_numbers = #tpu.dot_dimension_numbers<[1], [0], [0], [1], [0, 0, 1, 1], [], []>, transpose_lhs_hint = false} : vector<1000x128xf32>, vector<128x1xf32>, vector<1000x1xf32> -> vector<1000x1xf32>
    %add3A_63 = arith.addf %dot_general3A_57, %dot_general3A_62 : vector<1000x1xf32>
    %swap3A_64 = arith.constant 0 : index
    %swap3A_65 = arith.constant 0 : index
    %swap3A_66 = vector.load %arg19[%swap3A_64, %swap3A_65] : memref<1000x1xf32, #tpu.memory_space<vmem>>, vector<1000x1xf32>
    tpu.vector_store %arg19[%swap3A_64, %swap3A_65], %add3A_63 {strides = array<i32>} : memref<1000x1xf32, #tpu.memory_space<vmem>>, vector<1000x1xf32>,
    %get3A_67 = arith.constant 0 : index
    %get3A_68 = arith.constant 0 : index
    %get3A_69 = vector.load %arg4[%get3A_67, %get3A_68] : memref<4000x128xf32, #tpu.memory_space<vmem>>, vector<4000x128xf32>
    %get3A_70 = arith.constant 0 : index
    %get3A_71 = arith.constant 0 : index
    %get3A_72 = vector.load %arg14[%get3A_70, %get3A_71] : memref<128x8xf32, #tpu.memory_space<vmem>>, vector<128x8xf32>
    %dot_general3A_73 = arith.constant dense<0.000000e+00> : vector<4000x8xf32>
    %dot_general3A_74 = tpu.matmul %get3A_69, %get3A_72, %dot_general3A_73 {dimension_numbers = #tpu.dot_dimension_numbers<[1], [0], [0], [1], [0, 0, 1, 1], [], []>, transpose_lhs_hint = false} : vector<4000x128xf32>, vector<128x8xf32>, vector<4000x8xf32> -> vector<4000x8xf32>
    %get3A_75 = arith.constant 0 : index
    %get3A_76 = vector.load %arg15[%get3A_75] : memref<1xf32, #tpu.memory_space<vmem>>, vector<1xf32>
    %broadcast_in_dim3A_77 = vector.shape_cast %get3A_76 : vector<1xf32> to vector<1x1xf32>
    %add3A_78 = vector.broadcast %broadcast_in_dim3A_77 : vector<1x1xf32> to vector<4000x8xf32>
    %add3A_79 = arith.addf %dot_general3A_74, %add3A_78 : vector<4000x8xf32>
    %swap3A_80 = arith.constant 0 : index
    %swap3A_81 = arith.constant 0 : index
    %swap3A_82 = vector.load %arg20[%swap3A_80, %swap3A_81] : memref<4000x8xf32, #tpu.memory_space<vmem>>, vector<4000x8xf32>
    tpu.vector_store %arg20[%swap3A_80, %swap3A_81], %add3A_79 {strides = array<i32>} : memref<4000x8xf32, #tpu.memory_space<vmem>>, vector<4000x8xf32>,
    return
  }
  func.func @transform_0(%arg0: i32) -> (i32, i32) {
    %c0_i32 = arith.constant 0 : i32
    %c0_i32_0 = arith.constant 0 : i32
    return %arg0, %c0_i32 : i32, i32
  }
  func.func @transform_1(%arg0: i32) -> (i32, i32) {
    %c0_i32 = arith.constant 0 : i32
    %c0_i32_0 = arith.constant 0 : i32
    return %arg0, %c0_i32 : i32, i32
  }
  func.func @transform_2(%arg0: i32) -> (i32, i32) {
    %c0_i32 = arith.constant 0 : i32
    %c0_i32_0 = arith.constant 0 : i32
    return %arg0, %c0_i32 : i32, i32
  }
  func.func @transform_3(%arg0: i32) -> (i32, i32) {
    %c0_i32 = arith.constant 0 : i32
    %c0_i32_0 = arith.constant 0 : i32
    return %arg0, %c0_i32 : i32, i32
  }
  func.func @transform_4(%arg0: i32) -> (i32, i32) {
    %c0_i32 = arith.constant 0 : i32
    %c0_i32_0 = arith.constant 0 : i32
    %c0_i32_1 = arith.constant 0 : i32
    return %c0_i32, %c0_i32_0 : i32, i32
  }
  func.func @transform_5(%arg0: i32) -> i32 {
    %c0_i32 = arith.constant 0 : i32
    %c0_i32_0 = arith.constant 0 : i32
    return %c0_i32 : i32
  }
  func.func @transform_6(%arg0: i32) -> (i32, i32) {
    %c0_i32 = arith.constant 0 : i32
    %c0_i32_0 = arith.constant 0 : i32
    %c0_i32_1 = arith.constant 0 : i32
    return %c0_i32, %c0_i32_0 : i32, i32
  }
  func.func @transform_7(%arg0: i32) -> (i32, i32) {
    %c0_i32 = arith.constant 0 : i32
    %c0_i32_0 = arith.constant 0 : i32
    %c0_i32_1 = arith.constant 0 : i32
    return %c0_i32, %c0_i32_0 : i32, i32
  }
  func.func @transform_8(%arg0: i32) -> (i32, i32) {
    %c0_i32 = arith.constant 0 : i32
    %c0_i32_0 = arith.constant 0 : i32
    %c0_i32_1 = arith.constant 0 : i32
    return %c0_i32, %c0_i32_0 : i32, i32
  }
  func.func @transform_9(%arg0: i32) -> (i32, i32) {
    %c0_i32 = arith.constant 0 : i32
    %c0_i32_0 = arith.constant 0 : i32
    %c0_i32_1 = arith.constant 0 : i32
    return %c0_i32, %c0_i32_0 : i32, i32
  }
  func.func @transform_10(%arg0: i32) -> i32 {
    %c0_i32 = arith.constant 0 : i32
    %c0_i32_0 = arith.constant 0 : i32
    return %c0_i32 : i32
  }
  func.func @transform_11(%arg0: i32) -> (i32, i32) {
    %c0_i32 = arith.constant 0 : i32
    %c0_i32_0 = arith.constant 0 : i32
    %c0_i32_1 = arith.constant 0 : i32
    return %c0_i32, %c0_i32_0 : i32, i32
  }
  func.func @transform_12(%arg0: i32) -> (i32, i32) {
    %c0_i32 = arith.constant 0 : i32
    %c0_i32_0 = arith.constant 0 : i32
    %c0_i32_1 = arith.constant 0 : i32
    return %c0_i32, %c0_i32_0 : i32, i32
  }
  func.func @transform_13(%arg0: i32) -> (i32, i32) {
    %c0_i32 = arith.constant 0 : i32
    %c0_i32_0 = arith.constant 0 : i32
    %c0_i32_1 = arith.constant 0 : i32
    return %c0_i32, %c0_i32_0 : i32, i32
  }
  func.func @transform_14(%arg0: i32) -> i32 {
    %c0_i32 = arith.constant 0 : i32
    %c0_i32_0 = arith.constant 0 : i32
    return %c0_i32 : i32
  }
  func.func @transform_15(%arg0: i32) -> (i32, i32) {
    %c0_i32 = arith.constant 0 : i32
    %c0_i32_0 = arith.constant 0 : i32
    return %arg0, %c0_i32 : i32, i32
  }
  func.func @transform_16(%arg0: i32) -> (i32, i32) {
    %c0_i32 = arith.constant 0 : i32
    %c0_i32_0 = arith.constant 0 : i32
    return %arg0, %c0_i32 : i32, i32
  }
  func.func @transform_17(%arg0: i32) -> (i32, i32) {
    %c0_i32 = arith.constant 0 : i32
    %c0_i32_0 = arith.constant 0 : i32
    return %arg0, %c0_i32 : i32, i32
  }
  func.func @transform_18(%arg0: i32) -> (i32, i32) {
    %c0_i32 = arith.constant 0 : i32
    %c0_i32_0 = arith.constant 0 : i32
    return %arg0, %c0_i32 : i32, i32
  }
  func.func @transform_19(%arg0: i32) -> (i32, i32) {
    %c0_i32 = arith.constant 0 : i32
    %c0_i32_0 = arith.constant 0 : i32
    return %arg0, %c0_i32 : i32, i32
  }
}

module attributes {stable_mosaic.version = 14 : i64} {
  func.func @_fin_body(%arg0: i32, %arg1: memref<2x1000x128xf32, #tpu.memory_space<vmem>>, %arg2: memref<2x1000x1xf32, #tpu.memory_space<vmem>>, %arg3: memref<1000x128xf32, #tpu.memory_space<vmem>>) attributes {dimension_semantics = [#tpu.dimension_semantics<arbitrary>], iteration_bounds = array<i64: 10>, scalar_prefetch = 0 : i64, scratch_operands = 0 : i64, tpu.core_type = #tpu.core_type<tc>, window_params = [{transform_indices = @transform_0, window_bounds = array<i64: 2, 1000, 128>}, {transform_indices = @transform_1, window_bounds = array<i64: 2, 1000, 1>}, {transform_indices = @transform_2, window_bounds = array<i64: 1000, 128>}]} {
    %get3A = arith.constant 0 : index
    %get3A_0 = arith.constant 0 : index
    %get3A_1 = arith.constant 0 : index
    %get3A_2 = vector.load %arg1[%get3A, %get3A_0, %get3A_1] : memref<2x1000x128xf32, #tpu.memory_space<vmem>>, vector<1x1000x128xf32>
    %get3A_3 = vector.shape_cast %get3A_2 : vector<1x1000x128xf32> to vector<1000x128xf32>
    %get3A_4 = arith.constant 1 : index
    %get3A_5 = arith.constant 0 : index
    %get3A_6 = arith.constant 0 : index
    %get3A_7 = vector.load %arg1[%get3A_4, %get3A_5, %get3A_6] : memref<2x1000x128xf32, #tpu.memory_space<vmem>>, vector<1x1000x128xf32>
    %get3A_8 = vector.shape_cast %get3A_7 : vector<1x1000x128xf32> to vector<1000x128xf32>
    %add3A = arith.addf %get3A_3, %get3A_8 : vector<1000x128xf32>
    %get3A_9 = arith.constant 0 : index
    %get3A_10 = arith.constant 0 : index
    %get3A_11 = arith.constant 0 : index
    %get3A_12 = vector.load %arg2[%get3A_9, %get3A_10, %get3A_11] : memref<2x1000x1xf32, #tpu.memory_space<vmem>>, vector<1x1000x1xf32>
    %get3A_13 = vector.shape_cast %get3A_12 : vector<1x1000x1xf32> to vector<1000x1xf32>
    %get3A_14 = arith.constant 1 : index
    %get3A_15 = arith.constant 0 : index
    %get3A_16 = arith.constant 0 : index
    %get3A_17 = vector.load %arg2[%get3A_14, %get3A_15, %get3A_16] : memref<2x1000x1xf32, #tpu.memory_space<vmem>>, vector<1x1000x1xf32>
    %get3A_18 = vector.shape_cast %get3A_17 : vector<1x1000x1xf32> to vector<1000x1xf32>
    %add3A_19 = arith.addf %get3A_13, %get3A_18 : vector<1000x1xf32>
    %add3A_20 = arith.constant 9.99999971E-10 : f32
    %add3A_21 = vector.broadcast %add3A_20 : f32 to vector<1000x1xf32>
    %add3A_22 = arith.addf %add3A_19, %add3A_21 : vector<1000x1xf32>
    %div3A = vector.broadcast %add3A_22 : vector<1000x1xf32> to vector<1000x128xf32>
    %div3A_23 = arith.divf %add3A, %div3A : vector<1000x128xf32>
    %gt3A = arith.constant 0.000000e+00 : f32
    %gt3A_24 = vector.broadcast %gt3A : f32 to vector<1000x128xf32>
    %gt3A_25 = arith.cmpf ogt, %div3A_23, %gt3A_24 : vector<1000x128xf32>
    %min3A = arith.constant 0.000000e+00 : f32
    %min3A_26 = vector.broadcast %min3A : f32 to vector<1000x128xf32>
    %min3A_27 = arith.minimumf %div3A_23, %min3A_26 : vector<1000x128xf32>
    %exp3A = math.exp %min3A_27 : vector<1000x128xf32>
    %sub3A = arith.constant 1.000000e+00 : f32
    %sub3A_28 = vector.broadcast %sub3A : f32 to vector<1000x128xf32>
    %sub3A_29 = arith.subf %exp3A, %sub3A_28 : vector<1000x128xf32>
    %select_n3A = arith.select %gt3A_25, %div3A_23, %sub3A_29 : vector<1000x128xi1>, vector<1000x128xf32>
    %swap3A = arith.constant 0 : index
    %swap3A_30 = arith.constant 0 : index
    %swap3A_31 = vector.load %arg3[%swap3A, %swap3A_30] : memref<1000x128xf32, #tpu.memory_space<vmem>>, vector<1000x128xf32>
    tpu.vector_store %arg3[%swap3A, %swap3A_30], %select_n3A {strides = array<i32>} : memref<1000x128xf32, #tpu.memory_space<vmem>>, vector<1000x128xf32>,
    return
  }
  func.func @transform_0(%arg0: i32) -> (i32, i32, i32) {
    %c0_i32 = arith.constant 0 : i32
    %c0_i32_0 = arith.constant 0 : i32
    %c0_i32_1 = arith.constant 0 : i32
    return %c0_i32, %arg0, %c0_i32_0 : i32, i32, i32
  }
  func.func @transform_1(%arg0: i32) -> (i32, i32, i32) {
    %c0_i32 = arith.constant 0 : i32
    %c0_i32_0 = arith.constant 0 : i32
    %c0_i32_1 = arith.constant 0 : i32
    return %c0_i32, %arg0, %c0_i32_0 : i32, i32, i32
  }
  func.func @transform_2(%arg0: i32) -> (i32, i32) {
    %c0_i32 = arith.constant 0 : i32
    %c0_i32_0 = arith.constant 0 : i32
    return %arg0, %c0_i32 : i32, i32
  }
}

</mosaic_0001>

<sc_bundles>
// kernel: kernel.6.cloned.1.call-start
scs
__scs_entry_jumppad:
0x0: {  	(pc) =	sbr.rel $0x88, $3  }
0x1: {  	(tag) =	ssettag $0x0;
	lr =	simm.s32 $0x1  }
0x2: {  	[smem:$0x3F96] =	sst lr;
	_ =	strace $0xD0000000  }
0x3: {  	_ = 	snop  }
0x4: {  	_ = 	snop  }
0x5: {  	_ = 	snop  }
0x6: {  	_ = 	snop  }
0x7: {  	_ = 	snop  }
__scs_overlays_trampoline_lowered:
0x8: {  	[smem:$0x3FA5] =	sst s0  }
0x9: {  	[smem:$0x3FA6] =	sst s1  }
0xa: {  	[smem:$0x3FA7] =	sst s2  }
0xb: {  	[smem:$0x3FA8] =	sst s3  }
0xc: {  	[smem:$0x3FA9] =	sst s4  }
0xd: {  	[smem:$0x3FAA] =	sst s5  }
0xe: {  	[smem:$0x3FAB] =	sst s6  }
0xf: {  	[smem:$0x3FAC] =	sst s7  }
0x10: {  	[smem:$0x3FAD] =	sst s8  }
0x11: {  	[smem:$0x3FAE] =	sst s9;
	s0 =	simm.s32 @!p0 $0x0  }
0x12: {  	s1 =	sld [smem:$0x3F94];
	s0 =	simm.s32 @p0 $0x1  }
0x13: {  	[smem:$0x3FAF] =	sst s0;
	s0 =	simm.s32 @!p1 $0x0  }
0x14: {  	s2 =	sld [smem:$0x3F93];
	s0 =	simm.s32 @p1 $0x1  }
0x15: {  	[smem:$0x3FB0] =	sst s0;
	s0 =	simm.s32 @!p2 $0x0  }
0x16: {  	s3 =	sld [smem:$0x3FDB];
	s0 =	simm.s32 @p2 $0x1  }
0x17: {  	s4 =	simm.s32 $0x1BF5;
	[smem:$0x3FB2] =	sst s0  }
0x18: {  	s0 =	sld [smem:$0x3F95];
	_ =	swait.ge [sflag:s4], $0x0  }
0x19: {  	s7 =	sld [smem:$0x3F96]  }
0x1a: {  	s8 =	sadd.s32 $0xFFFFE003, lr  }
0x1b: {  	s9 =	sadd.s32 $0xFFFFFEF7, lr;
	s5 =	simm.s32 $0xFFFFFFFF;
	p2 =	slt.u32 s8, $0xFFFFF086  }
0x1c: {  	p1 =	slt.u32 s9, $0xF7A;
	s5 =	simm.s32 @!p2 $0x0  }
0x1d: {  	s5 =	simm.s32 @p1 $0x1;
	p0 =	seq.s32 s7, s2  }
0x1e: {  	s7 =	smul.u32 @!p0 $0xF7A, s2;
	p2 =	seq.s32 @!p0 s5, $0x0  }
0x1f: {  	s9 =	smul.u32 $0xF7A, s1;
	s8 =	simm.s32 @!p0 $0x1BF5;
	p2 =	por !p2, p0  }
0x20: {  	[sflag:s8] =	ssyncset.s32 @!p0 $0xFFFFF086;
	s6 =	sadd.s32 @!p0 s3, s7;
	s7 =	simm.s32 @!p0 $0x108  }
0x21: {  	s3 =	sadd.s32 s3, s9;
	s6 =	sadd.s32 @!p0 $0x88, s6;
	s7 =	simm.s32 @p2 $0x1082  }
0x22: {  	[simem:s7], [sflag:s8] =	dma.local @!p0 [hbm:s6], $0xF7A  }
0x23: {  	s9 =	sor.u32 $0xD0000000, s2;
	s6 =	simm.s32 $0x108;
	_ =	swait.ge @!p0 [sflag:s8], $0x0  }
0x24: {  	s3 =	sadd.s32 $0x88, s3;
	s6 =	simm.s32 @!p1 $0x1082;
	[sflag:s4] =	ssyncset.s32 $0xFFFFF086  }
0x25: {  	[simem:s6], [sflag:s4] =	dma.local [hbm:s3], $0xF7A  }
0x26: {  	[smem:$0x3F96] =	sst s1;
	(tag) =	ssettag s2;
	_ =	strace s9  }
0x27: {  	s1 =	sld [smem:$0x3FA6]  }
0x28: {  	s2 =	sld [smem:$0x3FA7]  }
0x29: {  	s4 =	sld [smem:$0x3FA9]  }
0x2a: {  	p0 =	seq.s32 s5, $0x0;
	s5 =	sld [smem:$0x3FAA]  }
0x2b: {  	s6 =	sld [smem:$0x3FAB]  }
0x2c: {  	s7 =	sld [smem:$0x3FAC]  }
0x2d: {  	s3 =	simm.s32 $0x108;
	s8 =	sld [smem:$0x3FAD]  }
0x2e: {  	s3 =	simm.s32 @!p0 $0x1082;
	s9 =	sld [smem:$0x3FAE]  }
0x2f: {  	lr =	sadd.s32 s0, s3;
	s0 =	sld [smem:$0x3FA5]  }
0x30: {  	s3 =	sld [smem:$0x3FA8]  }
0x31: {  	[smem:$0x3FB1] =	sst s10  }
0x32: {  	s10 =	sld [smem:$0x3FAF];
	_ =	sdelay $0x3  }
0x33: {  	p0 =	seq.s32 s10, $0x1;
	s10 =	sld [smem:$0x3FB1];
	_ =	sdelay $0x3  }
0x34: {  	[smem:$0x3FB1] =	sst s10  }
0x35: {  	s10 =	sld [smem:$0x3FB0];
	_ =	sdelay $0x3  }
0x36: {  	p1 =	seq.s32 s10, $0x1;
	s10 =	sld [smem:$0x3FB1];
	_ =	sdelay $0x3  }
0x37: {  	[smem:$0x3FB1] =	sst s10  }
0x38: {  	s10 =	sld [smem:$0x3FB2]  }
0x39: {  	_ = 	snop;
	(pc) =	sbr.ind lr, $3  }
0x3a: {  	_ = 	snop  }
0x3b: {  	_ = 	snop  }
0x3c: {  	p2 =	seq.s32 s10, $0x1;
	s10 =	sld [smem:$0x3FB1]  }
0x3d: {  	_ =	shalt  }
0x3e: {  	_ =	shalt  }
0x3f: {  	_ =	shalt  }
0x40: {  	_ =	shalt  }
0x41: {  	_ =	shalt  }
0x42: {  	_ =	shalt  }
0x43: {  	_ =	shalt  }
0x44: {  	_ =	shalt  }
0x45: {  	_ =	shalt  }
0x46: {  	_ =	shalt  }
0x47: {  	_ =	shalt  }
0x48: {  	_ =	shalt  }
0x49: {  	_ =	shalt  }
0x4a: {  	_ =	shalt  }
0x4b: {  	_ =	shalt  }
0x4c: {  	_ =	shalt  }
0x4d: {  	_ =	shalt  }
0x4e: {  	_ =	shalt  }
0x4f: {  	_ =	shalt  }
0x50: {  	_ =	shalt  }
0x51: {  	_ =	shalt  }
0x52: {  	_ =	shalt  }
0x53: {  	_ =	shalt  }
0x54: {  	_ =	shalt  }
0x55: {  	_ =	shalt  }
0x56: {  	_ =	shalt  }
0x57: {  	_ =	shalt  }
0x58: {  	_ =	shalt  }
0x59: {  	_ =	shalt  }
0x5a: {  	_ =	shalt  }
0x5b: {  	_ =	shalt  }
0x5c: {  	_ =	shalt  }
0x5d: {  	_ =	shalt  }
0x5e: {  	_ =	shalt  }
0x5f: {  	_ =	shalt  }
0x60: {  	_ =	shalt  }
0x61: {  	_ =	shalt  }
0x62: {  	_ =	shalt  }
0x63: {  	_ =	shalt  }
0x64: {  	_ =	shalt  }
0x65: {  	_ =	shalt  }
0x66: {  	_ =	shalt  }
0x67: {  	_ =	shalt  }
0x68: {  	_ =	shalt  }
0x69: {  	_ =	shalt  }
0x6a: {  	_ =	shalt  }
0x6b: {  	_ =	shalt  }
0x6c: {  	_ =	shalt  }
0x6d: {  	_ =	shalt  }
0x6e: {  	_ =	shalt  }
0x6f: {  	_ =	shalt  }
0x70: {  	_ =	shalt  }
0x71: {  	_ =	shalt  }
0x72: {  	_ =	shalt  }
0x73: {  	_ =	shalt  }
0x74: {  	_ =	shalt  }
0x75: {  	_ =	shalt  }
0x76: {  	_ =	shalt  }
0x77: {  	_ =	shalt  }
0x78: {  	_ =	shalt  }
0x79: {  	_ =	shalt  }
0x7a: {  	_ =	shalt  }
0x7b: {  	_ =	shalt  }
0x7c: {  	_ =	shalt  }
0x7d: {  	_ =	shalt  }
0x7e: {  	_ =	shalt  }
0x7f: {  	_ =	shalt  }
0x80: {  	_ =	shalt  }
0x81: {  	_ =	shalt  }
0x82: {  	_ =	shalt  }
0x83: {  	_ =	shalt  }
0x84: {  	_ =	shalt  }
0x85: {  	_ =	shalt  }
0x86: {  	_ =	shalt  }
0x87: {  	_ =	shalt  }
.Lfunc_end0:
.L_simem_size_0:
called_computation_lowered:
.L_overlay_start_0:
0x88: {  	s2 =	sld [smem:$0x3FD9]  }
0x89: {  	s3 =	sld [smem:$0x3FFE];
	_ =	sdelay $0x1  }
0x8a: {  	s1 =	srdreg.scid  }
0x8b: {  	s0 =	sand.u32 $0x1, s1  }
0x8c: {  	s14 =	sshll.u32 s0, $0xA;
	s2 =	sadd.s32 s3, s2  }
0x8d: {  	s2 =	sadd.s32 s2, s14  }
0x8e: {  	[smem:$0x3FBD] =	sst s2  }
0x8f: {  	_ = 	snop  }
0x90: {  	s2 =	sld [smem:$0x3FD0];
	_ =	sdelay $0x2  }
0x91: {  	s15 =	simm.s32 $0xB;
	s4 =	simm.s32 $0x10  }
0x92: {  	[smem:s4], [sflag:s15] =	dma.local [hbm:s2], $0x1  }
0x93: {  	_ =	swait.eq [sflag:s15], $0x1  }
0x94: {  	[sflag:s15] =	ssyncset.done $0x0  }
0x95: {  	s16 =	sld [smem:$0x10];
	[sflag:s15] =	ssyncadd.s32 $0xFFFFFFFF  }
0x96: {  	s17 =	sld [smem:$0x11];
	(tm) =	ssettm $0x1  }
0x97: {  	s18 =	sld [smem:$0x3FFB];
	_ =	sdelay $0x3  }
0x98: {  	_ =	strace s18  }
0x99: {  	s4 =	sld [smem:$0x3FFC];
	_ =	sdelay $0x3  }
0x9a: {  	_ =	strace s4  }
0x9b: {  	s4 =	sld [smem:$0x3FFD];
	_ =	sdelay $0x3  }
0x9c: {  	_ =	strace s4  }
0x9d: {  	_ =	strace $0x8FFFFFFF  }
0x9e: {  	s19 =	sld [smem:$0x3FDB];
	_ =	sdelay $0x1  }
0x9f: {  	s5 =	simm.s32 $_scs_section_size  }
0xa0: {  	s6 =	simm.s32 $_size__tile_overlayer_lowered;
	s7 =	simm.s32 $_tile_overlayer_lowered  }
0xa1: {  	s22 =	simm.s32 $0x1BFF;
	s21 =	sshll.u32 s7, $0x1;
	s4 =	sadd.s32 s5, s19  }
0xa2: {  	s8 =	simm.s32 $0x0;
	s20 =	sshll.u32 s6, $0x1;
	s6 =	sadd.s32 s21, s4  }
0xa3: {  	[timem:s8], [sflag:s22] =	dma.local [hbm:s6], s20  }
0xa4: {  	_ =	swait.ge [sflag:s22], s20  }
0xa5: {  	s5 =	ssub.s32 $0x0, s20;
	[sflag:s22] =	ssyncset.done $0x0  }
0xa6: {  	[sflag:s22] =	ssyncadd.s32 s5;
	_ =	sdelay $0x1  }
0xa7: {  	s23 =	simm.s32 $0x1B8B  }
0xa8: {  	_ =	swait.ge [sflag:s23], $0x1  }
0xa9: {  	[sflag:s23] =	ssyncset.done $0x0  }
0xaa: {  	s25 =	simm.s32 $0x1B8E;
	s24 =	sld [smem:$0x3FFE];
	[sflag:s23] =	ssyncadd.s32 $0xFFFFFFFF  }
0xab: {  	s26 =	simm.s32 $execute0_lowered;
	[smem:$0x3FD2] =	sst s25  }
0xac: {  	s6 =	sshll.u32 s26, $0x1;
	_ =	strace $0x80000046;
	[dreg:$0x1] =	wrdreg $0xFFFFFFFF  }
0xad: {  	s28 =	simm.s32 $_size_execute0_lowered;
	s4 =	sadd.s32 s4, s6;
	[dreg:$0x0] =	wrdreg $0x0  }
0xae: {  	s6 =	sshll.u32 s28, $0x1;
	[dreg:$0x2] =	wrdreg s4  }
0xaf: {  	[dreg:$0x3] =	wrdreg s6  }
0xb0: {  	[dreg:$0x4] =	wrdreg $0xC0  }
0xb1: {  	_ =	task [dreg:s8], $0x5FFFF  }
0xb2: {  	[dreg:$0x1] =	wrdreg $0xFFFFFFFF  }
0xb3: {  	[dreg:$0x0] =	wrdreg $0x60  }
0xb4: {  	[dreg:$0x2] =	wrdreg s24  }
0xb5: {  	[dreg:$0x3] =	wrdreg s16  }
0xb6: {  	[dreg:$0x4] =	wrdreg s17  }
0xb7: {  	[dreg:$0x5] =	wrdreg $0xB5000  }
0xb8: {  	[dreg:$0x6] =	wrdreg $0x1F5000  }
0xb9: {  	[dreg:$0x7] =	wrdreg $0x9  }
0xba: {  	_ =	task.clear_ibuf [dreg:s8], $0x8FFFF;
	_ =	strace $0x90000046  }
0xbb: {  	s29 =	simm.s32 $0x9;
	_ =	strace $0x80000048  }
0xbc: {  	_ =	swait.ge [sflag:s29], $0x1  }
0xbd: {  	[sflag:s29] =	ssyncadd.s32 $0xFFFFFFFF  }
0xbe: {  	_ =	strace $0x90000048  }
0xbf: {  	_ =	sfence  }
0xc0: {  	s30 =	sld [smem:$0x0];
	_ =	sdelay $0x2  }
0xc1: {  	s31 =	sshll.u32 s1, $0xD;
	s1 =	sshrl.u32 s1, $0x2  }
0xc2: {  	s3 =	sand.u32 $0x4000, s31;
	s1 =	sadd.s32 s1, s30  }
0xc3: {  	s0 =	sor.u32 s3, s0;
	s1 =	sshll.u32 s1, $0x11  }
0xc4: {  	s0 =	sor.u32 s1, s0  }
0xc5: {  	s0 =	sadd.s32 $0x8F2B, s0  }
0xc6: {  	[sflag:s0] =	ssyncadd.remote.s32 $0x1  }
0xc7: {  	_ =	sfence.sel $0xFFFF  }
0xc8: {  	[dreg:$0x0] =	wrdreg $0xFFFFFFFF;
	(pc) =	sbr.abs _section_cstart, $3  }
0xc9: {  	[dreg:$0x1] =	wrdreg $0xFFFFFFFF  }
0xca: {  	_ =	task.clear_ibuf [dreg:s8], $0x2FFFF;
	_ =	strace $0x9FFFFFFF  }
0xcb: {  	(tm) =	ssettm $0x7FFFFFFF  }
tec
execute0_lowered:
.L_overlay_start_1:
0x0: {  	(tag) =	ssettag $0x1  }
0x1: {  	s0 =	rddreg [dreg:$0x0]  }
0x2: {  	s1 =	rddreg [dreg:$0x1];
	s11 =	stileid.u32  }
0x3: {  	s4 =	rddreg [dreg:$0x2];
	s7 =	smul.u32 $0x500, s11  }
0x4: {  	s2 =	rddreg [dreg:$0x3];
	s10 =	smul.u32 $0x50, s11  }
0x5: {  	s3 =	rddreg [dreg:$0x4];
	s14 =	smul.u32 $0x280, s11  }
0x6: {  	s5 =	simm.s32 $0x0;
	s6 =	srdreg.scid;
	s25 =	smul.u32 $0x50000, s11  }
0x7: {  	[smem:$0x7FF] =	sst s5;
	s6 =	sand.u32 $0x1, s6;
	s11 =	smul.u32 $0x14000, s11  }
0x8: {  	s13 =	sadd.s32 $0x4F800, s0;
	_ =	strace $0x80000047;
	s8 =	sshll.u32 s6, $0x7  }
0x9: {  	s9 =	ssub.s32 $0x2, s6;
	p0 =	seq.s32 s6, $0x0;
	s6 =	smul.u32 $0x140000, s6  }
0xa: {  	s7 =	sor.u32 s8, s7;
	s24 =	sshrl.u32 s9, $0x1;
	s15 =	sadd.s32 $0x500, s10  }
0xb: {  	s17 =	sadd.s32 $0x100, s14;
	s18 =	sadd.s32 $0x180, s14;
	s22 =	sadd.s32 $0x200, s14  }
0xc: {  	s7 =	sshrl.u32 s7, $0x3;
	s8 =	ssub.s32 s9, s24;
	s15 =	smov.u32 @p0 s10  }
0xd: {  	s10 =	sadd.s32 $0x80, s14;
	s19 =	sshll.u32 s17, $0x7;
	s20 =	sshll.u32 s18, $0x7  }
0xe: {  	s11 =	sadd.s32 s11, s6;
	s23 =	sshll.u32 s22, $0x7;
	s9 =	sshrl.u32 s25, $0x2  }
0xf: {  	s24 =	sadd.s32 s14, s3;
	s22 =	sadd.s32 s22, s3;
	s16 =	sshll.u32 s10, $0x7  }
0x10: {  	s11 =	sshrl.u32 s11, $0x3;
	s28 =	sadd.s32 s6, s19;
	s30 =	sadd.s32 s6, s20  }
0x11: {  	s7 =	sadd.s32 s7, s0;
	s21 =	sadd.s32 s9, s2;
	[dreg:$0x14] =	wrdreg s22  }
0x12: {  	s14 =	sadd.s32 s10, s3;
	s19 =	sadd.s32 s19, s2;
	[dreg:$0xc] =	wrdreg s24  }
0x13: {  	s20 =	sadd.s32 s20, s2;
	s29 =	sor.u32 $0x2, s15;
	[dreg:$0xe] =	wrdreg s14  }
0x14: {  	s9 =	simm.s32 $0x7400;
	s10 =	simm.s32 $0x1;
	[dreg:$0xd] =	wrdreg s21  }
0x15: {  	s12 =	sadd.s32 s6, s16;
	s11 =	sadd.s32 s4, s11;
	[dreg:$0x11] =	wrdreg s19  }
0x16: {  	s25 =	sadd.s32 s16, s2;
	s16 =	sadd.s32 s17, s3;
	[dreg:$0x6] =	wrdreg s11  }
0x17: {  	s6 =	sadd.s32 s6, s23;
	s17 =	sadd.s32 s18, s3;
	[dreg:$0x10] =	wrdreg s16  }
0x18: {  	s18 =	sadd.s32 s23, s2;
	s23 =	sshll.u32 s15, $0x4;
	[dreg:$0x12] =	wrdreg s17  }
0x19: {  	s14 =	simm.s32 $0xB480;
	s26 =	sshrl.u32 s12, $0x3;
	[dreg:$0x13] =	wrdreg s18  }
0x1a: {  	s12 =	sshrl.u32 s30, $0x3;
	s30 =	sadd.s32 $0x6DE00, s7;
	[dreg:$0xf] =	wrdreg s25  }
0x1b: {  	s6 =	sshrl.u32 s6, $0x3;
	s11 =	sadd.s32 s4, s26;
	[dreg:$0x18] =	wrdreg s30  }
0x1c: {  	s31 =	sadd.s32 s4, s12;
	s12 =	sadd.s32 $0x59E00, s0;
	[dreg:$0x7] =	wrdreg s11  }
0x1d: {  	s11 =	sshrl.u32 s28, $0x3;
	[dreg:$0x9] =	wrdreg s31;
	s28 =	sadd.s32 s12, s23  }
0x1e: {  	s7 =	simm.s32 $0x2;
	s31 =	smax.u32 s8, $0x1;
	[dreg:$0x16] =	wrdreg s28  }
0x1f: {  	s18 =	simm.s32 $0x0;
	s11 =	sadd.s32 s4, s11;
	[dreg:$0x19] =	wrdreg s31  }
.Ltmp0:
0x20: {  	s4 =	sadd.s32 s4, s6;
	[dreg:$0x8] =	wrdreg s11;
	(pc) =	sbr.rel .LBB2_1-.Ltmp0, $4  }
0x21: {  	[dreg:$0xa] =	wrdreg s4;
	s11 =	sadd.s32 $0x63E00, s0;
	s0 =	sadd.s32 $0x59800, s0  }
0x22: {  	s8 =	simm.s32 $0x80;
	[dreg:$0xb] =	wrdreg s0;
	s26 =	sadd.s32 s11, s23  }
0x23: {  	s6 =	simm.s32 $0xB400;
	s0 =	sadd.s32 s13, s23;
	[dreg:$0x15] =	wrdreg s26  }
0x24: {  	v0 =	vimm.f32 $0.0e+00;
	s4 =	simm.s32 $0x3;
	[dreg:$0x17] =	wrdreg s0;
	s0 =	simm.s32 $0x3400  }
.LBB2_14:
0x25: {  	s15 =	stileid.u32;
	[bflag:$0x0] =	sbarrier.arrive $0xFFFF  }
0x26: {  	s15 =	sshll.u32 s15, $0x6;
	s21 =	rddreg [dreg:$0xd]  }
0x27: {  	s17 =	rddreg [dreg:$0x6];
	s15 =	sor.u32 $0x1C03, s15;
	s16 =	sshrl.u32 s21, $0x3  }
0x28: {  	[hbm:s17], [sflag:s15] =	dma.local [spmem:s16], $0x800  }
0x29: {  	_ =	swait.ge [sflag:s4], $0x800  }
0x2a: {  	[sflag:s4] =	ssyncset.done $0x0;
	s25 =	rddreg [dreg:$0xf]  }
0x2b: {  	s28 =	rddreg [dreg:$0x7];
	[sflag:s4] =	ssyncadd.s32 $0xFFFFF800;
	s26 =	sshrl.u32 s25, $0x3  }
0x2c: {  	[hbm:s28], [sflag:s15] =	dma.local [spmem:s26], $0x800  }
0x2d: {  	_ =	swait.ge [sflag:s4], $0x800  }
0x2e: {  	[sflag:s4] =	ssyncset.done $0x0;
	s19 =	rddreg [dreg:$0x11]  }
0x2f: {  	s31 =	rddreg [dreg:$0x8];
	[sflag:s4] =	ssyncadd.s32 $0xFFFFF800;
	s30 =	sshrl.u32 s19, $0x3  }
0x30: {  	[hbm:s31], [sflag:s15] =	dma.local [spmem:s30], $0x800  }
0x31: {  	_ =	swait.ge [sflag:s4], $0x800  }
0x32: {  	[sflag:s4] =	ssyncset.done $0x0  }
0x33: {  	s17 =	sshrl.u32 s23, $0x3;
	s22 =	rddreg [dreg:$0x9];
	[sflag:s4] =	ssyncadd.s32 $0xFFFFF800  }
0x34: {  	[hbm:s22], [sflag:s15] =	dma.local [spmem:s17], $0x800  }
0x35: {  	_ =	swait.ge [sflag:s4], $0x800  }
0x36: {  	s20 =	smov.u32 s23;
	[sflag:s4] =	ssyncset.done $0x0;
	s23 =	rddreg [dreg:$0x13]  }
0x37: {  	s24 =	rddreg [dreg:$0xa];
	[sflag:s4] =	ssyncadd.s32 $0xFFFFF800;
	s16 =	sshrl.u32 s23, $0x3  }
0x38: {  	[hbm:s24], [sflag:s15] =	dma.local [spmem:s16], $0x800  }
0x39: {  	s30 =	simm.s32 $0x10;
	_ =	swait.ge [sflag:s4], $0x800  }
0x3a: {  	s22 =	simm.s32 $0x20;
	[sflag:s4] =	ssyncset.done $0x0;
	s24 =	rddreg [dreg:$0xc]  }
0x3b: {  	s28 =	rddreg [dreg:$0x18];
	[sflag:s4] =	ssyncadd.s32 $0xFFFFF800;
	s26 =	sshrl.u32 s24, $0x3  }
0x3c: {  	[hbm:s28@s22], [sflag:s15] =	dma.strided [spmem:s26@s30], $0x50, s10, $0x10   }
0x3d: {  	_ =	swait.ge [sflag:s4], $0x50  }
0x3e: {  	s18 =	sadd.s32 $0x1, s18;
	s31 =	rddreg [dreg:$0x19]  }
0x3f: {  	p0 =	sne.s32 s18, s31  }
.Ltmp1:
0x40: {  	_ = 	snop;
	(pc) =	sbr.rel @!p0 .LBB2_15-.Ltmp1, $3  }
0x41: {  	_ =	sdelay $0x1  }
0x42: {  	[sflag:s4] =	ssyncset.done $0x0  }
0x43: {  	[sflag:s4] =	ssyncadd.s32 $0xFFFFFFB0  }
.LBB2_1:
0x44: {  	s15 =	simm.s32 $0x0;
	s16 =	simm.s32 $0x200  }
.LBB2_2:
0x45: {  	p0 =	sne.s32 s16, $0xFE00;
	[tilespmem:s15+$0x3470] =	vst v0  }
0x46: {  	[tilespmem:s15+$0x3400] =	vst v0  }
0x47: {  	[tilespmem:s15+$0x3410] =	vst v0  }
.Ltmp2:
0x48: {  	[tilespmem:s15+$0x3420] =	vst v0;
	(pc) =	sbr.rel @p0 .LBB2_2-.Ltmp2, $4  }
0x49: {  	[tilespmem:s15+$0x3430] =	vst v0  }
0x4a: {  	[tilespmem:s15+$0x3440] =	vst v0  }
0x4b: {  	[tilespmem:s15+$0x3450] =	vst v0  }
0x4c: {  	[tilespmem:s15+$0x3460] =	vst v0;
	s15 =	sshra.s32 s16, $0x2;
	s16 =	sadd.s32 $0x200, s16  }
0x4d: {  	[tilespmem:s15+$0x3470] =	vst v0  }
0x4e: {  	[tilespmem:s15+$0x3400] =	vst v0  }
0x4f: {  	[tilespmem:s15+$0x3410] =	vst v0  }
0x50: {  	[tilespmem:s15+$0x3420] =	vst v0  }
0x51: {  	[tilespmem:s15+$0x3430] =	vst v0  }
0x52: {  	[tilespmem:s15+$0x3440] =	vst v0  }
0x53: {  	[tilespmem:s15+$0x3450] =	vst v0  }
0x54: {  	[tilespmem:s15+$0x3460] =	vst v0  }
0x55: {  	[tilespmem:$0xB400] =	vst v0  }
0x56: {  	[tilespmem:$0xB410] =	vst v0  }
0x57: {  	[tilespmem:$0xB420] =	vst v0  }
0x58: {  	[tilespmem:$0xB430] =	vst v0  }
0x59: {  	[tilespmem:$0xB440] =	vst v0  }
0x5a: {  	[tilespmem:$0xB450] =	vst v0  }
0x5b: {  	[tilespmem:$0xB460] =	vst v0  }
0x5c: {  	[tilespmem:$0xB470] =	vst v0  }
0x5d: {  	[spmem:s21] =	stream.linear.scatter [tilespmem:s0], [sflag:$0x3], $0x4000, $0x38;
	[tilespmem:$0x1F780] =	vst v63  }
0x5e: {  	_ =	swait.ge [sflag:s4], $0x4000  }
0x5f: {  	[sflag:s4] =	ssyncset.done $0x0  }
0x60: {  	[sflag:s4] =	ssyncadd.s32 $0xFFFFC000  }
0x61: {  	[spmem:s24] =	stream.linear.scatter [tilespmem:s6], [sflag:$0x3], $0x80, $0x38;
	[tilespmem:$0x1F780] =	vst v63  }
0x62: {  	_ =	swait.ge [sflag:s4], $0x80  }
0x63: {  	[sflag:s4] =	ssyncset.done $0x0  }
0x64: {  	[sflag:s4] =	ssyncadd.s32 $0xFFFFFF80  }
0x65: {  	[spmem:s25] =	stream.linear.scatter [tilespmem:s0], [sflag:$0x3], $0x4000, $0x38;
	[tilespmem:$0x1F780] =	vst v63  }
0x66: {  	_ =	swait.ge [sflag:s4], $0x4000  }
0x67: {  	[sflag:s4] =	ssyncset.done $0x0  }
0x68: {  	s17 =	rddreg [dreg:$0xe];
	[sflag:s4] =	ssyncadd.s32 $0xFFFFC000  }
0x69: {  	[spmem:s17] =	stream.linear.scatter [tilespmem:s6], [sflag:$0x3], $0x80, $0x38;
	[tilespmem:$0x1F780] =	vst v63  }
0x6a: {  	_ =	swait.ge [sflag:s4], $0x80  }
0x6b: {  	[sflag:s4] =	ssyncset.done $0x0  }
0x6c: {  	[sflag:s4] =	ssyncadd.s32 $0xFFFFFF80  }
0x6d: {  	[spmem:s19] =	stream.linear.scatter [tilespmem:s0], [sflag:$0x3], $0x4000, $0x38;
	[tilespmem:$0x1F780] =	vst v63  }
0x6e: {  	_ =	swait.ge [sflag:s4], $0x4000  }
0x6f: {  	[sflag:s4] =	ssyncset.done $0x0  }
0x70: {  	s19 =	rddreg [dreg:$0x10];
	[sflag:s4] =	ssyncadd.s32 $0xFFFFC000  }
0x71: {  	[spmem:s19] =	stream.linear.scatter [tilespmem:s6], [sflag:$0x3], $0x80, $0x38;
	[tilespmem:$0x1F780] =	vst v63  }
0x72: {  	_ =	swait.ge [sflag:s4], $0x80  }
0x73: {  	[sflag:s4] =	ssyncset.done $0x0  }
0x74: {  	[sflag:s4] =	ssyncadd.s32 $0xFFFFFF80  }
0x75: {  	[spmem:s20] =	stream.linear.scatter [tilespmem:s0], [sflag:$0x3], $0x4000, $0x38;
	[tilespmem:$0x1F780] =	vst v63  }
0x76: {  	_ =	swait.ge [sflag:s4], $0x4000  }
0x77: {  	[sflag:s4] =	ssyncset.done $0x0  }
0x78: {  	s23 =	smov.u32 s20;
	s20 =	rddreg [dreg:$0x12];
	[sflag:s4] =	ssyncadd.s32 $0xFFFFC000  }
0x79: {  	[spmem:s20] =	stream.linear.scatter [tilespmem:s6], [sflag:$0x3], $0x80, $0x38;
	[tilespmem:$0x1F780] =	vst v63  }
0x7a: {  	_ =	swait.ge [sflag:s4], $0x80  }
0x7b: {  	[sflag:s4] =	ssyncset.done $0x0  }
0x7c: {  	s21 =	rddreg [dreg:$0x13];
	[sflag:s4] =	ssyncadd.s32 $0xFFFFFF80  }
0x7d: {  	[spmem:s21] =	stream.linear.scatter [tilespmem:s0], [sflag:$0x3], $0x4000, $0x38;
	[tilespmem:$0x1F780] =	vst v63  }
0x7e: {  	_ =	swait.ge [sflag:s4], $0x4000  }
0x7f: {  	[sflag:s4] =	ssyncset.done $0x0  }
0x80: {  	s22 =	rddreg [dreg:$0x14];
	[sflag:s4] =	ssyncadd.s32 $0xFFFFC000  }
0x81: {  	[spmem:s22] =	stream.linear.scatter [tilespmem:s6], [sflag:$0x3], $0x80, $0x38;
	[tilespmem:$0x1F780] =	vst v63  }
0x82: {  	_ =	swait.ge [sflag:s4], $0x80  }
0x83: {  	[sflag:s4] =	ssyncset.done $0x0  }
0x84: {  	[sflag:s4] =	ssyncadd.s32 $0xFFFFFF80  }
0x85: {  	[bflag:$0x0] =	sbarrier.arrive $0xFFFF  }
0x86: {  	s20 =	simm.s32 $0x0;
	s24 =	rddreg [dreg:$0xb]  }
0x87: {  	[tilespmem:s20], [sflag:$0x3] =	stream.linear.gather [hbm4b:s24+s20], $0x2710, $0x38;
	[tilespmem:$0x1F780] =	vst v63  }
0x88: {  	_ =	swait.ge [sflag:s4], $0x2710  }
0x89: {  	[sflag:s4] =	ssyncset.done $0x0  }
0x8a: {  	s16 =	simm.s32 $0x2800;
	s25 =	rddreg [dreg:$0x15];
	[sflag:s4] =	ssyncadd.s32 $0xFFFFD8F0  }
0x8b: {  	[tilespmem:s16], [sflag:$0x3] =	stream.linear.gather [hbm4b:s25+s20], $0x400, $0x38;
	[tilespmem:$0x1F780] =	vst v63  }
0x8c: {  	_ =	swait.ge [sflag:s4], $0x400  }
0x8d: {  	[sflag:s4] =	ssyncset.done $0x0  }
0x8e: {  	s28 =	simm.s32 $0x2C00;
	s26 =	rddreg [dreg:$0x16];
	[sflag:s4] =	ssyncadd.s32 $0xFFFFFC00  }
0x8f: {  	[tilespmem:s28], [sflag:$0x3] =	stream.linear.gather [hbm4b:s26+s20], $0x400, $0x38;
	[tilespmem:$0x1F780] =	vst v63  }
0x90: {  	_ =	swait.ge [sflag:s4], $0x400  }
0x91: {  	[sflag:s4] =	ssyncset.done $0x0  }
0x92: {  	s17 =	simm.s32 $0x3000;
	s30 =	rddreg [dreg:$0x17];
	[sflag:s4] =	ssyncadd.s32 $0xFFFFFC00  }
0x93: {  	[tilespmem:s17], [sflag:$0x3] =	stream.linear.gather [hbm4b:s30+s20], $0x400, $0x38;
	[tilespmem:$0x1F780] =	vst v63  }
0x94: {  	_ =	swait.ge [sflag:s4], $0x400  }
0x95: {  	[sflag:s4] =	ssyncset.done $0x0  }
0x96: {  	[sflag:s4] =	ssyncadd.s32 $0xFFFFFC00  }
0x97: {  	[tilespmem:s0], [sflag:$0x1] =	stream.indirect.gather [hbm4b:s1+s8], $0x80, s28, s8, $0xb8;
	[tilespmem:$0x1F780] =	vst v63  }
0x98: {  	s31 =	simm.s32 $0x2C80;
	s22 =	simm.s32 $0x0  }
0x99: {  	[tilespmem:s9], [sflag:$0x2] =	stream.indirect.gather [hbm4b:s1+s8], $0x80, s31, s8, $0xb8;
	[tilespmem:$0x1F780] =	vst v63  }
.LBB2_4:
0x9a: {  	s15 =	sshll.u32 s20, $0x8  }
0x9b: {  	s15 =	sand.u32 $0x300, s15  }
0x9c: {  	s16 =	sor.u32 $0x2C10, s15  }
0x9d: {  	s17 =	sor.u32 $0x2810, s15;
	v1 =	vld [tilespmem:s16+$0x0]  }
0x9e: {  	v2 =	vld [tilespmem:s17+$0x0];
	_ =	sdelay $0x3  }
0x9f: {  	v3 =	vld [tilespmem:s17+$0xFFFFFFF0]  }
0xa0: {  	v4 =	vld [tilespmem:s16+$0xFFFFFFF0];
	s16 =	sadd.s32 $0x20, s16  }
0xa1: {  	v5 =	vld [tilespmem:s16+$0x0]  }
0xa2: {  	v1 =	vld.idx.msk [tilespmem:v1+s5+$0x0], $0xffff  }
0xa3: {  	s17 =	sadd.s32 $0x20, s17;
	v2 =	vld.idx.msk [tilespmem:v2+s5+$0x0], $0xffff  }
0xa4: {  	s19 =	sor.u32 $0x3010, s15;
	v6 =	vld [tilespmem:s17+$0x0]  }
0xa5: {  	v7 =	vld [tilespmem:s19+$0x0]  }
0xa6: {  	v8 =	vld [tilespmem:s17+$0xFFFFFFF0]  }
0xa7: {  	v9 =	vld [tilespmem:s16+$0xFFFFFFF0]  }
0xa8: {  	v4 =	vld.idx.msk [tilespmem:v4+s5+$0x0], $0xffff;
	v1 =	vsub.f32 v1, v2  }
0xa9: {  	v2 =	vld.idx.msk [tilespmem:v3+s5+$0x0], $0xffff  }
0xaa: {  	v5 =	vld.idx.msk [tilespmem:v5+s5+$0x0], $0xffff;
	v1 =	vadd.f32 v7, v1  }
0xab: {  	v3 =	vld [tilespmem:s19+$0xFFFFFFF0]  }
0xac: {  	s21 =	sadd.s32 $0x20, s16;
	v6 =	vld.idx.msk [tilespmem:v6+s5+$0x0], $0xffff;
	v1 =	vmul.f32 $1.442695020e+00, v1  }
0xad: {  	v10 =	vld [tilespmem:s21+$0x0];
	s19 =	sadd.s32 $0x20, s19  }
0xae: {  	s16 =	sadd.s32 $0x20, s17;
	v7 =	vld [tilespmem:s19+$0x0];
	v2 =	vsub.f32 v4, v2;
	(erf) = vpow2.f32 v1  }
0xaf: {  	v11 =	vld [tilespmem:s16+$0x0]  }
0xb0: {  	v3 =	vadd.f32 v3, v2  }
0xb1: {  	v6 =	vsub.f32 v5, v6;
	v5 =	vld [tilespmem:s21+$0xFFFFFFF0]  }
0xb2: {  	v4 =	vld.idx.msk [tilespmem:v8+s5+$0x0], $0xffff;
	v8 =	vmul.f32 $1.442695020e+00, v3  }
0xb3: {  	v1 =	vld [tilespmem:s16+$0xFFFFFFF0];
	v7 =	vadd.f32 v7, v6  }
0xb4: {  	v2 =	vld.idx.msk [tilespmem:v9+s5+$0x0], $0xffff;
	(erf) = vpow2.f32 v8  }
0xb5: {  	v6 =	vld.idx.msk [tilespmem:v10+s5+$0x0], $0xffff  }
0xb6: {  	s24 =	sshll.u32 s22, $0x1;
	s30 =	sor.u32 $0x2C90, s15;
	s28 =	sor.u32 $0x2890, s15;
	v3 =	vld [tilespmem:s19+$0xFFFFFFF0];
	v9 =	vmul.f32 $1.442695020e+00, v7  }
0xb7: {  	s26 =	sor.u32 $0x3090, s15;
	s15 =	simm.s32 $0xB410;
	s17 =	sadd.s32 $0x20, s19;
	v8 =	vld.idx.msk [tilespmem:v11+s5+$0x0], $0xffff;
	v7 =	vpop (erf)  }
0xb8: {  	s31 =	simm.s32 $0x4;
	s25 =	sand.u32 $0x6, s24;
	s19 =	sadd.s32 $0x20, s21;
	(erf) = vpow2.f32 v9;
	[tilespmem:s15+$0x0] =	vst v7;
	v7 =	vld [tilespmem:s17+$0x0]  }
.LBB2_5:
0xb9: {  	v9 =	vld [tilespmem:s19+$0x0];
	s16 =	sadd.s32 $0x20, s16;
	v2 =	vsub.f32 v2, v4  }
0xba: {  	s31 =	sadd.s32 $0x2, s31;
	v10 =	vld [tilespmem:s16+$0x0]  }
0xbb: {  	p0 =	slt.u32 s31, $0x6;
	v11 =	vld [tilespmem:s16+$0xFFFFFFF0];
	v4 =	vadd.f32 v3, v2  }
0xbc: {  	v12 =	vld [tilespmem:s19+$0xFFFFFFF0]  }
0xbd: {  	v2 =	vld.idx.msk [tilespmem:v5+s5+$0x0], $0xffff;
	v5 =	vsub.f32 v6, v8;
	v6 =	vmul.f32 $1.442695020e+00, v4;
	v3 =	vpop (erf)  }
0xbe: {  	v4 =	vld.idx.msk [tilespmem:v1+s5+$0x0], $0xffff;
	[tilespmem:s15+$0xFFFFFFF0] =	vst v3  }
.Ltmp3:
0xbf: {  	v3 =	vld [tilespmem:s17+$0xFFFFFFF0];
	v8 =	vadd.f32 v7, v5;
	(erf) = vpow2.f32 v6;
	(pc) =	sbr.rel @p0 .LBB2_5-.Ltmp3, $4  }
0xc0: {  	v1 =	vmov v11  }
0xc1: {  	s15 =	sadd.s32 $0x20, s15;
	v6 =	vld.idx.msk [tilespmem:v9+s5+$0x0], $0xffff;
	v9 =	vmul.f32 $1.442695020e+00, v8;
	v7 =	vpop (erf);
	v5 =	vmov v12  }
0xc2: {  	s17 =	sadd.s32 $0x20, s17;
	v8 =	vld.idx.msk [tilespmem:v10+s5+$0x0], $0xffff;
	[tilespmem:s15+$0x0] =	vst v7  }
0xc3: {  	s19 =	sadd.s32 $0x20, s19;
	v7 =	vld [tilespmem:s17+$0x0];
	(erf) = vpow2.f32 v9  }
0xc4: {  	_ =	sdelay $0x3  }
0xc5: {  	v5 =	vld.idx.msk [tilespmem:v5+s5+$0x0], $0xffff  }
0xc6: {  	v1 =	vld.idx.msk [tilespmem:v1+s5+$0x0], $0xffff;
	_ =	sdelay $0x1  }
0xc7: {  	v9 =	vld [tilespmem:s17+$0xFFFFFFF0]  }
0xc8: {  	v2 =	vsub.f32 v2, v4  }
0xc9: {  	v4 =	vsub.f32 v6, v8  }
0xca: {  	v2 =	vadd.f32 v3, v2;
	v1 =	vsub.f32 v5, v1  }
0xcb: {  	v3 =	vadd.f32 v7, v4  }
0xcc: {  	v2 =	vmul.f32 $1.442695020e+00, v2;
	v1 =	vadd.f32 v9, v1  }
0xcd: {  	v3 =	vmul.f32 $1.442695020e+00, v3  }
0xce: {  	(erf) = vpow2.f32 v2;
	v1 =	vmul.f32 $1.442695020e+00, v1  }
0xcf: {  	(erf) = vpow2.f32 v3  }
0xd0: {  	(erf) = vpow2.f32 v1;
	_ =	sdelay $0x4  }
0xd1: {  	v1 =	vpop (erf)  }
0xd2: {  	s19 =	sadd.s32 $0x20, s15;
	v2 =	vpop (erf);
	[tilespmem:s15+$0xFFFFFFF0] =	vst v1  }
0xd3: {  	v1 =	vpop (erf);
	[tilespmem:s19+$0x0] =	vst v2  }
0xd4: {  	s15 =	sadd.s32 $0x20, s19;
	[tilespmem:s19+$0xFFFFFFF0] =	vst v1;
	v1 =	vpop (erf)  }
0xd5: {  	s16 =	sshll.u32 s25, $0x7;
	s21 =	simm.s32 $0x0;
	[tilespmem:s15+$0x0] =	vst v1;
	v1 =	vpop (erf)  }
0xd6: {  	s17 =	simm.s32 $0x2;
	s31 =	sor.u32 $0x2800, s16;
	[tilespmem:s15+$0xFFFFFFF0] =	vst v1;
	v1 =	vmov s21  }
0xd7: {  	v2 =	vmov s17;
	[spmem:s3] =	stream.indirect.scatter.add.f32 [tilespmem:s6], [sflag:$0x3], $0x1, s31, s8, $0xb8;
	v1 =	vand.u32 $0xFFFFFFFC, v1;
	[tilespmem:$0x1F780] =	vst v63  }
0xd8: {  	v2 =	vand.u32 $0xFFFFFFFE, v2;
	_ =	swait.ge [sflag:s4], $0x80;
	v1 =	vbroadcast v1, $0x0  }
0xd9: {  	v2 =	vbroadcast v2, $0x0;
	[sflag:s4] =	ssyncset.done $0x0  }
0xda: {  	[sflag:s4] =	ssyncadd.s32 $0xFFFFFF80  }
0xdb: {  	_ =	swait.ge [sflag:s10], $0x4000  }
0xdc: {  	[sflag:s10] =	ssyncset.done $0x0  }
0xdd: {  	[sflag:s10] =	ssyncadd.s32 $0xFFFFC000  }
0xde: {  	v1 =	vld.idx.msk [tilespmem:v1+s6+$0x0], $0xffff  }
0xdf: {  	s19 =	simm.s32 $0x1;
	s15 =	simm.s32 $0x3500;
	v2 =	vld.idx.msk [tilespmem:v2+s6+$0x0], $0xffff  }
0xe0: {  	v3 =	vmov s19;
	v4 =	vld [tilespmem:s15+$0x70]  }
0xe1: {  	v3 =	vand.u32 $0xFFFFFFFD, v3;
	v5 =	vld [tilespmem:s15+$0xFFFFFF00]  }
0xe2: {  	v3 =	vbroadcast v3, $0x0;
	v6 =	vld [tilespmem:s15+$0xFFFFFF10]  }
0xe3: {  	v7 =	vld [tilespmem:s15+$0xFFFFFF20]  }
0xe4: {  	v8 =	vld [tilespmem:s15+$0xFFFFFF30]  }
0xe5: {  	v9 =	vld [tilespmem:s15+$0xFFFFFF40]  }
0xe6: {  	v10 =	vld [tilespmem:s15+$0xFFFFFF50]  }
0xe7: {  	v11 =	vld [tilespmem:s15+$0xFFFFFF60];
	v5 =	vmul.f32 v5, v1  }
0xe8: {  	v3 =	vld.idx.msk [tilespmem:v3+s6+$0x0], $0xffff;
	v4 =	vmul.f32 v4, v2  }
0xe9: {  	v13 =	vld [tilespmem:s15+$0x40];
	[tilespmem:s15+$0xFFFFFF00] =	vst v5;
	v5 =	vmul.f32 v6, v1  }
0xea: {  	v6 =	vld [tilespmem:s15+$0xFFFFFF70];
	[tilespmem:s15+$0x70] =	vst v4;
	v4 =	vmul.f32 v7, v1  }
0xeb: {  	v7 =	vld [tilespmem:s15+$0xFFFFFF80];
	[tilespmem:s15+$0xFFFFFF10] =	vst v5;
	v5 =	vmul.f32 v8, v1  }
0xec: {  	v8 =	vld [tilespmem:s15+$0xFFFFFF90];
	[tilespmem:s15+$0xFFFFFF20] =	vst v4;
	v4 =	vmul.f32 v9, v1  }
0xed: {  	v9 =	vld [tilespmem:s15+$0xFFFFFFA0];
	[tilespmem:s15+$0xFFFFFF30] =	vst v5;
	v5 =	vmul.f32 v10, v1  }
0xee: {  	v10 =	vld [tilespmem:s15+$0xFFFFFFB0];
	[tilespmem:s15+$0xFFFFFF40] =	vst v4;
	v4 =	vmul.f32 v11, v1  }
0xef: {  	v11 =	vld [tilespmem:s15+$0xFFFFFFC0];
	v6 =	vmul.f32 v6, v1;
	[tilespmem:s15+$0xFFFFFF50] =	vst v5  }
0xf0: {  	v5 =	vmul.f32 v7, v3;
	v7 =	vld [tilespmem:s15+$0xFFFFFFD0];
	[tilespmem:s15+$0xFFFFFF60] =	vst v4  }
0xf1: {  	s21 =	simm.s32 $0x3;
	v4 =	vld [tilespmem:s15+$0xFFFFFFE0];
	v8 =	vmul.f32 v8, v3;
	[tilespmem:s15+$0xFFFFFF70] =	vst v6  }
0xf2: {  	v12 =	vmov s21;
	v6 =	vld [tilespmem:s15+$0xFFFFFFF0];
	[tilespmem:s15+$0xFFFFFF80] =	vst v5;
	v5 =	vmul.f32 v9, v3  }
0xf3: {  	v9 =	vld [tilespmem:s15+$0x0];
	[tilespmem:s15+$0xFFFFFF90] =	vst v8;
	v8 =	vmul.f32 v10, v3  }
0xf4: {  	v10 =	vld [tilespmem:s15+$0x10];
	[tilespmem:s15+$0xFFFFFFA0] =	vst v5;
	v5 =	vmul.f32 v11, v3  }
0xf5: {  	[tilespmem:s15+$0xFFFFFFB0] =	vst v8;
	v7 =	vmul.f32 v7, v3;
	v8 =	vld [tilespmem:s15+$0x20]  }
0xf6: {  	v11 =	vld [tilespmem:s15+$0x30];
	v4 =	vmul.f32 v4, v3;
	[tilespmem:s15+$0xFFFFFFC0] =	vst v5  }
0xf7: {  	v1 =	vld.idx.msk [tilespmem:v12+s6+$0x0], $0xffff;
	v3 =	vmul.f32 v6, v3;
	[tilespmem:s15+$0xFFFFFFD0] =	vst v7  }
0xf8: {  	[tilespmem:s15+$0xFFFFFFE0] =	vst v4;
	v5 =	vmul.f32 v9, v2;
	v4 =	vld [tilespmem:s15+$0x50]  }
0xf9: {  	s17 =	simm.s32 $0x4;
	[tilespmem:s15+$0xFFFFFFF0] =	vst v3;
	v6 =	vmul.f32 v10, v2;
	v3 =	vld [tilespmem:s15+$0x60]  }
0xfa: {  	s19 =	simm.s32 $0x7;
	v7 =	vmov s17;
	[tilespmem:s15+$0x0] =	vst v5;
	v9 =	vmul.f32 v8, v2;
	v8 =	vld [tilespmem:s15+$0x80]  }
0xfb: {  	s21 =	simm.s32 $0x5;
	v12 =	vand.u32 $0xFFFFFFFC, v7;
	v7 =	vld [tilespmem:s15+$0x90];
	v5 =	vmov s19;
	v10 =	vmul.f32 v11, v2;
	[tilespmem:s15+$0x10] =	vst v6  }
0xfc: {  	s16 =	simm.s32 $0x3500;
	s17 =	simm.s32 $0x8;
	s19 =	simm.s32 $0x6;
	v11 =	vmul.f32 v13, v2;
	v6 =	vbroadcast v12, $0x0;
	v12 =	vmov s21;
	[tilespmem:s15+$0x20] =	vst v9;
	v9 =	vld [tilespmem:s15+$0xA0]  }
.LBB2_7:
0xfd: {  	p0 =	slt.u32 s17, $0x7C;
	v12 =	vand.u32 $0xFFFFFFFD, v12;
	v13 =	vmov s19;
	[tilespmem:s15+$0x30] =	vst v10;
	v4 =	vmul.f32 v4, v2;
	v10 =	vld [tilespmem:s15+$0xB0]  }
0xfe: {  	v12 =	vbroadcast v12, $0x0;
	v13 =	vand.u32 $0xFFFFFFFE, v13;
	[tilespmem:s15+$0x40] =	vst v11;
	v2 =	vmul.f32 v3, v2;
	v3 =	vld [tilespmem:s15+$0xC0]  }
0xff: {  	v11 =	vbroadcast v13, $0x0;
	[tilespmem:s15+$0x50] =	vst v4;
	v4 =	vmul.f32 v8, v1;
	v8 =	vld [tilespmem:s15+$0xD0]  }
0x100: {  	[tilespmem:s15+$0x60] =	vst v2;
	v2 =	vmul.f32 v7, v1;
	v7 =	vld [tilespmem:s15+$0xE0]  }
0x101: {  	[tilespmem:s15+$0x80] =	vst v4;
	v4 =	vmul.f32 v9, v1;
	v9 =	vld [tilespmem:s15+$0xF0]  }
0x102: {  	v5 =	vld.idx.msk [tilespmem:v5+s6+$0x0], $0xffff;
	[tilespmem:s15+$0x90] =	vst v2;
	v2 =	vmul.f32 v10, v1  }
0x103: {  	v6 =	vld.idx.msk [tilespmem:v6+s6+$0x0], $0xffff;
	[tilespmem:s15+$0xA0] =	vst v4;
	v3 =	vmul.f32 v3, v1  }
0x104: {  	v4 =	vld.idx.msk [tilespmem:v12+s6+$0x0], $0xffff;
	[tilespmem:s15+$0xB0] =	vst v2;
	v8 =	vmul.f32 v8, v1  }
0x105: {  	s15 =	sadd.s32 $0x200, s15;
	v2 =	vld.idx.msk [tilespmem:v11+s6+$0x0], $0xffff;
	[tilespmem:s16+$0xC0] =	vst v3;
	v3 =	vmul.f32 v7, v1  }
0x106: {  	v7 =	vld [tilespmem:s15+$0x70];
	[tilespmem:s16+$0xD0] =	vst v8;
	v9 =	vmul.f32 v9, v1  }
0x107: {  	v8 =	vld [tilespmem:s15+$0xFFFFFF00];
	[tilespmem:s16+$0xE0] =	vst v3  }
0x108: {  	v1 =	vmov v5;
	v3 =	vld [tilespmem:s15+$0xFFFFFF10];
	[tilespmem:s16+$0xF0] =	vst v9;
	s16 =	smov.u32 s15  }
0x109: {  	v5 =	vld [tilespmem:s15+$0xFFFFFF20]  }
0x10a: {  	v9 =	vld [tilespmem:s15+$0xFFFFFF30]  }
0x10b: {  	v10 =	vld [tilespmem:s15+$0xFFFFFF40];
	v7 =	vmul.f32 v7, v2  }
0x10c: {  	v8 =	vmul.f32 v8, v6;
	v11 =	vld [tilespmem:s15+$0xFFFFFF50]  }
0x10d: {  	v3 =	vmul.f32 v3, v6;
	v12 =	vld [tilespmem:s15+$0xFFFFFF60];
	[tilespmem:s15+$0x70] =	vst v7  }
0x10e: {  	[tilespmem:s15+$0xFFFFFF00] =	vst v8;
	v5 =	vmul.f32 v5, v6;
	v7 =	vld [tilespmem:s15+$0xFFFFFF70]  }
0x10f: {  	[tilespmem:s15+$0xFFFFFF10] =	vst v3;
	v3 =	vmul.f32 v9, v6;
	v8 =	vld [tilespmem:s15+$0xFFFFFF80]  }
0x110: {  	[tilespmem:s15+$0xFFFFFF20] =	vst v5;
	v5 =	vmul.f32 v10, v6;
	v9 =	vld [tilespmem:s15+$0xFFFFFF90]  }
0x111: {  	[tilespmem:s15+$0xFFFFFF30] =	vst v3;
	v3 =	vmul.f32 v11, v6;
	v10 =	vld [tilespmem:s15+$0xFFFFFFA0]  }
0x112: {  	[tilespmem:s15+$0xFFFFFF40] =	vst v5;
	v5 =	vmul.f32 v12, v6;
	v11 =	vld [tilespmem:s15+$0xFFFFFFB0]  }
0x113: {  	[tilespmem:s15+$0xFFFFFF50] =	vst v3;
	v3 =	vmul.f32 v7, v6;
	v6 =	vld [tilespmem:s15+$0xFFFFFFC0]  }
0x114: {  	[tilespmem:s15+$0xFFFFFF60] =	vst v5;
	v5 =	vmul.f32 v8, v4;
	v7 =	vld [tilespmem:s15+$0xFFFFFFD0]  }
0x115: {  	[tilespmem:s15+$0xFFFFFF70] =	vst v3;
	v3 =	vmul.f32 v9, v4;
	v8 =	vld [tilespmem:s15+$0xFFFFFFE0]  }
0x116: {  	[tilespmem:s15+$0xFFFFFF80] =	vst v5;
	v5 =	vmul.f32 v10, v4;
	v9 =	vld [tilespmem:s15+$0xFFFFFFF0]  }
0x117: {  	[tilespmem:s15+$0xFFFFFF90] =	vst v3;
	v3 =	vmul.f32 v11, v4;
	v10 =	vld [tilespmem:s15+$0x0]  }
0x118: {  	[tilespmem:s15+$0xFFFFFFA0] =	vst v5;
	v5 =	vmul.f32 v6, v4;
	v6 =	vld [tilespmem:s15+$0x10]  }
0x119: {  	[tilespmem:s15+$0xFFFFFFB0] =	vst v3;
	v3 =	vmul.f32 v7, v4;
	v7 =	vld [tilespmem:s15+$0x20]  }
0x11a: {  	[tilespmem:s15+$0xFFFFFFC0] =	vst v5;
	v5 =	vmul.f32 v8, v4;
	v11 =	vld [tilespmem:s15+$0x30]  }
0x11b: {  	[tilespmem:s15+$0xFFFFFFD0] =	vst v3;
	v3 =	vmul.f32 v9, v4;
	v9 =	vld [tilespmem:s15+$0x40]  }
.Ltmp4:
0x11c: {  	[tilespmem:s15+$0xFFFFFFE0] =	vst v5;
	v5 =	vmul.f32 v10, v2;
	v4 =	vld [tilespmem:s15+$0x50];
	(pc) =	sbr.rel @p0 .LBB2_7-.Ltmp4, $4  }
0x11d: {  	[tilespmem:s15+$0xFFFFFFF0] =	vst v3;
	v6 =	vmul.f32 v6, v2;
	v3 =	vld [tilespmem:s15+$0x60]  }
0x11e: {  	s19 =	sadd.s32 $0x3, s17;
	v10 =	vmov s17;
	[tilespmem:s15+$0x0] =	vst v5;
	v13 =	vmul.f32 v7, v2;
	v8 =	vld [tilespmem:s15+$0x80]  }
0x11f: {  	s21 =	sadd.s32 $0x1, s17;
	v12 =	vand.u32 $0xFFFFFFFC, v10;
	v5 =	vmov s19;
	[tilespmem:s15+$0x10] =	vst v6;
	v10 =	vmul.f32 v11, v2;
	v7 =	vld [tilespmem:s15+$0x90]  }
0x120: {  	s19 =	sadd.s32 $0x2, s17;
	s17 =	sadd.s32 $0x4, s17;
	v6 =	vbroadcast v12, $0x0;
	v12 =	vmov s21;
	[tilespmem:s15+$0x20] =	vst v13;
	v11 =	vmul.f32 v9, v2;
	v9 =	vld [tilespmem:s15+$0xA0]  }
0x121: {  	v13 =	vld [tilespmem:s15+$0xB0]  }
0x122: {  	v15 =	vld [tilespmem:s15+$0xC0]  }
0x123: {  	v14 =	vmov s19;
	v16 =	vld [tilespmem:s15+$0xD0]  }
0x124: {  	v17 =	vld [tilespmem:s15+$0xE0];
	[tilespmem:s15+$0x30] =	vst v10;
	v4 =	vmul.f32 v4, v2;
	v14 =	vand.u32 $0xFFFFFFFE, v14  }
0x125: {  	v5 =	vld.idx.msk [tilespmem:v5+s6+$0x0], $0xffff;
	[tilespmem:s15+$0x40] =	vst v11;
	v2 =	vmul.f32 v3, v2;
	v14 =	vbroadcast v14, $0x0  }
0x126: {  	v12 =	vand.u32 $0xFFFFFFFD, v12;
	s17 =	sadd.s32 $0x200, s15;
	v3 =	vld.idx.msk [tilespmem:v6+s6+$0x0], $0xffff;
	v8 =	vmul.f32 v8, v1;
	[tilespmem:s15+$0x50] =	vst v4  }
0x127: {  	v12 =	vbroadcast v12, $0x0;
	v10 =	vld [tilespmem:s17+$0xFFFFFF00];
	v4 =	vmul.f32 v7, v1;
	[tilespmem:s15+$0x60] =	vst v2  }
0x128: {  	[tilespmem:s15+$0x80] =	vst v8;
	v8 =	vld [tilespmem:s15+$0xF0];
	v2 =	vmul.f32 v9, v1  }
0x129: {  	v11 =	vld [tilespmem:s17+$0xFFFFFF10];
	[tilespmem:s15+$0x90] =	vst v4;
	v4 =	vmul.f32 v13, v1  }
0x12a: {  	v9 =	vld [tilespmem:s17+$0x70];
	[tilespmem:s15+$0xA0] =	vst v2;
	v2 =	vmul.f32 v15, v1  }
0x12b: {  	[tilespmem:s15+$0xB0] =	vst v4;
	v4 =	vmul.f32 v16, v1;
	v7 =	vld.idx.msk [tilespmem:v14+s6+$0x0], $0xffff  }
0x12c: {  	v62 =	vld [tilespmem:s17+$0xFFFFFF20];
	[tilespmem:s16+$0xC0] =	vst v2;
	v2 =	vmul.f32 v17, v1  }
0x12d: {  	v6 =	vld.idx.msk [tilespmem:v12+s6+$0x0], $0xffff;
	[tilespmem:s16+$0xD0] =	vst v4;
	v1 =	vmul.f32 v8, v1  }
0x12e: {  	v4 =	vld [tilespmem:s17+$0xFFFFFF30];
	[tilespmem:s16+$0xE0] =	vst v2  }
0x12f: {  	v2 =	vld [tilespmem:s17+$0xFFFFFF40];
	[tilespmem:s16+$0xF0] =	vst v1;
	v1 =	vmul.f32 v10, v3  }
0x130: {  	v8 =	vmul.f32 v9, v7;
	v9 =	vld [tilespmem:s17+$0xFFFFFF50]  }
0x131: {  	v10 =	vmul.f32 v11, v3;
	v11 =	vld [tilespmem:s17+$0xFFFFFF60];
	[tilespmem:s17+$0xFFFFFF00] =	vst v1  }
0x132: {  	v1 =	vmul.f32 v62, v3;
	[tilespmem:s17+$0x70] =	vst v8;
	v8 =	vld [tilespmem:s17+$0xFFFFFF70]  }
0x133: {  	[tilespmem:s17+$0xFFFFFF10] =	vst v10;
	v10 =	vld [tilespmem:s17+$0xFFFFFF80];
	v4 =	vmul.f32 v4, v3  }
0x134: {  	[tilespmem:s17+$0xFFFFFF20] =	vst v1;
	v1 =	vmul.f32 v2, v3;
	v2 =	vld [tilespmem:s17+$0xFFFFFF90]  }
0x135: {  	[tilespmem:s17+$0xFFFFFF30] =	vst v4;
	v4 =	vmul.f32 v9, v3;
	v9 =	vld [tilespmem:s17+$0xFFFFFFA0]  }
0x136: {  	[tilespmem:s17+$0xFFFFFF40] =	vst v1;
	v1 =	vmul.f32 v11, v3;
	v11 =	vld [tilespmem:s17+$0xFFFFFFB0]  }
0x137: {  	[tilespmem:s17+$0xFFFFFF50] =	vst v4;
	v3 =	vmul.f32 v8, v3;
	v4 =	vld [tilespmem:s17+$0xFFFFFFC0]  }
0x138: {  	[tilespmem:s17+$0xFFFFFF60] =	vst v1;
	v1 =	vmul.f32 v10, v6;
	v8 =	vld [tilespmem:s17+$0xFFFFFFD0]  }
0x139: {  	v2 =	vmul.f32 v2, v6;
	[tilespmem:s17+$0xFFFFFF70] =	vst v3;
	v3 =	vld [tilespmem:s17+$0xFFFFFFE0]  }
0x13a: {  	[tilespmem:s17+$0xFFFFFF80] =	vst v1;
	v1 =	vmul.f32 v9, v6;
	v9 =	vld [tilespmem:s17+$0xFFFFFFF0]  }
0x13b: {  	v10 =	vld [tilespmem:s17+$0x0];
	[tilespmem:s17+$0xFFFFFF90] =	vst v2;
	v2 =	vmul.f32 v11, v6  }
0x13c: {  	[tilespmem:s17+$0xFFFFFFA0] =	vst v1;
	v1 =	vmul.f32 v4, v6;
	v4 =	vld [tilespmem:s17+$0x10]  }
0x13d: {  	[tilespmem:s17+$0xFFFFFFB0] =	vst v2;
	v2 =	vmul.f32 v8, v6;
	v8 =	vld [tilespmem:s17+$0x20]  }
0x13e: {  	[tilespmem:s17+$0xFFFFFFC0] =	vst v1;
	v1 =	vmul.f32 v3, v6;
	v3 =	vld [tilespmem:s17+$0x30]  }
0x13f: {  	[tilespmem:s17+$0xFFFFFFD0] =	vst v2;
	v2 =	vmul.f32 v9, v6;
	v6 =	vld [tilespmem:s17+$0x40]  }
0x140: {  	v9 =	vld [tilespmem:s17+$0x50];
	[tilespmem:s17+$0xFFFFFFE0] =	vst v1;
	v1 =	vmul.f32 v10, v7  }
0x141: {  	[tilespmem:s17+$0xFFFFFFF0] =	vst v2;
	v2 =	vmul.f32 v4, v7;
	v4 =	vld [tilespmem:s17+$0x60]  }
0x142: {  	[tilespmem:s17+$0x0] =	vst v1;
	v1 =	vmul.f32 v8, v7;
	v8 =	vld [tilespmem:s17+$0x80]  }
0x143: {  	[tilespmem:s17+$0x10] =	vst v2;
	v2 =	vmul.f32 v3, v7;
	v3 =	vld [tilespmem:s17+$0x90]  }
0x144: {  	[tilespmem:s17+$0x20] =	vst v1;
	v1 =	vmul.f32 v6, v7;
	v6 =	vld [tilespmem:s17+$0xA0]  }
0x145: {  	[tilespmem:s17+$0x30] =	vst v2;
	v2 =	vmul.f32 v9, v7;
	v9 =	vld [tilespmem:s17+$0xB0]  }
0x146: {  	[tilespmem:s17+$0x40] =	vst v1;
	v1 =	vmul.f32 v4, v7;
	v4 =	vld [tilespmem:s17+$0xC0]  }
0x147: {  	v7 =	vld [tilespmem:s17+$0xD0];
	[tilespmem:s17+$0x50] =	vst v2;
	v2 =	vmul.f32 v8, v5  }
0x148: {  	[tilespmem:s17+$0x60] =	vst v1;
	v1 =	vmul.f32 v3, v5;
	v3 =	vld [tilespmem:s17+$0xE0]  }
0x149: {  	[tilespmem:s17+$0x80] =	vst v2;
	v2 =	vmul.f32 v6, v5;
	v6 =	vld [tilespmem:s17+$0xF0]  }
0x14a: {  	[tilespmem:s17+$0x90] =	vst v1;
	v1 =	vmul.f32 v9, v5  }
0x14b: {  	[tilespmem:s17+$0xA0] =	vst v2;
	v2 =	vmul.f32 v4, v5  }
0x14c: {  	[tilespmem:s17+$0xB0] =	vst v1;
	v1 =	vmul.f32 v7, v5  }
0x14d: {  	[tilespmem:s17+$0xC0] =	vst v2;
	v2 =	vmul.f32 v3, v5  }
0x14e: {  	[tilespmem:s17+$0xD0] =	vst v1;
	v1 =	vmul.f32 v6, v5  }
0x14f: {  	[tilespmem:s17+$0xE0] =	vst v2  }
0x150: {  	[tilespmem:s17+$0xF0] =	vst v1  }
0x151: {  	[spmem:s2] =	stream.indirect.scatter.add.f32 [tilespmem:s0], [sflag:$0x3], $0x80, s31, s8, $0xb8;
	[tilespmem:$0x1F780] =	vst v63  }
0x152: {  	_ =	swait.ge [sflag:s4], $0x4000  }
0x153: {  	[sflag:s4] =	ssyncset.done $0x0  }
0x154: {  	[sflag:s4] =	ssyncadd.s32 $0xFFFFC000  }
0x155: {  	v1 =	vld [tilespmem:s30+$0x0]  }
0x156: {  	v2 =	vld [tilespmem:s28+$0x0];
	_ =	sdelay $0x3  }
0x157: {  	v3 =	vld [tilespmem:s28+$0xFFFFFFF0]  }
0x158: {  	s21 =	sadd.s32 $0x20, s30;
	v4 =	vld [tilespmem:s30+$0xFFFFFFF0]  }
0x159: {  	v5 =	vld [tilespmem:s21+$0x0]  }
0x15a: {  	v1 =	vld.idx.msk [tilespmem:v1+s5+$0x0], $0xffff  }
0x15b: {  	s30 =	sadd.s32 $0x20, s28;
	v2 =	vld.idx.msk [tilespmem:v2+s5+$0x0], $0xffff  }
0x15c: {  	v6 =	vld [tilespmem:s30+$0x0]  }
0x15d: {  	v7 =	vld [tilespmem:s26+$0x0]  }
0x15e: {  	v9 =	vld [tilespmem:s21+$0xFFFFFFF0]  }
0x15f: {  	v8 =	vld [tilespmem:s30+$0xFFFFFFF0]  }
0x160: {  	v4 =	vld.idx.msk [tilespmem:v4+s5+$0x0], $0xffff;
	v1 =	vsub.f32 v1, v2  }
0x161: {  	v2 =	vld.idx.msk [tilespmem:v3+s5+$0x0], $0xffff  }
0x162: {  	v5 =	vld.idx.msk [tilespmem:v5+s5+$0x0], $0xffff;
	v1 =	vadd.f32 v7, v1  }
0x163: {  	v3 =	vld [tilespmem:s26+$0xFFFFFFF0]  }
0x164: {  	s31 =	sadd.s32 $0x20, s26;
	v7 =	vld.idx.msk [tilespmem:v6+s5+$0x0], $0xffff;
	v1 =	vmul.f32 $1.442695020e+00, v1  }
0x165: {  	v10 =	vld [tilespmem:s31+$0x0];
	s21 =	sadd.s32 $0x20, s21  }
0x166: {  	v11 =	vld [tilespmem:s21+$0x0];
	s17 =	sadd.s32 $0x20, s30;
	v2 =	vsub.f32 v4, v2;
	(erf) = vpow2.f32 v1  }
0x167: {  	v63 =	vld [tilespmem:s17+$0x0]  }
0x168: {  	v3 =	vadd.f32 v3, v2  }
0x169: {  	v6 =	vld [tilespmem:s21+$0xFFFFFFF0];
	v5 =	vsub.f32 v5, v7  }
0x16a: {  	v4 =	vld.idx.msk [tilespmem:v8+s5+$0x0], $0xffff;
	v8 =	vmul.f32 $1.442695020e+00, v3  }
0x16b: {  	v1 =	vld [tilespmem:s17+$0xFFFFFFF0];
	v7 =	vadd.f32 v10, v5  }
0x16c: {  	v2 =	vld.idx.msk [tilespmem:v9+s5+$0x0], $0xffff;
	(erf) = vpow2.f32 v8  }
0x16d: {  	v3 =	vld [tilespmem:s31+$0xFFFFFFF0]  }
0x16e: {  	v5 =	vld.idx.msk [tilespmem:v11+s5+$0x0], $0xffff;
	v9 =	vmul.f32 $1.442695020e+00, v7  }
0x16f: {  	s16 =	simm.s32 $0xB490;
	s26 =	sadd.s32 $0x20, s31;
	v8 =	vld.idx.msk [tilespmem:v63+s5+$0x0], $0xffff;
	v7 =	vpop (erf)  }
0x170: {  	s15 =	sor.u32 $0x1, s25;
	s25 =	simm.s32 $0x4;
	s19 =	sadd.s32 $0x20, s21;
	(erf) = vpow2.f32 v9;
	[tilespmem:s16+$0x0] =	vst v7;
	v7 =	vld [tilespmem:s26+$0x0]  }
.LBB2_9:
0x171: {  	v9 =	vld [tilespmem:s19+$0x0];
	s17 =	sadd.s32 $0x20, s17;
	v2 =	vsub.f32 v2, v4  }
0x172: {  	s25 =	sadd.s32 $0x2, s25;
	v10 =	vld [tilespmem:s17+$0x0]  }
0x173: {  	p0 =	slt.u32 s25, $0x6;
	v11 =	vld [tilespmem:s17+$0xFFFFFFF0];
	v4 =	vadd.f32 v3, v2  }
0x174: {  	v12 =	vld [tilespmem:s19+$0xFFFFFFF0]  }
0x175: {  	v5 =	vsub.f32 v5, v8;
	v2 =	vld.idx.msk [tilespmem:v6+s5+$0x0], $0xffff;
	v6 =	vmul.f32 $1.442695020e+00, v4;
	v3 =	vpop (erf)  }
0x176: {  	v4 =	vld.idx.msk [tilespmem:v1+s5+$0x0], $0xffff;
	[tilespmem:s16+$0xFFFFFFF0] =	vst v3  }
.Ltmp5:
0x177: {  	v8 =	vadd.f32 v7, v5;
	v3 =	vld [tilespmem:s26+$0xFFFFFFF0];
	(erf) = vpow2.f32 v6;
	(pc) =	sbr.rel @p0 .LBB2_9-.Ltmp5, $4  }
0x178: {  	v1 =	vmov v11  }
0x179: {  	s16 =	sadd.s32 $0x20, s16;
	v5 =	vld.idx.msk [tilespmem:v9+s5+$0x0], $0xffff;
	v9 =	vmul.f32 $1.442695020e+00, v8;
	v7 =	vpop (erf);
	v6 =	vmov v12  }
0x17a: {  	s26 =	sadd.s32 $0x20, s26;
	v8 =	vld.idx.msk [tilespmem:v10+s5+$0x0], $0xffff;
	[tilespmem:s16+$0x0] =	vst v7  }
0x17b: {  	s19 =	sadd.s32 $0x20, s19;
	v7 =	vld [tilespmem:s26+$0x0];
	(erf) = vpow2.f32 v9  }
0x17c: {  	_ =	sdelay $0x3  }
0x17d: {  	v6 =	vld.idx.msk [tilespmem:v6+s5+$0x0], $0xffff  }
0x17e: {  	v1 =	vld.idx.msk [tilespmem:v1+s5+$0x0], $0xffff;
	_ =	sdelay $0x1  }
0x17f: {  	v9 =	vld [tilespmem:s26+$0xFFFFFFF0]  }
0x180: {  	v2 =	vsub.f32 v2, v4  }
0x181: {  	v4 =	vsub.f32 v5, v8  }
0x182: {  	v2 =	vadd.f32 v3, v2;
	v1 =	vsub.f32 v6, v1  }
0x183: {  	v3 =	vadd.f32 v7, v4  }
0x184: {  	v2 =	vmul.f32 $1.442695020e+00, v2;
	v1 =	vadd.f32 v9, v1  }
0x185: {  	v3 =	vmul.f32 $1.442695020e+00, v3  }
0x186: {  	(erf) = vpow2.f32 v2;
	v1 =	vmul.f32 $1.442695020e+00, v1  }
0x187: {  	(erf) = vpow2.f32 v3  }
0x188: {  	(erf) = vpow2.f32 v1;
	_ =	sdelay $0x4  }
0x189: {  	v1 =	vpop (erf)  }
0x18a: {  	s17 =	sadd.s32 $0x20, s16;
	v2 =	vpop (erf);
	[tilespmem:s16+$0xFFFFFFF0] =	vst v1  }
0x18b: {  	v1 =	vpop (erf);
	[tilespmem:s17+$0x0] =	vst v2  }
0x18c: {  	s16 =	sadd.s32 $0x20, s17;
	[tilespmem:s17+$0xFFFFFFF0] =	vst v1;
	v1 =	vpop (erf)  }
0x18d: {  	s15 =	sshll.u32 s15, $0x7;
	s17 =	simm.s32 $0x0;
	[tilespmem:s16+$0x0] =	vst v1;
	v1 =	vpop (erf)  }
0x18e: {  	s19 =	simm.s32 $0x2;
	s25 =	sor.u32 $0x2800, s15;
	[tilespmem:s16+$0xFFFFFFF0] =	vst v1;
	v1 =	vmov s17  }
0x18f: {  	v2 =	vmov s19;
	[spmem:s3] =	stream.indirect.scatter.add.f32 [tilespmem:s14], [sflag:$0x3], $0x1, s25, s8, $0xb8;
	v1 =	vand.u32 $0xFFFFFFFC, v1;
	[tilespmem:$0x1F780] =	vst v63  }
0x190: {  	v2 =	vand.u32 $0xFFFFFFFE, v2;
	_ =	swait.ge [sflag:s4], $0x80;
	v1 =	vbroadcast v1, $0x0  }
0x191: {  	v2 =	vbroadcast v2, $0x0;
	[sflag:s4] =	ssyncset.done $0x0  }
0x192: {  	[sflag:s4] =	ssyncadd.s32 $0xFFFFFF80  }
0x193: {  	_ =	swait.ge [sflag:s7], $0x4000  }
0x194: {  	[sflag:s7] =	ssyncset.done $0x0  }
0x195: {  	[sflag:s7] =	ssyncadd.s32 $0xFFFFC000  }
0x196: {  	v1 =	vld.idx.msk [tilespmem:v1+s14+$0x0], $0xffff  }
0x197: {  	s21 =	simm.s32 $0x1;
	s15 =	simm.s32 $0x7500;
	v2 =	vld.idx.msk [tilespmem:v2+s14+$0x0], $0xffff  }
0x198: {  	v3 =	vmov s21;
	v4 =	vld [tilespmem:s15+$0x70]  }
0x199: {  	v3 =	vand.u32 $0xFFFFFFFD, v3;
	v5 =	vld [tilespmem:s15+$0xFFFFFF00]  }
0x19a: {  	v3 =	vbroadcast v3, $0x0;
	v6 =	vld [tilespmem:s15+$0xFFFFFF10]  }
0x19b: {  	v7 =	vld [tilespmem:s15+$0xFFFFFF20]  }
0x19c: {  	v8 =	vld [tilespmem:s15+$0xFFFFFF30]  }
0x19d: {  	v9 =	vld [tilespmem:s15+$0xFFFFFF40]  }
0x19e: {  	v10 =	vld [tilespmem:s15+$0xFFFFFF50]  }
0x19f: {  	v11 =	vld [tilespmem:s15+$0xFFFFFF60];
	v5 =	vmul.f32 v5, v1  }
0x1a0: {  	v3 =	vld.idx.msk [tilespmem:v3+s14+$0x0], $0xffff;
	v4 =	vmul.f32 v4, v2  }
0x1a1: {  	v13 =	vld [tilespmem:s15+$0x40];
	[tilespmem:s15+$0xFFFFFF00] =	vst v5;
	v5 =	vmul.f32 v6, v1  }
0x1a2: {  	v6 =	vld [tilespmem:s15+$0xFFFFFF70];
	[tilespmem:s15+$0x70] =	vst v4;
	v4 =	vmul.f32 v7, v1  }
0x1a3: {  	v7 =	vld [tilespmem:s15+$0xFFFFFF80];
	[tilespmem:s15+$0xFFFFFF10] =	vst v5;
	v5 =	vmul.f32 v8, v1  }
0x1a4: {  	v8 =	vld [tilespmem:s15+$0xFFFFFF90];
	[tilespmem:s15+$0xFFFFFF20] =	vst v4;
	v4 =	vmul.f32 v9, v1  }
0x1a5: {  	v9 =	vld [tilespmem:s15+$0xFFFFFFA0];
	[tilespmem:s15+$0xFFFFFF30] =	vst v5;
	v5 =	vmul.f32 v10, v1  }
0x1a6: {  	v10 =	vld [tilespmem:s15+$0xFFFFFFB0];
	[tilespmem:s15+$0xFFFFFF40] =	vst v4;
	v4 =	vmul.f32 v11, v1  }
0x1a7: {  	v11 =	vld [tilespmem:s15+$0xFFFFFFC0];
	v6 =	vmul.f32 v6, v1;
	[tilespmem:s15+$0xFFFFFF50] =	vst v5  }
0x1a8: {  	v5 =	vmul.f32 v7, v3;
	v7 =	vld [tilespmem:s15+$0xFFFFFFD0];
	[tilespmem:s15+$0xFFFFFF60] =	vst v4  }
0x1a9: {  	s26 =	simm.s32 $0x3;
	v4 =	vld [tilespmem:s15+$0xFFFFFFE0];
	v8 =	vmul.f32 v8, v3;
	[tilespmem:s15+$0xFFFFFF70] =	vst v6  }
0x1aa: {  	v12 =	vmov s26;
	v6 =	vld [tilespmem:s15+$0xFFFFFFF0];
	[tilespmem:s15+$0xFFFFFF80] =	vst v5;
	v5 =	vmul.f32 v9, v3  }
0x1ab: {  	v9 =	vld [tilespmem:s15+$0x0];
	[tilespmem:s15+$0xFFFFFF90] =	vst v8;
	v8 =	vmul.f32 v10, v3  }
0x1ac: {  	v10 =	vld [tilespmem:s15+$0x10];
	[tilespmem:s15+$0xFFFFFFA0] =	vst v5;
	v5 =	vmul.f32 v11, v3  }
0x1ad: {  	[tilespmem:s15+$0xFFFFFFB0] =	vst v8;
	v7 =	vmul.f32 v7, v3;
	v8 =	vld [tilespmem:s15+$0x20]  }
0x1ae: {  	v11 =	vld [tilespmem:s15+$0x30];
	v4 =	vmul.f32 v4, v3;
	[tilespmem:s15+$0xFFFFFFC0] =	vst v5  }
0x1af: {  	v1 =	vld.idx.msk [tilespmem:v12+s14+$0x0], $0xffff;
	v3 =	vmul.f32 v6, v3;
	[tilespmem:s15+$0xFFFFFFD0] =	vst v7  }
0x1b0: {  	[tilespmem:s15+$0xFFFFFFE0] =	vst v4;
	v5 =	vmul.f32 v9, v2;
	v4 =	vld [tilespmem:s15+$0x50]  }
0x1b1: {  	s28 =	simm.s32 $0x4;
	[tilespmem:s15+$0xFFFFFFF0] =	vst v3;
	v6 =	vmul.f32 v10, v2;
	v3 =	vld [tilespmem:s15+$0x60]  }
0x1b2: {  	s30 =	simm.s32 $0x7;
	v7 =	vmov s28;
	[tilespmem:s15+$0x0] =	vst v5;
	v9 =	vmul.f32 v8, v2;
	v8 =	vld [tilespmem:s15+$0x80]  }
0x1b3: {  	s31 =	simm.s32 $0x5;
	v12 =	vand.u32 $0xFFFFFFFC, v7;
	v7 =	vld [tilespmem:s15+$0x90];
	v5 =	vmov s30;
	v10 =	vmul.f32 v11, v2;
	[tilespmem:s15+$0x10] =	vst v6  }
0x1b4: {  	s19 =	simm.s32 $0x6;
	s17 =	simm.s32 $0x8;
	s16 =	simm.s32 $0x7500;
	v11 =	vmul.f32 v13, v2;
	v6 =	vbroadcast v12, $0x0;
	v12 =	vmov s31;
	[tilespmem:s15+$0x20] =	vst v9;
	v9 =	vld [tilespmem:s15+$0xA0]  }
.LBB2_11:
0x1b5: {  	p0 =	slt.u32 s17, $0x7C;
	v12 =	vand.u32 $0xFFFFFFFD, v12;
	v13 =	vmov s19;
	[tilespmem:s15+$0x30] =	vst v10;
	v4 =	vmul.f32 v4, v2;
	v10 =	vld [tilespmem:s15+$0xB0]  }
0x1b6: {  	v12 =	vbroadcast v12, $0x0;
	v13 =	vand.u32 $0xFFFFFFFE, v13;
	[tilespmem:s15+$0x40] =	vst v11;
	v2 =	vmul.f32 v3, v2;
	v3 =	vld [tilespmem:s15+$0xC0]  }
0x1b7: {  	v11 =	vbroadcast v13, $0x0;
	[tilespmem:s15+$0x50] =	vst v4;
	v4 =	vmul.f32 v8, v1;
	v8 =	vld [tilespmem:s15+$0xD0]  }
0x1b8: {  	[tilespmem:s15+$0x60] =	vst v2;
	v2 =	vmul.f32 v7, v1;
	v7 =	vld [tilespmem:s15+$0xE0]  }
0x1b9: {  	[tilespmem:s15+$0x80] =	vst v4;
	v4 =	vmul.f32 v9, v1;
	v9 =	vld [tilespmem:s15+$0xF0]  }
0x1ba: {  	v5 =	vld.idx.msk [tilespmem:v5+s14+$0x0], $0xffff;
	[tilespmem:s15+$0x90] =	vst v2;
	v2 =	vmul.f32 v10, v1  }
0x1bb: {  	v6 =	vld.idx.msk [tilespmem:v6+s14+$0x0], $0xffff;
	[tilespmem:s15+$0xA0] =	vst v4;
	v3 =	vmul.f32 v3, v1  }
0x1bc: {  	v4 =	vld.idx.msk [tilespmem:v12+s14+$0x0], $0xffff;
	[tilespmem:s15+$0xB0] =	vst v2;
	v8 =	vmul.f32 v8, v1  }
0x1bd: {  	s15 =	sadd.s32 $0x200, s15;
	v2 =	vld.idx.msk [tilespmem:v11+s14+$0x0], $0xffff;
	[tilespmem:s16+$0xC0] =	vst v3;
	v3 =	vmul.f32 v7, v1  }
0x1be: {  	v7 =	vld [tilespmem:s15+$0x70];
	[tilespmem:s16+$0xD0] =	vst v8;
	v9 =	vmul.f32 v9, v1  }
0x1bf: {  	v8 =	vld [tilespmem:s15+$0xFFFFFF00];
	[tilespmem:s16+$0xE0] =	vst v3  }
0x1c0: {  	v1 =	vmov v5;
	v3 =	vld [tilespmem:s15+$0xFFFFFF10];
	[tilespmem:s16+$0xF0] =	vst v9;
	s16 =	smov.u32 s15  }
0x1c1: {  	v5 =	vld [tilespmem:s15+$0xFFFFFF20]  }
0x1c2: {  	v9 =	vld [tilespmem:s15+$0xFFFFFF30]  }
0x1c3: {  	v10 =	vld [tilespmem:s15+$0xFFFFFF40];
	v7 =	vmul.f32 v7, v2  }
0x1c4: {  	v8 =	vmul.f32 v8, v6;
	v11 =	vld [tilespmem:s15+$0xFFFFFF50]  }
0x1c5: {  	v3 =	vmul.f32 v3, v6;
	v12 =	vld [tilespmem:s15+$0xFFFFFF60];
	[tilespmem:s15+$0x70] =	vst v7  }
0x1c6: {  	[tilespmem:s15+$0xFFFFFF00] =	vst v8;
	v5 =	vmul.f32 v5, v6;
	v7 =	vld [tilespmem:s15+$0xFFFFFF70]  }
0x1c7: {  	[tilespmem:s15+$0xFFFFFF10] =	vst v3;
	v3 =	vmul.f32 v9, v6;
	v8 =	vld [tilespmem:s15+$0xFFFFFF80]  }
0x1c8: {  	[tilespmem:s15+$0xFFFFFF20] =	vst v5;
	v5 =	vmul.f32 v10, v6;
	v9 =	vld [tilespmem:s15+$0xFFFFFF90]  }
0x1c9: {  	[tilespmem:s15+$0xFFFFFF30] =	vst v3;
	v3 =	vmul.f32 v11, v6;
	v10 =	vld [tilespmem:s15+$0xFFFFFFA0]  }
0x1ca: {  	[tilespmem:s15+$0xFFFFFF40] =	vst v5;
	v5 =	vmul.f32 v12, v6;
	v11 =	vld [tilespmem:s15+$0xFFFFFFB0]  }
0x1cb: {  	[tilespmem:s15+$0xFFFFFF50] =	vst v3;
	v3 =	vmul.f32 v7, v6;
	v6 =	vld [tilespmem:s15+$0xFFFFFFC0]  }
0x1cc: {  	[tilespmem:s15+$0xFFFFFF60] =	vst v5;
	v5 =	vmul.f32 v8, v4;
	v7 =	vld [tilespmem:s15+$0xFFFFFFD0]  }
0x1cd: {  	[tilespmem:s15+$0xFFFFFF70] =	vst v3;
	v3 =	vmul.f32 v9, v4;
	v8 =	vld [tilespmem:s15+$0xFFFFFFE0]  }
0x1ce: {  	[tilespmem:s15+$0xFFFFFF80] =	vst v5;
	v5 =	vmul.f32 v10, v4;
	v9 =	vld [tilespmem:s15+$0xFFFFFFF0]  }
0x1cf: {  	[tilespmem:s15+$0xFFFFFF90] =	vst v3;
	v3 =	vmul.f32 v11, v4;
	v10 =	vld [tilespmem:s15+$0x0]  }
0x1d0: {  	[tilespmem:s15+$0xFFFFFFA0] =	vst v5;
	v5 =	vmul.f32 v6, v4;
	v6 =	vld [tilespmem:s15+$0x10]  }
0x1d1: {  	[tilespmem:s15+$0xFFFFFFB0] =	vst v3;
	v3 =	vmul.f32 v7, v4;
	v7 =	vld [tilespmem:s15+$0x20]  }
0x1d2: {  	[tilespmem:s15+$0xFFFFFFC0] =	vst v5;
	v5 =	vmul.f32 v8, v4;
	v11 =	vld [tilespmem:s15+$0x30]  }
0x1d3: {  	[tilespmem:s15+$0xFFFFFFD0] =	vst v3;
	v3 =	vmul.f32 v9, v4;
	v9 =	vld [tilespmem:s15+$0x40]  }
.Ltmp6:
0x1d4: {  	[tilespmem:s15+$0xFFFFFFE0] =	vst v5;
	v5 =	vmul.f32 v10, v2;
	v4 =	vld [tilespmem:s15+$0x50];
	(pc) =	sbr.rel @p0 .LBB2_11-.Ltmp6, $4  }
0x1d5: {  	[tilespmem:s15+$0xFFFFFFF0] =	vst v3;
	v6 =	vmul.f32 v6, v2;
	v3 =	vld [tilespmem:s15+$0x60]  }
0x1d6: {  	s19 =	sadd.s32 $0x3, s17;
	v10 =	vmov s17;
	[tilespmem:s15+$0x0] =	vst v5;
	v13 =	vmul.f32 v7, v2;
	v8 =	vld [tilespmem:s15+$0x80]  }
0x1d7: {  	s21 =	sadd.s32 $0x1, s17;
	v12 =	vand.u32 $0xFFFFFFFC, v10;
	v5 =	vmov s19;
	[tilespmem:s15+$0x10] =	vst v6;
	v10 =	vmul.f32 v11, v2;
	v7 =	vld [tilespmem:s15+$0x90]  }
0x1d8: {  	s19 =	sadd.s32 $0x2, s17;
	s17 =	sadd.s32 $0x4, s17;
	v6 =	vbroadcast v12, $0x0;
	v12 =	vmov s21;
	[tilespmem:s15+$0x20] =	vst v13;
	v11 =	vmul.f32 v9, v2;
	v9 =	vld [tilespmem:s15+$0xA0]  }
0x1d9: {  	v13 =	vld [tilespmem:s15+$0xB0]  }
0x1da: {  	v15 =	vld [tilespmem:s15+$0xC0]  }
0x1db: {  	v16 =	vld [tilespmem:s15+$0xD0]  }
0x1dc: {  	v17 =	vld [tilespmem:s15+$0xE0]  }
0x1dd: {  	v29 =	vld [tilespmem:s15+$0xF0];
	[tilespmem:s15+$0x30] =	vst v10;
	v4 =	vmul.f32 v4, v2  }
0x1de: {  	v5 =	vld.idx.msk [tilespmem:v5+s14+$0x0], $0xffff;
	[tilespmem:s15+$0x40] =	vst v11;
	v2 =	vmul.f32 v3, v2  }
0x1df: {  	s17 =	sadd.s32 $0x200, s15;
	v3 =	vld.idx.msk [tilespmem:v6+s14+$0x0], $0xffff;
	v8 =	vmul.f32 v8, v1;
	[tilespmem:s15+$0x50] =	vst v4  }
0x1e0: {  	v14 =	vmov s19;
	v34 =	vld [tilespmem:s17+$0x70];
	v30 =	vmul.f32 v7, v1;
	[tilespmem:s15+$0x60] =	vst v2  }
0x1e1: {  	v14 =	vand.u32 $0xFFFFFFFE, v14;
	v35 =	vld [tilespmem:s17+$0xFFFFFF00];
	[tilespmem:s15+$0x80] =	vst v8;
	v2 =	vmul.f32 v9, v1  }
0x1e2: {  	v37 =	vld [tilespmem:s17+$0xFFFFFF10];
	v14 =	vbroadcast v14, $0x0;
	[tilespmem:s15+$0x90] =	vst v30;
	v33 =	vmul.f32 v13, v1  }
0x1e3: {  	v38 =	vld [tilespmem:s17+$0xFFFFFF20];
	[tilespmem:s15+$0xA0] =	vst v2;
	v2 =	vmul.f32 v15, v1  }
0x1e4: {  	v12 =	vand.u32 $0xFFFFFFFD, v12;
	v39 =	vld [tilespmem:s17+$0xFFFFFF30];
	v36 =	vmul.f32 v16, v1;
	[tilespmem:s15+$0xB0] =	vst v33  }
0x1e5: {  	v12 =	vbroadcast v12, $0x0;
	v41 =	vld [tilespmem:s17+$0xFFFFFF50];
	[tilespmem:s16+$0xC0] =	vst v2;
	v2 =	vmul.f32 v17, v1  }
0x1e6: {  	v43 =	vld [tilespmem:s17+$0xFFFFFF60];
	[tilespmem:s16+$0xD0] =	vst v36;
	v1 =	vmul.f32 v29, v1  }
0x1e7: {  	v42 =	vmul.f32 v37, v3;
	[tilespmem:s16+$0xE0] =	vst v2;
	v2 =	vld [tilespmem:s17+$0xFFFFFF40]  }
0x1e8: {  	v32 =	vld.idx.msk [tilespmem:v14+s14+$0x0], $0xffff;
	[tilespmem:s16+$0xF0] =	vst v1;
	v1 =	vmul.f32 v35, v3  }
0x1e9: {  	v44 =	vld [tilespmem:s17+$0xFFFFFF70];
	v4 =	vmul.f32 v39, v3;
	[tilespmem:s17+$0xFFFFFF10] =	vst v42  }
0x1ea: {  	v45 =	vld [tilespmem:s17+$0xFFFFFF80];
	[tilespmem:s17+$0xFFFFFF00] =	vst v1;
	v1 =	vmul.f32 v38, v3  }
0x1eb: {  	v46 =	vmul.f32 v41, v3;
	v31 =	vld.idx.msk [tilespmem:v12+s14+$0x0], $0xffff;
	[tilespmem:s17+$0xFFFFFF30] =	vst v4  }
0x1ec: {  	[tilespmem:s17+$0xFFFFFF20] =	vst v1;
	v1 =	vmul.f32 v2, v3;
	v2 =	vld [tilespmem:s17+$0xFFFFFF90]  }
0x1ed: {  	v47 =	vld [tilespmem:s17+$0xFFFFFFA0];
	[tilespmem:s17+$0xFFFFFF50] =	vst v46;
	v40 =	vmul.f32 v34, v32  }
0x1ee: {  	v48 =	vld [tilespmem:s17+$0xFFFFFFB0];
	[tilespmem:s17+$0xFFFFFF40] =	vst v1;
	v1 =	vmul.f32 v43, v3  }
0x1ef: {  	v49 =	vld [tilespmem:s17+$0xFFFFFFC0];
	[tilespmem:s17+$0x70] =	vst v40;
	v3 =	vmul.f32 v44, v3  }
0x1f0: {  	v50 =	vld [tilespmem:s17+$0xFFFFFFD0];
	[tilespmem:s17+$0xFFFFFF60] =	vst v1;
	v1 =	vmul.f32 v45, v31  }
0x1f1: {  	[tilespmem:s17+$0xFFFFFF70] =	vst v3;
	v3 =	vld [tilespmem:s17+$0xFFFFFFE0];
	v2 =	vmul.f32 v2, v31  }
0x1f2: {  	v51 =	vld [tilespmem:s17+$0xFFFFFFF0];
	[tilespmem:s17+$0xFFFFFF80] =	vst v1;
	v1 =	vmul.f32 v47, v31  }
0x1f3: {  	v52 =	vld [tilespmem:s17+$0x0];
	[tilespmem:s17+$0xFFFFFF90] =	vst v2;
	v2 =	vmul.f32 v48, v31  }
0x1f4: {  	v53 =	vld [tilespmem:s17+$0x10];
	[tilespmem:s17+$0xFFFFFFA0] =	vst v1;
	v1 =	vmul.f32 v49, v31  }
0x1f5: {  	v54 =	vld [tilespmem:s17+$0x20];
	[tilespmem:s17+$0xFFFFFFB0] =	vst v2;
	v2 =	vmul.f32 v50, v31  }
0x1f6: {  	[tilespmem:s17+$0xFFFFFFC0] =	vst v1;
	v1 =	vmul.f32 v3, v31;
	v3 =	vld [tilespmem:s17+$0x30]  }
0x1f7: {  	v55 =	vld [tilespmem:s17+$0x40];
	[tilespmem:s17+$0xFFFFFFD0] =	vst v2;
	v2 =	vmul.f32 v51, v31  }
0x1f8: {  	v56 =	vld [tilespmem:s17+$0x50];
	[tilespmem:s17+$0xFFFFFFE0] =	vst v1;
	v1 =	vmul.f32 v52, v32  }
0x1f9: {  	v57 =	vld [tilespmem:s17+$0x60];
	[tilespmem:s17+$0xFFFFFFF0] =	vst v2;
	v2 =	vmul.f32 v53, v32  }
0x1fa: {  	v58 =	vld [tilespmem:s17+$0x80];
	[tilespmem:s17+$0x0] =	vst v1;
	v1 =	vmul.f32 v54, v32  }
0x1fb: {  	[tilespmem:s17+$0x10] =	vst v2;
	v2 =	vmul.f32 v3, v32;
	v3 =	vld [tilespmem:s17+$0x90]  }
0x1fc: {  	v59 =	vld [tilespmem:s17+$0xA0];
	[tilespmem:s17+$0x20] =	vst v1;
	v1 =	vmul.f32 v55, v32  }
0x1fd: {  	v60 =	vld [tilespmem:s17+$0xB0];
	[tilespmem:s17+$0x30] =	vst v2;
	v2 =	vmul.f32 v56, v32  }
0x1fe: {  	v61 =	vld [tilespmem:s17+$0xC0];
	[tilespmem:s17+$0x40] =	vst v1;
	v1 =	vmul.f32 v57, v32  }
0x1ff: {  	v62 =	vld [tilespmem:s17+$0xD0];
	[tilespmem:s17+$0x50] =	vst v2;
	v2 =	vmul.f32 v58, v5  }
0x200: {  	[tilespmem:s17+$0x60] =	vst v1;
	v1 =	vmul.f32 v3, v5;
	v3 =	vld [tilespmem:s17+$0xE0]  }
0x201: {  	v63 =	vld [tilespmem:s17+$0xF0];
	[tilespmem:s17+$0x80] =	vst v2;
	v2 =	vmul.f32 v59, v5  }
0x202: {  	[tilespmem:s17+$0x90] =	vst v1;
	v1 =	vmul.f32 v60, v5  }
0x203: {  	[tilespmem:s17+$0xA0] =	vst v2;
	v2 =	vmul.f32 v61, v5  }
0x204: {  	[tilespmem:s17+$0xB0] =	vst v1;
	v1 =	vmul.f32 v62, v5  }
0x205: {  	[tilespmem:s17+$0xC0] =	vst v2;
	v2 =	vmul.f32 v3, v5  }
0x206: {  	p0 =	seq.s32 s22, $0x27;
	s15 =	sand.u32 $0x3, s22;
	[tilespmem:s17+$0xD0] =	vst v1;
	v1 =	vmul.f32 v63, v5  }
0x207: {  	p1 =	sne.s32 @!p0 s15, $0x3;
	[tilespmem:s17+$0xE0] =	vst v2  }
0x208: {  	p1 =	por p1, p0;
	[tilespmem:s17+$0xF0] =	vst v1  }
0x209: {  	[spmem:s2] =	stream.indirect.scatter.add.f32 [tilespmem:s9], [sflag:$0x3], $0x80, s25, s8, $0xb8;
	[tilespmem:$0x1F780] =	vst v63  }
0x20a: {  	s15 =	sadd.s32 @!p1 s24, s29;
	_ =	swait.ge [sflag:s4], $0x4000  }
0x20b: {  	s19 =	simm.s32 @!p1 $0x2800;
	s15 =	sshll.u32 @!p1 s15, $0x4;
	[sflag:s4] =	ssyncset.done $0x0  }
0x20c: {  	s16 =	sadd.s32 @!p1 s11, s15;
	s17 =	simm.s32 @!p1 $0x0;
	[sflag:s4] =	ssyncadd.s32 $0xFFFFC000  }
0x20d: {  	[tilespmem:s19], [sflag:$0x3] =	stream.linear.gather @!p1 [hbm4b:s16+s17], $0x400, $0x38;
	[tilespmem:$0x1F780] =	vst v63  }
0x20e: {  	s16 =	simm.s32 @!p1 $0x3  }
0x20f: {  	_ =	swait.ge @!p1 [sflag:s16], $0x400  }
0x210: {  	[sflag:s16] =	ssyncset.done @!p1 $0x0  }
0x211: {  	s21 =	simm.s32 @!p1 $0x2C00;
	s19 =	sadd.s32 @!p1 s12, s15;
	[sflag:s16] =	ssyncadd.s32 @!p1 $0xFFFFFC00  }
0x212: {  	[tilespmem:s21], [sflag:$0x3] =	stream.linear.gather @!p1 [hbm4b:s19+s17], $0x400, $0x38;
	[tilespmem:$0x1F780] =	vst v63  }
0x213: {  	_ =	swait.ge @!p1 [sflag:s16], $0x400  }
0x214: {  	s15 =	sadd.s32 @!p1 s13, s15;
	[sflag:s16] =	ssyncset.done @!p1 $0x0  }
.Ltmp7:
0x215: {  	s19 =	simm.s32 @!p1 $0x3000;
	[sflag:s16] =	ssyncadd.s32 @!p1 $0xFFFFFC00;
	(pc) =	sbr.rel @p0 .LBB2_14-.Ltmp7, $4  }
0x216: {  	[tilespmem:s19], [sflag:$0x3] =	stream.linear.gather @!p1 [hbm4b:s15+s17], $0x400, $0x38;
	[tilespmem:$0x1F780] =	vst v63  }
0x217: {  	_ =	swait.ge @!p1 [sflag:s16], $0x400  }
0x218: {  	[sflag:s16] =	ssyncset.done @!p1 $0x0  }
0x219: {  	[sflag:s16] =	ssyncadd.s32 @!p1 $0xFFFFFC00  }
0x21a: {  	s15 =	sshll.u32 s22, $0xA  }
0x21b: {  	s15 =	sadd.s32 $0x400, s15  }
0x21c: {  	s15 =	sand.u32 $0xC00, s15  }
.Ltmp8:
0x21d: {  	s15 =	sshrl.u32 s15, $0x2;
	(pc) =	sbr.rel .LBB2_4-.Ltmp8, $4  }
0x21e: {  	s16 =	sor.u32 $0x2C00, s15  }
0x21f: {  	[tilespmem:s0], [sflag:$0x1] =	stream.indirect.gather [hbm4b:s1+s8], $0x80, s16, s8, $0xb8;
	[tilespmem:$0x1F780] =	vst v63  }
0x220: {  	s22 =	sadd.s32 $0x1, s22;
	s20 =	sadd.s32 $0x1, s20;
	s15 =	sor.u32 $0x2C80, s15  }
0x221: {  	[tilespmem:s9], [sflag:$0x2] =	stream.indirect.gather [hbm4b:s1+s8], $0x80, s15, s8, $0xb8;
	[tilespmem:$0x1F780] =	vst v63  }
.LBB2_15:
0x222: {  	_ =	sfence.sel $0x180000  }
0x223: {  	[bflag:$0x0] =	sbarrier.arrive $0xFFFF  }
0x224: {  	_ =	strace $0x90000047  }
0x225: {  	s0 =	stileid.u32;
	[bflag:$0x2] =	sbarrier.arrive $0xFFFF  }
0x226: {  	p0 =	sne.s32 s0, $0x0;
	s0 =	rddreg [dreg:$0x5]  }
0x227: {  	s0 =	sadd.s32 @!p0 $0x100000, s0  }
0x228: {  	[sflag:s0] =	ssyncadd.tile.s32 @!p0 $0x1;
	_ =	shalt  }
.Lfunc_end2:
_tile_overlayer_lowered:
.L_overlay_start_2:
0x229: {  	(tag) =	ssettag $0x2  }
0x22a: {  	s0 =	rddreg [dreg:$0x0];
	s2 =	stileid.u32  }
0x22b: {  	s1 =	rddreg [dreg:$0x1];
	p0 =	sne.s32 s2, $0x0  }
0x22c: {  	s3 =	rddreg [dreg:$0x2];
	[bflag:$0x3] =	sbarrier.arrive $0xFFFF;
	s2 =	simm.s32 @!p0 $0x1C03  }
0x22d: {  	[timem:s3], [sflag:s2] =	dma.local @!p0 [hbm:s0], s1  }
0x22e: {  	s0 =	simm.s32 @!p0 $0x3  }
0x22f: {  	_ =	swait.ge @!p0 [sflag:s0], s1  }
0x230: {  	s1 =	ssub.s32 @!p0 $0x0, s1;
	[sflag:s0] =	ssyncset.done @!p0 $0x0  }
0x231: {  	[sflag:s0] =	ssyncadd.s32 @!p0 s1  }
0x232: {  	[bflag:$0x3] =	sbarrier.arrive $0xFFFF  }
0x233: {  	_ =	shalt  }

// kernel: kernel.9.cloned.1.call-start
scs
__scs_entry_jumppad:
0x0: {  	(pc) =	sbr.rel $0x88, $3  }
0x1: {  	(tag) =	ssettag $0x0;
	lr =	simm.s32 $0x1  }
0x2: {  	[smem:$0x3F96] =	sst lr;
	_ =	strace $0xD0000000  }
0x3: {  	_ = 	snop  }
0x4: {  	_ = 	snop  }
0x5: {  	_ = 	snop  }
0x6: {  	_ = 	snop  }
0x7: {  	_ = 	snop  }
__scs_overlays_trampoline_lowered:
0x8: {  	[smem:$0x3FA5] =	sst s0  }
0x9: {  	[smem:$0x3FA6] =	sst s1  }
0xa: {  	[smem:$0x3FA7] =	sst s2  }
0xb: {  	[smem:$0x3FA8] =	sst s3  }
0xc: {  	[smem:$0x3FA9] =	sst s4  }
0xd: {  	[smem:$0x3FAA] =	sst s5  }
0xe: {  	[smem:$0x3FAB] =	sst s6  }
0xf: {  	[smem:$0x3FAC] =	sst s7  }
0x10: {  	[smem:$0x3FAD] =	sst s8  }
0x11: {  	[smem:$0x3FAE] =	sst s9;
	s0 =	simm.s32 @!p0 $0x0  }
0x12: {  	s1 =	sld [smem:$0x3F94];
	s0 =	simm.s32 @p0 $0x1  }
0x13: {  	[smem:$0x3FAF] =	sst s0;
	s0 =	simm.s32 @!p1 $0x0  }
0x14: {  	s2 =	sld [smem:$0x3F93];
	s0 =	simm.s32 @p1 $0x1  }
0x15: {  	[smem:$0x3FB0] =	sst s0;
	s0 =	simm.s32 @!p2 $0x0  }
0x16: {  	s3 =	sld [smem:$0x3FDB];
	s0 =	simm.s32 @p2 $0x1  }
0x17: {  	s4 =	simm.s32 $0x1BF5;
	[smem:$0x3FB2] =	sst s0  }
0x18: {  	s0 =	sld [smem:$0x3F95];
	_ =	swait.ge [sflag:s4], $0x0  }
0x19: {  	s7 =	sld [smem:$0x3F96]  }
0x1a: {  	s8 =	sadd.s32 $0xFFFFE003, lr  }
0x1b: {  	s9 =	sadd.s32 $0xFFFFFEF7, lr;
	s5 =	simm.s32 $0xFFFFFFFF;
	p2 =	slt.u32 s8, $0xFFFFF086  }
0x1c: {  	p1 =	slt.u32 s9, $0xF7A;
	s5 =	simm.s32 @!p2 $0x0  }
0x1d: {  	s5 =	simm.s32 @p1 $0x1;
	p0 =	seq.s32 s7, s2  }
0x1e: {  	s7 =	smul.u32 @!p0 $0xF7A, s2;
	p2 =	seq.s32 @!p0 s5, $0x0  }
0x1f: {  	s9 =	smul.u32 $0xF7A, s1;
	s8 =	simm.s32 @!p0 $0x1BF5;
	p2 =	por !p2, p0  }
0x20: {  	[sflag:s8] =	ssyncset.s32 @!p0 $0xFFFFF086;
	s6 =	sadd.s32 @!p0 s3, s7;
	s7 =	simm.s32 @!p0 $0x108  }
0x21: {  	s3 =	sadd.s32 s3, s9;
	s6 =	sadd.s32 @!p0 $0x88, s6;
	s7 =	simm.s32 @p2 $0x1082  }
0x22: {  	[simem:s7], [sflag:s8] =	dma.local @!p0 [hbm:s6], $0xF7A  }
0x23: {  	s9 =	sor.u32 $0xD0000000, s2;
	s6 =	simm.s32 $0x108;
	_ =	swait.ge @!p0 [sflag:s8], $0x0  }
0x24: {  	s3 =	sadd.s32 $0x88, s3;
	s6 =	simm.s32 @!p1 $0x1082;
	[sflag:s4] =	ssyncset.s32 $0xFFFFF086  }
0x25: {  	[simem:s6], [sflag:s4] =	dma.local [hbm:s3], $0xF7A  }
0x26: {  	[smem:$0x3F96] =	sst s1;
	(tag) =	ssettag s2;
	_ =	strace s9  }
0x27: {  	s1 =	sld [smem:$0x3FA6]  }
0x28: {  	s2 =	sld [smem:$0x3FA7]  }
0x29: {  	s4 =	sld [smem:$0x3FA9]  }
0x2a: {  	p0 =	seq.s32 s5, $0x0;
	s5 =	sld [smem:$0x3FAA]  }
0x2b: {  	s6 =	sld [smem:$0x3FAB]  }
0x2c: {  	s7 =	sld [smem:$0x3FAC]  }
0x2d: {  	s3 =	simm.s32 $0x108;
	s8 =	sld [smem:$0x3FAD]  }
0x2e: {  	s3 =	simm.s32 @!p0 $0x1082;
	s9 =	sld [smem:$0x3FAE]  }
0x2f: {  	lr =	sadd.s32 s0, s3;
	s0 =	sld [smem:$0x3FA5]  }
0x30: {  	s3 =	sld [smem:$0x3FA8]  }
0x31: {  	[smem:$0x3FB1] =	sst s10  }
0x32: {  	s10 =	sld [smem:$0x3FAF];
	_ =	sdelay $0x3  }
0x33: {  	p0 =	seq.s32 s10, $0x1;
	s10 =	sld [smem:$0x3FB1];
	_ =	sdelay $0x3  }
0x34: {  	[smem:$0x3FB1] =	sst s10  }
0x35: {  	s10 =	sld [smem:$0x3FB0];
	_ =	sdelay $0x3  }
0x36: {  	p1 =	seq.s32 s10, $0x1;
	s10 =	sld [smem:$0x3FB1];
	_ =	sdelay $0x3  }
0x37: {  	[smem:$0x3FB1] =	sst s10  }
0x38: {  	s10 =	sld [smem:$0x3FB2]  }
0x39: {  	_ = 	snop;
	(pc) =	sbr.ind lr, $3  }
0x3a: {  	_ = 	snop  }
0x3b: {  	_ = 	snop  }
0x3c: {  	p2 =	seq.s32 s10, $0x1;
	s10 =	sld [smem:$0x3FB1]  }
0x3d: {  	_ =	shalt  }
0x3e: {  	_ =	shalt  }
0x3f: {  	_ =	shalt  }
0x40: {  	_ =	shalt  }
0x41: {  	_ =	shalt  }
0x42: {  	_ =	shalt  }
0x43: {  	_ =	shalt  }
0x44: {  	_ =	shalt  }
0x45: {  	_ =	shalt  }
0x46: {  	_ =	shalt  }
0x47: {  	_ =	shalt  }
0x48: {  	_ =	shalt  }
0x49: {  	_ =	shalt  }
0x4a: {  	_ =	shalt  }
0x4b: {  	_ =	shalt  }
0x4c: {  	_ =	shalt  }
0x4d: {  	_ =	shalt  }
0x4e: {  	_ =	shalt  }
0x4f: {  	_ =	shalt  }
0x50: {  	_ =	shalt  }
0x51: {  	_ =	shalt  }
0x52: {  	_ =	shalt  }
0x53: {  	_ =	shalt  }
0x54: {  	_ =	shalt  }
0x55: {  	_ =	shalt  }
0x56: {  	_ =	shalt  }
0x57: {  	_ =	shalt  }
0x58: {  	_ =	shalt  }
0x59: {  	_ =	shalt  }
0x5a: {  	_ =	shalt  }
0x5b: {  	_ =	shalt  }
0x5c: {  	_ =	shalt  }
0x5d: {  	_ =	shalt  }
0x5e: {  	_ =	shalt  }
0x5f: {  	_ =	shalt  }
0x60: {  	_ =	shalt  }
0x61: {  	_ =	shalt  }
0x62: {  	_ =	shalt  }
0x63: {  	_ =	shalt  }
0x64: {  	_ =	shalt  }
0x65: {  	_ =	shalt  }
0x66: {  	_ =	shalt  }
0x67: {  	_ =	shalt  }
0x68: {  	_ =	shalt  }
0x69: {  	_ =	shalt  }
0x6a: {  	_ =	shalt  }
0x6b: {  	_ =	shalt  }
0x6c: {  	_ =	shalt  }
0x6d: {  	_ =	shalt  }
0x6e: {  	_ =	shalt  }
0x6f: {  	_ =	shalt  }
0x70: {  	_ =	shalt  }
0x71: {  	_ =	shalt  }
0x72: {  	_ =	shalt  }
0x73: {  	_ =	shalt  }
0x74: {  	_ =	shalt  }
0x75: {  	_ =	shalt  }
0x76: {  	_ =	shalt  }
0x77: {  	_ =	shalt  }
0x78: {  	_ =	shalt  }
0x79: {  	_ =	shalt  }
0x7a: {  	_ =	shalt  }
0x7b: {  	_ =	shalt  }
0x7c: {  	_ =	shalt  }
0x7d: {  	_ =	shalt  }
0x7e: {  	_ =	shalt  }
0x7f: {  	_ =	shalt  }
0x80: {  	_ =	shalt  }
0x81: {  	_ =	shalt  }
0x82: {  	_ =	shalt  }
0x83: {  	_ =	shalt  }
0x84: {  	_ =	shalt  }
0x85: {  	_ =	shalt  }
0x86: {  	_ =	shalt  }
0x87: {  	_ =	shalt  }
.Lfunc_end0:
.L_simem_size_0:
called_computation.1_lowered:
.L_overlay_start_0:
0x88: {  	s2 =	sld [smem:$0x3FD9]  }
0x89: {  	s3 =	sld [smem:$0x3FFE];
	_ =	sdelay $0x1  }
0x8a: {  	s1 =	srdreg.scid  }
0x8b: {  	s0 =	sand.u32 $0x1, s1  }
0x8c: {  	s17 =	sshll.u32 s0, $0xA;
	s2 =	sadd.s32 s3, s2  }
0x8d: {  	s2 =	sadd.s32 s2, s17  }
0x8e: {  	[smem:$0x3FBD] =	sst s2  }
0x8f: {  	_ = 	snop  }
0x90: {  	(tm) =	ssettm $0x1  }
0x91: {  	s18 =	sld [smem:$0x3FFB];
	_ =	sdelay $0x3  }
0x92: {  	_ =	strace s18  }
0x93: {  	s2 =	sld [smem:$0x3FFC];
	_ =	sdelay $0x3  }
0x94: {  	_ =	strace s2  }
0x95: {  	s2 =	sld [smem:$0x3FFD];
	_ =	sdelay $0x3  }
0x96: {  	_ =	strace s2  }
0x97: {  	_ =	strace $0x8FFFFFFF  }
0x98: {  	s19 =	sld [smem:$0x3FDB];
	_ =	sdelay $0x1  }
0x99: {  	s20 =	simm.s32 $_scs_section_size  }
0x9a: {  	s4 =	simm.s32 $_size__tile_overlayer_lowered;
	s5 =	simm.s32 $_tile_overlayer_lowered  }
0x9b: {  	s6 =	simm.s32 $0x1BFF;
	s21 =	sshll.u32 s5, $0x1;
	s3 =	sadd.s32 s20, s19  }
0x9c: {  	s22 =	simm.s32 $0x0;
	s4 =	sshll.u32 s4, $0x1;
	s5 =	sadd.s32 s21, s3  }
0x9d: {  	[timem:s22], [sflag:s6] =	dma.local [hbm:s5], s4  }
0x9e: {  	_ =	swait.ge [sflag:s6], s4  }
0x9f: {  	s4 =	ssub.s32 $0x0, s4;
	[sflag:s6] =	ssyncset.done $0x0  }
0xa0: {  	[sflag:s6] =	ssyncadd.s32 s4;
	_ =	sdelay $0x1  }
0xa1: {  	s23 =	simm.s32 $0x1B8B  }
0xa2: {  	_ =	swait.ge [sflag:s23], $0x1  }
0xa3: {  	[sflag:s23] =	ssyncset.done $0x0  }
0xa4: {  	[sflag:s23] =	ssyncadd.s32 $0xFFFFFFFF  }
0xa5: {  	s4 =	sld [smem:$0x0]  }
0xa6: {  	s5 =	sand.u32 $0xFFFFFFFE, s1  }
0xa7: {  	p0 =	sne.s32 s1, s5  }
0xa8: {  	s5 =	sshll.u32 @p0 s5, $0xE  }
0xa9: {  	s5 =	sadd.s32 @p0 $0x11B8D, s5;
	s6 =	sshll.u32 @p0 s4, $0x11  }
0xaa: {  	s5 =	sor.u32 @p0 s6, s5  }
0xab: {  	[sflag:s5] =	ssyncadd.remote.s32 @p0 $0x1;
	_ =	sdelay $0x1  }
0xac: {  	s5 =	simm.s32 @p0 $0x1B8D  }
0xad: {  	_ =	swait.eq @p0 [sflag:s5], $0x1  }
0xae: {  	[sflag:s5] =	ssyncadd.s32 @p0 $0xFFFFFFFF  }
0xaf: {  	s6 =	sshll.u32 @!p0 s1, $0xE  }
0xb0: {  	s6 =	sor.u32 @!p0 $0x4000, s6;
	s5 =	simm.s32 @!p0 $0x1B8D  }
0xb1: {  	s4 =	sshll.u32 @!p0 s4, $0x11;
	s6 =	sadd.s32 @!p0 $0x11B8D, s6;
	_ =	swait.eq @!p0 [sflag:s5], $0x1  }
0xb2: {  	s4 =	sor.u32 @!p0 s4, s6;
	[sflag:s5] =	ssyncadd.s32 @!p0 $0xFFFFFFFF  }
0xb3: {  	s25 =	simm.s32 $0x1B8E;
	s24 =	sld [smem:$0x3FFE];
	[sflag:s4] =	ssyncadd.remote.s32 @!p0 $0x1  }
0xb4: {  	s26 =	simm.s32 $execute0_lowered;
	[smem:$0x3FD2] =	sst s25  }
0xb5: {  	s5 =	sshll.u32 s26, $0x1;
	_ =	strace $0x80000049;
	[dreg:$0x1] =	wrdreg $0xFFFFFFFF  }
0xb6: {  	s28 =	simm.s32 $_size_execute0_lowered;
	s3 =	sadd.s32 s3, s5;
	[dreg:$0x0] =	wrdreg $0x0  }
0xb7: {  	s5 =	sshll.u32 s28, $0x1;
	[dreg:$0x2] =	wrdreg s3  }
0xb8: {  	[dreg:$0x3] =	wrdreg s5  }
0xb9: {  	[dreg:$0x4] =	wrdreg $0xC0  }
0xba: {  	_ =	task [dreg:s22], $0x5FFFF  }
0xbb: {  	[dreg:$0x1] =	wrdreg $0xFFFFFFFF  }
0xbc: {  	[dreg:$0x0] =	wrdreg $0x60  }
0xbd: {  	[dreg:$0x2] =	wrdreg s24  }
0xbe: {  	[dreg:$0x3] =	wrdreg $0xA  }
0xbf: {  	_ =	task.clear_ibuf [dreg:s22], $0x4FFFF;
	_ =	strace $0x90000049  }
0xc0: {  	s29 =	simm.s32 $0xA;
	_ =	strace $0x8000004B  }
0xc1: {  	_ =	swait.ge [sflag:s29], $0x1  }
0xc2: {  	[sflag:s29] =	ssyncadd.s32 $0xFFFFFFFF  }
0xc3: {  	_ =	strace $0x9000004B  }
0xc4: {  	_ =	sfence  }
0xc5: {  	s30 =	sld [smem:$0x0];
	_ =	sdelay $0x2  }
0xc6: {  	s31 =	sshll.u32 s1, $0xD;
	s1 =	sshrl.u32 s1, $0x2  }
0xc7: {  	s4 =	sand.u32 $0x4000, s31;
	s1 =	sadd.s32 s1, s30  }
0xc8: {  	s0 =	sor.u32 s4, s0;
	s1 =	sshll.u32 s1, $0x11  }
0xc9: {  	s0 =	sor.u32 s1, s0  }
0xca: {  	s0 =	sadd.s32 $0x8F2B, s0  }
0xcb: {  	[sflag:s0] =	ssyncadd.remote.s32 $0x1  }
0xcc: {  	_ =	sfence.sel $0xFFFF  }
0xcd: {  	[dreg:$0x0] =	wrdreg $0xFFFFFFFF;
	(pc) =	sbr.abs _section_cstart, $3  }
0xce: {  	[dreg:$0x1] =	wrdreg $0xFFFFFFFF  }
0xcf: {  	_ =	task.clear_ibuf [dreg:s22], $0x2FFFF;
	_ =	strace $0x9FFFFFFF  }
0xd0: {  	(tm) =	ssettm $0x7FFFFFFF  }
0xd1: {  	_ =	shalt  }
tec
execute0_lowered:
.L_overlay_start_1:
0x0: {  	(tag) =	ssettag $0x1  }
0x1: {  	s0 =	rddreg [dreg:$0x0];
	s2 =	simm.s32 $0x0  }
0x2: {  	s4 =	stileid.u32;
	s1 =	srdreg.scid;
	s14 =	simm.s32 $0x5  }
0x3: {  	s16 =	simm.s32 $0x80;
	s17 =	simm.s32 $0x800;
	s18 =	simm.s32 $0x4800  }
0x4: {  	s19 =	simm.s32 $0x8800;
	s21 =	simm.s32 $0xC800;
	s22 =	simm.s32 $0x1  }
0x5: {  	s23 =	simm.s32 $0x2;
	s24 =	simm.s32 $0x3;
	s25 =	simm.s32 $0x4  }
0x6: {  	s26 =	simm.s32 $0x0;
	[smem:$0x7FF] =	sst s2;
	s3 =	sadd.s32 $0x63E00, s0  }
0x7: {  	s8 =	smul.u32 $0x50, s4;
	s4 =	sadd.s32 $0x59E00, s0;
	s5 =	sadd.s32 $0x1400, s0  }
0x8: {  	s1 =	sand.u32 $0x1, s1;
	s7 =	sadd.s32 $0x28600, s0;
	s12 =	sadd.s32 $0x6F000, s0  }
.Ltmp0:
0x9: {  	p0 =	seq.s32 s1, $0x0;
	s6 =	sadd.s32 $0x500, s8;
	(pc) =	sbr.rel .LBB2_1-.Ltmp0, $4  }
0xa: {  	_ =	strace $0x8000004A;
	s9 =	ssub.s32 $0x2, s1;
	s6 =	smov.u32 @p0 s8  }
0xb: {  	s30 =	sshrl.u32 s9, $0x1;
	s8 =	sadd.s32 $0x6E800, s0;
	s31 =	sshll.u32 s6, $0x4  }
0xc: {  	s1 =	ssub.s32 s9, s30;
	s11 =	sor.u32 $0x2, s6;
	s10 =	sadd.s32 s3, s31  }
0xd: {  	s13 =	smax.u32 s1, $0x1;
	[dreg:$0x2] =	wrdreg s10;
	s10 =	sadd.s32 s4, s31  }
.LBB2_8:
0xe: {  	s26 =	sadd.s32 $0x1, s26  }
0xf: {  	p0 =	sne.s32 s26, s13  }
.Ltmp1:
0x10: {  	_ = 	snop;
	(pc) =	sbr.rel @!p0 .LBB2_9-.Ltmp1, $1  }
0x11: {  	_ =	sdelay $0x3  }
.LBB2_1:
0x12: {  	s0 =	rddreg [dreg:$0x2]  }
0x13: {  	[tilespmem:s2], [sflag:$0x5] =	stream.linear.gather [hbm4b:s0+s2], $0x400, $0x38;
	[tilespmem:$0x10800] =	vst v63  }
0x14: {  	_ =	swait.ge [sflag:s14], $0x400  }
0x15: {  	[sflag:s14] =	ssyncset.done $0x0  }
0x16: {  	s30 =	simm.s32 $0x400;
	[sflag:s14] =	ssyncadd.s32 $0xFFFFFC00  }
0x17: {  	[tilespmem:s30], [sflag:$0x5] =	stream.linear.gather [hbm4b:s10+s2], $0x400, $0x38;
	[tilespmem:$0x10800] =	vst v63  }
0x18: {  	_ =	swait.ge [sflag:s14], $0x400  }
0x19: {  	[sflag:s14] =	ssyncset.done $0x0  }
0x1a: {  	[sflag:s14] =	ssyncadd.s32 $0xFFFFFC00  }
0x1b: {  	[tilespmem:s17], [sflag:$0x1] =	stream.indirect.gather [hbm4b:s5+s16], $0x80, s2, s16, $0xb8;
	[tilespmem:$0x10800] =	vst v63  }
0x1c: {  	_ = 	snop  }
0x1d: {  	[tilespmem:s18], [sflag:$0x2] =	stream.indirect.gather [hbm4b:s7+s16], $0x80, s30, s16, $0xb8;
	[tilespmem:$0x10800] =	vst v63  }
0x1e: {  	_ = 	snop  }
0x1f: {  	[tilespmem:s19], [sflag:$0x3] =	stream.indirect.gather [hbm4b:s5+s16], $0x80, s16, s16, $0xb8;
	[tilespmem:$0x10800] =	vst v63  }
0x20: {  	s31 =	simm.s32 $0x480;
	s28 =	simm.s32 $0x0  }
0x21: {  	[tilespmem:s21], [sflag:$0x4] =	stream.indirect.gather [hbm4b:s7+s16], $0x80, s31, s16, $0xb8;
	[tilespmem:$0x10800] =	vst v63  }
.LBB2_2:
0x22: {  	_ =	swait.ge [sflag:s22], $0x4000  }
0x23: {  	[sflag:s22] =	ssyncset.done $0x0  }
0x24: {  	[sflag:s22] =	ssyncadd.s32 $0xFFFFC000  }
0x25: {  	_ =	swait.ge [sflag:s23], $0x4000  }
0x26: {  	[sflag:s23] =	ssyncset.done $0x0  }
0x27: {  	s29 =	simm.s32 $0x900;
	[sflag:s23] =	ssyncadd.s32 $0xFFFFC000  }
0x28: {  	s1 =	simm.s32 $0x4900;
	v0 =	vld [tilespmem:s29+$0x80]  }
0x29: {  	v1 =	vld [tilespmem:s1+$0x80];
	_ =	sdelay $0x3  }
0x2a: {  	v2 =	vld [tilespmem:s1+$0xFFFFFF00]  }
0x2b: {  	v3 =	vld [tilespmem:s1+$0xFFFFFF80];
	v0 =	vadd.f32 v1, v0  }
0x2c: {  	v1 =	vld [tilespmem:s29+$0xFFFFFF80]  }
0x2d: {  	v5 =	vld [tilespmem:s29+$0x0];
	v4 =	vmul.f32 $2.000000030e-01, v0  }
0x2e: {  	v6 =	vld [tilespmem:s1+$0x0]  }
0x2f: {  	v0 =	vmax.f32 v0, v4;
	v4 =	vld [tilespmem:s29+$0xFFFFFF00]  }
0x30: {  	[tilespmem:s29+$0x80] =	vst v0;
	v0 =	vld [tilespmem:s29+$0x90]  }
0x31: {  	v1 =	vadd.f32 v3, v1;
	v7 =	vld [tilespmem:s1+$0x90];
	_ =	sdelay $0x1  }
0x32: {  	v5 =	vadd.f32 v6, v5;
	v3 =	vmul.f32 $2.000000030e-01, v1  }
0x33: {  	v2 =	vadd.f32 v2, v4  }
0x34: {  	v12 =	vld [tilespmem:s29+$0xFFFFFFC0];
	v1 =	vmax.f32 v1, v3;
	v4 =	vmul.f32 $2.000000030e-01, v5  }
0x35: {  	v3 =	vld [tilespmem:s29+$0xFFFFFF90];
	[tilespmem:s29+$0xFFFFFF80] =	vst v1;
	v0 =	vadd.f32 v7, v0;
	v7 =	vmul.f32 $2.000000030e-01, v2  }
0x36: {  	v8 =	vld [tilespmem:s1+$0xFFFFFF90];
	v4 =	vmax.f32 v5, v4  }
0x37: {  	v1 =	vld [tilespmem:s29+$0x10];
	[tilespmem:s29+$0x0] =	vst v4;
	v2 =	vmax.f32 v2, v7  }
0x38: {  	v5 =	vmul.f32 $2.000000030e-01, v0;
	[tilespmem:s29+$0xFFFFFF00] =	vst v2;
	v2 =	vld [tilespmem:s1+$0x10]  }
0x39: {  	v6 =	vld [tilespmem:s29+$0xFFFFFF10]  }
0x3a: {  	v0 =	vmax.f32 v0, v5;
	v4 =	vld [tilespmem:s1+$0xFFFFFF10]  }
0x3b: {  	[tilespmem:s29+$0x90] =	vst v0;
	v0 =	vld [tilespmem:s29+$0xA0];
	v3 =	vadd.f32 v8, v3  }
0x3c: {  	s30 =	simm.s32 $0x4B00;
	v5 =	vld [tilespmem:s1+$0xA0]  }
0x3d: {  	v15 =	vld [tilespmem:s30+$0x80];
	v9 =	vmul.f32 $2.000000030e-01, v3;
	v1 =	vadd.f32 v2, v1  }
0x3e: {  	s0 =	simm.s32 $0xB00;
	v16 =	vld [tilespmem:s30+$0xFFFFFF00]  }
0x3f: {  	v18 =	vld [tilespmem:s0+$0x0];
	v4 =	vadd.f32 v4, v6;
	v3 =	vmax.f32 v3, v9;
	v10 =	vmul.f32 $2.000000030e-01, v1  }
0x40: {  	v8 =	vld [tilespmem:s29+$0xFFFFFFA0];
	[tilespmem:s29+$0xFFFFFF90] =	vst v3  }
0x41: {  	v5 =	vadd.f32 v5, v0;
	v0 =	vmul.f32 $2.000000030e-01, v4;
	v11 =	vld [tilespmem:s1+$0xFFFFFFA0];
	v1 =	vmax.f32 v1, v10  }
0x42: {  	v2 =	vld [tilespmem:s29+$0x20];
	[tilespmem:s29+$0x10] =	vst v1  }
0x43: {  	v10 =	vmul.f32 $2.000000030e-01, v5;
	v4 =	vmax.f32 v4, v0;
	v1 =	vld [tilespmem:s1+$0x20]  }
0x44: {  	v7 =	vld [tilespmem:s29+$0xFFFFFF20];
	[tilespmem:s29+$0xFFFFFF10] =	vst v4  }
0x45: {  	v4 =	vmax.f32 v5, v10;
	v5 =	vld [tilespmem:s1+$0xFFFFFF20]  }
0x46: {  	[tilespmem:s29+$0xA0] =	vst v4;
	v4 =	vld [tilespmem:s29+$0xB0];
	v8 =	vadd.f32 v11, v8  }
0x47: {  	v10 =	vld [tilespmem:s1+$0xB0]  }
0x48: {  	v20 =	vld [tilespmem:s30+$0x0];
	v11 =	vmul.f32 $2.000000030e-01, v8;
	v1 =	vadd.f32 v1, v2  }
0x49: {  	v43 =	vld [tilespmem:s29+$0xE0]  }
0x4a: {  	v44 =	vld [tilespmem:s0+$0xFFFFFF10];
	v2 =	vadd.f32 v5, v7;
	v5 =	vmax.f32 v8, v11;
	v7 =	vmul.f32 $2.000000030e-01, v1  }
0x4b: {  	v9 =	vld [tilespmem:s29+$0xFFFFFFB0];
	[tilespmem:s29+$0xFFFFFFA0] =	vst v5  }
0x4c: {  	v4 =	vadd.f32 v10, v4;
	v5 =	vmul.f32 $2.000000030e-01, v2;
	v8 =	vld [tilespmem:s1+$0xFFFFFFB0];
	v7 =	vmax.f32 v1, v7  }
0x4d: {  	v3 =	vld [tilespmem:s29+$0x30];
	[tilespmem:s29+$0x20] =	vst v7  }
0x4e: {  	v7 =	vmul.f32 $2.000000030e-01, v4;
	v2 =	vmax.f32 v2, v5;
	v5 =	vld [tilespmem:s1+$0x30]  }
0x4f: {  	v6 =	vld [tilespmem:s29+$0xFFFFFF30];
	[tilespmem:s29+$0xFFFFFF20] =	vst v2  }
0x50: {  	v2 =	vmax.f32 v4, v7;
	v4 =	vld [tilespmem:s1+$0xFFFFFF30]  }
0x51: {  	v7 =	vld [tilespmem:s29+$0xC0];
	[tilespmem:s29+$0xB0] =	vst v2;
	v2 =	vadd.f32 v8, v9  }
0x52: {  	v9 =	vld [tilespmem:s1+$0xC0]  }
0x53: {  	v50 =	vld [tilespmem:s29+$0xF0];
	v8 =	vmul.f32 $2.000000030e-01, v2;
	v3 =	vadd.f32 v5, v3  }
0x54: {  	v51 =	vld [tilespmem:s0+$0xFFFFFFA0]  }
0x55: {  	v52 =	vld [tilespmem:s0+$0xFFFFFF30];
	v2 =	vmax.f32 v2, v8;
	v5 =	vmul.f32 $2.000000030e-01, v3  }
0x56: {  	v53 =	vld [tilespmem:s0+$0xFFFFFFB0];
	v4 =	vadd.f32 v4, v6;
	[tilespmem:s29+$0xFFFFFFB0] =	vst v2  }
0x57: {  	v6 =	vld [tilespmem:s1+$0xFFFFFFC0];
	v7 =	vadd.f32 v9, v7;
	v2 =	vmax.f32 v3, v5  }
0x58: {  	v11 =	vld [tilespmem:s29+$0x40];
	v3 =	vmul.f32 $2.000000030e-01, v4;
	[tilespmem:s29+$0x30] =	vst v2  }
0x59: {  	v13 =	vmul.f32 $2.000000030e-01, v7;
	v9 =	vld [tilespmem:s1+$0x40]  }
0x5a: {  	v55 =	vld [tilespmem:s0+$0xFFFFFF40];
	v4 =	vmax.f32 v4, v3  }
0x5b: {  	v26 =	vld [tilespmem:s0+$0x40];
	[tilespmem:s29+$0xFFFFFF30] =	vst v4;
	v4 =	vmax.f32 v7, v13  }
0x5c: {  	v6 =	vadd.f32 v6, v12;
	[tilespmem:s29+$0xC0] =	vst v4;
	v12 =	vld [tilespmem:s29+$0xD0]  }
0x5d: {  	v13 =	vld [tilespmem:s1+$0xD0]  }
0x5e: {  	v9 =	vadd.f32 v9, v11;
	v11 =	vld [tilespmem:s0+$0x80]  }
0x5f: {  	v59 =	vld [tilespmem:s0+$0xC0]  }
0x60: {  	v0 =	vld [tilespmem:s29+$0xFFFFFF40]  }
0x61: {  	v10 =	vld [tilespmem:s29+$0xFFFFFFD0]  }
0x62: {  	v1 =	vld [tilespmem:s29+$0xFFFFFF50]  }
0x63: {  	v12 =	vadd.f32 v13, v12;
	v13 =	vld [tilespmem:s30+$0xFFFFFF80];
	v11 =	vadd.f32 v15, v11  }
0x64: {  	v15 =	vld [tilespmem:s0+$0xFFFFFF80]  }
0x65: {  	v8 =	vld [tilespmem:s29+$0x50];
	v17 =	vmul.f32 $2.000000030e-01, v11  }
0x66: {  	v5 =	vld [tilespmem:s29+$0xFFFFFF60];
	v19 =	vmul.f32 $2.000000030e-01, v12  }
0x67: {  	v11 =	vmax.f32 v11, v17;
	v17 =	vld [tilespmem:s0+$0xFFFFFF00]  }
0x68: {  	[tilespmem:s0+$0x80] =	vst v11;
	v11 =	vmax.f32 v12, v19;
	v12 =	vld [tilespmem:s0+$0x90]  }
0x69: {  	v13 =	vadd.f32 v13, v15;
	[tilespmem:s29+$0xD0] =	vst v11;
	v11 =	vld [tilespmem:s30+$0x90]  }
0x6a: {  	v15 =	vld [tilespmem:s1+$0xE0]  }
0x6b: {  	v18 =	vadd.f32 v20, v18;
	v2 =	vld [tilespmem:s29+$0xFFFFFFE0];
	v22 =	vmul.f32 $2.000000030e-01, v13  }
0x6c: {  	v3 =	vld [tilespmem:s29+$0x60];
	v16 =	vadd.f32 v16, v17  }
0x6d: {  	v45 =	vmul.f32 $2.000000030e-01, v18;
	v7 =	vld [tilespmem:s1+$0xFFFFFF40];
	v13 =	vmax.f32 v13, v22  }
0x6e: {  	v17 =	vld [tilespmem:s0+$0xFFFFFF90];
	[tilespmem:s0+$0xFFFFFF80] =	vst v13;
	v11 =	vadd.f32 v11, v12;
	v12 =	vmul.f32 $2.000000030e-01, v16  }
0x6f: {  	v18 =	vmax.f32 v18, v45;
	v46 =	vld [tilespmem:s30+$0xFFFFFF90];
	v15 =	vadd.f32 v15, v43  }
0x70: {  	[tilespmem:s0+$0x0] =	vst v18;
	v13 =	vld [tilespmem:s0+$0x10];
	v47 =	vmul.f32 $2.000000030e-01, v11;
	v12 =	vmax.f32 v16, v12  }
0x71: {  	v48 =	vmul.f32 $2.000000030e-01, v15;
	[tilespmem:s0+$0xFFFFFF00] =	vst v12;
	v12 =	vld [tilespmem:s30+$0x10]  }
0x72: {  	v11 =	vmax.f32 v11, v47;
	v49 =	vld [tilespmem:s30+$0xFFFFFF10]  }
0x73: {  	v4 =	vmul.f32 $2.000000030e-01, v6;
	[tilespmem:s0+$0x90] =	vst v11;
	v11 =	vmax.f32 v15, v48;
	v15 =	vld [tilespmem:s0+$0xA0]  }
0x74: {  	v17 =	vadd.f32 v46, v17;
	[tilespmem:s29+$0xE0] =	vst v11;
	v11 =	vld [tilespmem:s30+$0xA0]  }
0x75: {  	v4 =	vmax.f32 v6, v4;
	v6 =	vld [tilespmem:s29+$0xFFFFFF70];
	v14 =	vmul.f32 $2.000000030e-01, v9  }
0x76: {  	[tilespmem:s29+$0xFFFFFFC0] =	vst v4;
	v4 =	vld [tilespmem:s29+$0xFFFFFFF0];
	v23 =	vmul.f32 $2.000000030e-01, v17;
	v12 =	vadd.f32 v12, v13  }
0x77: {  	v9 =	vmax.f32 v9, v14;
	v14 =	vld [tilespmem:s1+$0xFFFFFFD0];
	v20 =	vadd.f32 v49, v44  }
0x78: {  	[tilespmem:s29+$0x40] =	vst v9;
	v9 =	vld [tilespmem:s29+$0x70];
	v17 =	vmax.f32 v17, v23;
	v24 =	vmul.f32 $2.000000030e-01, v12  }
0x79: {  	v16 =	vld [tilespmem:s0+$0xFFFFFF20];
	[tilespmem:s0+$0xFFFFFF90] =	vst v17;
	v11 =	vadd.f32 v11, v15;
	v15 =	vmul.f32 $2.000000030e-01, v20  }
0x7a: {  	v25 =	vld [tilespmem:s30+$0xFFFFFFA0];
	v12 =	vmax.f32 v12, v24  }
0x7b: {  	v0 =	vadd.f32 v7, v0;
	v13 =	vld [tilespmem:s0+$0x20];
	v15 =	vmax.f32 v20, v15;
	[tilespmem:s0+$0x10] =	vst v12  }
0x7c: {  	v54 =	vmul.f32 $2.000000030e-01, v11;
	[tilespmem:s0+$0xFFFFFF10] =	vst v15;
	v12 =	vld [tilespmem:s30+$0x20]  }
0x7d: {  	v15 =	vmul.f32 $2.000000030e-01, v0;
	v7 =	vld [tilespmem:s30+$0xFFFFFF20]  }
0x7e: {  	v21 =	vld [tilespmem:s1+$0x50];
	v11 =	vmax.f32 v11, v54  }
0x7f: {  	[tilespmem:s0+$0xA0] =	vst v11;
	v11 =	vld [tilespmem:s0+$0xB0];
	v19 =	vadd.f32 v25, v51;
	v0 =	vmax.f32 v0, v15  }
0x80: {  	v10 =	vadd.f32 v14, v10;
	v56 =	vld [tilespmem:s30+$0xB0];
	[tilespmem:s29+$0xFFFFFF40] =	vst v0  }
0x81: {  	v14 =	vld [tilespmem:s1+$0xFFFFFF50];
	v12 =	vadd.f32 v12, v13;
	v13 =	vmul.f32 $2.000000030e-01, v19  }
0x82: {  	v58 =	vmul.f32 $2.000000030e-01, v10;
	v57 =	vld [tilespmem:s1+$0xF0];
	v7 =	vadd.f32 v7, v16  }
0x83: {  	v17 =	vld [tilespmem:s0+$0x30];
	v13 =	vmax.f32 v19, v13;
	v16 =	vmul.f32 $2.000000030e-01, v12  }
0x84: {  	v10 =	vmax.f32 v10, v58;
	v15 =	vld [tilespmem:s0+$0xFFFFFFC0];
	[tilespmem:s0+$0xFFFFFFA0] =	vst v13;
	v13 =	vmul.f32 $2.000000030e-01, v7  }
0x85: {  	[tilespmem:s29+$0xFFFFFFD0] =	vst v10;
	v11 =	vadd.f32 v56, v11;
	v12 =	vmax.f32 v12, v16;
	v16 =	vld [tilespmem:s30+$0xFFFFFFB0]  }
0x86: {  	v1 =	vadd.f32 v14, v1;
	v14 =	vld [tilespmem:s1+$0xFFFFFFE0];
	v13 =	vmax.f32 v7, v13;
	[tilespmem:s0+$0x20] =	vst v12  }
0x87: {  	v8 =	vadd.f32 v21, v8;
	v12 =	vmul.f32 $2.000000030e-01, v11;
	[tilespmem:s0+$0xFFFFFF20] =	vst v13;
	v13 =	vld [tilespmem:s30+$0x30]  }
0x88: {  	v0 =	vld [tilespmem:s0+$0xFFFFFF50]  }
0x89: {  	v10 =	vld [tilespmem:s30+$0xFFFFFF30];
	v11 =	vmax.f32 v11, v12;
	v12 =	vmul.f32 $2.000000030e-01, v8  }
0x8a: {  	v7 =	vld [tilespmem:s0+$0xFFFFFFD0];
	[tilespmem:s0+$0xB0] =	vst v11;
	v11 =	vmul.f32 $2.000000030e-01, v1;
	v16 =	vadd.f32 v16, v53  }
0x8b: {  	v8 =	vmax.f32 v8, v12;
	v12 =	vld [tilespmem:s30+$0xC0];
	v14 =	vadd.f32 v14, v2  }
0x8c: {  	v2 =	vld [tilespmem:s0+$0xFFFFFFE0];
	[tilespmem:s29+$0x50] =	vst v8;
	v1 =	vmax.f32 v1, v11;
	v11 =	vadd.f32 v13, v17;
	v13 =	vmul.f32 $2.000000030e-01, v16  }
0x8d: {  	[tilespmem:s29+$0xFFFFFF50] =	vst v1;
	v17 =	vld [tilespmem:s1+$0x60]  }
0x8e: {  	v10 =	vadd.f32 v10, v52;
	v60 =	vld [tilespmem:s1+$0xFFFFFF60];
	v13 =	vmax.f32 v16, v13;
	v16 =	vmul.f32 $2.000000030e-01, v11  }
0x8f: {  	v8 =	vld [tilespmem:s0+$0x50]  }
0x90: {  	v1 =	vld [tilespmem:s0+$0xFFFFFF60];
	[tilespmem:s0+$0xFFFFFFB0] =	vst v13;
	v13 =	vmul.f32 $2.000000030e-01, v10;
	v11 =	vmax.f32 v11, v16  }
0x91: {  	v12 =	vadd.f32 v12, v59;
	v16 =	vld [tilespmem:s30+$0xFFFFFFC0];
	[tilespmem:s0+$0x30] =	vst v11;
	v11 =	vmul.f32 $2.000000030e-01, v14  }
0x92: {  	v10 =	vmax.f32 v10, v13;
	v13 =	vadd.f32 v17, v3;
	v3 =	vld [tilespmem:s0+$0x60]  }
0x93: {  	v19 =	vmul.f32 $2.000000030e-01, v12;
	v17 =	vld [tilespmem:s30+$0x40];
	[tilespmem:s0+$0xFFFFFF30] =	vst v10;
	v5 =	vadd.f32 v60, v5;
	v10 =	vmax.f32 v14, v11  }
0x94: {  	v11 =	vld [tilespmem:s30+$0xFFFFFF40];
	[tilespmem:s29+$0xFFFFFFE0] =	vst v10;
	v10 =	vmul.f32 $2.000000030e-01, v13  }
0x95: {  	v12 =	vmax.f32 v12, v19;
	v14 =	vmul.f32 $2.000000030e-01, v5;
	v61 =	vld [tilespmem:s1+$0xFFFFFFF0]  }
0x96: {  	[tilespmem:s0+$0xC0] =	vst v12;
	v15 =	vadd.f32 v16, v15;
	v16 =	vld [tilespmem:s0+$0xD0];
	v10 =	vmax.f32 v13, v10  }
0x97: {  	v13 =	vld [tilespmem:s30+$0xD0];
	v5 =	vmax.f32 v5, v14;
	v14 =	vadd.f32 v57, v50;
	[tilespmem:s29+$0x60] =	vst v10  }
0x98: {  	v10 =	vmul.f32 $2.000000030e-01, v15;
	v12 =	vadd.f32 v17, v26;
	[tilespmem:s29+$0xFFFFFF60] =	vst v5;
	v17 =	vld [tilespmem:s1+$0x70]  }
0x99: {  	v5 =	vadd.f32 v11, v55;
	v11 =	vld [tilespmem:s1+$0xFFFFFF70];
	v63 =	vmul.f32 $2.000000030e-01, v14  }
0x9a: {  	v15 =	vmax.f32 v15, v10;
	v62 =	vmul.f32 $2.000000030e-01, v12;
	v10 =	vld [tilespmem:s0+$0xFFFFFF70];
	v19 =	vadd.f32 v61, v4  }
0x9b: {  	[tilespmem:s0+$0xFFFFFFC0] =	vst v15;
	v15 =	vmul.f32 $2.000000030e-01, v5;
	v4 =	vld [tilespmem:s0+$0xFFFFFFF0];
	v14 =	vmax.f32 v14, v63  }
0x9c: {  	v18 =	vmax.f32 v12, v62;
	v12 =	vld [tilespmem:s30+$0xFFFFFFD0];
	v13 =	vadd.f32 v13, v16;
	[tilespmem:s29+$0xF0] =	vst v14;
	v16 =	vmul.f32 $2.000000030e-01, v19  }
0x9d: {  	[tilespmem:s0+$0x40] =	vst v18;
	v14 =	vmax.f32 v5, v15;
	v5 =	vld [tilespmem:s0+$0x70];
	v9 =	vadd.f32 v17, v9  }
0x9e: {  	s20 =	simm.s32 $0x4;
	s15 =	simm.s32 $0xD00;
	s1 =	simm.s32 $0x4B00;
	[tilespmem:s0+$0xFFFFFF40] =	vst v14;
	v14 =	vld [tilespmem:s30+$0x50];
	v15 =	vmul.f32 $2.000000030e-01, v13;
	v11 =	vadd.f32 v11, v6;
	v6 =	vmax.f32 v19, v16  }
.LBB2_3:
0x9f: {  	v16 =	vld [tilespmem:s15+$0x80];
	s30 =	sadd.s32 $0x200, s30;
	[tilespmem:s29+$0xFFFFFFF0] =	vst v6;
	v17 =	vmul.f32 $2.000000030e-01, v9;
	v6 =	vmov v10  }
0xa0: {  	s20 =	sadd.s32 $0x4, s20;
	v10 =	vld [tilespmem:s30+$0x80];
	v13 =	vmax.f32 v13, v15;
	v15 =	vmul.f32 $2.000000030e-01, v11  }
0xa1: {  	p0 =	slt.u32 s20, $0x7C;
	v7 =	vadd.f32 v12, v7;
	[tilespmem:s0+$0xD0] =	vst v13;
	v12 =	vld [tilespmem:s0+$0xE0];
	v9 =	vmax.f32 v9, v17  }
0xa2: {  	v13 =	vld [tilespmem:s1+$0xE0];
	v11 =	vmax.f32 v11, v15;
	[tilespmem:s29+$0x70] =	vst v9  }
0xa3: {  	v9 =	vld [tilespmem:s30+$0xFFFFFF00];
	v15 =	vmul.f32 $2.000000030e-01, v7;
	v8 =	vadd.f32 v14, v8;
	[tilespmem:s29+$0xFFFFFF70] =	vst v11;
	s29 =	smov.u32 s0;
	s0 =	smov.u32 s15  }
0xa4: {  	v11 =	vld [tilespmem:s15+$0xFFFFFF80]  }
0xa5: {  	v14 =	vld [tilespmem:s30+$0xFFFFFF80];
	v10 =	vadd.f32 v10, v16;
	v7 =	vmax.f32 v7, v15;
	v15 =	vmul.f32 $2.000000030e-01, v8  }
0xa6: {  	v16 =	vld [tilespmem:s15+$0x0];
	[tilespmem:s29+$0xFFFFFFD0] =	vst v7  }
0xa7: {  	v7 =	vld [tilespmem:s30+$0x0];
	v17 =	vmul.f32 $2.000000030e-01, v10;
	v8 =	vmax.f32 v8, v15;
	v12 =	vadd.f32 v13, v12  }
0xa8: {  	v13 =	vld [tilespmem:s15+$0xFFFFFF00];
	[tilespmem:s29+$0x50] =	vst v8  }
0xa9: {  	v8 =	vld [tilespmem:s15+$0xFFFFFF10];
	v10 =	vmax.f32 v10, v17;
	v15 =	vmul.f32 $2.000000030e-01, v12  }
0xaa: {  	v11 =	vadd.f32 v14, v11;
	[tilespmem:s15+$0x80] =	vst v10;
	v10 =	vld [tilespmem:s15+$0x90]  }
0xab: {  	v14 =	vld [tilespmem:s30+$0x90];
	v12 =	vmax.f32 v12, v15  }
0xac: {  	v15 =	vmul.f32 $2.000000030e-01, v11;
	v7 =	vadd.f32 v7, v16;
	[tilespmem:s29+$0xE0] =	vst v12;
	v12 =	vld [tilespmem:s29+$0xF0]  }
0xad: {  	v9 =	vadd.f32 v9, v13;
	v13 =	vld [tilespmem:s1+$0xF0]  }
0xae: {  	v11 =	vmax.f32 v11, v15;
	v15 =	vld [tilespmem:s15+$0xFFFFFF90];
	v16 =	vmul.f32 $2.000000030e-01, v7  }
0xaf: {  	v17 =	vmul.f32 $2.000000030e-01, v9;
	[tilespmem:s15+$0xFFFFFF80] =	vst v11;
	v11 =	vld [tilespmem:s15+$0x10]  }
0xb0: {  	v18 =	vld [tilespmem:s30+$0xFFFFFF90];
	v7 =	vmax.f32 v7, v16;
	v10 =	vadd.f32 v14, v10  }
0xb1: {  	v9 =	vmax.f32 v9, v17;
	v14 =	vld [tilespmem:s15+$0xFFFFFF20];
	[tilespmem:s15+$0x0] =	vst v7  }
0xb2: {  	[tilespmem:s15+$0xFFFFFF00] =	vst v9;
	v7 =	vld [tilespmem:s30+$0x10];
	v9 =	vmul.f32 $2.000000030e-01, v10;
	v12 =	vadd.f32 v13, v12  }
0xb3: {  	v13 =	vld [tilespmem:s30+$0xFFFFFF10]  }
0xb4: {  	v16 =	vld [tilespmem:s15+$0xFFFFFFA0];
	v9 =	vmax.f32 v10, v9;
	v10 =	vmul.f32 $2.000000030e-01, v12  }
0xb5: {  	v15 =	vadd.f32 v18, v15;
	[tilespmem:s15+$0x90] =	vst v9;
	v9 =	vld [tilespmem:s15+$0xA0]  }
0xb6: {  	v17 =	vld [tilespmem:s30+$0xA0];
	v10 =	vmax.f32 v12, v10  }
0xb7: {  	v12 =	vmul.f32 $2.000000030e-01, v15;
	v7 =	vadd.f32 v7, v11;
	v11 =	vld [tilespmem:s15+$0x20];
	[tilespmem:s29+$0xF0] =	vst v10  }
0xb8: {  	v8 =	vadd.f32 v13, v8;
	v10 =	vld [tilespmem:s15+$0xFFFFFF30]  }
0xb9: {  	v12 =	vmax.f32 v15, v12;
	v13 =	vld [tilespmem:s15+$0xFFFFFFB0];
	v15 =	vmul.f32 $2.000000030e-01, v7  }
0xba: {  	v18 =	vmul.f32 $2.000000030e-01, v8;
	[tilespmem:s15+$0xFFFFFF90] =	vst v12;
	v12 =	vld [tilespmem:s15+$0x30]  }
0xbb: {  	v19 =	vld [tilespmem:s30+$0xFFFFFFA0];
	v7 =	vmax.f32 v7, v15;
	v9 =	vadd.f32 v17, v9  }
0xbc: {  	v8 =	vmax.f32 v8, v18;
	v15 =	vld [tilespmem:s15+$0xFFFFFF40];
	[tilespmem:s15+$0x10] =	vst v7  }
0xbd: {  	[tilespmem:s15+$0xFFFFFF10] =	vst v8;
	v7 =	vld [tilespmem:s30+$0x20];
	v8 =	vmul.f32 $2.000000030e-01, v9  }
0xbe: {  	v17 =	vld [tilespmem:s30+$0xFFFFFF20]  }
0xbf: {  	v18 =	vld [tilespmem:s15+$0xFFFFFFC0];
	v8 =	vmax.f32 v9, v8  }
0xc0: {  	v9 =	vadd.f32 v19, v16;
	[tilespmem:s15+$0xA0] =	vst v8;
	v8 =	vld [tilespmem:s15+$0xB0]  }
0xc1: {  	v16 =	vld [tilespmem:s30+$0xB0]  }
0xc2: {  	v19 =	vmul.f32 $2.000000030e-01, v9;
	v11 =	vadd.f32 v7, v11;
	v20 =	vld [tilespmem:s15+$0x40]  }
0xc3: {  	v14 =	vadd.f32 v17, v14;
	v17 =	vld [tilespmem:s1+$0xFFFFFF50]  }
0xc4: {  	v21 =	vld [tilespmem:s15+$0xFFFFFF50];
	v7 =	vmax.f32 v9, v19;
	v9 =	vmul.f32 $2.000000030e-01, v11  }
0xc5: {  	v19 =	vmul.f32 $2.000000030e-01, v14;
	[tilespmem:s15+$0xFFFFFFA0] =	vst v7;
	v7 =	vld [tilespmem:s15+$0xFFFFFFD0]  }
0xc6: {  	v22 =	vld [tilespmem:s30+$0xFFFFFFB0];
	v9 =	vmax.f32 v11, v9;
	v11 =	vadd.f32 v16, v8  }
0xc7: {  	v14 =	vmax.f32 v14, v19;
	[tilespmem:s15+$0x20] =	vst v9;
	v8 =	vld [tilespmem:s15+$0x50]  }
0xc8: {  	[tilespmem:s15+$0xFFFFFF20] =	vst v14;
	v9 =	vld [tilespmem:s30+$0x30];
	v14 =	vmul.f32 $2.000000030e-01, v11;
	v16 =	vadd.f32 v17, v0  }
0xc9: {  	v17 =	vld [tilespmem:s30+$0xFFFFFF30];
	v0 =	vmov v21  }
0xca: {  	v11 =	vmax.f32 v11, v14;
	v14 =	vmul.f32 $2.000000030e-01, v16;
	v19 =	vld [tilespmem:s1+$0xFFFFFFE0]  }
0xcb: {  	v13 =	vadd.f32 v22, v13;
	[tilespmem:s15+$0xB0] =	vst v11;
	v11 =	vld [tilespmem:s15+$0xC0]  }
0xcc: {  	v21 =	vld [tilespmem:s30+$0xC0];
	v14 =	vmax.f32 v16, v14  }
0xcd: {  	v16 =	vmul.f32 $2.000000030e-01, v13;
	v9 =	vadd.f32 v9, v12;
	[tilespmem:s29+$0xFFFFFF50] =	vst v14;
	v12 =	vld [tilespmem:s1+$0x60]  }
0xce: {  	v10 =	vadd.f32 v17, v10;
	v14 =	vld [tilespmem:s1+$0xFFFFFF60]  }
0xcf: {  	v17 =	vld [tilespmem:s15+$0xFFFFFF60];
	v13 =	vmax.f32 v13, v16;
	v16 =	vmul.f32 $2.000000030e-01, v9;
	v19 =	vadd.f32 v19, v2  }
0xd0: {  	v22 =	vmul.f32 $2.000000030e-01, v10;
	[tilespmem:s15+$0xFFFFFFB0] =	vst v13;
	v2 =	vld [tilespmem:s15+$0xFFFFFFE0]  }
0xd1: {  	v13 =	vld [tilespmem:s30+$0xFFFFFFC0];
	v9 =	vmax.f32 v9, v16;
	v11 =	vadd.f32 v21, v11;
	v16 =	vmul.f32 $2.000000030e-01, v19  }
0xd2: {  	v10 =	vmax.f32 v10, v22;
	[tilespmem:s15+$0x30] =	vst v9;
	v9 =	vadd.f32 v12, v3;
	v3 =	vld [tilespmem:s15+$0x60]  }
0xd3: {  	[tilespmem:s15+$0xFFFFFF30] =	vst v10;
	v10 =	vld [tilespmem:s30+$0x40];
	v12 =	vmul.f32 $2.000000030e-01, v11;
	v14 =	vadd.f32 v14, v1;
	v21 =	vmax.f32 v19, v16  }
0xd4: {  	v16 =	vld [tilespmem:s30+$0xFFFFFF40];
	[tilespmem:s29+$0xFFFFFFE0] =	vst v21;
	v19 =	vmul.f32 $2.000000030e-01, v9;
	v1 =	vmov v17  }
0xd5: {  	v11 =	vmax.f32 v11, v12;
	v12 =	vmul.f32 $2.000000030e-01, v14;
	v17 =	vld [tilespmem:s1+$0xFFFFFFF0]  }
0xd6: {  	v13 =	vadd.f32 v13, v18;
	[tilespmem:s15+$0xC0] =	vst v11;
	v11 =	vld [tilespmem:s15+$0xD0];
	v9 =	vmax.f32 v9, v19  }
0xd7: {  	v18 =	vld [tilespmem:s30+$0xD0];
	v12 =	vmax.f32 v14, v12;
	[tilespmem:s29+$0x60] =	vst v9  }
0xd8: {  	v9 =	vmul.f32 $2.000000030e-01, v13;
	v14 =	vadd.f32 v10, v20;
	[tilespmem:s29+$0xFFFFFF60] =	vst v12;
	v19 =	vld [tilespmem:s1+$0x70]  }
0xd9: {  	v15 =	vadd.f32 v16, v15;
	v16 =	vld [tilespmem:s1+$0xFFFFFF70];
	s1 =	smov.u32 s30  }
.Ltmp2:
0xda: {  	v10 =	vld [tilespmem:s15+$0xFFFFFF70];
	v9 =	vmax.f32 v13, v9;
	v13 =	vmul.f32 $2.000000030e-01, v14;
	v17 =	vadd.f32 v17, v4;
	(pc) =	sbr.rel @p0 .LBB2_3-.Ltmp2, $4  }
0xdb: {  	v20 =	vmul.f32 $2.000000030e-01, v15;
	[tilespmem:s15+$0xFFFFFFC0] =	vst v9;
	v4 =	vld [tilespmem:s15+$0xFFFFFFF0]  }
0xdc: {  	v12 =	vld [tilespmem:s30+$0xFFFFFFD0];
	v9 =	vmax.f32 v14, v13;
	v13 =	vadd.f32 v18, v11;
	v18 =	vmul.f32 $2.000000030e-01, v17  }
0xdd: {  	v11 =	vmax.f32 v15, v20;
	[tilespmem:s15+$0x40] =	vst v9;
	v9 =	vadd.f32 v19, v5;
	v5 =	vld [tilespmem:s15+$0x70]  }
0xde: {  	s15 =	sadd.s32 $0x200, s15;
	[tilespmem:s0+$0xFFFFFF40] =	vst v11;
	v14 =	vld [tilespmem:s30+$0x50];
	v15 =	vmul.f32 $2.000000030e-01, v13;
	v11 =	vadd.f32 v16, v6;
	v6 =	vmax.f32 v17, v18  }
0xdf: {  	v16 =	vld [tilespmem:s1+$0xFFFFFF50];
	_ =	sdelay $0x2  }
0xe0: {  	v7 =	vadd.f32 v12, v7  }
0xe1: {  	v12 =	vmax.f32 v13, v15;
	v8 =	vadd.f32 v14, v8  }
0xe2: {  	[tilespmem:s0+$0xD0] =	vst v12;
	v12 =	vmul.f32 $2.000000030e-01, v7;
	v0 =	vadd.f32 v16, v0  }
0xe3: {  	v13 =	vld [tilespmem:s0+$0xE0];
	v14 =	vmul.f32 $2.000000030e-01, v8  }
0xe4: {  	v15 =	vld [tilespmem:s1+$0xE0];
	v7 =	vmax.f32 v7, v12;
	v12 =	vmul.f32 $2.000000030e-01, v0  }
0xe5: {  	[tilespmem:s0+$0xFFFFFFD0] =	vst v7;
	v7 =	vmax.f32 v8, v14  }
0xe6: {  	[tilespmem:s0+$0x50] =	vst v7;
	v7 =	vld [tilespmem:s1+$0xFFFFFFE0];
	v0 =	vmax.f32 v0, v12  }
0xe7: {  	[tilespmem:s0+$0xFFFFFF50] =	vst v0;
	v0 =	vld [tilespmem:s1+$0x60]  }
0xe8: {  	v8 =	vld [tilespmem:s1+$0xFFFFFF60]  }
0xe9: {  	v12 =	vadd.f32 v15, v13;
	_ =	sdelay $0x1  }
0xea: {  	v13 =	vmul.f32 $2.000000030e-01, v12;
	v2 =	vadd.f32 v7, v2  }
0xeb: {  	v0 =	vadd.f32 v0, v3  }
0xec: {  	v3 =	vmax.f32 v12, v13;
	v7 =	vmul.f32 $2.000000030e-01, v2;
	v1 =	vadd.f32 v8, v1  }
0xed: {  	[tilespmem:s0+$0xE0] =	vst v3;
	v3 =	vmul.f32 $2.000000030e-01, v0  }
0xee: {  	v8 =	vld [tilespmem:s0+$0xF0];
	v2 =	vmax.f32 v2, v7;
	v7 =	vmul.f32 $2.000000030e-01, v1  }
0xef: {  	v12 =	vld [tilespmem:s1+$0xF0];
	[tilespmem:s0+$0xFFFFFFE0] =	vst v2;
	v0 =	vmax.f32 v0, v3  }
0xf0: {  	v2 =	vld [tilespmem:s1+$0xFFFFFFF0];
	v1 =	vmax.f32 v1, v7;
	[tilespmem:s0+$0x60] =	vst v0  }
0xf1: {  	[tilespmem:s0+$0xFFFFFF60] =	vst v1;
	v0 =	vld [tilespmem:s1+$0x70]  }
0xf2: {  	v1 =	vld [tilespmem:s1+$0xFFFFFF70];
	_ =	sdelay $0x1  }
0xf3: {  	v3 =	vmul.f32 $2.000000030e-01, v9;
	v7 =	vadd.f32 v12, v8  }
0xf4: {  	v8 =	vmul.f32 $2.000000030e-01, v11;
	v2 =	vadd.f32 v2, v4  }
0xf5: {  	[tilespmem:s29+$0xFFFFFFF0] =	vst v6;
	v3 =	vmax.f32 v9, v3;
	v4 =	vmul.f32 $2.000000030e-01, v7;
	v0 =	vadd.f32 v0, v5  }
0xf6: {  	[tilespmem:s29+$0x70] =	vst v3;
	v5 =	vmax.f32 v11, v8;
	v3 =	vmul.f32 $2.000000030e-01, v2;
	v1 =	vadd.f32 v1, v10  }
0xf7: {  	s30 =	sshll.u32 s28, $0x1;
	[tilespmem:s29+$0xFFFFFF70] =	vst v5;
	v4 =	vmax.f32 v7, v4;
	v5 =	vmul.f32 $2.000000030e-01, v0  }
0xf8: {  	s15 =	sadd.s32 s6, s30;
	[tilespmem:s0+$0xF0] =	vst v4;
	v2 =	vmax.f32 v2, v3;
	v3 =	vmul.f32 $2.000000030e-01, v1  }
0xf9: {  	s1 =	sshll.u32 s15, $0xB;
	[tilespmem:s0+$0xFFFFFFF0] =	vst v2;
	v0 =	vmax.f32 v0, v5  }
0xfa: {  	s29 =	sand.u32 $0x1FFFF000, s1;
	v1 =	vmax.f32 v1, v3;
	[tilespmem:s0+$0x70] =	vst v0  }
0xfb: {  	s20 =	sadd.s32 s8, s29;
	[tilespmem:s0+$0xFFFFFF70] =	vst v1  }
0xfc: {  	[hbm4b:s20+s2] =	stream.linear.scatter [tilespmem:s17], [sflag:$0x5], $0x4000, $0x38;
	[tilespmem:$0x10800] =	vst v63  }
0xfd: {  	_ =	swait.ge [sflag:s14], $0x4000  }
0xfe: {  	[sflag:s14] =	ssyncset.done $0x0  }
0xff: {  	[sflag:s14] =	ssyncadd.s32 $0xFFFFC000  }
0x100: {  	_ =	swait.ge [sflag:s24], $0x4000  }
0x101: {  	[sflag:s24] =	ssyncset.done $0x0  }
0x102: {  	[sflag:s24] =	ssyncadd.s32 $0xFFFFC000  }
0x103: {  	_ =	swait.ge [sflag:s25], $0x4000  }
0x104: {  	[sflag:s25] =	ssyncset.done $0x0  }
0x105: {  	s31 =	simm.s32 $0x8900;
	[sflag:s25] =	ssyncadd.s32 $0xFFFFC000  }
0x106: {  	s20 =	simm.s32 $0xC900;
	v0 =	vld [tilespmem:s31+$0x80]  }
0x107: {  	v1 =	vld [tilespmem:s20+$0x80];
	_ =	sdelay $0x3  }
0x108: {  	v2 =	vld [tilespmem:s20+$0xFFFFFF00]  }
0x109: {  	v3 =	vld [tilespmem:s20+$0xFFFFFF80];
	v0 =	vadd.f32 v1, v0  }
0x10a: {  	v1 =	vld [tilespmem:s31+$0xFFFFFF80]  }
0x10b: {  	v5 =	vld [tilespmem:s31+$0x0];
	v4 =	vmul.f32 $2.000000030e-01, v0  }
0x10c: {  	v6 =	vld [tilespmem:s20+$0x0]  }
0x10d: {  	v0 =	vmax.f32 v0, v4;
	v4 =	vld [tilespmem:s31+$0xFFFFFF00]  }
0x10e: {  	[tilespmem:s31+$0x80] =	vst v0;
	v0 =	vld [tilespmem:s31+$0x90]  }
0x10f: {  	v1 =	vadd.f32 v3, v1;
	v7 =	vld [tilespmem:s20+$0x90];
	_ =	sdelay $0x1  }
0x110: {  	v5 =	vadd.f32 v6, v5;
	v3 =	vmul.f32 $2.000000030e-01, v1  }
0x111: {  	v2 =	vadd.f32 v2, v4  }
0x112: {  	v12 =	vld [tilespmem:s31+$0xFFFFFFC0];
	v1 =	vmax.f32 v1, v3;
	v4 =	vmul.f32 $2.000000030e-01, v5  }
0x113: {  	v3 =	vld [tilespmem:s31+$0xFFFFFF90];
	[tilespmem:s31+$0xFFFFFF80] =	vst v1;
	v0 =	vadd.f32 v7, v0;
	v7 =	vmul.f32 $2.000000030e-01, v2  }
0x114: {  	v8 =	vld [tilespmem:s20+$0xFFFFFF90];
	v4 =	vmax.f32 v5, v4  }
0x115: {  	v1 =	vld [tilespmem:s31+$0x10];
	[tilespmem:s31+$0x0] =	vst v4;
	v2 =	vmax.f32 v2, v7  }
0x116: {  	v5 =	vmul.f32 $2.000000030e-01, v0;
	[tilespmem:s31+$0xFFFFFF00] =	vst v2;
	v2 =	vld [tilespmem:s20+$0x10]  }
0x117: {  	v6 =	vld [tilespmem:s31+$0xFFFFFF10]  }
0x118: {  	v0 =	vmax.f32 v0, v5;
	v4 =	vld [tilespmem:s20+$0xFFFFFF10]  }
0x119: {  	[tilespmem:s31+$0x90] =	vst v0;
	v0 =	vld [tilespmem:s31+$0xA0];
	v3 =	vadd.f32 v8, v3  }
0x11a: {  	s1 =	simm.s32 $0xCB00;
	v5 =	vld [tilespmem:s20+$0xA0]  }
0x11b: {  	v15 =	vld [tilespmem:s1+$0x80];
	v9 =	vmul.f32 $2.000000030e-01, v3;
	v1 =	vadd.f32 v2, v1  }
0x11c: {  	s0 =	simm.s32 $0x8B00;
	v16 =	vld [tilespmem:s1+$0xFFFFFF00]  }
0x11d: {  	v18 =	vld [tilespmem:s0+$0x0];
	v4 =	vadd.f32 v4, v6;
	v3 =	vmax.f32 v3, v9;
	v10 =	vmul.f32 $2.000000030e-01, v1  }
0x11e: {  	v8 =	vld [tilespmem:s31+$0xFFFFFFA0];
	[tilespmem:s31+$0xFFFFFF90] =	vst v3  }
0x11f: {  	v5 =	vadd.f32 v5, v0;
	v0 =	vmul.f32 $2.000000030e-01, v4;
	v11 =	vld [tilespmem:s20+$0xFFFFFFA0];
	v1 =	vmax.f32 v1, v10  }
0x120: {  	v2 =	vld [tilespmem:s31+$0x20];
	[tilespmem:s31+$0x10] =	vst v1  }
0x121: {  	v10 =	vmul.f32 $2.000000030e-01, v5;
	v4 =	vmax.f32 v4, v0;
	v1 =	vld [tilespmem:s20+$0x20]  }
0x122: {  	v7 =	vld [tilespmem:s31+$0xFFFFFF20];
	[tilespmem:s31+$0xFFFFFF10] =	vst v4  }
0x123: {  	v4 =	vmax.f32 v5, v10;
	v5 =	vld [tilespmem:s20+$0xFFFFFF20]  }
0x124: {  	[tilespmem:s31+$0xA0] =	vst v4;
	v4 =	vld [tilespmem:s31+$0xB0];
	v8 =	vadd.f32 v11, v8  }
0x125: {  	v10 =	vld [tilespmem:s20+$0xB0]  }
0x126: {  	v20 =	vld [tilespmem:s1+$0x0];
	v11 =	vmul.f32 $2.000000030e-01, v8;
	v1 =	vadd.f32 v1, v2  }
0x127: {  	v43 =	vld [tilespmem:s31+$0xE0]  }
0x128: {  	v44 =	vld [tilespmem:s0+$0xFFFFFF10];
	v2 =	vadd.f32 v5, v7;
	v5 =	vmax.f32 v8, v11;
	v7 =	vmul.f32 $2.000000030e-01, v1  }
0x129: {  	v9 =	vld [tilespmem:s31+$0xFFFFFFB0];
	[tilespmem:s31+$0xFFFFFFA0] =	vst v5  }
0x12a: {  	v4 =	vadd.f32 v10, v4;
	v5 =	vmul.f32 $2.000000030e-01, v2;
	v8 =	vld [tilespmem:s20+$0xFFFFFFB0];
	v7 =	vmax.f32 v1, v7  }
0x12b: {  	v3 =	vld [tilespmem:s31+$0x30];
	[tilespmem:s31+$0x20] =	vst v7  }
0x12c: {  	v7 =	vmul.f32 $2.000000030e-01, v4;
	v2 =	vmax.f32 v2, v5;
	v5 =	vld [tilespmem:s20+$0x30]  }
0x12d: {  	v6 =	vld [tilespmem:s31+$0xFFFFFF30];
	[tilespmem:s31+$0xFFFFFF20] =	vst v2  }
0x12e: {  	v2 =	vmax.f32 v4, v7;
	v4 =	vld [tilespmem:s20+$0xFFFFFF30]  }
0x12f: {  	v7 =	vld [tilespmem:s31+$0xC0];
	[tilespmem:s31+$0xB0] =	vst v2;
	v2 =	vadd.f32 v8, v9  }
0x130: {  	v9 =	vld [tilespmem:s20+$0xC0]  }
0x131: {  	v50 =	vld [tilespmem:s31+$0xF0];
	v8 =	vmul.f32 $2.000000030e-01, v2;
	v3 =	vadd.f32 v5, v3  }
0x132: {  	v51 =	vld [tilespmem:s0+$0xFFFFFFA0]  }
0x133: {  	v52 =	vld [tilespmem:s0+$0xFFFFFF30];
	v2 =	vmax.f32 v2, v8;
	v5 =	vmul.f32 $2.000000030e-01, v3  }
0x134: {  	v53 =	vld [tilespmem:s0+$0xFFFFFFB0];
	v4 =	vadd.f32 v4, v6;
	[tilespmem:s31+$0xFFFFFFB0] =	vst v2  }
0x135: {  	v6 =	vld [tilespmem:s20+$0xFFFFFFC0];
	v7 =	vadd.f32 v9, v7;
	v2 =	vmax.f32 v3, v5  }
0x136: {  	v11 =	vld [tilespmem:s31+$0x40];
	v3 =	vmul.f32 $2.000000030e-01, v4;
	[tilespmem:s31+$0x30] =	vst v2  }
0x137: {  	v13 =	vmul.f32 $2.000000030e-01, v7;
	v9 =	vld [tilespmem:s20+$0x40]  }
0x138: {  	v55 =	vld [tilespmem:s0+$0xFFFFFF40];
	v4 =	vmax.f32 v4, v3  }
0x139: {  	v26 =	vld [tilespmem:s0+$0x40];
	[tilespmem:s31+$0xFFFFFF30] =	vst v4;
	v4 =	vmax.f32 v7, v13  }
0x13a: {  	v6 =	vadd.f32 v6, v12;
	[tilespmem:s31+$0xC0] =	vst v4;
	v12 =	vld [tilespmem:s31+$0xD0]  }
0x13b: {  	v13 =	vld [tilespmem:s20+$0xD0]  }
0x13c: {  	v9 =	vadd.f32 v9, v11;
	v11 =	vld [tilespmem:s0+$0x80]  }
0x13d: {  	v59 =	vld [tilespmem:s0+$0xC0]  }
0x13e: {  	v0 =	vld [tilespmem:s31+$0xFFFFFF40]  }
0x13f: {  	v10 =	vld [tilespmem:s31+$0xFFFFFFD0]  }
0x140: {  	v1 =	vld [tilespmem:s31+$0xFFFFFF50]  }
0x141: {  	v12 =	vadd.f32 v13, v12;
	v13 =	vld [tilespmem:s1+$0xFFFFFF80];
	v11 =	vadd.f32 v15, v11  }
0x142: {  	v15 =	vld [tilespmem:s0+$0xFFFFFF80]  }
0x143: {  	v8 =	vld [tilespmem:s31+$0x50];
	v17 =	vmul.f32 $2.000000030e-01, v11  }
0x144: {  	v5 =	vld [tilespmem:s31+$0xFFFFFF60];
	v19 =	vmul.f32 $2.000000030e-01, v12  }
0x145: {  	v11 =	vmax.f32 v11, v17;
	v17 =	vld [tilespmem:s0+$0xFFFFFF00]  }
0x146: {  	[tilespmem:s0+$0x80] =	vst v11;
	v11 =	vmax.f32 v12, v19;
	v12 =	vld [tilespmem:s0+$0x90]  }
0x147: {  	v13 =	vadd.f32 v13, v15;
	[tilespmem:s31+$0xD0] =	vst v11;
	v11 =	vld [tilespmem:s1+$0x90]  }
0x148: {  	v15 =	vld [tilespmem:s20+$0xE0]  }
0x149: {  	v18 =	vadd.f32 v20, v18;
	v2 =	vld [tilespmem:s31+$0xFFFFFFE0];
	v22 =	vmul.f32 $2.000000030e-01, v13  }
0x14a: {  	v3 =	vld [tilespmem:s31+$0x60];
	v16 =	vadd.f32 v16, v17  }
0x14b: {  	v45 =	vmul.f32 $2.000000030e-01, v18;
	v7 =	vld [tilespmem:s20+$0xFFFFFF40];
	v13 =	vmax.f32 v13, v22  }
0x14c: {  	v17 =	vld [tilespmem:s0+$0xFFFFFF90];
	[tilespmem:s0+$0xFFFFFF80] =	vst v13;
	v11 =	vadd.f32 v11, v12;
	v12 =	vmul.f32 $2.000000030e-01, v16  }
0x14d: {  	v18 =	vmax.f32 v18, v45;
	v46 =	vld [tilespmem:s1+$0xFFFFFF90];
	v15 =	vadd.f32 v15, v43  }
0x14e: {  	[tilespmem:s0+$0x0] =	vst v18;
	v13 =	vld [tilespmem:s0+$0x10];
	v47 =	vmul.f32 $2.000000030e-01, v11;
	v12 =	vmax.f32 v16, v12  }
0x14f: {  	v48 =	vmul.f32 $2.000000030e-01, v15;
	[tilespmem:s0+$0xFFFFFF00] =	vst v12;
	v12 =	vld [tilespmem:s1+$0x10]  }
0x150: {  	v11 =	vmax.f32 v11, v47;
	v49 =	vld [tilespmem:s1+$0xFFFFFF10]  }
0x151: {  	v4 =	vmul.f32 $2.000000030e-01, v6;
	[tilespmem:s0+$0x90] =	vst v11;
	v11 =	vmax.f32 v15, v48;
	v15 =	vld [tilespmem:s0+$0xA0]  }
0x152: {  	v17 =	vadd.f32 v46, v17;
	[tilespmem:s31+$0xE0] =	vst v11;
	v11 =	vld [tilespmem:s1+$0xA0]  }
0x153: {  	v4 =	vmax.f32 v6, v4;
	v6 =	vld [tilespmem:s31+$0xFFFFFF70];
	v14 =	vmul.f32 $2.000000030e-01, v9  }
0x154: {  	[tilespmem:s31+$0xFFFFFFC0] =	vst v4;
	v4 =	vld [tilespmem:s31+$0xFFFFFFF0];
	v23 =	vmul.f32 $2.000000030e-01, v17;
	v12 =	vadd.f32 v12, v13  }
0x155: {  	v9 =	vmax.f32 v9, v14;
	v14 =	vld [tilespmem:s20+$0xFFFFFFD0];
	v20 =	vadd.f32 v49, v44  }
0x156: {  	[tilespmem:s31+$0x40] =	vst v9;
	v9 =	vld [tilespmem:s31+$0x70];
	v17 =	vmax.f32 v17, v23;
	v24 =	vmul.f32 $2.000000030e-01, v12  }
0x157: {  	v16 =	vld [tilespmem:s0+$0xFFFFFF20];
	[tilespmem:s0+$0xFFFFFF90] =	vst v17;
	v11 =	vadd.f32 v11, v15;
	v15 =	vmul.f32 $2.000000030e-01, v20  }
0x158: {  	v25 =	vld [tilespmem:s1+$0xFFFFFFA0];
	v12 =	vmax.f32 v12, v24  }
0x159: {  	v0 =	vadd.f32 v7, v0;
	v13 =	vld [tilespmem:s0+$0x20];
	v15 =	vmax.f32 v20, v15;
	[tilespmem:s0+$0x10] =	vst v12  }
0x15a: {  	v54 =	vmul.f32 $2.000000030e-01, v11;
	[tilespmem:s0+$0xFFFFFF10] =	vst v15;
	v12 =	vld [tilespmem:s1+$0x20]  }
0x15b: {  	v15 =	vmul.f32 $2.000000030e-01, v0;
	v7 =	vld [tilespmem:s1+$0xFFFFFF20]  }
0x15c: {  	v21 =	vld [tilespmem:s20+$0x50];
	v11 =	vmax.f32 v11, v54  }
0x15d: {  	[tilespmem:s0+$0xA0] =	vst v11;
	v11 =	vld [tilespmem:s0+$0xB0];
	v19 =	vadd.f32 v25, v51;
	v0 =	vmax.f32 v0, v15  }
0x15e: {  	v10 =	vadd.f32 v14, v10;
	v56 =	vld [tilespmem:s1+$0xB0];
	[tilespmem:s31+$0xFFFFFF40] =	vst v0  }
0x15f: {  	v14 =	vld [tilespmem:s20+$0xFFFFFF50];
	v12 =	vadd.f32 v12, v13;
	v13 =	vmul.f32 $2.000000030e-01, v19  }
0x160: {  	v58 =	vmul.f32 $2.000000030e-01, v10;
	v57 =	vld [tilespmem:s20+$0xF0];
	v7 =	vadd.f32 v7, v16  }
0x161: {  	v17 =	vld [tilespmem:s0+$0x30];
	v13 =	vmax.f32 v19, v13;
	v16 =	vmul.f32 $2.000000030e-01, v12  }
0x162: {  	v10 =	vmax.f32 v10, v58;
	v15 =	vld [tilespmem:s0+$0xFFFFFFC0];
	[tilespmem:s0+$0xFFFFFFA0] =	vst v13;
	v13 =	vmul.f32 $2.000000030e-01, v7  }
0x163: {  	[tilespmem:s31+$0xFFFFFFD0] =	vst v10;
	v11 =	vadd.f32 v56, v11;
	v12 =	vmax.f32 v12, v16;
	v16 =	vld [tilespmem:s1+$0xFFFFFFB0]  }
0x164: {  	v1 =	vadd.f32 v14, v1;
	v14 =	vld [tilespmem:s20+$0xFFFFFFE0];
	v13 =	vmax.f32 v7, v13;
	[tilespmem:s0+$0x20] =	vst v12  }
0x165: {  	v8 =	vadd.f32 v21, v8;
	v12 =	vmul.f32 $2.000000030e-01, v11;
	[tilespmem:s0+$0xFFFFFF20] =	vst v13;
	v13 =	vld [tilespmem:s1+$0x30]  }
0x166: {  	v0 =	vld [tilespmem:s0+$0xFFFFFF50]  }
0x167: {  	v10 =	vld [tilespmem:s1+$0xFFFFFF30];
	v11 =	vmax.f32 v11, v12;
	v12 =	vmul.f32 $2.000000030e-01, v8  }
0x168: {  	v7 =	vld [tilespmem:s0+$0xFFFFFFD0];
	[tilespmem:s0+$0xB0] =	vst v11;
	v11 =	vmul.f32 $2.000000030e-01, v1;
	v16 =	vadd.f32 v16, v53  }
0x169: {  	v8 =	vmax.f32 v8, v12;
	v12 =	vld [tilespmem:s1+$0xC0];
	v14 =	vadd.f32 v14, v2  }
0x16a: {  	v2 =	vld [tilespmem:s0+$0xFFFFFFE0];
	[tilespmem:s31+$0x50] =	vst v8;
	v1 =	vmax.f32 v1, v11;
	v11 =	vadd.f32 v13, v17;
	v13 =	vmul.f32 $2.000000030e-01, v16  }
0x16b: {  	[tilespmem:s31+$0xFFFFFF50] =	vst v1;
	v17 =	vld [tilespmem:s20+$0x60]  }
0x16c: {  	v10 =	vadd.f32 v10, v52;
	v60 =	vld [tilespmem:s20+$0xFFFFFF60];
	v13 =	vmax.f32 v16, v13;
	v16 =	vmul.f32 $2.000000030e-01, v11  }
0x16d: {  	v8 =	vld [tilespmem:s0+$0x50]  }
0x16e: {  	v1 =	vld [tilespmem:s0+$0xFFFFFF60];
	[tilespmem:s0+$0xFFFFFFB0] =	vst v13;
	v13 =	vmul.f32 $2.000000030e-01, v10;
	v11 =	vmax.f32 v11, v16  }
0x16f: {  	v12 =	vadd.f32 v12, v59;
	v16 =	vld [tilespmem:s1+$0xFFFFFFC0];
	[tilespmem:s0+$0x30] =	vst v11;
	v11 =	vmul.f32 $2.000000030e-01, v14  }
0x170: {  	v10 =	vmax.f32 v10, v13;
	v13 =	vadd.f32 v17, v3;
	v3 =	vld [tilespmem:s0+$0x60]  }
0x171: {  	v19 =	vmul.f32 $2.000000030e-01, v12;
	v17 =	vld [tilespmem:s1+$0x40];
	[tilespmem:s0+$0xFFFFFF30] =	vst v10;
	v5 =	vadd.f32 v60, v5;
	v10 =	vmax.f32 v14, v11  }
0x172: {  	v11 =	vld [tilespmem:s1+$0xFFFFFF40];
	[tilespmem:s31+$0xFFFFFFE0] =	vst v10;
	v10 =	vmul.f32 $2.000000030e-01, v13  }
0x173: {  	v12 =	vmax.f32 v12, v19;
	v14 =	vmul.f32 $2.000000030e-01, v5;
	v61 =	vld [tilespmem:s20+$0xFFFFFFF0]  }
0x174: {  	[tilespmem:s0+$0xC0] =	vst v12;
	v15 =	vadd.f32 v16, v15;
	v16 =	vld [tilespmem:s0+$0xD0];
	v10 =	vmax.f32 v13, v10  }
0x175: {  	v13 =	vld [tilespmem:s1+$0xD0];
	v5 =	vmax.f32 v5, v14;
	v14 =	vadd.f32 v57, v50;
	[tilespmem:s31+$0x60] =	vst v10  }
0x176: {  	v10 =	vmul.f32 $2.000000030e-01, v15;
	v12 =	vadd.f32 v17, v26;
	[tilespmem:s31+$0xFFFFFF60] =	vst v5;
	v17 =	vld [tilespmem:s20+$0x70]  }
0x177: {  	v5 =	vadd.f32 v11, v55;
	v11 =	vld [tilespmem:s20+$0xFFFFFF70];
	v63 =	vmul.f32 $2.000000030e-01, v14  }
0x178: {  	v15 =	vmax.f32 v15, v10;
	v62 =	vmul.f32 $2.000000030e-01, v12;
	v10 =	vld [tilespmem:s0+$0xFFFFFF70];
	v19 =	vadd.f32 v61, v4  }
0x179: {  	[tilespmem:s0+$0xFFFFFFC0] =	vst v15;
	v15 =	vmul.f32 $2.000000030e-01, v5;
	v4 =	vld [tilespmem:s0+$0xFFFFFFF0];
	v14 =	vmax.f32 v14, v63  }
0x17a: {  	v18 =	vmax.f32 v12, v62;
	v12 =	vld [tilespmem:s1+$0xFFFFFFD0];
	v13 =	vadd.f32 v13, v16;
	[tilespmem:s31+$0xF0] =	vst v14;
	v16 =	vmul.f32 $2.000000030e-01, v19  }
0x17b: {  	[tilespmem:s0+$0x40] =	vst v18;
	v14 =	vmax.f32 v5, v15;
	v5 =	vld [tilespmem:s0+$0x70];
	v9 =	vadd.f32 v17, v9  }
0x17c: {  	s9 =	simm.s32 $0x8D00;
	s15 =	simm.s32 $0x4;
	s20 =	simm.s32 $0xCB00;
	[tilespmem:s0+$0xFFFFFF40] =	vst v14;
	v14 =	vld [tilespmem:s1+$0x50];
	v15 =	vmul.f32 $2.000000030e-01, v13;
	v11 =	vadd.f32 v11, v6;
	v6 =	vmax.f32 v19, v16  }
.LBB2_5:
0x17d: {  	v16 =	vld [tilespmem:s9+$0x80];
	s1 =	sadd.s32 $0x200, s1;
	[tilespmem:s31+$0xFFFFFFF0] =	vst v6;
	v17 =	vmul.f32 $2.000000030e-01, v9;
	v6 =	vmov v10  }
0x17e: {  	s15 =	sadd.s32 $0x4, s15;
	v10 =	vld [tilespmem:s1+$0x80];
	v13 =	vmax.f32 v13, v15;
	v15 =	vmul.f32 $2.000000030e-01, v11  }
0x17f: {  	p0 =	slt.u32 s15, $0x7C;
	v7 =	vadd.f32 v12, v7;
	[tilespmem:s0+$0xD0] =	vst v13;
	v12 =	vld [tilespmem:s0+$0xE0];
	v9 =	vmax.f32 v9, v17  }
0x180: {  	v13 =	vld [tilespmem:s20+$0xE0];
	v11 =	vmax.f32 v11, v15;
	[tilespmem:s31+$0x70] =	vst v9  }
0x181: {  	v9 =	vld [tilespmem:s1+$0xFFFFFF00];
	v15 =	vmul.f32 $2.000000030e-01, v7;
	v8 =	vadd.f32 v14, v8;
	[tilespmem:s31+$0xFFFFFF70] =	vst v11;
	s31 =	smov.u32 s0;
	s0 =	smov.u32 s9  }
0x182: {  	v11 =	vld [tilespmem:s9+$0xFFFFFF80]  }
0x183: {  	v14 =	vld [tilespmem:s1+$0xFFFFFF80];
	v10 =	vadd.f32 v10, v16;
	v7 =	vmax.f32 v7, v15;
	v15 =	vmul.f32 $2.000000030e-01, v8  }
0x184: {  	v16 =	vld [tilespmem:s9+$0x0];
	[tilespmem:s31+$0xFFFFFFD0] =	vst v7  }
0x185: {  	v7 =	vld [tilespmem:s1+$0x0];
	v17 =	vmul.f32 $2.000000030e-01, v10;
	v8 =	vmax.f32 v8, v15;
	v12 =	vadd.f32 v13, v12  }
0x186: {  	v13 =	vld [tilespmem:s9+$0xFFFFFF00];
	[tilespmem:s31+$0x50] =	vst v8  }
0x187: {  	v8 =	vld [tilespmem:s9+$0xFFFFFF10];
	v10 =	vmax.f32 v10, v17;
	v15 =	vmul.f32 $2.000000030e-01, v12  }
0x188: {  	v11 =	vadd.f32 v14, v11;
	[tilespmem:s9+$0x80] =	vst v10;
	v10 =	vld [tilespmem:s9+$0x90]  }
0x189: {  	v14 =	vld [tilespmem:s1+$0x90];
	v12 =	vmax.f32 v12, v15  }
0x18a: {  	v15 =	vmul.f32 $2.000000030e-01, v11;
	v7 =	vadd.f32 v7, v16;
	[tilespmem:s31+$0xE0] =	vst v12;
	v12 =	vld [tilespmem:s31+$0xF0]  }
0x18b: {  	v9 =	vadd.f32 v9, v13;
	v13 =	vld [tilespmem:s20+$0xF0]  }
0x18c: {  	v11 =	vmax.f32 v11, v15;
	v15 =	vld [tilespmem:s9+$0xFFFFFF90];
	v16 =	vmul.f32 $2.000000030e-01, v7  }
0x18d: {  	v17 =	vmul.f32 $2.000000030e-01, v9;
	[tilespmem:s9+$0xFFFFFF80] =	vst v11;
	v11 =	vld [tilespmem:s9+$0x10]  }
0x18e: {  	v18 =	vld [tilespmem:s1+$0xFFFFFF90];
	v7 =	vmax.f32 v7, v16;
	v10 =	vadd.f32 v14, v10  }
0x18f: {  	v9 =	vmax.f32 v9, v17;
	v14 =	vld [tilespmem:s9+$0xFFFFFF20];
	[tilespmem:s9+$0x0] =	vst v7  }
0x190: {  	[tilespmem:s9+$0xFFFFFF00] =	vst v9;
	v7 =	vld [tilespmem:s1+$0x10];
	v9 =	vmul.f32 $2.000000030e-01, v10;
	v12 =	vadd.f32 v13, v12  }
0x191: {  	v13 =	vld [tilespmem:s1+$0xFFFFFF10]  }
0x192: {  	v16 =	vld [tilespmem:s9+$0xFFFFFFA0];
	v9 =	vmax.f32 v10, v9;
	v10 =	vmul.f32 $2.000000030e-01, v12  }
0x193: {  	v15 =	vadd.f32 v18, v15;
	[tilespmem:s9+$0x90] =	vst v9;
	v9 =	vld [tilespmem:s9+$0xA0]  }
0x194: {  	v17 =	vld [tilespmem:s1+$0xA0];
	v10 =	vmax.f32 v12, v10  }
0x195: {  	v12 =	vmul.f32 $2.000000030e-01, v15;
	v7 =	vadd.f32 v7, v11;
	v11 =	vld [tilespmem:s9+$0x20];
	[tilespmem:s31+$0xF0] =	vst v10  }
0x196: {  	v8 =	vadd.f32 v13, v8;
	v10 =	vld [tilespmem:s9+$0xFFFFFF30]  }
0x197: {  	v12 =	vmax.f32 v15, v12;
	v13 =	vld [tilespmem:s9+$0xFFFFFFB0];
	v15 =	vmul.f32 $2.000000030e-01, v7  }
0x198: {  	v18 =	vmul.f32 $2.000000030e-01, v8;
	[tilespmem:s9+$0xFFFFFF90] =	vst v12;
	v12 =	vld [tilespmem:s9+$0x30]  }
0x199: {  	v19 =	vld [tilespmem:s1+$0xFFFFFFA0];
	v7 =	vmax.f32 v7, v15;
	v9 =	vadd.f32 v17, v9  }
0x19a: {  	v8 =	vmax.f32 v8, v18;
	v15 =	vld [tilespmem:s9+$0xFFFFFF40];
	[tilespmem:s9+$0x10] =	vst v7  }
0x19b: {  	[tilespmem:s9+$0xFFFFFF10] =	vst v8;
	v7 =	vld [tilespmem:s1+$0x20];
	v8 =	vmul.f32 $2.000000030e-01, v9  }
0x19c: {  	v17 =	vld [tilespmem:s1+$0xFFFFFF20]  }
0x19d: {  	v18 =	vld [tilespmem:s9+$0xFFFFFFC0];
	v8 =	vmax.f32 v9, v8  }
0x19e: {  	v9 =	vadd.f32 v19, v16;
	[tilespmem:s9+$0xA0] =	vst v8;
	v8 =	vld [tilespmem:s9+$0xB0]  }
0x19f: {  	v16 =	vld [tilespmem:s1+$0xB0]  }
0x1a0: {  	v19 =	vmul.f32 $2.000000030e-01, v9;
	v11 =	vadd.f32 v7, v11;
	v20 =	vld [tilespmem:s9+$0x40]  }
0x1a1: {  	v14 =	vadd.f32 v17, v14;
	v17 =	vld [tilespmem:s20+$0xFFFFFF50]  }
0x1a2: {  	v21 =	vld [tilespmem:s9+$0xFFFFFF50];
	v7 =	vmax.f32 v9, v19;
	v9 =	vmul.f32 $2.000000030e-01, v11  }
0x1a3: {  	v19 =	vmul.f32 $2.000000030e-01, v14;
	[tilespmem:s9+$0xFFFFFFA0] =	vst v7;
	v7 =	vld [tilespmem:s9+$0xFFFFFFD0]  }
0x1a4: {  	v22 =	vld [tilespmem:s1+$0xFFFFFFB0];
	v9 =	vmax.f32 v11, v9;
	v11 =	vadd.f32 v16, v8  }
0x1a5: {  	v14 =	vmax.f32 v14, v19;
	[tilespmem:s9+$0x20] =	vst v9;
	v8 =	vld [tilespmem:s9+$0x50]  }
0x1a6: {  	[tilespmem:s9+$0xFFFFFF20] =	vst v14;
	v9 =	vld [tilespmem:s1+$0x30];
	v14 =	vmul.f32 $2.000000030e-01, v11;
	v16 =	vadd.f32 v17, v0  }
0x1a7: {  	v17 =	vld [tilespmem:s1+$0xFFFFFF30];
	v0 =	vmov v21  }
0x1a8: {  	v11 =	vmax.f32 v11, v14;
	v14 =	vmul.f32 $2.000000030e-01, v16;
	v19 =	vld [tilespmem:s20+$0xFFFFFFE0]  }
0x1a9: {  	v13 =	vadd.f32 v22, v13;
	[tilespmem:s9+$0xB0] =	vst v11;
	v11 =	vld [tilespmem:s9+$0xC0]  }
0x1aa: {  	v21 =	vld [tilespmem:s1+$0xC0];
	v14 =	vmax.f32 v16, v14  }
0x1ab: {  	v16 =	vmul.f32 $2.000000030e-01, v13;
	v9 =	vadd.f32 v9, v12;
	[tilespmem:s31+$0xFFFFFF50] =	vst v14;
	v12 =	vld [tilespmem:s20+$0x60]  }
0x1ac: {  	v10 =	vadd.f32 v17, v10;
	v14 =	vld [tilespmem:s20+$0xFFFFFF60]  }
0x1ad: {  	v17 =	vld [tilespmem:s9+$0xFFFFFF60];
	v13 =	vmax.f32 v13, v16;
	v16 =	vmul.f32 $2.000000030e-01, v9;
	v19 =	vadd.f32 v19, v2  }
0x1ae: {  	v22 =	vmul.f32 $2.000000030e-01, v10;
	[tilespmem:s9+$0xFFFFFFB0] =	vst v13;
	v2 =	vld [tilespmem:s9+$0xFFFFFFE0]  }
0x1af: {  	v13 =	vld [tilespmem:s1+$0xFFFFFFC0];
	v9 =	vmax.f32 v9, v16;
	v11 =	vadd.f32 v21, v11;
	v16 =	vmul.f32 $2.000000030e-01, v19  }
0x1b0: {  	v10 =	vmax.f32 v10, v22;
	[tilespmem:s9+$0x30] =	vst v9;
	v9 =	vadd.f32 v12, v3;
	v3 =	vld [tilespmem:s9+$0x60]  }
0x1b1: {  	[tilespmem:s9+$0xFFFFFF30] =	vst v10;
	v10 =	vld [tilespmem:s1+$0x40];
	v12 =	vmul.f32 $2.000000030e-01, v11;
	v14 =	vadd.f32 v14, v1;
	v21 =	vmax.f32 v19, v16  }
0x1b2: {  	v16 =	vld [tilespmem:s1+$0xFFFFFF40];
	[tilespmem:s31+$0xFFFFFFE0] =	vst v21;
	v19 =	vmul.f32 $2.000000030e-01, v9;
	v1 =	vmov v17  }
0x1b3: {  	v11 =	vmax.f32 v11, v12;
	v12 =	vmul.f32 $2.000000030e-01, v14;
	v17 =	vld [tilespmem:s20+$0xFFFFFFF0]  }
0x1b4: {  	v13 =	vadd.f32 v13, v18;
	[tilespmem:s9+$0xC0] =	vst v11;
	v11 =	vld [tilespmem:s9+$0xD0];
	v9 =	vmax.f32 v9, v19  }
0x1b5: {  	v18 =	vld [tilespmem:s1+$0xD0];
	v12 =	vmax.f32 v14, v12;
	[tilespmem:s31+$0x60] =	vst v9  }
0x1b6: {  	v9 =	vmul.f32 $2.000000030e-01, v13;
	v14 =	vadd.f32 v10, v20;
	[tilespmem:s31+$0xFFFFFF60] =	vst v12;
	v19 =	vld [tilespmem:s20+$0x70]  }
0x1b7: {  	v15 =	vadd.f32 v16, v15;
	v16 =	vld [tilespmem:s20+$0xFFFFFF70];
	s20 =	smov.u32 s1  }
.Ltmp3:
0x1b8: {  	v10 =	vld [tilespmem:s9+$0xFFFFFF70];
	v9 =	vmax.f32 v13, v9;
	v13 =	vmul.f32 $2.000000030e-01, v14;
	v17 =	vadd.f32 v17, v4;
	(pc) =	sbr.rel @p0 .LBB2_5-.Ltmp3, $4  }
0x1b9: {  	v20 =	vmul.f32 $2.000000030e-01, v15;
	[tilespmem:s9+$0xFFFFFFC0] =	vst v9;
	v4 =	vld [tilespmem:s9+$0xFFFFFFF0]  }
0x1ba: {  	v12 =	vld [tilespmem:s1+$0xFFFFFFD0];
	v9 =	vmax.f32 v14, v13;
	v13 =	vadd.f32 v18, v11;
	v18 =	vmul.f32 $2.000000030e-01, v17  }
0x1bb: {  	v11 =	vmax.f32 v15, v20;
	[tilespmem:s9+$0x40] =	vst v9;
	v9 =	vadd.f32 v19, v5;
	v5 =	vld [tilespmem:s9+$0x70]  }
0x1bc: {  	s9 =	sadd.s32 $0x200, s9;
	[tilespmem:s0+$0xFFFFFF40] =	vst v11;
	v14 =	vld [tilespmem:s1+$0x50];
	v15 =	vmul.f32 $2.000000030e-01, v13;
	v11 =	vadd.f32 v16, v6;
	v6 =	vmax.f32 v17, v18  }
0x1bd: {  	v16 =	vld [tilespmem:s20+$0xFFFFFF50];
	_ =	sdelay $0x2  }
0x1be: {  	v7 =	vadd.f32 v12, v7  }
0x1bf: {  	v8 =	vadd.f32 v14, v8  }
0x1c0: {  	v42 =	vmul.f32 $2.000000030e-01, v7;
	v0 =	vadd.f32 v16, v0  }
0x1c1: {  	v41 =	vmax.f32 v13, v15;
	v14 =	vmul.f32 $2.000000030e-01, v8  }
0x1c2: {  	v43 =	vld [tilespmem:s0+$0xE0];
	[tilespmem:s0+$0xD0] =	vst v41;
	v7 =	vmax.f32 v7, v42;
	v45 =	vmul.f32 $2.000000030e-01, v0  }
0x1c3: {  	v44 =	vld [tilespmem:s20+$0xE0];
	[tilespmem:s0+$0xFFFFFFD0] =	vst v7;
	v46 =	vmax.f32 v8, v14  }
0x1c4: {  	v47 =	vld [tilespmem:s20+$0xFFFFFFE0];
	[tilespmem:s0+$0x50] =	vst v46;
	v0 =	vmax.f32 v0, v45  }
0x1c5: {  	[tilespmem:s0+$0xFFFFFF50] =	vst v0;
	v48 =	vld [tilespmem:s20+$0x60]  }
0x1c6: {  	v49 =	vld [tilespmem:s20+$0xFFFFFF60];
	_ =	sdelay $0x1  }
0x1c7: {  	v50 =	vadd.f32 v44, v43  }
0x1c8: {  	v2 =	vadd.f32 v47, v2  }
0x1c9: {  	v13 =	vmul.f32 $2.000000030e-01, v50;
	v0 =	vadd.f32 v48, v3  }
0x1ca: {  	v7 =	vmul.f32 $2.000000030e-01, v2;
	v1 =	vadd.f32 v49, v1  }
0x1cb: {  	v51 =	vmax.f32 v50, v13;
	v52 =	vmul.f32 $2.000000030e-01, v0  }
0x1cc: {  	v53 =	vld [tilespmem:s0+$0xF0];
	[tilespmem:s0+$0xE0] =	vst v51;
	v2 =	vmax.f32 v2, v7;
	v54 =	vmul.f32 $2.000000030e-01, v1  }
0x1cd: {  	v55 =	vld [tilespmem:s20+$0xF0];
	[tilespmem:s0+$0xFFFFFFE0] =	vst v2;
	v0 =	vmax.f32 v0, v52  }
0x1ce: {  	v2 =	vld [tilespmem:s20+$0xFFFFFFF0];
	v1 =	vmax.f32 v1, v54;
	[tilespmem:s0+$0x60] =	vst v0  }
0x1cf: {  	[tilespmem:s0+$0xFFFFFF60] =	vst v1;
	v0 =	vld [tilespmem:s20+$0x70]  }
0x1d0: {  	v1 =	vld [tilespmem:s20+$0xFFFFFF70];
	_ =	sdelay $0x1  }
0x1d1: {  	v58 =	vmul.f32 $2.000000030e-01, v11;
	v57 =	vadd.f32 v55, v53  }
0x1d2: {  	v56 =	vmul.f32 $2.000000030e-01, v9;
	v2 =	vadd.f32 v2, v4  }
0x1d3: {  	[tilespmem:s31+$0xFFFFFFF0] =	vst v6;
	v60 =	vmax.f32 v11, v58;
	v59 =	vmul.f32 $2.000000030e-01, v57;
	v0 =	vadd.f32 v0, v5  }
0x1d4: {  	s1 =	sand.u32 $0x3, s28;
	p0 =	seq.s32 s28, $0x27;
	[tilespmem:s31+$0xFFFFFF70] =	vst v60;
	v3 =	vmax.f32 v9, v56;
	v61 =	vmul.f32 $2.000000030e-01, v2;
	v1 =	vadd.f32 v1, v10  }
0x1d5: {  	p1 =	sne.s32 @!p0 s1, $0x3;
	[tilespmem:s31+$0x70] =	vst v3;
	v4 =	vmax.f32 v57, v59;
	v62 =	vmul.f32 $2.000000030e-01, v0  }
0x1d6: {  	p1 =	por p1, p0;
	[tilespmem:s0+$0xF0] =	vst v4;
	v2 =	vmax.f32 v2, v61;
	v63 =	vmul.f32 $2.000000030e-01, v1  }
0x1d7: {  	s1 =	sadd.s32 @!p1 s30, s11;
	[tilespmem:s0+$0xFFFFFFF0] =	vst v2;
	v0 =	vmax.f32 v0, v62  }
0x1d8: {  	s1 =	sshll.u32 @!p1 s1, $0x4;
	v1 =	vmax.f32 v1, v63;
	[tilespmem:s0+$0x70] =	vst v0  }
0x1d9: {  	s9 =	simm.s32 @!p1 $0x0;
	[tilespmem:s0+$0xFFFFFF70] =	vst v1;
	s0 =	sadd.s32 @!p1 s3, s1  }
0x1da: {  	[tilespmem:s9], [sflag:$0x5] =	stream.linear.gather @!p1 [hbm4b:s0+s9], $0x400, $0x38;
	[tilespmem:$0x10800] =	vst v63  }
0x1db: {  	s0 =	simm.s32 @!p1 $0x5  }
0x1dc: {  	_ =	swait.ge @!p1 [sflag:s0], $0x400  }
0x1dd: {  	[sflag:s0] =	ssyncset.done @!p1 $0x0  }
0x1de: {  	s15 =	simm.s32 @!p1 $0x400;
	s1 =	sadd.s32 @!p1 s4, s1;
	[sflag:s0] =	ssyncadd.s32 @!p1 $0xFFFFFC00  }
0x1df: {  	[tilespmem:s15], [sflag:$0x5] =	stream.linear.gather @!p1 [hbm4b:s1+s9], $0x400, $0x38;
	[tilespmem:$0x10800] =	vst v63  }
0x1e0: {  	_ =	swait.ge @!p1 [sflag:s0], $0x400  }
0x1e1: {  	[sflag:s0] =	ssyncset.done @!p1 $0x0  }
.Ltmp4:
0x1e2: {  	s31 =	sadd.s32 s29, s12;
	[sflag:s0] =	ssyncadd.s32 @!p1 $0xFFFFFC00;
	(pc) =	sbr.rel @p0 .LBB2_8-.Ltmp4, $4  }
0x1e3: {  	[hbm4b:s31+s2] =	stream.linear.scatter [tilespmem:s19], [sflag:$0x5], $0x4000, $0x38;
	[tilespmem:$0x10800] =	vst v63  }
0x1e4: {  	_ =	swait.ge [sflag:s14], $0x4000  }
0x1e5: {  	[sflag:s14] =	ssyncset.done $0x0  }
0x1e6: {  	[sflag:s14] =	ssyncadd.s32 $0xFFFFC000  }
0x1e7: {  	s0 =	sshll.u32 s28, $0x8  }
0x1e8: {  	s0 =	sadd.s32 $0x100, s0  }
0x1e9: {  	s0 =	sand.u32 $0x300, s0  }
0x1ea: {  	[tilespmem:s17], [sflag:$0x1] =	stream.indirect.gather [hbm4b:s5+s16], $0x80, s0, s16, $0xb8;
	[tilespmem:$0x10800] =	vst v63  }
0x1eb: {  	s1 =	sor.u32 $0x400, s0  }
0x1ec: {  	[tilespmem:s18], [sflag:$0x2] =	stream.indirect.gather [hbm4b:s7+s16], $0x80, s1, s16, $0xb8;
	[tilespmem:$0x10800] =	vst v63  }
.Ltmp5:
0x1ed: {  	_ = 	snop;
	(pc) =	sbr.rel .LBB2_2-.Ltmp5, $4  }
0x1ee: {  	s31 =	sor.u32 $0x80, s0  }
0x1ef: {  	[tilespmem:s19], [sflag:$0x3] =	stream.indirect.gather [hbm4b:s5+s16], $0x80, s31, s16, $0xb8;
	[tilespmem:$0x10800] =	vst v63  }
0x1f0: {  	s28 =	sadd.s32 $0x1, s28;
	s0 =	sor.u32 $0x480, s0  }
0x1f1: {  	[tilespmem:s21], [sflag:$0x4] =	stream.indirect.gather [hbm4b:s7+s16], $0x80, s0, s16, $0xb8;
	[tilespmem:$0x10800] =	vst v63  }
.LBB2_9:
0x1f2: {  	_ =	sfence.sel $0x180000  }
0x1f3: {  	[bflag:$0x0] =	sbarrier.arrive $0xFFFF  }
0x1f4: {  	_ =	strace $0x9000004A  }
0x1f5: {  	s0 =	stileid.u32;
	[bflag:$0x2] =	sbarrier.arrive $0xFFFF  }
0x1f6: {  	p0 =	sne.s32 s0, $0x0;
	s0 =	rddreg [dreg:$0x1]  }
0x1f7: {  	s0 =	sadd.s32 @!p0 $0x100000, s0  }
0x1f8: {  	[sflag:s0] =	ssyncadd.tile.s32 @!p0 $0x1;
	_ =	shalt  }
.Lfunc_end2:
_tile_overlayer_lowered:
.L_overlay_start_2:
0x1f9: {  	(tag) =	ssettag $0x2  }
0x1fa: {  	s0 =	rddreg [dreg:$0x0];
	s2 =	stileid.u32  }
0x1fb: {  	s1 =	rddreg [dreg:$0x1];
	p0 =	sne.s32 s2, $0x0  }
0x1fc: {  	s3 =	rddreg [dreg:$0x2];
	[bflag:$0x3] =	sbarrier.arrive $0xFFFF;
	s2 =	simm.s32 @!p0 $0x1C05  }
0x1fd: {  	[timem:s3], [sflag:s2] =	dma.local @!p0 [hbm:s0], s1  }
0x1fe: {  	s0 =	simm.s32 @!p0 $0x5  }
0x1ff: {  	_ =	swait.ge @!p0 [sflag:s0], s1  }
0x200: {  	s1 =	ssub.s32 @!p0 $0x0, s1;
	[sflag:s0] =	ssyncset.done @!p0 $0x0  }
0x201: {  	[sflag:s0] =	ssyncadd.s32 @!p0 s1  }
0x202: {  	[bflag:$0x3] =	sbarrier.arrive $0xFFFF  }
0x203: {  	_ =	shalt  }

</sc_bundles>
